<compile_context>
chip_gen: v7x
topology: tpu7x:2x2x1
jax: 0.10.2.dev20260603
libtpu: 0.0.44.dev20260713+nightly
codegen_flags: <defaults>
</compile_context>

<pallas_src>
import functools

import jax
import jax.numpy as jnp
from jax import lax
from jax.experimental import pallas as pl
from jax.experimental.pallas import tpu as pltpu
from jax.experimental.pallas import tpu_sc as plsc

_L = 16


def kernel(x, seg, tok_table, pos_table, seg_table, gamma, beta):
    B, S = x.shape
    V, D = tok_table.shape
    J = D // _L
    N = B * S
    NC, NS = 2, 16
    NW = NC * NS
    T = N // NW
    C = 64
    G = T // C
    NB = 2

    x_flat = x.reshape(N)
    seg_flat = seg.reshape(N)

    @functools.partial(
        pl.kernel,
        out_type=jax.ShapeDtypeStruct((N, D), jnp.float32),
        mesh=plsc.VectorSubcoreMesh(core_axis_name="c", subcore_axis_name="s"),
        compiler_params=pltpu.CompilerParams(needs_layout_passes=False),
        scratch_types=[
            pltpu.VMEM((S, D), jnp.float32),
            pltpu.VMEM((2, D), jnp.float32),
            pltpu.VMEM((D,), jnp.float32),
            pltpu.VMEM((D,), jnp.float32),
            pltpu.VMEM((T,), jnp.int32),
            pltpu.VMEM((NB, C), jnp.int32),
            pltpu.VMEM((NB, C, D), jnp.float32),
            pltpu.VMEM((NB, C, D), jnp.float32),
            pltpu.VMEM((C // _L * 2 * _L * _L,), jnp.float32),
            pltpu.VMEM((NB * C,), jnp.float32),
            pltpu.VMEM((C,), jnp.float32),
            pltpu.VMEM((C,), jnp.float32),
            [pltpu.SemaphoreType.DMA] * NB,
            [pltpu.SemaphoreType.DMA] * NB,
        ],
    )
    def run(x_hbm, seg_hbm, tok_hbm, pos_hbm, st_hbm, g_hbm, b_hbm, out_hbm,
            posb, stb, gb, bb, idxall, segb, rows, outs, sqb, sfb, mb, yb,
            gsems, osems):
        wid = lax.axis_index("s") * NC + lax.axis_index("c")
        wbase = wid * T

        pltpu.sync_copy(x_hbm.at[pl.ds(wbase, T)], idxall)
        pltpu.sync_copy(pos_hbm, posb)
        pltpu.sync_copy(st_hbm, stb)
        pltpu.sync_copy(g_hbm, gb)
        pltpu.sync_copy(b_hbm, bb)

        s0 = [stb[0, pl.ds(j * _L, _L)] for j in range(J)]
        s1 = [stb[1, pl.ds(j * _L, _L)] for j in range(J)]
        dsg = [a - b for a, b in zip(s1, s0)]
        gv = [gb[pl.ds(j * _L, _L)] for j in range(J)]
        bv = [bb[pl.ds(j * _L, _L)] for j in range(J)]

        def fold(p, carry):
            for j in range(J):
                posb[p, pl.ds(j * _L, _L)] = posb[p, pl.ds(j * _L, _L)] + s0[j]
            return carry

        lax.fori_loop(0, S, fold, 0)

        def start_chunk(g_, b):
            off = pl.multiple_of(g_ * C, C)
            pltpu.async_copy(
                tok_hbm.at[idxall.at[pl.ds(off, C)]], rows.at[b], gsems[b])
            pltpu.async_copy(
                seg_hbm.at[pl.ds(wbase + off, C)], segb.at[b], gsems[b])

        def wait_chunk(b):
            pltpu.make_async_copy(
                tok_hbm.at[idxall.at[pl.ds(0, C)]], rows.at[b],
                gsems[b]).wait()
            pltpu.make_async_copy(
                seg_hbm.at[pl.ds(wbase, C)], segb.at[b], gsems[b]).wait()

        def start_out(g_, b):
            off = pl.multiple_of(g_ * C, C)
            pltpu.async_copy(
                outs.at[b], out_hbm.at[pl.ds(wbase + off, C)], osems[b])

        def wait_out(b):
            pltpu.make_async_copy(
                outs.at[b], out_hbm.at[pl.ds(wbase, C)], osems[b]).wait()

        def _tree(vs):
            vs = list(vs)
            while len(vs) > 1:
                tail = [vs[-1]] if len(vs) % 2 else []
                vs = [a2 + b2 for a2, b2 in zip(vs[::2], vs[1::2])] + tail
            return vs[0]

        def compute_chunk(g_, b):
            pb = lax.rem(g_ * C, S)
            iota = lax.iota(jnp.int32, _L)
            zc = iota * 0

            for q in range(C // _L):
                sfb[pl.ds(b * C + q * _L, _L)] = (
                    segb[b, pl.ds(q * _L, _L)].astype(jnp.float32))

            @plsc.parallel_loop(0, C)
            def pass1(t):
                sf = plsc.load_gather(sfb, [zc + (b * C + t)])
                p = pb + t
                hs = []
                for j in range(J):
                    tv = rows[b, t, pl.ds(j * _L, _L)]
                    pv = posb[p, pl.ds(j * _L, _L)]
                    hs.append(tv + pv + sf * dsg[j])
                for j in range(J):
                    outs[b, t, pl.ds(j * _L, _L)] = hs[j]
                sqb[pl.ds(t * _L, _L)] = _tree(hs)
                sqb[pl.ds(C * _L + t * _L, _L)] = _tree(
                    [h * h for h in hs])

            for gi in range(C // _L):
                sbase = iota * _L + gi * _L * _L
                qbase = sbase + C * _L
                scols = []
                qcols = []
                for l in range(_L):
                    scols.append(plsc.load_gather(sqb, [sbase + l]))
                    qcols.append(plsc.load_gather(sqb, [qbase + l]))
                sum_v = _tree(scols)
                q_v = _tree(qcols)
                mean_v = sum_v * (1.0 / D)
                var_v = q_v * (1.0 / D) - mean_v * mean_v
                vb = var_v + 1e-5
                ib = lax.bitcast_convert_type(vb, jnp.int32)
                yi = jnp.full((_L,), 0x5F3759DF, jnp.int32) - (
                    lax.shift_right_arithmetic(
                        ib, jnp.full((_L,), 1, jnp.int32)))
                y = lax.bitcast_convert_type(yi, jnp.float32)
                half = 0.5 * vb
                for _ in range(3):
                    y = y * (1.5 - half * y * y)
                mb[pl.ds(gi * _L, _L)] = mean_v * y
                yb[pl.ds(gi * _L, _L)] = y

            @plsc.parallel_loop(0, C)
            def pass2(t):
                my_s = plsc.load_gather(mb, [zc + t])
                y_s = plsc.load_gather(yb, [zc + t])
                for j in range(J):
                    h = outs[b, t, pl.ds(j * _L, _L)]
                    outs[b, t, pl.ds(j * _L, _L)] = (
                        (h * y_s - my_s) * gv[j] + bv[j])

        start_chunk(0, 0)
        start_chunk(1, 1)

        def outer(gg, carry):
            for b in range(NB):
                g_ = gg * NB + b
                wait_chunk(b)

                @pl.when(g_ >= 2)
                def _():
                    wait_out(b)

                compute_chunk(g_, b)
                start_out(g_, b)

                @pl.when(g_ + 2 < G)
                def _():
                    start_chunk(g_ + 2, b)
            return carry

        lax.fori_loop(0, G // NB, outer, 0)
        for k in range(G - 2, G):
            wait_out(k % NB)

    out = run(x_flat, seg_flat, tok_table, pos_table, seg_table, gamma, beta)
    return out.reshape(B, S, D)

# --- scband reference (transcript-rebuilt; emitter-appended) ---
"""Pipeline reference for scband-embedding-22952305230214 (READ-ONLY COPY).

The authoritative reference and input builder live on the scoring server;
editing this copy changes nothing except your own understanding.
"""

import jax, jax.numpy as jnp
import numpy as np

VOCAB = 100000
D_MODEL = 128
MAXLEN = 512
N_SEG = 2
BATCH = 1024
SEQ = 512

def setup_inputs(seed: int = 0) -> dict:
    key = jax.random.key(seed)
    k1, k2, k3, k4, k5 = jax.random.split(key, 5)
    x = jax.random.randint(k1, (BATCH, SEQ), 0, VOCAB, dtype=jnp.int64 if jax.config.jax_enable_x64 else jnp.int32).astype(jnp.int32)
    seg = jax.random.randint(k2, (BATCH, SEQ), 0, N_SEG).astype(jnp.int32)
    tok_table = jax.random.normal(k3, (VOCAB, D_MODEL), dtype=jnp.float32) * 0.02
    pos_table = jax.random.normal(k4, (MAXLEN, D_MODEL), dtype=jnp.float32) * 0.02
    seg_table = jax.random.normal(k5, (N_SEG, D_MODEL), dtype=jnp.float32) * 0.02
    gamma = jnp.ones((D_MODEL,), dtype=jnp.float32)
    beta = jnp.zeros((D_MODEL,), dtype=jnp.float32)
    return {"x": x, "seg": seg, "tok_table": tok_table, "pos_table": pos_table, "seg_table": seg_table, "gamma": gamma, "beta": beta}

def _layernorm(h, gamma, beta, eps=1e-5):
    mean = jnp.mean(h, axis=-1, keepdims=True)
    var = jnp.var(h, axis=-1, keepdims=True)
    return (h - mean) / jnp.sqrt(var + eps) * gamma + beta

def reference(x, seg, tok_table, pos_table, seg_table, gamma, beta):
    seq_len = x.shape[1]
    pos = jnp.arange(seq_len, dtype=jnp.int32)
    pos = jnp.broadcast_to(pos[None, :], x.shape)
    embedding = jnp.take(tok_table, x, axis=0) + jnp.take(pos_table, pos, axis=0) + jnp.take(seg_table, seg, axis=0)
    return _layernorm(embedding, gamma, beta)

if __name__ == "__main__":
    import jax
    _d = setup_inputs()
    print(jax.jit(kernel)(*tuple(_d.values())))

</pallas_src>

<mosaic_0001>
#map = affine_map<(d0, d1) -> (0)>
#map1 = affine_map<(d0, d1) -> (0, 0)>
module attributes {stable_mosaic.version = 14 : i64} {
  func.func @run(%arg0: i32, %arg1: i32, %arg2: memref<524288xi32, #tpu.memory_space<hbm>>, %arg3: memref<524288xi32, #tpu.memory_space<hbm>>, %arg4: memref<100000x128xf32, #tpu.memory_space<hbm>>, %arg5: memref<512x128xf32, #tpu.memory_space<hbm>>, %arg6: memref<2x128xf32, #tpu.memory_space<hbm>>, %arg7: memref<128xf32, #tpu.memory_space<hbm>>, %arg8: memref<128xf32, #tpu.memory_space<hbm>>, %arg9: memref<524288x128xf32, #tpu.memory_space<hbm>>, %arg10: memref<512x128xf32, #tpu.memory_space<vmem>>, %arg11: memref<2x128xf32, #tpu.memory_space<vmem>>, %arg12: memref<128xf32, #tpu.memory_space<vmem>>, %arg13: memref<128xf32, #tpu.memory_space<vmem>>, %arg14: memref<16384xi32, #tpu.memory_space<vmem>>, %arg15: memref<2x64xi32, #tpu.memory_space<vmem>>, %arg16: memref<2x64x128xf32, #tpu.memory_space<vmem>>, %arg17: memref<2x64x128xf32, #tpu.memory_space<vmem>>, %arg18: memref<2048xf32, #tpu.memory_space<vmem>>, %arg19: memref<128xf32, #tpu.memory_space<vmem>>, %arg20: memref<64xf32, #tpu.memory_space<vmem>>, %arg21: memref<64xf32, #tpu.memory_space<vmem>>, %arg22: memref<!tpu.dma_semaphore, #tpu.memory_space<semaphore_mem>>, %arg23: memref<!tpu.dma_semaphore, #tpu.memory_space<semaphore_mem>>, %arg24: memref<!tpu.dma_semaphore, #tpu.memory_space<semaphore_mem>>, %arg25: memref<!tpu.dma_semaphore, #tpu.memory_space<semaphore_mem>>) attributes {dimension_semantics = [#tpu.dimension_semantics<core_parallel>, #tpu.dimension_semantics<subcore_parallel>], iteration_bounds = array<i64: 2, 16>, scalar_prefetch = 0 : i64, scratch_operands = 16 : i64, tpu.core_type = #tpu.core_type<sc_vector_subcore>, window_params = [{transform_indices = #map}, {transform_indices = #map}, {transform_indices = #map1}, {transform_indices = #map1}, {transform_indices = #map1}, {transform_indices = #map}, {transform_indices = #map}, {transform_indices = #map1}]} {
    %mul3A = arith.constant 2 : i32
    %mul3A_0 = arith.muli %arg1, %mul3A : i32
    %add3A = arith.addi %mul3A_0, %arg0 : i32
    %mul3A_1 = arith.constant 16384 : i32
    %mul3A_2 = arith.muli %add3A, %mul3A_1 : i32
    "tpu.region"() ({
      %run_scoped3A = tpu.sem_alloc : memref<!tpu.dma_semaphore, #tpu.memory_space<semaphore_mem>>
      %dma_start3A_181 = tpu.memref_slice %arg2[%mul3A_2] : memref<524288xi32, #tpu.memory_space<hbm>> -> memref<16384xi32, #tpu.memory_space<hbm>>
      %dma_start3A_182 = tpu.memref_slice %arg2[%mul3A_2] : memref<524288xi32, #tpu.memory_space<hbm>> -> memref<16384xi32, #tpu.memory_space<hbm>>
      tpu.enqueue_dma source(%dma_start3A_182 : memref<16384xi32, #tpu.memory_space<hbm>>) target(%arg14 : memref<16384xi32, #tpu.memory_space<vmem>>) target_semaphore(%run_scoped3A : memref<!tpu.dma_semaphore, #tpu.memory_space<semaphore_mem>>)
      %dma_wait3A_183 = tpu.memref_slice %arg2[%mul3A_2] : memref<524288xi32, #tpu.memory_space<hbm>> -> memref<16384xi32, #tpu.memory_space<hbm>>
      %dma_wait3A_184 = tpu.memref_slice %arg2[%mul3A_2] : memref<524288xi32, #tpu.memory_space<hbm>> -> memref<16384xi32, #tpu.memory_space<hbm>>
      tpu.wait_dma2 semaphore(%run_scoped3A : memref<!tpu.dma_semaphore, #tpu.memory_space<semaphore_mem>>) src(%dma_wait3A_184 : memref<16384xi32, #tpu.memory_space<hbm>>) dst(%arg14 : memref<16384xi32, #tpu.memory_space<vmem>>)
      tpu.yield
    }) : () -> ()
    "tpu.region"() ({
      %run_scoped3A = tpu.sem_alloc : memref<!tpu.dma_semaphore, #tpu.memory_space<semaphore_mem>>
      tpu.enqueue_dma source(%arg5 : memref<512x128xf32, #tpu.memory_space<hbm>>) target(%arg10 : memref<512x128xf32, #tpu.memory_space<vmem>>) target_semaphore(%run_scoped3A : memref<!tpu.dma_semaphore, #tpu.memory_space<semaphore_mem>>)
      tpu.wait_dma2 semaphore(%run_scoped3A : memref<!tpu.dma_semaphore, #tpu.memory_space<semaphore_mem>>) src(%arg5 : memref<512x128xf32, #tpu.memory_space<hbm>>) dst(%arg10 : memref<512x128xf32, #tpu.memory_space<vmem>>)
      tpu.yield
    }) : () -> ()
    "tpu.region"() ({
      %run_scoped3A = tpu.sem_alloc : memref<!tpu.dma_semaphore, #tpu.memory_space<semaphore_mem>>
      tpu.enqueue_dma source(%arg6 : memref<2x128xf32, #tpu.memory_space<hbm>>) target(%arg11 : memref<2x128xf32, #tpu.memory_space<vmem>>) target_semaphore(%run_scoped3A : memref<!tpu.dma_semaphore, #tpu.memory_space<semaphore_mem>>)
      tpu.wait_dma2 semaphore(%run_scoped3A : memref<!tpu.dma_semaphore, #tpu.memory_space<semaphore_mem>>) src(%arg6 : memref<2x128xf32, #tpu.memory_space<hbm>>) dst(%arg11 : memref<2x128xf32, #tpu.memory_space<vmem>>)
      tpu.yield
    }) : () -> ()
    "tpu.region"() ({
      %run_scoped3A = tpu.sem_alloc : memref<!tpu.dma_semaphore, #tpu.memory_space<semaphore_mem>>
      tpu.enqueue_dma source(%arg7 : memref<128xf32, #tpu.memory_space<hbm>>) target(%arg12 : memref<128xf32, #tpu.memory_space<vmem>>) target_semaphore(%run_scoped3A : memref<!tpu.dma_semaphore, #tpu.memory_space<semaphore_mem>>)
      tpu.wait_dma2 semaphore(%run_scoped3A : memref<!tpu.dma_semaphore, #tpu.memory_space<semaphore_mem>>) src(%arg7 : memref<128xf32, #tpu.memory_space<hbm>>) dst(%arg12 : memref<128xf32, #tpu.memory_space<vmem>>)
      tpu.yield
    }) : () -> ()
    "tpu.region"() ({
      %run_scoped3A = tpu.sem_alloc : memref<!tpu.dma_semaphore, #tpu.memory_space<semaphore_mem>>
      tpu.enqueue_dma source(%arg8 : memref<128xf32, #tpu.memory_space<hbm>>) target(%arg13 : memref<128xf32, #tpu.memory_space<vmem>>) target_semaphore(%run_scoped3A : memref<!tpu.dma_semaphore, #tpu.memory_space<semaphore_mem>>)
      tpu.wait_dma2 semaphore(%run_scoped3A : memref<!tpu.dma_semaphore, #tpu.memory_space<semaphore_mem>>) src(%arg8 : memref<128xf32, #tpu.memory_space<hbm>>) dst(%arg13 : memref<128xf32, #tpu.memory_space<vmem>>)
      tpu.yield
    }) : () -> ()
    %get3A = arith.constant 0 : i32
    %get3A_3 = arith.index_cast %get3A : i32 to index
    %get3A_4 = arith.constant 0 : index
    %get3A_5 = tpu.vector_load %arg11[%get3A_3, %get3A_4] {strides = array<i32>} : memref<2x128xf32, #tpu.memory_space<vmem>>, vector<16xf32>,
    %get3A_6 = arith.constant 0 : i32
    %get3A_7 = arith.index_cast %get3A_6 : i32 to index
    %get3A_8 = arith.constant 16 : index
    %get3A_9 = tpu.vector_load %arg11[%get3A_7, %get3A_8] {strides = array<i32>} : memref<2x128xf32, #tpu.memory_space<vmem>>, vector<16xf32>,
    %get3A_10 = arith.constant 0 : i32
    %get3A_11 = arith.index_cast %get3A_10 : i32 to index
    %get3A_12 = arith.constant 32 : index
    %get3A_13 = tpu.vector_load %arg11[%get3A_11, %get3A_12] {strides = array<i32>} : memref<2x128xf32, #tpu.memory_space<vmem>>, vector<16xf32>,
    %get3A_14 = arith.constant 0 : i32
    %get3A_15 = arith.index_cast %get3A_14 : i32 to index
    %get3A_16 = arith.constant 48 : index
    %get3A_17 = tpu.vector_load %arg11[%get3A_15, %get3A_16] {strides = array<i32>} : memref<2x128xf32, #tpu.memory_space<vmem>>, vector<16xf32>,
    %get3A_18 = arith.constant 0 : i32
    %get3A_19 = arith.index_cast %get3A_18 : i32 to index
    %get3A_20 = arith.constant 64 : index
    %get3A_21 = tpu.vector_load %arg11[%get3A_19, %get3A_20] {strides = array<i32>} : memref<2x128xf32, #tpu.memory_space<vmem>>, vector<16xf32>,
    %get3A_22 = arith.constant 0 : i32
    %get3A_23 = arith.index_cast %get3A_22 : i32 to index
    %get3A_24 = arith.constant 80 : index
    %get3A_25 = tpu.vector_load %arg11[%get3A_23, %get3A_24] {strides = array<i32>} : memref<2x128xf32, #tpu.memory_space<vmem>>, vector<16xf32>,
    %get3A_26 = arith.constant 0 : i32
    %get3A_27 = arith.index_cast %get3A_26 : i32 to index
    %get3A_28 = arith.constant 96 : index
    %get3A_29 = tpu.vector_load %arg11[%get3A_27, %get3A_28] {strides = array<i32>} : memref<2x128xf32, #tpu.memory_space<vmem>>, vector<16xf32>,
    %get3A_30 = arith.constant 0 : i32
    %get3A_31 = arith.index_cast %get3A_30 : i32 to index
    %get3A_32 = arith.constant 112 : index
    %get3A_33 = tpu.vector_load %arg11[%get3A_31, %get3A_32] {strides = array<i32>} : memref<2x128xf32, #tpu.memory_space<vmem>>, vector<16xf32>,
    %get3A_34 = arith.constant 1 : i32
    %get3A_35 = arith.index_cast %get3A_34 : i32 to index
    %get3A_36 = arith.constant 0 : index
    %get3A_37 = tpu.vector_load %arg11[%get3A_35, %get3A_36] {strides = array<i32>} : memref<2x128xf32, #tpu.memory_space<vmem>>, vector<16xf32>,
    %get3A_38 = arith.constant 1 : i32
    %get3A_39 = arith.index_cast %get3A_38 : i32 to index
    %get3A_40 = arith.constant 16 : index
    %get3A_41 = tpu.vector_load %arg11[%get3A_39, %get3A_40] {strides = array<i32>} : memref<2x128xf32, #tpu.memory_space<vmem>>, vector<16xf32>,
    %get3A_42 = arith.constant 1 : i32
    %get3A_43 = arith.index_cast %get3A_42 : i32 to index
    %get3A_44 = arith.constant 32 : index
    %get3A_45 = tpu.vector_load %arg11[%get3A_43, %get3A_44] {strides = array<i32>} : memref<2x128xf32, #tpu.memory_space<vmem>>, vector<16xf32>,
    %get3A_46 = arith.constant 1 : i32
    %get3A_47 = arith.index_cast %get3A_46 : i32 to index
    %get3A_48 = arith.constant 48 : index
    %get3A_49 = tpu.vector_load %arg11[%get3A_47, %get3A_48] {strides = array<i32>} : memref<2x128xf32, #tpu.memory_space<vmem>>, vector<16xf32>,
    %get3A_50 = arith.constant 1 : i32
    %get3A_51 = arith.index_cast %get3A_50 : i32 to index
    %get3A_52 = arith.constant 64 : index
    %get3A_53 = tpu.vector_load %arg11[%get3A_51, %get3A_52] {strides = array<i32>} : memref<2x128xf32, #tpu.memory_space<vmem>>, vector<16xf32>,
    %get3A_54 = arith.constant 1 : i32
    %get3A_55 = arith.index_cast %get3A_54 : i32 to index
    %get3A_56 = arith.constant 80 : index
    %get3A_57 = tpu.vector_load %arg11[%get3A_55, %get3A_56] {strides = array<i32>} : memref<2x128xf32, #tpu.memory_space<vmem>>, vector<16xf32>,
    %get3A_58 = arith.constant 1 : i32
    %get3A_59 = arith.index_cast %get3A_58 : i32 to index
    %get3A_60 = arith.constant 96 : index
    %get3A_61 = tpu.vector_load %arg11[%get3A_59, %get3A_60] {strides = array<i32>} : memref<2x128xf32, #tpu.memory_space<vmem>>, vector<16xf32>,
    %get3A_62 = arith.constant 1 : i32
    %get3A_63 = arith.index_cast %get3A_62 : i32 to index
    %get3A_64 = arith.constant 112 : index
    %get3A_65 = tpu.vector_load %arg11[%get3A_63, %get3A_64] {strides = array<i32>} : memref<2x128xf32, #tpu.memory_space<vmem>>, vector<16xf32>,
    %sub3A = arith.subf %get3A_37, %get3A_5 : vector<16xf32>
    %sub3A_66 = arith.subf %get3A_41, %get3A_9 : vector<16xf32>
    %sub3A_67 = arith.subf %get3A_45, %get3A_13 : vector<16xf32>
    %sub3A_68 = arith.subf %get3A_49, %get3A_17 : vector<16xf32>
    %sub3A_69 = arith.subf %get3A_53, %get3A_21 : vector<16xf32>
    %sub3A_70 = arith.subf %get3A_57, %get3A_25 : vector<16xf32>
    %sub3A_71 = arith.subf %get3A_61, %get3A_29 : vector<16xf32>
    %sub3A_72 = arith.subf %get3A_65, %get3A_33 : vector<16xf32>
    %get3A_73 = arith.constant 0 : index
    %get3A_74 = tpu.vector_load %arg12[%get3A_73] {strides = array<i32>} : memref<128xf32, #tpu.memory_space<vmem>>, vector<16xf32>,
    %get3A_75 = arith.constant 16 : index
    %get3A_76 = tpu.vector_load %arg12[%get3A_75] {strides = array<i32>} : memref<128xf32, #tpu.memory_space<vmem>>, vector<16xf32>,
    %get3A_77 = arith.constant 32 : index
    %get3A_78 = tpu.vector_load %arg12[%get3A_77] {strides = array<i32>} : memref<128xf32, #tpu.memory_space<vmem>>, vector<16xf32>,
    %get3A_79 = arith.constant 48 : index
    %get3A_80 = tpu.vector_load %arg12[%get3A_79] {strides = array<i32>} : memref<128xf32, #tpu.memory_space<vmem>>, vector<16xf32>,
    %get3A_81 = arith.constant 64 : index
    %get3A_82 = tpu.vector_load %arg12[%get3A_81] {strides = array<i32>} : memref<128xf32, #tpu.memory_space<vmem>>, vector<16xf32>,
    %get3A_83 = arith.constant 80 : index
    %get3A_84 = tpu.vector_load %arg12[%get3A_83] {strides = array<i32>} : memref<128xf32, #tpu.memory_space<vmem>>, vector<16xf32>,
    %get3A_85 = arith.constant 96 : index
    %get3A_86 = tpu.vector_load %arg12[%get3A_85] {strides = array<i32>} : memref<128xf32, #tpu.memory_space<vmem>>, vector<16xf32>,
    %get3A_87 = arith.constant 112 : index
    %get3A_88 = tpu.vector_load %arg12[%get3A_87] {strides = array<i32>} : memref<128xf32, #tpu.memory_space<vmem>>, vector<16xf32>,
    %get3A_89 = arith.constant 0 : index
    %get3A_90 = tpu.vector_load %arg13[%get3A_89] {strides = array<i32>} : memref<128xf32, #tpu.memory_space<vmem>>, vector<16xf32>,
    %get3A_91 = arith.constant 16 : index
    %get3A_92 = tpu.vector_load %arg13[%get3A_91] {strides = array<i32>} : memref<128xf32, #tpu.memory_space<vmem>>, vector<16xf32>,
    %get3A_93 = arith.constant 32 : index
    %get3A_94 = tpu.vector_load %arg13[%get3A_93] {strides = array<i32>} : memref<128xf32, #tpu.memory_space<vmem>>, vector<16xf32>,
    %get3A_95 = arith.constant 48 : index
    %get3A_96 = tpu.vector_load %arg13[%get3A_95] {strides = array<i32>} : memref<128xf32, #tpu.memory_space<vmem>>, vector<16xf32>,
    %get3A_97 = arith.constant 64 : index
    %get3A_98 = tpu.vector_load %arg13[%get3A_97] {strides = array<i32>} : memref<128xf32, #tpu.memory_space<vmem>>, vector<16xf32>,
    %get3A_99 = arith.constant 80 : index
    %get3A_100 = tpu.vector_load %arg13[%get3A_99] {strides = array<i32>} : memref<128xf32, #tpu.memory_space<vmem>>, vector<16xf32>,
    %get3A_101 = arith.constant 96 : index
    %get3A_102 = tpu.vector_load %arg13[%get3A_101] {strides = array<i32>} : memref<128xf32, #tpu.memory_space<vmem>>, vector<16xf32>,
    %get3A_103 = arith.constant 112 : index
    %get3A_104 = tpu.vector_load %arg13[%get3A_103] {strides = array<i32>} : memref<128xf32, #tpu.memory_space<vmem>>, vector<16xf32>,
    %scan3A = arith.constant 0 : i32
    %scan3A_105 = arith.constant 0 : i32
    %scan3A_106 = arith.constant 512 : i32
    %scan3A_107 = arith.addi %scan3A_105, %scan3A_106 : i32
    %scan3A_108 = arith.constant 1 : i32
    scf.for %scan3A_181 = %scan3A_105 to %scan3A_107 step %scan3A_108  : i32 {
      %get3A_182 = arith.index_cast %scan3A_181 : i32 to index
      %get3A_183 = arith.constant 0 : index
      %get3A_184 = tpu.vector_load %arg10[%get3A_182, %get3A_183] {strides = array<i32>} : memref<512x128xf32, #tpu.memory_space<vmem>>, vector<16xf32>,
      %add3A_185 = arith.addf %get3A_184, %get3A_5 : vector<16xf32>
      %swap3A = arith.index_cast %scan3A_181 : i32 to index
      %swap3A_186 = arith.constant 0 : index
      %swap3A_187 = tpu.vector_load %arg10[%swap3A, %swap3A_186] {strides = array<i32>} : memref<512x128xf32, #tpu.memory_space<vmem>>, vector<16xf32>,
      tpu.vector_store %arg10[%swap3A, %swap3A_186], %add3A_185 {strides = array<i32>} : memref<512x128xf32, #tpu.memory_space<vmem>>, vector<16xf32>,
      %get3A_188 = arith.index_cast %scan3A_181 : i32 to index
      %get3A_189 = arith.constant 16 : index
      %get3A_190 = tpu.vector_load %arg10[%get3A_188, %get3A_189] {strides = array<i32>} : memref<512x128xf32, #tpu.memory_space<vmem>>, vector<16xf32>,
      %add3A_191 = arith.addf %get3A_190, %get3A_9 : vector<16xf32>
      %swap3A_192 = arith.index_cast %scan3A_181 : i32 to index
      %swap3A_193 = arith.constant 16 : index
      %swap3A_194 = tpu.vector_load %arg10[%swap3A_192, %swap3A_193] {strides = array<i32>} : memref<512x128xf32, #tpu.memory_space<vmem>>, vector<16xf32>,
      tpu.vector_store %arg10[%swap3A_192, %swap3A_193], %add3A_191 {strides = array<i32>} : memref<512x128xf32, #tpu.memory_space<vmem>>, vector<16xf32>,
      %get3A_195 = arith.index_cast %scan3A_181 : i32 to index
      %get3A_196 = arith.constant 32 : index
      %get3A_197 = tpu.vector_load %arg10[%get3A_195, %get3A_196] {strides = array<i32>} : memref<512x128xf32, #tpu.memory_space<vmem>>, vector<16xf32>,
      %add3A_198 = arith.addf %get3A_197, %get3A_13 : vector<16xf32>
      %swap3A_199 = arith.index_cast %scan3A_181 : i32 to index
      %swap3A_200 = arith.constant 32 : index
      %swap3A_201 = tpu.vector_load %arg10[%swap3A_199, %swap3A_200] {strides = array<i32>} : memref<512x128xf32, #tpu.memory_space<vmem>>, vector<16xf32>,
      tpu.vector_store %arg10[%swap3A_199, %swap3A_200], %add3A_198 {strides = array<i32>} : memref<512x128xf32, #tpu.memory_space<vmem>>, vector<16xf32>,
      %get3A_202 = arith.index_cast %scan3A_181 : i32 to index
      %get3A_203 = arith.constant 48 : index
      %get3A_204 = tpu.vector_load %arg10[%get3A_202, %get3A_203] {strides = array<i32>} : memref<512x128xf32, #tpu.memory_space<vmem>>, vector<16xf32>,
      %add3A_205 = arith.addf %get3A_204, %get3A_17 : vector<16xf32>
      %swap3A_206 = arith.index_cast %scan3A_181 : i32 to index
      %swap3A_207 = arith.constant 48 : index
      %swap3A_208 = tpu.vector_load %arg10[%swap3A_206, %swap3A_207] {strides = array<i32>} : memref<512x128xf32, #tpu.memory_space<vmem>>, vector<16xf32>,
      tpu.vector_store %arg10[%swap3A_206, %swap3A_207], %add3A_205 {strides = array<i32>} : memref<512x128xf32, #tpu.memory_space<vmem>>, vector<16xf32>,
      %get3A_209 = arith.index_cast %scan3A_181 : i32 to index
      %get3A_210 = arith.constant 64 : index
      %get3A_211 = tpu.vector_load %arg10[%get3A_209, %get3A_210] {strides = array<i32>} : memref<512x128xf32, #tpu.memory_space<vmem>>, vector<16xf32>,
      %add3A_212 = arith.addf %get3A_211, %get3A_21 : vector<16xf32>
      %swap3A_213 = arith.index_cast %scan3A_181 : i32 to index
      %swap3A_214 = arith.constant 64 : index
      %swap3A_215 = tpu.vector_load %arg10[%swap3A_213, %swap3A_214] {strides = array<i32>} : memref<512x128xf32, #tpu.memory_space<vmem>>, vector<16xf32>,
      tpu.vector_store %arg10[%swap3A_213, %swap3A_214], %add3A_212 {strides = array<i32>} : memref<512x128xf32, #tpu.memory_space<vmem>>, vector<16xf32>,
      %get3A_216 = arith.index_cast %scan3A_181 : i32 to index
      %get3A_217 = arith.constant 80 : index
      %get3A_218 = tpu.vector_load %arg10[%get3A_216, %get3A_217] {strides = array<i32>} : memref<512x128xf32, #tpu.memory_space<vmem>>, vector<16xf32>,
      %add3A_219 = arith.addf %get3A_218, %get3A_25 : vector<16xf32>
      %swap3A_220 = arith.index_cast %scan3A_181 : i32 to index
      %swap3A_221 = arith.constant 80 : index
      %swap3A_222 = tpu.vector_load %arg10[%swap3A_220, %swap3A_221] {strides = array<i32>} : memref<512x128xf32, #tpu.memory_space<vmem>>, vector<16xf32>,
      tpu.vector_store %arg10[%swap3A_220, %swap3A_221], %add3A_219 {strides = array<i32>} : memref<512x128xf32, #tpu.memory_space<vmem>>, vector<16xf32>,
      %get3A_223 = arith.index_cast %scan3A_181 : i32 to index
      %get3A_224 = arith.constant 96 : index
      %get3A_225 = tpu.vector_load %arg10[%get3A_223, %get3A_224] {strides = array<i32>} : memref<512x128xf32, #tpu.memory_space<vmem>>, vector<16xf32>,
      %add3A_226 = arith.addf %get3A_225, %get3A_29 : vector<16xf32>
      %swap3A_227 = arith.index_cast %scan3A_181 : i32 to index
      %swap3A_228 = arith.constant 96 : index
      %swap3A_229 = tpu.vector_load %arg10[%swap3A_227, %swap3A_228] {strides = array<i32>} : memref<512x128xf32, #tpu.memory_space<vmem>>, vector<16xf32>,
      tpu.vector_store %arg10[%swap3A_227, %swap3A_228], %add3A_226 {strides = array<i32>} : memref<512x128xf32, #tpu.memory_space<vmem>>, vector<16xf32>,
      %get3A_230 = arith.index_cast %scan3A_181 : i32 to index
      %get3A_231 = arith.constant 112 : index
      %get3A_232 = tpu.vector_load %arg10[%get3A_230, %get3A_231] {strides = array<i32>} : memref<512x128xf32, #tpu.memory_space<vmem>>, vector<16xf32>,
      %add3A_233 = arith.addf %get3A_232, %get3A_33 : vector<16xf32>
      %swap3A_234 = arith.index_cast %scan3A_181 : i32 to index
      %swap3A_235 = arith.constant 112 : index
      %swap3A_236 = tpu.vector_load %arg10[%swap3A_234, %swap3A_235] {strides = array<i32>} : memref<512x128xf32, #tpu.memory_space<vmem>>, vector<16xf32>,
      tpu.vector_store %arg10[%swap3A_234, %swap3A_235], %add3A_233 {strides = array<i32>} : memref<512x128xf32, #tpu.memory_space<vmem>>, vector<16xf32>,
    }
    %scan3A_109 = arith.constant 512 : i32
    %multiple_of3A = arith.constant 0 : i32
    %multiple_of3A_110 = tpu.assume_multiple %multiple_of3A, 64 : i32
    %dma_start3A = arith.constant 0 : i32
    %dma_start3A_111 = arith.constant 0 : i32
    %dma_start3A_112 = arith.constant 0 : i32
    %dma_start3A_113 = tpu.memref_slice %arg16[%dma_start3A, %dma_start3A_111, %dma_start3A_112] : memref<2x64x128xf32, #tpu.memory_space<vmem>> -> memref<1x64x128xf32, #tpu.memory_space<vmem>>
    %dma_start3A_114 = tpu.memref_squeeze %dma_start3A_113 : memref<1x64x128xf32, #tpu.memory_space<vmem>> -> memref<64x128xf32, #tpu.memory_space<vmem>>
    %dma_start3A_115 = tpu.memref_slice %arg14[%multiple_of3A_110] : memref<16384xi32, #tpu.memory_space<vmem>> -> memref<64xi32, #tpu.memory_space<vmem>>
    %dma_start3A_116 = arith.constant 0 : i32
    %dma_start3A_117 = arith.constant 0 : i32
    %dma_start3A_118 = tpu.memref_slice %arg4[%dma_start3A_116, %dma_start3A_117] : memref<100000x128xf32, #tpu.memory_space<hbm>> -> memref<100000x128xf32, #tpu.memory_space<hbm>>
    tpu.enqueue_indirect_dma source(%dma_start3A_118 : memref<100000x128xf32, #tpu.memory_space<hbm>>) target(%dma_start3A_114 : memref<64x128xf32, #tpu.memory_space<vmem>>) offsets(%dma_start3A_115 : memref<64xi32, #tpu.memory_space<vmem>>) semaphore(%arg22 : memref<!tpu.dma_semaphore, #tpu.memory_space<semaphore_mem>>)
    %add3A_119 = arith.addi %mul3A_2, %multiple_of3A_110 : i32
    %dma_start3A_120 = arith.constant 0 : i32
    %dma_start3A_121 = arith.constant 0 : i32
    %dma_start3A_122 = tpu.memref_slice %arg15[%dma_start3A_120, %dma_start3A_121] : memref<2x64xi32, #tpu.memory_space<vmem>> -> memref<1x64xi32, #tpu.memory_space<vmem>>
    %dma_start3A_123 = tpu.memref_squeeze %dma_start3A_122 : memref<1x64xi32, #tpu.memory_space<vmem>> -> memref<64xi32, #tpu.memory_space<vmem>>
    %dma_start3A_124 = tpu.memref_slice %arg3[%add3A_119] : memref<524288xi32, #tpu.memory_space<hbm>> -> memref<64xi32, #tpu.memory_space<hbm>>
    %dma_start3A_125 = arith.constant 0 : i32
    %dma_start3A_126 = tpu.memref_slice %arg15[%dma_start3A_120, %dma_start3A_125] : memref<2x64xi32, #tpu.memory_space<vmem>> -> memref<1x64xi32, #tpu.memory_space<vmem>>
    %dma_start3A_127 = tpu.memref_squeeze %dma_start3A_126 : memref<1x64xi32, #tpu.memory_space<vmem>> -> memref<64xi32, #tpu.memory_space<vmem>>
    %dma_start3A_128 = tpu.memref_slice %arg3[%add3A_119] : memref<524288xi32, #tpu.memory_space<hbm>> -> memref<64xi32, #tpu.memory_space<hbm>>
    tpu.enqueue_dma source(%dma_start3A_128 : memref<64xi32, #tpu.memory_space<hbm>>) target(%dma_start3A_127 : memref<64xi32, #tpu.memory_space<vmem>>) target_semaphore(%arg22 : memref<!tpu.dma_semaphore, #tpu.memory_space<semaphore_mem>>)
    %multiple_of3A_129 = arith.constant 64 : i32
    %multiple_of3A_130 = tpu.assume_multiple %multiple_of3A_129, 64 : i32
    %dma_start3A_131 = arith.constant 1 : i32
    %dma_start3A_132 = arith.constant 0 : i32
    %dma_start3A_133 = arith.constant 0 : i32
    %dma_start3A_134 = tpu.memref_slice %arg16[%dma_start3A_131, %dma_start3A_132, %dma_start3A_133] : memref<2x64x128xf32, #tpu.memory_space<vmem>> -> memref<1x64x128xf32, #tpu.memory_space<vmem>>
    %dma_start3A_135 = tpu.memref_squeeze %dma_start3A_134 : memref<1x64x128xf32, #tpu.memory_space<vmem>> -> memref<64x128xf32, #tpu.memory_space<vmem>>
    %dma_start3A_136 = tpu.memref_slice %arg14[%multiple_of3A_130] : memref<16384xi32, #tpu.memory_space<vmem>> -> memref<64xi32, #tpu.memory_space<vmem>>
    %dma_start3A_137 = arith.constant 0 : i32
    %dma_start3A_138 = arith.constant 0 : i32
    %dma_start3A_139 = tpu.memref_slice %arg4[%dma_start3A_137, %dma_start3A_138] : memref<100000x128xf32, #tpu.memory_space<hbm>> -> memref<100000x128xf32, #tpu.memory_space<hbm>>
    tpu.enqueue_indirect_dma source(%dma_start3A_139 : memref<100000x128xf32, #tpu.memory_space<hbm>>) target(%dma_start3A_135 : memref<64x128xf32, #tpu.memory_space<vmem>>) offsets(%dma_start3A_136 : memref<64xi32, #tpu.memory_space<vmem>>) semaphore(%arg23 : memref<!tpu.dma_semaphore, #tpu.memory_space<semaphore_mem>>)
    %add3A_140 = arith.addi %mul3A_2, %multiple_of3A_130 : i32
    %dma_start3A_141 = arith.constant 1 : i32
    %dma_start3A_142 = arith.constant 0 : i32
    %dma_start3A_143 = tpu.memref_slice %arg15[%dma_start3A_141, %dma_start3A_142] : memref<2x64xi32, #tpu.memory_space<vmem>> -> memref<1x64xi32, #tpu.memory_space<vmem>>
    %dma_start3A_144 = tpu.memref_squeeze %dma_start3A_143 : memref<1x64xi32, #tpu.memory_space<vmem>> -> memref<64xi32, #tpu.memory_space<vmem>>
    %dma_start3A_145 = tpu.memref_slice %arg3[%add3A_140] : memref<524288xi32, #tpu.memory_space<hbm>> -> memref<64xi32, #tpu.memory_space<hbm>>
    %dma_start3A_146 = arith.constant 0 : i32
    %dma_start3A_147 = tpu.memref_slice %arg15[%dma_start3A_141, %dma_start3A_146] : memref<2x64xi32, #tpu.memory_space<vmem>> -> memref<1x64xi32, #tpu.memory_space<vmem>>
    %dma_start3A_148 = tpu.memref_squeeze %dma_start3A_147 : memref<1x64xi32, #tpu.memory_space<vmem>> -> memref<64xi32, #tpu.memory_space<vmem>>
    %dma_start3A_149 = tpu.memref_slice %arg3[%add3A_140] : memref<524288xi32, #tpu.memory_space<hbm>> -> memref<64xi32, #tpu.memory_space<hbm>>
    tpu.enqueue_dma source(%dma_start3A_149 : memref<64xi32, #tpu.memory_space<hbm>>) target(%dma_start3A_148 : memref<64xi32, #tpu.memory_space<vmem>>) target_semaphore(%arg23 : memref<!tpu.dma_semaphore, #tpu.memory_space<semaphore_mem>>)
    %scan3A_150 = arith.constant 0 : i32
    %scan3A_151 = arith.constant 0 : i32
    %scan3A_152 = arith.constant 128 : i32
    %scan3A_153 = arith.addi %scan3A_151, %scan3A_152 : i32
    %scan3A_154 = arith.constant 1 : i32
    scf.for %scan3A_181 = %scan3A_151 to %scan3A_153 step %scan3A_154  : i32 {
      %mul3A_182 = arith.constant 2 : i32
      %mul3A_183 = arith.muli %scan3A_181, %mul3A_182 : i32
      %add3A_184 = arith.constant 0 : i32
      %add3A_185 = arith.addi %mul3A_183, %add3A_184 : i32
      %dma_wait3A_186 = arith.constant 0 : i32
      %dma_wait3A_187 = arith.constant 0 : i32
      %dma_wait3A_188 = arith.constant 0 : i32
      %dma_wait3A_189 = tpu.memref_slice %arg16[%dma_wait3A_186, %dma_wait3A_187, %dma_wait3A_188] : memref<2x64x128xf32, #tpu.memory_space<vmem>> -> memref<1x64x128xf32, #tpu.memory_space<vmem>>
      %dma_wait3A_190 = tpu.memref_squeeze %dma_wait3A_189 : memref<1x64x128xf32, #tpu.memory_space<vmem>> -> memref<64x128xf32, #tpu.memory_space<vmem>>
      %dma_wait3A_191 = arith.constant 0 : i32
      %dma_wait3A_192 = tpu.memref_slice %arg14[%dma_wait3A_191] : memref<16384xi32, #tpu.memory_space<vmem>> -> memref<64xi32, #tpu.memory_space<vmem>>
      %dma_wait3A_193 = arith.constant 0 : i32
      %dma_wait3A_194 = arith.constant 0 : i32
      %dma_wait3A_195 = tpu.memref_slice %arg4[%dma_wait3A_193, %dma_wait3A_194] : memref<100000x128xf32, #tpu.memory_space<hbm>> -> memref<100000x128xf32, #tpu.memory_space<hbm>>
      tpu.wait_indirect_dma semaphore(%arg22 : memref<!tpu.dma_semaphore, #tpu.memory_space<semaphore_mem>>) src(%dma_wait3A_195 : memref<100000x128xf32, #tpu.memory_space<hbm>>) dst(%dma_wait3A_190 : memref<64x128xf32, #tpu.memory_space<vmem>>)
      %dma_wait3A_196 = arith.constant 0 : i32
      %dma_wait3A_197 = arith.constant 0 : i32
      %dma_wait3A_198 = tpu.memref_slice %arg15[%dma_wait3A_196, %dma_wait3A_197] : memref<2x64xi32, #tpu.memory_space<vmem>> -> memref<1x64xi32, #tpu.memory_space<vmem>>
      %dma_wait3A_199 = tpu.memref_squeeze %dma_wait3A_198 : memref<1x64xi32, #tpu.memory_space<vmem>> -> memref<64xi32, #tpu.memory_space<vmem>>
      %dma_wait3A_200 = tpu.memref_slice %arg3[%mul3A_2] : memref<524288xi32, #tpu.memory_space<hbm>> -> memref<64xi32, #tpu.memory_space<hbm>>
      %dma_wait3A_201 = arith.constant 0 : i32
      %dma_wait3A_202 = tpu.memref_slice %arg15[%dma_wait3A_196, %dma_wait3A_201] : memref<2x64xi32, #tpu.memory_space<vmem>> -> memref<1x64xi32, #tpu.memory_space<vmem>>
      %dma_wait3A_203 = tpu.memref_squeeze %dma_wait3A_202 : memref<1x64xi32, #tpu.memory_space<vmem>> -> memref<64xi32, #tpu.memory_space<vmem>>
      %dma_wait3A_204 = tpu.memref_slice %arg3[%mul3A_2] : memref<524288xi32, #tpu.memory_space<hbm>> -> memref<64xi32, #tpu.memory_space<hbm>>
      tpu.wait_dma2 semaphore(%arg22 : memref<!tpu.dma_semaphore, #tpu.memory_space<semaphore_mem>>) src(%dma_wait3A_204 : memref<64xi32, #tpu.memory_space<hbm>>) dst(%dma_wait3A_203 : memref<64xi32, #tpu.memory_space<vmem>>)
      %ge3A = arith.constant 2 : i32
      %ge3A_205 = arith.cmpi sge, %add3A_185, %ge3A : i32
      %convert_element_type3A = arith.extui %ge3A_205 : i1 to i32
      %cond3A = arith.constant 0 : i32
      %cond3A_206 = arith.cmpi ne, %convert_element_type3A, %cond3A : i32
      scf.if %cond3A_206 {
        %dma_wait3A_2054 = arith.constant 0 : i32
        %dma_wait3A_2055 = arith.constant 0 : i32
        %dma_wait3A_2056 = arith.constant 0 : i32
        %dma_wait3A_2057 = tpu.memref_slice %arg17[%dma_wait3A_2054, %dma_wait3A_2055, %dma_wait3A_2056] : memref<2x64x128xf32, #tpu.memory_space<vmem>> -> memref<1x64x128xf32, #tpu.memory_space<vmem>>
        %dma_wait3A_2058 = tpu.memref_squeeze %dma_wait3A_2057 : memref<1x64x128xf32, #tpu.memory_space<vmem>> -> memref<64x128xf32, #tpu.memory_space<vmem>>
        %dma_wait3A_2059 = arith.constant 0 : i32
        %dma_wait3A_2060 = tpu.memref_slice %arg9[%mul3A_2, %dma_wait3A_2059] : memref<524288x128xf32, #tpu.memory_space<hbm>> -> memref<64x128xf32, #tpu.memory_space<hbm>>
        %dma_wait3A_2061 = arith.constant 0 : i32
        %dma_wait3A_2062 = tpu.memref_slice %arg9[%mul3A_2, %dma_wait3A_2061] : memref<524288x128xf32, #tpu.memory_space<hbm>> -> memref<64x128xf32, #tpu.memory_space<hbm>>
        %dma_wait3A_2063 = arith.constant 0 : i32
        %dma_wait3A_2064 = arith.constant 0 : i32
        %dma_wait3A_2065 = tpu.memref_slice %arg17[%dma_wait3A_2054, %dma_wait3A_2063, %dma_wait3A_2064] : memref<2x64x128xf32, #tpu.memory_space<vmem>> -> memref<1x64x128xf32, #tpu.memory_space<vmem>>
        %dma_wait3A_2066 = tpu.memref_squeeze %dma_wait3A_2065 : memref<1x64x128xf32, #tpu.memory_space<vmem>> -> memref<64x128xf32, #tpu.memory_space<vmem>>
        tpu.wait_dma2 semaphore(%arg24 : memref<!tpu.dma_semaphore, #tpu.memory_space<semaphore_mem>>) src(%dma_wait3A_2066 : memref<64x128xf32, #tpu.memory_space<vmem>>) dst(%dma_wait3A_2062 : memref<64x128xf32, #tpu.memory_space<hbm>>)
      } else {
      }
      %mul3A_207 = arith.constant 64 : i32
      %mul3A_208 = arith.muli %add3A_185, %mul3A_207 : i32
      %rem3A = arith.constant 512 : i32
      %rem3A_209 = arith.remsi %mul3A_208, %rem3A : i32
      %iota3A = tpu.iota {dimensions = array<i32: 0>} : vector<16xi32>
      %mul3A_210 = arith.constant 0 : i32
      %mul3A_211 = vector.broadcast %mul3A_210 : i32 to vector<16xi32>
      %mul3A_212 = arith.muli %iota3A, %mul3A_211 : vector<16xi32>
      %get3A_213 = arith.constant 0 : i32
      %get3A_214 = arith.index_cast %get3A_213 : i32 to index
      %get3A_215 = arith.constant 0 : index
      %get3A_216 = tpu.vector_load %arg15[%get3A_214, %get3A_215] {strides = array<i32>} : memref<2x64xi32, #tpu.memory_space<vmem>>, vector<16xi32>,
      %convert_element_type3A_217 = arith.sitofp %get3A_216 : vector<16xi32> to vector<16xf32>
      %swap3A = arith.constant 0 : index
      %swap3A_218 = tpu.vector_load %arg19[%swap3A] {strides = array<i32>} : memref<128xf32, #tpu.memory_space<vmem>>, vector<16xf32>,
      tpu.vector_store %arg19[%swap3A], %convert_element_type3A_217 {strides = array<i32>} : memref<128xf32, #tpu.memory_space<vmem>>, vector<16xf32>,
      %get3A_219 = arith.constant 0 : i32
      %get3A_220 = arith.index_cast %get3A_219 : i32 to index
      %get3A_221 = arith.constant 16 : index
      %get3A_222 = tpu.vector_load %arg15[%get3A_220, %get3A_221] {strides = array<i32>} : memref<2x64xi32, #tpu.memory_space<vmem>>, vector<16xi32>,
      %convert_element_type3A_223 = arith.sitofp %get3A_222 : vector<16xi32> to vector<16xf32>
      %swap3A_224 = arith.constant 16 : index
      %swap3A_225 = tpu.vector_load %arg19[%swap3A_224] {strides = array<i32>} : memref<128xf32, #tpu.memory_space<vmem>>, vector<16xf32>,
      tpu.vector_store %arg19[%swap3A_224], %convert_element_type3A_223 {strides = array<i32>} : memref<128xf32, #tpu.memory_space<vmem>>, vector<16xf32>,
      %get3A_226 = arith.constant 0 : i32
      %get3A_227 = arith.index_cast %get3A_226 : i32 to index
      %get3A_228 = arith.constant 32 : index
      %get3A_229 = tpu.vector_load %arg15[%get3A_227, %get3A_228] {strides = array<i32>} : memref<2x64xi32, #tpu.memory_space<vmem>>, vector<16xi32>,
      %convert_element_type3A_230 = arith.sitofp %get3A_229 : vector<16xi32> to vector<16xf32>
      %swap3A_231 = arith.constant 32 : index
      %swap3A_232 = tpu.vector_load %arg19[%swap3A_231] {strides = array<i32>} : memref<128xf32, #tpu.memory_space<vmem>>, vector<16xf32>,
      tpu.vector_store %arg19[%swap3A_231], %convert_element_type3A_230 {strides = array<i32>} : memref<128xf32, #tpu.memory_space<vmem>>, vector<16xf32>,
      %get3A_233 = arith.constant 0 : i32
      %get3A_234 = arith.index_cast %get3A_233 : i32 to index
      %get3A_235 = arith.constant 48 : index
      %get3A_236 = tpu.vector_load %arg15[%get3A_234, %get3A_235] {strides = array<i32>} : memref<2x64xi32, #tpu.memory_space<vmem>>, vector<16xi32>,
      %convert_element_type3A_237 = arith.sitofp %get3A_236 : vector<16xi32> to vector<16xf32>
      %swap3A_238 = arith.constant 48 : index
      %swap3A_239 = tpu.vector_load %arg19[%swap3A_238] {strides = array<i32>} : memref<128xf32, #tpu.memory_space<vmem>>, vector<16xf32>,
      tpu.vector_store %arg19[%swap3A_238], %convert_element_type3A_237 {strides = array<i32>} : memref<128xf32, #tpu.memory_space<vmem>>, vector<16xf32>,
      %parallel_loop3A = arith.constant 0 : i32
      %parallel_loop3A_240 = arith.constant 64 : i32
      %parallel_loop3A_241 = arith.constant 1 : i32
      scf.for %parallel_loop3A_2054 = %parallel_loop3A to %parallel_loop3A_240 step %parallel_loop3A_241  : i32 {
        %parallel_loop3A_2055 = arith.constant 0 : i32
        %parallel_loop3A_2056 = arith.addi %parallel_loop3A_2055, %parallel_loop3A_2054 : i32
        %parallel_loop3A_2057 = vector.broadcast %parallel_loop3A_2056 : i32 to vector<16xi32>
        %parallel_loop3A_2058 = arith.addi %mul3A_212, %parallel_loop3A_2057 : vector<16xi32>
        %parallel_loop3A_2059 = tpu.vector_load_idx %arg19[%parallel_loop3A_2058] : memref<128xf32, #tpu.memory_space<vmem>>[vector<16xi32>], vector<16xf32>,
        %parallel_loop3A_2060 = arith.addi %rem3A_209, %parallel_loop3A_2054 : i32
        %parallel_loop3A_2061 = arith.constant 0 : i32
        %parallel_loop3A_2062 = arith.index_cast %parallel_loop3A_2061 : i32 to index
        %parallel_loop3A_2063 = arith.index_cast %parallel_loop3A_2054 : i32 to index
        %parallel_loop3A_2064 = arith.constant 0 : index
        %parallel_loop3A_2065 = tpu.vector_load %arg16[%parallel_loop3A_2062, %parallel_loop3A_2063, %parallel_loop3A_2064] {strides = array<i32>} : memref<2x64x128xf32, #tpu.memory_space<vmem>>, vector<16xf32>,
        %parallel_loop3A_2066 = arith.index_cast %parallel_loop3A_2060 : i32 to index
        %parallel_loop3A_2067 = arith.constant 0 : index
        %parallel_loop3A_2068 = tpu.vector_load %arg10[%parallel_loop3A_2066, %parallel_loop3A_2067] {strides = array<i32>} : memref<512x128xf32, #tpu.memory_space<vmem>>, vector<16xf32>,
        %parallel_loop3A_2069 = arith.addf %parallel_loop3A_2065, %parallel_loop3A_2068 : vector<16xf32>
        %parallel_loop3A_2070 = arith.mulf %parallel_loop3A_2059, %sub3A : vector<16xf32>
        %parallel_loop3A_2071 = arith.addf %parallel_loop3A_2069, %parallel_loop3A_2070 : vector<16xf32>
        %parallel_loop3A_2072 = arith.constant 0 : i32
        %parallel_loop3A_2073 = arith.index_cast %parallel_loop3A_2072 : i32 to index
        %parallel_loop3A_2074 = arith.index_cast %parallel_loop3A_2054 : i32 to index
        %parallel_loop3A_2075 = arith.constant 16 : index
        %parallel_loop3A_2076 = tpu.vector_load %arg16[%parallel_loop3A_2073, %parallel_loop3A_2074, %parallel_loop3A_2075] {strides = array<i32>} : memref<2x64x128xf32, #tpu.memory_space<vmem>>, vector<16xf32>,
        %parallel_loop3A_2077 = arith.index_cast %parallel_loop3A_2060 : i32 to index
        %parallel_loop3A_2078 = arith.constant 16 : index
        %parallel_loop3A_2079 = tpu.vector_load %arg10[%parallel_loop3A_2077, %parallel_loop3A_2078] {strides = array<i32>} : memref<512x128xf32, #tpu.memory_space<vmem>>, vector<16xf32>,
        %parallel_loop3A_2080 = arith.addf %parallel_loop3A_2076, %parallel_loop3A_2079 : vector<16xf32>
        %parallel_loop3A_2081 = arith.mulf %parallel_loop3A_2059, %sub3A_66 : vector<16xf32>
        %parallel_loop3A_2082 = arith.addf %parallel_loop3A_2080, %parallel_loop3A_2081 : vector<16xf32>
        %parallel_loop3A_2083 = arith.constant 0 : i32
        %parallel_loop3A_2084 = arith.index_cast %parallel_loop3A_2083 : i32 to index
        %parallel_loop3A_2085 = arith.index_cast %parallel_loop3A_2054 : i32 to index
        %parallel_loop3A_2086 = arith.constant 32 : index
        %parallel_loop3A_2087 = tpu.vector_load %arg16[%parallel_loop3A_2084, %parallel_loop3A_2085, %parallel_loop3A_2086] {strides = array<i32>} : memref<2x64x128xf32, #tpu.memory_space<vmem>>, vector<16xf32>,
        %parallel_loop3A_2088 = arith.index_cast %parallel_loop3A_2060 : i32 to index
        %parallel_loop3A_2089 = arith.constant 32 : index
        %parallel_loop3A_2090 = tpu.vector_load %arg10[%parallel_loop3A_2088, %parallel_loop3A_2089] {strides = array<i32>} : memref<512x128xf32, #tpu.memory_space<vmem>>, vector<16xf32>,
        %parallel_loop3A_2091 = arith.addf %parallel_loop3A_2087, %parallel_loop3A_2090 : vector<16xf32>
        %parallel_loop3A_2092 = arith.mulf %parallel_loop3A_2059, %sub3A_67 : vector<16xf32>
        %parallel_loop3A_2093 = arith.addf %parallel_loop3A_2091, %parallel_loop3A_2092 : vector<16xf32>
        %parallel_loop3A_2094 = arith.constant 0 : i32
        %parallel_loop3A_2095 = arith.index_cast %parallel_loop3A_2094 : i32 to index
        %parallel_loop3A_2096 = arith.index_cast %parallel_loop3A_2054 : i32 to index
        %parallel_loop3A_2097 = arith.constant 48 : index
        %parallel_loop3A_2098 = tpu.vector_load %arg16[%parallel_loop3A_2095, %parallel_loop3A_2096, %parallel_loop3A_2097] {strides = array<i32>} : memref<2x64x128xf32, #tpu.memory_space<vmem>>, vector<16xf32>,
        %parallel_loop3A_2099 = arith.index_cast %parallel_loop3A_2060 : i32 to index
        %parallel_loop3A_2100 = arith.constant 48 : index
        %parallel_loop3A_2101 = tpu.vector_load %arg10[%parallel_loop3A_2099, %parallel_loop3A_2100] {strides = array<i32>} : memref<512x128xf32, #tpu.memory_space<vmem>>, vector<16xf32>,
        %parallel_loop3A_2102 = arith.addf %parallel_loop3A_2098, %parallel_loop3A_2101 : vector<16xf32>
        %parallel_loop3A_2103 = arith.mulf %parallel_loop3A_2059, %sub3A_68 : vector<16xf32>
        %parallel_loop3A_2104 = arith.addf %parallel_loop3A_2102, %parallel_loop3A_2103 : vector<16xf32>
        %parallel_loop3A_2105 = arith.constant 0 : i32
        %parallel_loop3A_2106 = arith.index_cast %parallel_loop3A_2105 : i32 to index
        %parallel_loop3A_2107 = arith.index_cast %parallel_loop3A_2054 : i32 to index
        %parallel_loop3A_2108 = arith.constant 64 : index
        %parallel_loop3A_2109 = tpu.vector_load %arg16[%parallel_loop3A_2106, %parallel_loop3A_2107, %parallel_loop3A_2108] {strides = array<i32>} : memref<2x64x128xf32, #tpu.memory_space<vmem>>, vector<16xf32>,
        %parallel_loop3A_2110 = arith.index_cast %parallel_loop3A_2060 : i32 to index
        %parallel_loop3A_2111 = arith.constant 64 : index
        %parallel_loop3A_2112 = tpu.vector_load %arg10[%parallel_loop3A_2110, %parallel_loop3A_2111] {strides = array<i32>} : memref<512x128xf32, #tpu.memory_space<vmem>>, vector<16xf32>,
        %parallel_loop3A_2113 = arith.addf %parallel_loop3A_2109, %parallel_loop3A_2112 : vector<16xf32>
        %parallel_loop3A_2114 = arith.mulf %parallel_loop3A_2059, %sub3A_69 : vector<16xf32>
        %parallel_loop3A_2115 = arith.addf %parallel_loop3A_2113, %parallel_loop3A_2114 : vector<16xf32>
        %parallel_loop3A_2116 = arith.constant 0 : i32
        %parallel_loop3A_2117 = arith.index_cast %parallel_loop3A_2116 : i32 to index
        %parallel_loop3A_2118 = arith.index_cast %parallel_loop3A_2054 : i32 to index
        %parallel_loop3A_2119 = arith.constant 80 : index
        %parallel_loop3A_2120 = tpu.vector_load %arg16[%parallel_loop3A_2117, %parallel_loop3A_2118, %parallel_loop3A_2119] {strides = array<i32>} : memref<2x64x128xf32, #tpu.memory_space<vmem>>, vector<16xf32>,
        %parallel_loop3A_2121 = arith.index_cast %parallel_loop3A_2060 : i32 to index
        %parallel_loop3A_2122 = arith.constant 80 : index
        %parallel_loop3A_2123 = tpu.vector_load %arg10[%parallel_loop3A_2121, %parallel_loop3A_2122] {strides = array<i32>} : memref<512x128xf32, #tpu.memory_space<vmem>>, vector<16xf32>,
        %parallel_loop3A_2124 = arith.addf %parallel_loop3A_2120, %parallel_loop3A_2123 : vector<16xf32>
        %parallel_loop3A_2125 = arith.mulf %parallel_loop3A_2059, %sub3A_70 : vector<16xf32>
        %parallel_loop3A_2126 = arith.addf %parallel_loop3A_2124, %parallel_loop3A_2125 : vector<16xf32>
        %parallel_loop3A_2127 = arith.constant 0 : i32
        %parallel_loop3A_2128 = arith.index_cast %parallel_loop3A_2127 : i32 to index
        %parallel_loop3A_2129 = arith.index_cast %parallel_loop3A_2054 : i32 to index
        %parallel_loop3A_2130 = arith.constant 96 : index
        %parallel_loop3A_2131 = tpu.vector_load %arg16[%parallel_loop3A_2128, %parallel_loop3A_2129, %parallel_loop3A_2130] {strides = array<i32>} : memref<2x64x128xf32, #tpu.memory_space<vmem>>, vector<16xf32>,
        %parallel_loop3A_2132 = arith.index_cast %parallel_loop3A_2060 : i32 to index
        %parallel_loop3A_2133 = arith.constant 96 : index
        %parallel_loop3A_2134 = tpu.vector_load %arg10[%parallel_loop3A_2132, %parallel_loop3A_2133] {strides = array<i32>} : memref<512x128xf32, #tpu.memory_space<vmem>>, vector<16xf32>,
        %parallel_loop3A_2135 = arith.addf %parallel_loop3A_2131, %parallel_loop3A_2134 : vector<16xf32>
        %parallel_loop3A_2136 = arith.mulf %parallel_loop3A_2059, %sub3A_71 : vector<16xf32>
        %parallel_loop3A_2137 = arith.addf %parallel_loop3A_2135, %parallel_loop3A_2136 : vector<16xf32>
        %parallel_loop3A_2138 = arith.constant 0 : i32
        %parallel_loop3A_2139 = arith.index_cast %parallel_loop3A_2138 : i32 to index
        %parallel_loop3A_2140 = arith.index_cast %parallel_loop3A_2054 : i32 to index
        %parallel_loop3A_2141 = arith.constant 112 : index
        %parallel_loop3A_2142 = tpu.vector_load %arg16[%parallel_loop3A_2139, %parallel_loop3A_2140, %parallel_loop3A_2141] {strides = array<i32>} : memref<2x64x128xf32, #tpu.memory_space<vmem>>, vector<16xf32>,
        %parallel_loop3A_2143 = arith.index_cast %parallel_loop3A_2060 : i32 to index
        %parallel_loop3A_2144 = arith.constant 112 : index
        %parallel_loop3A_2145 = tpu.vector_load %arg10[%parallel_loop3A_2143, %parallel_loop3A_2144] {strides = array<i32>} : memref<512x128xf32, #tpu.memory_space<vmem>>, vector<16xf32>,
        %parallel_loop3A_2146 = arith.addf %parallel_loop3A_2142, %parallel_loop3A_2145 : vector<16xf32>
        %parallel_loop3A_2147 = arith.mulf %parallel_loop3A_2059, %sub3A_72 : vector<16xf32>
        %parallel_loop3A_2148 = arith.addf %parallel_loop3A_2146, %parallel_loop3A_2147 : vector<16xf32>
        %parallel_loop3A_2149 = arith.constant 0 : i32
        %parallel_loop3A_2150 = arith.index_cast %parallel_loop3A_2149 : i32 to index
        %parallel_loop3A_2151 = arith.index_cast %parallel_loop3A_2054 : i32 to index
        %parallel_loop3A_2152 = arith.constant 0 : index
        %parallel_loop3A_2153 = tpu.vector_load %arg17[%parallel_loop3A_2150, %parallel_loop3A_2151, %parallel_loop3A_2152] {strides = array<i32>} : memref<2x64x128xf32, #tpu.memory_space<vmem>>, vector<16xf32>,
        tpu.vector_store %arg17[%parallel_loop3A_2150, %parallel_loop3A_2151, %parallel_loop3A_2152], %parallel_loop3A_2071 {strides = array<i32>} : memref<2x64x128xf32, #tpu.memory_space<vmem>>, vector<16xf32>,
        %parallel_loop3A_2154 = arith.constant 0 : i32
        %parallel_loop3A_2155 = arith.index_cast %parallel_loop3A_2154 : i32 to index
        %parallel_loop3A_2156 = arith.index_cast %parallel_loop3A_2054 : i32 to index
        %parallel_loop3A_2157 = arith.constant 16 : index
        %parallel_loop3A_2158 = tpu.vector_load %arg17[%parallel_loop3A_2155, %parallel_loop3A_2156, %parallel_loop3A_2157] {strides = array<i32>} : memref<2x64x128xf32, #tpu.memory_space<vmem>>, vector<16xf32>,
        tpu.vector_store %arg17[%parallel_loop3A_2155, %parallel_loop3A_2156, %parallel_loop3A_2157], %parallel_loop3A_2082 {strides = array<i32>} : memref<2x64x128xf32, #tpu.memory_space<vmem>>, vector<16xf32>,
        %parallel_loop3A_2159 = arith.constant 0 : i32
        %parallel_loop3A_2160 = arith.index_cast %parallel_loop3A_2159 : i32 to index
        %parallel_loop3A_2161 = arith.index_cast %parallel_loop3A_2054 : i32 to index
        %parallel_loop3A_2162 = arith.constant 32 : index
        %parallel_loop3A_2163 = tpu.vector_load %arg17[%parallel_loop3A_2160, %parallel_loop3A_2161, %parallel_loop3A_2162] {strides = array<i32>} : memref<2x64x128xf32, #tpu.memory_space<vmem>>, vector<16xf32>,
        tpu.vector_store %arg17[%parallel_loop3A_2160, %parallel_loop3A_2161, %parallel_loop3A_2162], %parallel_loop3A_2093 {strides = array<i32>} : memref<2x64x128xf32, #tpu.memory_space<vmem>>, vector<16xf32>,
        %parallel_loop3A_2164 = arith.constant 0 : i32
        %parallel_loop3A_2165 = arith.index_cast %parallel_loop3A_2164 : i32 to index
        %parallel_loop3A_2166 = arith.index_cast %parallel_loop3A_2054 : i32 to index
        %parallel_loop3A_2167 = arith.constant 48 : index
        %parallel_loop3A_2168 = tpu.vector_load %arg17[%parallel_loop3A_2165, %parallel_loop3A_2166, %parallel_loop3A_2167] {strides = array<i32>} : memref<2x64x128xf32, #tpu.memory_space<vmem>>, vector<16xf32>,
        tpu.vector_store %arg17[%parallel_loop3A_2165, %parallel_loop3A_2166, %parallel_loop3A_2167], %parallel_loop3A_2104 {strides = array<i32>} : memref<2x64x128xf32, #tpu.memory_space<vmem>>, vector<16xf32>,
        %parallel_loop3A_2169 = arith.constant 0 : i32
        %parallel_loop3A_2170 = arith.index_cast %parallel_loop3A_2169 : i32 to index
        %parallel_loop3A_2171 = arith.index_cast %parallel_loop3A_2054 : i32 to index
        %parallel_loop3A_2172 = arith.constant 64 : index
        %parallel_loop3A_2173 = tpu.vector_load %arg17[%parallel_loop3A_2170, %parallel_loop3A_2171, %parallel_loop3A_2172] {strides = array<i32>} : memref<2x64x128xf32, #tpu.memory_space<vmem>>, vector<16xf32>,
        tpu.vector_store %arg17[%parallel_loop3A_2170, %parallel_loop3A_2171, %parallel_loop3A_2172], %parallel_loop3A_2115 {strides = array<i32>} : memref<2x64x128xf32, #tpu.memory_space<vmem>>, vector<16xf32>,
        %parallel_loop3A_2174 = arith.constant 0 : i32
        %parallel_loop3A_2175 = arith.index_cast %parallel_loop3A_2174 : i32 to index
        %parallel_loop3A_2176 = arith.index_cast %parallel_loop3A_2054 : i32 to index
        %parallel_loop3A_2177 = arith.constant 80 : index
        %parallel_loop3A_2178 = tpu.vector_load %arg17[%parallel_loop3A_2175, %parallel_loop3A_2176, %parallel_loop3A_2177] {strides = array<i32>} : memref<2x64x128xf32, #tpu.memory_space<vmem>>, vector<16xf32>,
        tpu.vector_store %arg17[%parallel_loop3A_2175, %parallel_loop3A_2176, %parallel_loop3A_2177], %parallel_loop3A_2126 {strides = array<i32>} : memref<2x64x128xf32, #tpu.memory_space<vmem>>, vector<16xf32>,
        %parallel_loop3A_2179 = arith.constant 0 : i32
        %parallel_loop3A_2180 = arith.index_cast %parallel_loop3A_2179 : i32 to index
        %parallel_loop3A_2181 = arith.index_cast %parallel_loop3A_2054 : i32 to index
        %parallel_loop3A_2182 = arith.constant 96 : index
        %parallel_loop3A_2183 = tpu.vector_load %arg17[%parallel_loop3A_2180, %parallel_loop3A_2181, %parallel_loop3A_2182] {strides = array<i32>} : memref<2x64x128xf32, #tpu.memory_space<vmem>>, vector<16xf32>,
        tpu.vector_store %arg17[%parallel_loop3A_2180, %parallel_loop3A_2181, %parallel_loop3A_2182], %parallel_loop3A_2137 {strides = array<i32>} : memref<2x64x128xf32, #tpu.memory_space<vmem>>, vector<16xf32>,
        %parallel_loop3A_2184 = arith.constant 0 : i32
        %parallel_loop3A_2185 = arith.index_cast %parallel_loop3A_2184 : i32 to index
        %parallel_loop3A_2186 = arith.index_cast %parallel_loop3A_2054 : i32 to index
        %parallel_loop3A_2187 = arith.constant 112 : index
        %parallel_loop3A_2188 = tpu.vector_load %arg17[%parallel_loop3A_2185, %parallel_loop3A_2186, %parallel_loop3A_2187] {strides = array<i32>} : memref<2x64x128xf32, #tpu.memory_space<vmem>>, vector<16xf32>,
        tpu.vector_store %arg17[%parallel_loop3A_2185, %parallel_loop3A_2186, %parallel_loop3A_2187], %parallel_loop3A_2148 {strides = array<i32>} : memref<2x64x128xf32, #tpu.memory_space<vmem>>, vector<16xf32>,
        %parallel_loop3A_2189 = arith.addf %parallel_loop3A_2071, %parallel_loop3A_2082 : vector<16xf32>
        %parallel_loop3A_2190 = arith.addf %parallel_loop3A_2093, %parallel_loop3A_2104 : vector<16xf32>
        %parallel_loop3A_2191 = arith.addf %parallel_loop3A_2115, %parallel_loop3A_2126 : vector<16xf32>
        %parallel_loop3A_2192 = arith.addf %parallel_loop3A_2137, %parallel_loop3A_2148 : vector<16xf32>
        %parallel_loop3A_2193 = arith.addf %parallel_loop3A_2189, %parallel_loop3A_2190 : vector<16xf32>
        %parallel_loop3A_2194 = arith.addf %parallel_loop3A_2191, %parallel_loop3A_2192 : vector<16xf32>
        %parallel_loop3A_2195 = arith.addf %parallel_loop3A_2193, %parallel_loop3A_2194 : vector<16xf32>
        %parallel_loop3A_2196 = arith.constant 16 : i32
        %parallel_loop3A_2197 = arith.muli %parallel_loop3A_2054, %parallel_loop3A_2196 : i32
        %parallel_loop3A_2198 = arith.index_cast %parallel_loop3A_2197 : i32 to index
        %parallel_loop3A_2199 = tpu.vector_load %arg18[%parallel_loop3A_2198] {strides = array<i32>} : memref<2048xf32, #tpu.memory_space<vmem>>, vector<16xf32>,
        tpu.vector_store %arg18[%parallel_loop3A_2198], %parallel_loop3A_2195 {strides = array<i32>} : memref<2048xf32, #tpu.memory_space<vmem>>, vector<16xf32>,
        %parallel_loop3A_2200 = arith.mulf %parallel_loop3A_2071, %parallel_loop3A_2071 : vector<16xf32>
        %parallel_loop3A_2201 = arith.mulf %parallel_loop3A_2082, %parallel_loop3A_2082 : vector<16xf32>
        %parallel_loop3A_2202 = arith.mulf %parallel_loop3A_2093, %parallel_loop3A_2093 : vector<16xf32>
        %parallel_loop3A_2203 = arith.mulf %parallel_loop3A_2104, %parallel_loop3A_2104 : vector<16xf32>
        %parallel_loop3A_2204 = arith.mulf %parallel_loop3A_2115, %parallel_loop3A_2115 : vector<16xf32>
        %parallel_loop3A_2205 = arith.mulf %parallel_loop3A_2126, %parallel_loop3A_2126 : vector<16xf32>
        %parallel_loop3A_2206 = arith.mulf %parallel_loop3A_2137, %parallel_loop3A_2137 : vector<16xf32>
        %parallel_loop3A_2207 = arith.mulf %parallel_loop3A_2148, %parallel_loop3A_2148 : vector<16xf32>
        %parallel_loop3A_2208 = arith.addf %parallel_loop3A_2200, %parallel_loop3A_2201 : vector<16xf32>
        %parallel_loop3A_2209 = arith.addf %parallel_loop3A_2202, %parallel_loop3A_2203 : vector<16xf32>
        %parallel_loop3A_2210 = arith.addf %parallel_loop3A_2204, %parallel_loop3A_2205 : vector<16xf32>
        %parallel_loop3A_2211 = arith.addf %parallel_loop3A_2206, %parallel_loop3A_2207 : vector<16xf32>
        %parallel_loop3A_2212 = arith.addf %parallel_loop3A_2208, %parallel_loop3A_2209 : vector<16xf32>
        %parallel_loop3A_2213 = arith.addf %parallel_loop3A_2210, %parallel_loop3A_2211 : vector<16xf32>
        %parallel_loop3A_2214 = arith.addf %parallel_loop3A_2212, %parallel_loop3A_2213 : vector<16xf32>
        %parallel_loop3A_2215 = arith.constant 16 : i32
        %parallel_loop3A_2216 = arith.muli %parallel_loop3A_2054, %parallel_loop3A_2215 : i32
        %parallel_loop3A_2217 = arith.constant 1024 : i32
        %parallel_loop3A_2218 = arith.addi %parallel_loop3A_2217, %parallel_loop3A_2216 : i32
        %parallel_loop3A_2219 = arith.index_cast %parallel_loop3A_2218 : i32 to index
        %parallel_loop3A_2220 = tpu.vector_load %arg18[%parallel_loop3A_2219] {strides = array<i32>} : memref<2048xf32, #tpu.memory_space<vmem>>, vector<16xf32>,
        tpu.vector_store %arg18[%parallel_loop3A_2219], %parallel_loop3A_2214 {strides = array<i32>} : memref<2048xf32, #tpu.memory_space<vmem>>, vector<16xf32>,
      } {sc.loop_unroll_factor = 1 : i64, sc.parallel_access}
      %mul3A_242 = arith.constant 16 : i32
      %mul3A_243 = vector.broadcast %mul3A_242 : i32 to vector<16xi32>
      %mul3A_244 = arith.muli %iota3A, %mul3A_243 : vector<16xi32>
      %add3A_245 = arith.constant 0 : i32
      %add3A_246 = vector.broadcast %add3A_245 : i32 to vector<16xi32>
      %add3A_247 = arith.addi %mul3A_244, %add3A_246 : vector<16xi32>
      %add3A_248 = arith.constant 1024 : i32
      %add3A_249 = vector.broadcast %add3A_248 : i32 to vector<16xi32>
      %add3A_250 = arith.addi %add3A_247, %add3A_249 : vector<16xi32>
      %add3A_251 = arith.constant 0 : i32
      %add3A_252 = vector.broadcast %add3A_251 : i32 to vector<16xi32>
      %add3A_253 = arith.addi %add3A_247, %add3A_252 : vector<16xi32>
      %gather3A = tpu.vector_load_idx %arg18[%add3A_253] : memref<2048xf32, #tpu.memory_space<vmem>>[vector<16xi32>], vector<16xf32>,
      %add3A_254 = arith.constant 0 : i32
      %add3A_255 = vector.broadcast %add3A_254 : i32 to vector<16xi32>
      %add3A_256 = arith.addi %add3A_250, %add3A_255 : vector<16xi32>
      %gather3A_257 = tpu.vector_load_idx %arg18[%add3A_256] : memref<2048xf32, #tpu.memory_space<vmem>>[vector<16xi32>], vector<16xf32>,
      %add3A_258 = arith.constant 1 : i32
      %add3A_259 = vector.broadcast %add3A_258 : i32 to vector<16xi32>
      %add3A_260 = arith.addi %add3A_247, %add3A_259 : vector<16xi32>
      %gather3A_261 = tpu.vector_load_idx %arg18[%add3A_260] : memref<2048xf32, #tpu.memory_space<vmem>>[vector<16xi32>], vector<16xf32>,
      %add3A_262 = arith.constant 1 : i32
      %add3A_263 = vector.broadcast %add3A_262 : i32 to vector<16xi32>
      %add3A_264 = arith.addi %add3A_250, %add3A_263 : vector<16xi32>
      %gather3A_265 = tpu.vector_load_idx %arg18[%add3A_264] : memref<2048xf32, #tpu.memory_space<vmem>>[vector<16xi32>], vector<16xf32>,
      %add3A_266 = arith.constant 2 : i32
      %add3A_267 = vector.broadcast %add3A_266 : i32 to vector<16xi32>
      %add3A_268 = arith.addi %add3A_247, %add3A_267 : vector<16xi32>
      %gather3A_269 = tpu.vector_load_idx %arg18[%add3A_268] : memref<2048xf32, #tpu.memory_space<vmem>>[vector<16xi32>], vector<16xf32>,
      %add3A_270 = arith.constant 2 : i32
      %add3A_271 = vector.broadcast %add3A_270 : i32 to vector<16xi32>
      %add3A_272 = arith.addi %add3A_250, %add3A_271 : vector<16xi32>
      %gather3A_273 = tpu.vector_load_idx %arg18[%add3A_272] : memref<2048xf32, #tpu.memory_space<vmem>>[vector<16xi32>], vector<16xf32>,
      %add3A_274 = arith.constant 3 : i32
      %add3A_275 = vector.broadcast %add3A_274 : i32 to vector<16xi32>
      %add3A_276 = arith.addi %add3A_247, %add3A_275 : vector<16xi32>
      %gather3A_277 = tpu.vector_load_idx %arg18[%add3A_276] : memref<2048xf32, #tpu.memory_space<vmem>>[vector<16xi32>], vector<16xf32>,
      %add3A_278 = arith.constant 3 : i32
      %add3A_279 = vector.broadcast %add3A_278 : i32 to vector<16xi32>
      %add3A_280 = arith.addi %add3A_250, %add3A_279 : vector<16xi32>
      %gather3A_281 = tpu.vector_load_idx %arg18[%add3A_280] : memref<2048xf32, #tpu.memory_space<vmem>>[vector<16xi32>], vector<16xf32>,
      %add3A_282 = arith.constant 4 : i32
      %add3A_283 = vector.broadcast %add3A_282 : i32 to vector<16xi32>
      %add3A_284 = arith.addi %add3A_247, %add3A_283 : vector<16xi32>
      %gather3A_285 = tpu.vector_load_idx %arg18[%add3A_284] : memref<2048xf32, #tpu.memory_space<vmem>>[vector<16xi32>], vector<16xf32>,
      %add3A_286 = arith.constant 4 : i32
      %add3A_287 = vector.broadcast %add3A_286 : i32 to vector<16xi32>
      %add3A_288 = arith.addi %add3A_250, %add3A_287 : vector<16xi32>
      %gather3A_289 = tpu.vector_load_idx %arg18[%add3A_288] : memref<2048xf32, #tpu.memory_space<vmem>>[vector<16xi32>], vector<16xf32>,
      %add3A_290 = arith.constant 5 : i32
      %add3A_291 = vector.broadcast %add3A_290 : i32 to vector<16xi32>
      %add3A_292 = arith.addi %add3A_247, %add3A_291 : vector<16xi32>
      %gather3A_293 = tpu.vector_load_idx %arg18[%add3A_292] : memref<2048xf32, #tpu.memory_space<vmem>>[vector<16xi32>], vector<16xf32>,
      %add3A_294 = arith.constant 5 : i32
      %add3A_295 = vector.broadcast %add3A_294 : i32 to vector<16xi32>
      %add3A_296 = arith.addi %add3A_250, %add3A_295 : vector<16xi32>
      %gather3A_297 = tpu.vector_load_idx %arg18[%add3A_296] : memref<2048xf32, #tpu.memory_space<vmem>>[vector<16xi32>], vector<16xf32>,
      %add3A_298 = arith.constant 6 : i32
      %add3A_299 = vector.broadcast %add3A_298 : i32 to vector<16xi32>
      %add3A_300 = arith.addi %add3A_247, %add3A_299 : vector<16xi32>
      %gather3A_301 = tpu.vector_load_idx %arg18[%add3A_300] : memref<2048xf32, #tpu.memory_space<vmem>>[vector<16xi32>], vector<16xf32>,
      %add3A_302 = arith.constant 6 : i32
      %add3A_303 = vector.broadcast %add3A_302 : i32 to vector<16xi32>
      %add3A_304 = arith.addi %add3A_250, %add3A_303 : vector<16xi32>
      %gather3A_305 = tpu.vector_load_idx %arg18[%add3A_304] : memref<2048xf32, #tpu.memory_space<vmem>>[vector<16xi32>], vector<16xf32>,
      %add3A_306 = arith.constant 7 : i32
      %add3A_307 = vector.broadcast %add3A_306 : i32 to vector<16xi32>
      %add3A_308 = arith.addi %add3A_247, %add3A_307 : vector<16xi32>
      %gather3A_309 = tpu.vector_load_idx %arg18[%add3A_308] : memref<2048xf32, #tpu.memory_space<vmem>>[vector<16xi32>], vector<16xf32>,
      %add3A_310 = arith.constant 7 : i32
      %add3A_311 = vector.broadcast %add3A_310 : i32 to vector<16xi32>
      %add3A_312 = arith.addi %add3A_250, %add3A_311 : vector<16xi32>
      %gather3A_313 = tpu.vector_load_idx %arg18[%add3A_312] : memref<2048xf32, #tpu.memory_space<vmem>>[vector<16xi32>], vector<16xf32>,
      %add3A_314 = arith.constant 8 : i32
      %add3A_315 = vector.broadcast %add3A_314 : i32 to vector<16xi32>
      %add3A_316 = arith.addi %add3A_247, %add3A_315 : vector<16xi32>
      %gather3A_317 = tpu.vector_load_idx %arg18[%add3A_316] : memref<2048xf32, #tpu.memory_space<vmem>>[vector<16xi32>], vector<16xf32>,
      %add3A_318 = arith.constant 8 : i32
      %add3A_319 = vector.broadcast %add3A_318 : i32 to vector<16xi32>
      %add3A_320 = arith.addi %add3A_250, %add3A_319 : vector<16xi32>
      %gather3A_321 = tpu.vector_load_idx %arg18[%add3A_320] : memref<2048xf32, #tpu.memory_space<vmem>>[vector<16xi32>], vector<16xf32>,
      %add3A_322 = arith.constant 9 : i32
      %add3A_323 = vector.broadcast %add3A_322 : i32 to vector<16xi32>
      %add3A_324 = arith.addi %add3A_247, %add3A_323 : vector<16xi32>
      %gather3A_325 = tpu.vector_load_idx %arg18[%add3A_324] : memref<2048xf32, #tpu.memory_space<vmem>>[vector<16xi32>], vector<16xf32>,
      %add3A_326 = arith.constant 9 : i32
      %add3A_327 = vector.broadcast %add3A_326 : i32 to vector<16xi32>
      %add3A_328 = arith.addi %add3A_250, %add3A_327 : vector<16xi32>
      %gather3A_329 = tpu.vector_load_idx %arg18[%add3A_328] : memref<2048xf32, #tpu.memory_space<vmem>>[vector<16xi32>], vector<16xf32>,
      %add3A_330 = arith.constant 10 : i32
      %add3A_331 = vector.broadcast %add3A_330 : i32 to vector<16xi32>
      %add3A_332 = arith.addi %add3A_247, %add3A_331 : vector<16xi32>
      %gather3A_333 = tpu.vector_load_idx %arg18[%add3A_332] : memref<2048xf32, #tpu.memory_space<vmem>>[vector<16xi32>], vector<16xf32>,
      %add3A_334 = arith.constant 10 : i32
      %add3A_335 = vector.broadcast %add3A_334 : i32 to vector<16xi32>
      %add3A_336 = arith.addi %add3A_250, %add3A_335 : vector<16xi32>
      %gather3A_337 = tpu.vector_load_idx %arg18[%add3A_336] : memref<2048xf32, #tpu.memory_space<vmem>>[vector<16xi32>], vector<16xf32>,
      %add3A_338 = arith.constant 11 : i32
      %add3A_339 = vector.broadcast %add3A_338 : i32 to vector<16xi32>
      %add3A_340 = arith.addi %add3A_247, %add3A_339 : vector<16xi32>
      %gather3A_341 = tpu.vector_load_idx %arg18[%add3A_340] : memref<2048xf32, #tpu.memory_space<vmem>>[vector<16xi32>], vector<16xf32>,
      %add3A_342 = arith.constant 11 : i32
      %add3A_343 = vector.broadcast %add3A_342 : i32 to vector<16xi32>
      %add3A_344 = arith.addi %add3A_250, %add3A_343 : vector<16xi32>
      %gather3A_345 = tpu.vector_load_idx %arg18[%add3A_344] : memref<2048xf32, #tpu.memory_space<vmem>>[vector<16xi32>], vector<16xf32>,
      %add3A_346 = arith.constant 12 : i32
      %add3A_347 = vector.broadcast %add3A_346 : i32 to vector<16xi32>
      %add3A_348 = arith.addi %add3A_247, %add3A_347 : vector<16xi32>
      %gather3A_349 = tpu.vector_load_idx %arg18[%add3A_348] : memref<2048xf32, #tpu.memory_space<vmem>>[vector<16xi32>], vector<16xf32>,
      %add3A_350 = arith.constant 12 : i32
      %add3A_351 = vector.broadcast %add3A_350 : i32 to vector<16xi32>
      %add3A_352 = arith.addi %add3A_250, %add3A_351 : vector<16xi32>
      %gather3A_353 = tpu.vector_load_idx %arg18[%add3A_352] : memref<2048xf32, #tpu.memory_space<vmem>>[vector<16xi32>], vector<16xf32>,
      %add3A_354 = arith.constant 13 : i32
      %add3A_355 = vector.broadcast %add3A_354 : i32 to vector<16xi32>
      %add3A_356 = arith.addi %add3A_247, %add3A_355 : vector<16xi32>
      %gather3A_357 = tpu.vector_load_idx %arg18[%add3A_356] : memref<2048xf32, #tpu.memory_space<vmem>>[vector<16xi32>], vector<16xf32>,
      %add3A_358 = arith.constant 13 : i32
      %add3A_359 = vector.broadcast %add3A_358 : i32 to vector<16xi32>
      %add3A_360 = arith.addi %add3A_250, %add3A_359 : vector<16xi32>
      %gather3A_361 = tpu.vector_load_idx %arg18[%add3A_360] : memref<2048xf32, #tpu.memory_space<vmem>>[vector<16xi32>], vector<16xf32>,
      %add3A_362 = arith.constant 14 : i32
      %add3A_363 = vector.broadcast %add3A_362 : i32 to vector<16xi32>
      %add3A_364 = arith.addi %add3A_247, %add3A_363 : vector<16xi32>
      %gather3A_365 = tpu.vector_load_idx %arg18[%add3A_364] : memref<2048xf32, #tpu.memory_space<vmem>>[vector<16xi32>], vector<16xf32>,
      %add3A_366 = arith.constant 14 : i32
      %add3A_367 = vector.broadcast %add3A_366 : i32 to vector<16xi32>
      %add3A_368 = arith.addi %add3A_250, %add3A_367 : vector<16xi32>
      %gather3A_369 = tpu.vector_load_idx %arg18[%add3A_368] : memref<2048xf32, #tpu.memory_space<vmem>>[vector<16xi32>], vector<16xf32>,
      %add3A_370 = arith.constant 15 : i32
      %add3A_371 = vector.broadcast %add3A_370 : i32 to vector<16xi32>
      %add3A_372 = arith.addi %add3A_247, %add3A_371 : vector<16xi32>
      %gather3A_373 = tpu.vector_load_idx %arg18[%add3A_372] : memref<2048xf32, #tpu.memory_space<vmem>>[vector<16xi32>], vector<16xf32>,
      %add3A_374 = arith.constant 15 : i32
      %add3A_375 = vector.broadcast %add3A_374 : i32 to vector<16xi32>
      %add3A_376 = arith.addi %add3A_250, %add3A_375 : vector<16xi32>
      %gather3A_377 = tpu.vector_load_idx %arg18[%add3A_376] : memref<2048xf32, #tpu.memory_space<vmem>>[vector<16xi32>], vector<16xf32>,
      %add3A_378 = arith.addf %gather3A, %gather3A_261 : vector<16xf32>
      %add3A_379 = arith.addf %gather3A_269, %gather3A_277 : vector<16xf32>
      %add3A_380 = arith.addf %gather3A_285, %gather3A_293 : vector<16xf32>
      %add3A_381 = arith.addf %gather3A_301, %gather3A_309 : vector<16xf32>
      %add3A_382 = arith.addf %gather3A_317, %gather3A_325 : vector<16xf32>
      %add3A_383 = arith.addf %gather3A_333, %gather3A_341 : vector<16xf32>
      %add3A_384 = arith.addf %gather3A_349, %gather3A_357 : vector<16xf32>
      %add3A_385 = arith.addf %gather3A_365, %gather3A_373 : vector<16xf32>
      %add3A_386 = arith.addf %add3A_378, %add3A_379 : vector<16xf32>
      %add3A_387 = arith.addf %add3A_380, %add3A_381 : vector<16xf32>
      %add3A_388 = arith.addf %add3A_382, %add3A_383 : vector<16xf32>
      %add3A_389 = arith.addf %add3A_384, %add3A_385 : vector<16xf32>
      %add3A_390 = arith.addf %add3A_386, %add3A_387 : vector<16xf32>
      %add3A_391 = arith.addf %add3A_388, %add3A_389 : vector<16xf32>
      %add3A_392 = arith.addf %add3A_390, %add3A_391 : vector<16xf32>
      %add3A_393 = arith.addf %gather3A_257, %gather3A_265 : vector<16xf32>
      %add3A_394 = arith.addf %gather3A_273, %gather3A_281 : vector<16xf32>
      %add3A_395 = arith.addf %gather3A_289, %gather3A_297 : vector<16xf32>
      %add3A_396 = arith.addf %gather3A_305, %gather3A_313 : vector<16xf32>
      %add3A_397 = arith.addf %gather3A_321, %gather3A_329 : vector<16xf32>
      %add3A_398 = arith.addf %gather3A_337, %gather3A_345 : vector<16xf32>
      %add3A_399 = arith.addf %gather3A_353, %gather3A_361 : vector<16xf32>
      %add3A_400 = arith.addf %gather3A_369, %gather3A_377 : vector<16xf32>
      %add3A_401 = arith.addf %add3A_393, %add3A_394 : vector<16xf32>
      %add3A_402 = arith.addf %add3A_395, %add3A_396 : vector<16xf32>
      %add3A_403 = arith.addf %add3A_397, %add3A_398 : vector<16xf32>
      %add3A_404 = arith.addf %add3A_399, %add3A_400 : vector<16xf32>
      %add3A_405 = arith.addf %add3A_401, %add3A_402 : vector<16xf32>
      %add3A_406 = arith.addf %add3A_403, %add3A_404 : vector<16xf32>
      %add3A_407 = arith.addf %add3A_405, %add3A_406 : vector<16xf32>
      %mul3A_408 = arith.constant 7.812500e-03 : f32
      %mul3A_409 = vector.broadcast %mul3A_408 : f32 to vector<16xf32>
      %mul3A_410 = arith.mulf %add3A_392, %mul3A_409 : vector<16xf32>
      %mul3A_411 = arith.constant 7.812500e-03 : f32
      %mul3A_412 = vector.broadcast %mul3A_411 : f32 to vector<16xf32>
      %mul3A_413 = arith.mulf %add3A_407, %mul3A_412 : vector<16xf32>
      %mul3A_414 = arith.mulf %mul3A_410, %mul3A_410 : vector<16xf32>
      %sub3A_415 = arith.subf %mul3A_413, %mul3A_414 : vector<16xf32>
      %add3A_416 = arith.constant 9.99999974E-6 : f32
      %add3A_417 = vector.broadcast %add3A_416 : f32 to vector<16xf32>
      %add3A_418 = arith.addf %sub3A_415, %add3A_417 : vector<16xf32>
      %bitcast_convert_type3A = tpu.bitcast %add3A_418 : vector<16xf32> -> vector<16xi32>
      %broadcast_in_dim3A = arith.constant 1597463007 : i32
      %broadcast_in_dim3A_419 = vector.broadcast %broadcast_in_dim3A : i32 to vector<16xi32>
      %broadcast_in_dim3A_420 = arith.constant 1 : i32
      %broadcast_in_dim3A_421 = vector.broadcast %broadcast_in_dim3A_420 : i32 to vector<16xi32>
      %shift_right_arithmetic3A = arith.shrsi %bitcast_convert_type3A, %broadcast_in_dim3A_421 : vector<16xi32>
      %sub3A_422 = arith.subi %broadcast_in_dim3A_419, %shift_right_arithmetic3A : vector<16xi32>
      %bitcast_convert_type3A_423 = tpu.bitcast %sub3A_422 : vector<16xi32> -> vector<16xf32>
      %mul3A_424 = arith.constant 5.000000e-01 : f32
      %mul3A_425 = vector.broadcast %mul3A_424 : f32 to vector<16xf32>
      %mul3A_426 = arith.mulf %mul3A_425, %add3A_418 : vector<16xf32>
      %mul3A_427 = arith.mulf %mul3A_426, %bitcast_convert_type3A_423 : vector<16xf32>
      %mul3A_428 = arith.mulf %mul3A_427, %bitcast_convert_type3A_423 : vector<16xf32>
      %sub3A_429 = arith.constant 1.500000e+00 : f32
      %sub3A_430 = vector.broadcast %sub3A_429 : f32 to vector<16xf32>
      %sub3A_431 = arith.subf %sub3A_430, %mul3A_428 : vector<16xf32>
      %mul3A_432 = arith.mulf %bitcast_convert_type3A_423, %sub3A_431 : vector<16xf32>
      %mul3A_433 = arith.mulf %mul3A_426, %mul3A_432 : vector<16xf32>
      %mul3A_434 = arith.mulf %mul3A_433, %mul3A_432 : vector<16xf32>
      %sub3A_435 = arith.constant 1.500000e+00 : f32
      %sub3A_436 = vector.broadcast %sub3A_435 : f32 to vector<16xf32>
      %sub3A_437 = arith.subf %sub3A_436, %mul3A_434 : vector<16xf32>
      %mul3A_438 = arith.mulf %mul3A_432, %sub3A_437 : vector<16xf32>
      %mul3A_439 = arith.mulf %mul3A_426, %mul3A_438 : vector<16xf32>
      %mul3A_440 = arith.mulf %mul3A_439, %mul3A_438 : vector<16xf32>
      %sub3A_441 = arith.constant 1.500000e+00 : f32
      %sub3A_442 = vector.broadcast %sub3A_441 : f32 to vector<16xf32>
      %sub3A_443 = arith.subf %sub3A_442, %mul3A_440 : vector<16xf32>
      %mul3A_444 = arith.mulf %mul3A_438, %sub3A_443 : vector<16xf32>
      %mul3A_445 = arith.mulf %mul3A_410, %mul3A_444 : vector<16xf32>
      %swap3A_446 = arith.constant 0 : index
      %swap3A_447 = tpu.vector_load %arg20[%swap3A_446] {strides = array<i32>} : memref<64xf32, #tpu.memory_space<vmem>>, vector<16xf32>,
      tpu.vector_store %arg20[%swap3A_446], %mul3A_445 {strides = array<i32>} : memref<64xf32, #tpu.memory_space<vmem>>, vector<16xf32>,
      %swap3A_448 = arith.constant 0 : index
      %swap3A_449 = tpu.vector_load %arg21[%swap3A_448] {strides = array<i32>} : memref<64xf32, #tpu.memory_space<vmem>>, vector<16xf32>,
      tpu.vector_store %arg21[%swap3A_448], %mul3A_444 {strides = array<i32>} : memref<64xf32, #tpu.memory_space<vmem>>, vector<16xf32>,
      %mul3A_450 = arith.constant 16 : i32
      %mul3A_451 = vector.broadcast %mul3A_450 : i32 to vector<16xi32>
      %mul3A_452 = arith.muli %iota3A, %mul3A_451 : vector<16xi32>
      %add3A_453 = arith.constant 256 : i32
      %add3A_454 = vector.broadcast %add3A_453 : i32 to vector<16xi32>
      %add3A_455 = arith.addi %mul3A_452, %add3A_454 : vector<16xi32>
      %add3A_456 = arith.constant 1024 : i32
      %add3A_457 = vector.broadcast %add3A_456 : i32 to vector<16xi32>
      %add3A_458 = arith.addi %add3A_455, %add3A_457 : vector<16xi32>
      %add3A_459 = arith.constant 0 : i32
      %add3A_460 = vector.broadcast %add3A_459 : i32 to vector<16xi32>
      %add3A_461 = arith.addi %add3A_455, %add3A_460 : vector<16xi32>
      %gather3A_462 = tpu.vector_load_idx %arg18[%add3A_461] : memref<2048xf32, #tpu.memory_space<vmem>>[vector<16xi32>], vector<16xf32>,
      %add3A_463 = arith.constant 0 : i32
      %add3A_464 = vector.broadcast %add3A_463 : i32 to vector<16xi32>
      %add3A_465 = arith.addi %add3A_458, %add3A_464 : vector<16xi32>
      %gather3A_466 = tpu.vector_load_idx %arg18[%add3A_465] : memref<2048xf32, #tpu.memory_space<vmem>>[vector<16xi32>], vector<16xf32>,
      %add3A_467 = arith.constant 1 : i32
      %add3A_468 = vector.broadcast %add3A_467 : i32 to vector<16xi32>
      %add3A_469 = arith.addi %add3A_455, %add3A_468 : vector<16xi32>
      %gather3A_470 = tpu.vector_load_idx %arg18[%add3A_469] : memref<2048xf32, #tpu.memory_space<vmem>>[vector<16xi32>], vector<16xf32>,
      %add3A_471 = arith.constant 1 : i32
      %add3A_472 = vector.broadcast %add3A_471 : i32 to vector<16xi32>
      %add3A_473 = arith.addi %add3A_458, %add3A_472 : vector<16xi32>
      %gather3A_474 = tpu.vector_load_idx %arg18[%add3A_473] : memref<2048xf32, #tpu.memory_space<vmem>>[vector<16xi32>], vector<16xf32>,
      %add3A_475 = arith.constant 2 : i32
      %add3A_476 = vector.broadcast %add3A_475 : i32 to vector<16xi32>
      %add3A_477 = arith.addi %add3A_455, %add3A_476 : vector<16xi32>
      %gather3A_478 = tpu.vector_load_idx %arg18[%add3A_477] : memref<2048xf32, #tpu.memory_space<vmem>>[vector<16xi32>], vector<16xf32>,
      %add3A_479 = arith.constant 2 : i32
      %add3A_480 = vector.broadcast %add3A_479 : i32 to vector<16xi32>
      %add3A_481 = arith.addi %add3A_458, %add3A_480 : vector<16xi32>
      %gather3A_482 = tpu.vector_load_idx %arg18[%add3A_481] : memref<2048xf32, #tpu.memory_space<vmem>>[vector<16xi32>], vector<16xf32>,
      %add3A_483 = arith.constant 3 : i32
      %add3A_484 = vector.broadcast %add3A_483 : i32 to vector<16xi32>
      %add3A_485 = arith.addi %add3A_455, %add3A_484 : vector<16xi32>
      %gather3A_486 = tpu.vector_load_idx %arg18[%add3A_485] : memref<2048xf32, #tpu.memory_space<vmem>>[vector<16xi32>], vector<16xf32>,
      %add3A_487 = arith.constant 3 : i32
      %add3A_488 = vector.broadcast %add3A_487 : i32 to vector<16xi32>
      %add3A_489 = arith.addi %add3A_458, %add3A_488 : vector<16xi32>
      %gather3A_490 = tpu.vector_load_idx %arg18[%add3A_489] : memref<2048xf32, #tpu.memory_space<vmem>>[vector<16xi32>], vector<16xf32>,
      %add3A_491 = arith.constant 4 : i32
      %add3A_492 = vector.broadcast %add3A_491 : i32 to vector<16xi32>
      %add3A_493 = arith.addi %add3A_455, %add3A_492 : vector<16xi32>
      %gather3A_494 = tpu.vector_load_idx %arg18[%add3A_493] : memref<2048xf32, #tpu.memory_space<vmem>>[vector<16xi32>], vector<16xf32>,
      %add3A_495 = arith.constant 4 : i32
      %add3A_496 = vector.broadcast %add3A_495 : i32 to vector<16xi32>
      %add3A_497 = arith.addi %add3A_458, %add3A_496 : vector<16xi32>
      %gather3A_498 = tpu.vector_load_idx %arg18[%add3A_497] : memref<2048xf32, #tpu.memory_space<vmem>>[vector<16xi32>], vector<16xf32>,
      %add3A_499 = arith.constant 5 : i32
      %add3A_500 = vector.broadcast %add3A_499 : i32 to vector<16xi32>
      %add3A_501 = arith.addi %add3A_455, %add3A_500 : vector<16xi32>
      %gather3A_502 = tpu.vector_load_idx %arg18[%add3A_501] : memref<2048xf32, #tpu.memory_space<vmem>>[vector<16xi32>], vector<16xf32>,
      %add3A_503 = arith.constant 5 : i32
      %add3A_504 = vector.broadcast %add3A_503 : i32 to vector<16xi32>
      %add3A_505 = arith.addi %add3A_458, %add3A_504 : vector<16xi32>
      %gather3A_506 = tpu.vector_load_idx %arg18[%add3A_505] : memref<2048xf32, #tpu.memory_space<vmem>>[vector<16xi32>], vector<16xf32>,
      %add3A_507 = arith.constant 6 : i32
      %add3A_508 = vector.broadcast %add3A_507 : i32 to vector<16xi32>
      %add3A_509 = arith.addi %add3A_455, %add3A_508 : vector<16xi32>
      %gather3A_510 = tpu.vector_load_idx %arg18[%add3A_509] : memref<2048xf32, #tpu.memory_space<vmem>>[vector<16xi32>], vector<16xf32>,
      %add3A_511 = arith.constant 6 : i32
      %add3A_512 = vector.broadcast %add3A_511 : i32 to vector<16xi32>
      %add3A_513 = arith.addi %add3A_458, %add3A_512 : vector<16xi32>
      %gather3A_514 = tpu.vector_load_idx %arg18[%add3A_513] : memref<2048xf32, #tpu.memory_space<vmem>>[vector<16xi32>], vector<16xf32>,
      %add3A_515 = arith.constant 7 : i32
      %add3A_516 = vector.broadcast %add3A_515 : i32 to vector<16xi32>
      %add3A_517 = arith.addi %add3A_455, %add3A_516 : vector<16xi32>
      %gather3A_518 = tpu.vector_load_idx %arg18[%add3A_517] : memref<2048xf32, #tpu.memory_space<vmem>>[vector<16xi32>], vector<16xf32>,
      %add3A_519 = arith.constant 7 : i32
      %add3A_520 = vector.broadcast %add3A_519 : i32 to vector<16xi32>
      %add3A_521 = arith.addi %add3A_458, %add3A_520 : vector<16xi32>
      %gather3A_522 = tpu.vector_load_idx %arg18[%add3A_521] : memref<2048xf32, #tpu.memory_space<vmem>>[vector<16xi32>], vector<16xf32>,
      %add3A_523 = arith.constant 8 : i32
      %add3A_524 = vector.broadcast %add3A_523 : i32 to vector<16xi32>
      %add3A_525 = arith.addi %add3A_455, %add3A_524 : vector<16xi32>
      %gather3A_526 = tpu.vector_load_idx %arg18[%add3A_525] : memref<2048xf32, #tpu.memory_space<vmem>>[vector<16xi32>], vector<16xf32>,
      %add3A_527 = arith.constant 8 : i32
      %add3A_528 = vector.broadcast %add3A_527 : i32 to vector<16xi32>
      %add3A_529 = arith.addi %add3A_458, %add3A_528 : vector<16xi32>
      %gather3A_530 = tpu.vector_load_idx %arg18[%add3A_529] : memref<2048xf32, #tpu.memory_space<vmem>>[vector<16xi32>], vector<16xf32>,
      %add3A_531 = arith.constant 9 : i32
      %add3A_532 = vector.broadcast %add3A_531 : i32 to vector<16xi32>
      %add3A_533 = arith.addi %add3A_455, %add3A_532 : vector<16xi32>
      %gather3A_534 = tpu.vector_load_idx %arg18[%add3A_533] : memref<2048xf32, #tpu.memory_space<vmem>>[vector<16xi32>], vector<16xf32>,
      %add3A_535 = arith.constant 9 : i32
      %add3A_536 = vector.broadcast %add3A_535 : i32 to vector<16xi32>
      %add3A_537 = arith.addi %add3A_458, %add3A_536 : vector<16xi32>
      %gather3A_538 = tpu.vector_load_idx %arg18[%add3A_537] : memref<2048xf32, #tpu.memory_space<vmem>>[vector<16xi32>], vector<16xf32>,
      %add3A_539 = arith.constant 10 : i32
      %add3A_540 = vector.broadcast %add3A_539 : i32 to vector<16xi32>
      %add3A_541 = arith.addi %add3A_455, %add3A_540 : vector<16xi32>
      %gather3A_542 = tpu.vector_load_idx %arg18[%add3A_541] : memref<2048xf32, #tpu.memory_space<vmem>>[vector<16xi32>], vector<16xf32>,
      %add3A_543 = arith.constant 10 : i32
      %add3A_544 = vector.broadcast %add3A_543 : i32 to vector<16xi32>
      %add3A_545 = arith.addi %add3A_458, %add3A_544 : vector<16xi32>
      %gather3A_546 = tpu.vector_load_idx %arg18[%add3A_545] : memref<2048xf32, #tpu.memory_space<vmem>>[vector<16xi32>], vector<16xf32>,
      %add3A_547 = arith.constant 11 : i32
      %add3A_548 = vector.broadcast %add3A_547 : i32 to vector<16xi32>
      %add3A_549 = arith.addi %add3A_455, %add3A_548 : vector<16xi32>
      %gather3A_550 = tpu.vector_load_idx %arg18[%add3A_549] : memref<2048xf32, #tpu.memory_space<vmem>>[vector<16xi32>], vector<16xf32>,
      %add3A_551 = arith.constant 11 : i32
      %add3A_552 = vector.broadcast %add3A_551 : i32 to vector<16xi32>
      %add3A_553 = arith.addi %add3A_458, %add3A_552 : vector<16xi32>
      %gather3A_554 = tpu.vector_load_idx %arg18[%add3A_553] : memref<2048xf32, #tpu.memory_space<vmem>>[vector<16xi32>], vector<16xf32>,
      %add3A_555 = arith.constant 12 : i32
      %add3A_556 = vector.broadcast %add3A_555 : i32 to vector<16xi32>
      %add3A_557 = arith.addi %add3A_455, %add3A_556 : vector<16xi32>
      %gather3A_558 = tpu.vector_load_idx %arg18[%add3A_557] : memref<2048xf32, #tpu.memory_space<vmem>>[vector<16xi32>], vector<16xf32>,
      %add3A_559 = arith.constant 12 : i32
      %add3A_560 = vector.broadcast %add3A_559 : i32 to vector<16xi32>
      %add3A_561 = arith.addi %add3A_458, %add3A_560 : vector<16xi32>
      %gather3A_562 = tpu.vector_load_idx %arg18[%add3A_561] : memref<2048xf32, #tpu.memory_space<vmem>>[vector<16xi32>], vector<16xf32>,
      %add3A_563 = arith.constant 13 : i32
      %add3A_564 = vector.broadcast %add3A_563 : i32 to vector<16xi32>
      %add3A_565 = arith.addi %add3A_455, %add3A_564 : vector<16xi32>
      %gather3A_566 = tpu.vector_load_idx %arg18[%add3A_565] : memref<2048xf32, #tpu.memory_space<vmem>>[vector<16xi32>], vector<16xf32>,
      %add3A_567 = arith.constant 13 : i32
      %add3A_568 = vector.broadcast %add3A_567 : i32 to vector<16xi32>
      %add3A_569 = arith.addi %add3A_458, %add3A_568 : vector<16xi32>
      %gather3A_570 = tpu.vector_load_idx %arg18[%add3A_569] : memref<2048xf32, #tpu.memory_space<vmem>>[vector<16xi32>], vector<16xf32>,
      %add3A_571 = arith.constant 14 : i32
      %add3A_572 = vector.broadcast %add3A_571 : i32 to vector<16xi32>
      %add3A_573 = arith.addi %add3A_455, %add3A_572 : vector<16xi32>
      %gather3A_574 = tpu.vector_load_idx %arg18[%add3A_573] : memref<2048xf32, #tpu.memory_space<vmem>>[vector<16xi32>], vector<16xf32>,
      %add3A_575 = arith.constant 14 : i32
      %add3A_576 = vector.broadcast %add3A_575 : i32 to vector<16xi32>
      %add3A_577 = arith.addi %add3A_458, %add3A_576 : vector<16xi32>
      %gather3A_578 = tpu.vector_load_idx %arg18[%add3A_577] : memref<2048xf32, #tpu.memory_space<vmem>>[vector<16xi32>], vector<16xf32>,
      %add3A_579 = arith.constant 15 : i32
      %add3A_580 = vector.broadcast %add3A_579 : i32 to vector<16xi32>
      %add3A_581 = arith.addi %add3A_455, %add3A_580 : vector<16xi32>
      %gather3A_582 = tpu.vector_load_idx %arg18[%add3A_581] : memref<2048xf32, #tpu.memory_space<vmem>>[vector<16xi32>], vector<16xf32>,
      %add3A_583 = arith.constant 15 : i32
      %add3A_584 = vector.broadcast %add3A_583 : i32 to vector<16xi32>
      %add3A_585 = arith.addi %add3A_458, %add3A_584 : vector<16xi32>
      %gather3A_586 = tpu.vector_load_idx %arg18[%add3A_585] : memref<2048xf32, #tpu.memory_space<vmem>>[vector<16xi32>], vector<16xf32>,
      %add3A_587 = arith.addf %gather3A_462, %gather3A_470 : vector<16xf32>
      %add3A_588 = arith.addf %gather3A_478, %gather3A_486 : vector<16xf32>
      %add3A_589 = arith.addf %gather3A_494, %gather3A_502 : vector<16xf32>
      %add3A_590 = arith.addf %gather3A_510, %gather3A_518 : vector<16xf32>
      %add3A_591 = arith.addf %gather3A_526, %gather3A_534 : vector<16xf32>
      %add3A_592 = arith.addf %gather3A_542, %gather3A_550 : vector<16xf32>
      %add3A_593 = arith.addf %gather3A_558, %gather3A_566 : vector<16xf32>
      %add3A_594 = arith.addf %gather3A_574, %gather3A_582 : vector<16xf32>
      %add3A_595 = arith.addf %add3A_587, %add3A_588 : vector<16xf32>
      %add3A_596 = arith.addf %add3A_589, %add3A_590 : vector<16xf32>
      %add3A_597 = arith.addf %add3A_591, %add3A_592 : vector<16xf32>
      %add3A_598 = arith.addf %add3A_593, %add3A_594 : vector<16xf32>
      %add3A_599 = arith.addf %add3A_595, %add3A_596 : vector<16xf32>
      %add3A_600 = arith.addf %add3A_597, %add3A_598 : vector<16xf32>
      %add3A_601 = arith.addf %add3A_599, %add3A_600 : vector<16xf32>
      %add3A_602 = arith.addf %gather3A_466, %gather3A_474 : vector<16xf32>
      %add3A_603 = arith.addf %gather3A_482, %gather3A_490 : vector<16xf32>
      %add3A_604 = arith.addf %gather3A_498, %gather3A_506 : vector<16xf32>
      %add3A_605 = arith.addf %gather3A_514, %gather3A_522 : vector<16xf32>
      %add3A_606 = arith.addf %gather3A_530, %gather3A_538 : vector<16xf32>
      %add3A_607 = arith.addf %gather3A_546, %gather3A_554 : vector<16xf32>
      %add3A_608 = arith.addf %gather3A_562, %gather3A_570 : vector<16xf32>
      %add3A_609 = arith.addf %gather3A_578, %gather3A_586 : vector<16xf32>
      %add3A_610 = arith.addf %add3A_602, %add3A_603 : vector<16xf32>
      %add3A_611 = arith.addf %add3A_604, %add3A_605 : vector<16xf32>
      %add3A_612 = arith.addf %add3A_606, %add3A_607 : vector<16xf32>
      %add3A_613 = arith.addf %add3A_608, %add3A_609 : vector<16xf32>
      %add3A_614 = arith.addf %add3A_610, %add3A_611 : vector<16xf32>
      %add3A_615 = arith.addf %add3A_612, %add3A_613 : vector<16xf32>
      %add3A_616 = arith.addf %add3A_614, %add3A_615 : vector<16xf32>
      %mul3A_617 = arith.constant 7.812500e-03 : f32
      %mul3A_618 = vector.broadcast %mul3A_617 : f32 to vector<16xf32>
      %mul3A_619 = arith.mulf %add3A_601, %mul3A_618 : vector<16xf32>
      %mul3A_620 = arith.constant 7.812500e-03 : f32
      %mul3A_621 = vector.broadcast %mul3A_620 : f32 to vector<16xf32>
      %mul3A_622 = arith.mulf %add3A_616, %mul3A_621 : vector<16xf32>
      %mul3A_623 = arith.mulf %mul3A_619, %mul3A_619 : vector<16xf32>
      %sub3A_624 = arith.subf %mul3A_622, %mul3A_623 : vector<16xf32>
      %add3A_625 = arith.constant 9.99999974E-6 : f32
      %add3A_626 = vector.broadcast %add3A_625 : f32 to vector<16xf32>
      %add3A_627 = arith.addf %sub3A_624, %add3A_626 : vector<16xf32>
      %bitcast_convert_type3A_628 = tpu.bitcast %add3A_627 : vector<16xf32> -> vector<16xi32>
      %broadcast_in_dim3A_629 = arith.constant 1597463007 : i32
      %broadcast_in_dim3A_630 = vector.broadcast %broadcast_in_dim3A_629 : i32 to vector<16xi32>
      %broadcast_in_dim3A_631 = arith.constant 1 : i32
      %broadcast_in_dim3A_632 = vector.broadcast %broadcast_in_dim3A_631 : i32 to vector<16xi32>
      %shift_right_arithmetic3A_633 = arith.shrsi %bitcast_convert_type3A_628, %broadcast_in_dim3A_632 : vector<16xi32>
      %sub3A_634 = arith.subi %broadcast_in_dim3A_630, %shift_right_arithmetic3A_633 : vector<16xi32>
      %bitcast_convert_type3A_635 = tpu.bitcast %sub3A_634 : vector<16xi32> -> vector<16xf32>
      %mul3A_636 = arith.constant 5.000000e-01 : f32
      %mul3A_637 = vector.broadcast %mul3A_636 : f32 to vector<16xf32>
      %mul3A_638 = arith.mulf %mul3A_637, %add3A_627 : vector<16xf32>
      %mul3A_639 = arith.mulf %mul3A_638, %bitcast_convert_type3A_635 : vector<16xf32>
      %mul3A_640 = arith.mulf %mul3A_639, %bitcast_convert_type3A_635 : vector<16xf32>
      %sub3A_641 = arith.constant 1.500000e+00 : f32
      %sub3A_642 = vector.broadcast %sub3A_641 : f32 to vector<16xf32>
      %sub3A_643 = arith.subf %sub3A_642, %mul3A_640 : vector<16xf32>
      %mul3A_644 = arith.mulf %bitcast_convert_type3A_635, %sub3A_643 : vector<16xf32>
      %mul3A_645 = arith.mulf %mul3A_638, %mul3A_644 : vector<16xf32>
      %mul3A_646 = arith.mulf %mul3A_645, %mul3A_644 : vector<16xf32>
      %sub3A_647 = arith.constant 1.500000e+00 : f32
      %sub3A_648 = vector.broadcast %sub3A_647 : f32 to vector<16xf32>
      %sub3A_649 = arith.subf %sub3A_648, %mul3A_646 : vector<16xf32>
      %mul3A_650 = arith.mulf %mul3A_644, %sub3A_649 : vector<16xf32>
      %mul3A_651 = arith.mulf %mul3A_638, %mul3A_650 : vector<16xf32>
      %mul3A_652 = arith.mulf %mul3A_651, %mul3A_650 : vector<16xf32>
      %sub3A_653 = arith.constant 1.500000e+00 : f32
      %sub3A_654 = vector.broadcast %sub3A_653 : f32 to vector<16xf32>
      %sub3A_655 = arith.subf %sub3A_654, %mul3A_652 : vector<16xf32>
      %mul3A_656 = arith.mulf %mul3A_650, %sub3A_655 : vector<16xf32>
      %mul3A_657 = arith.mulf %mul3A_619, %mul3A_656 : vector<16xf32>
      %swap3A_658 = arith.constant 16 : index
      %swap3A_659 = tpu.vector_load %arg20[%swap3A_658] {strides = array<i32>} : memref<64xf32, #tpu.memory_space<vmem>>, vector<16xf32>,
      tpu.vector_store %arg20[%swap3A_658], %mul3A_657 {strides = array<i32>} : memref<64xf32, #tpu.memory_space<vmem>>, vector<16xf32>,
      %swap3A_660 = arith.constant 16 : index
      %swap3A_661 = tpu.vector_load %arg21[%swap3A_660] {strides = array<i32>} : memref<64xf32, #tpu.memory_space<vmem>>, vector<16xf32>,
      tpu.vector_store %arg21[%swap3A_660], %mul3A_656 {strides = array<i32>} : memref<64xf32, #tpu.memory_space<vmem>>, vector<16xf32>,
      %mul3A_662 = arith.constant 16 : i32
      %mul3A_663 = vector.broadcast %mul3A_662 : i32 to vector<16xi32>
      %mul3A_664 = arith.muli %iota3A, %mul3A_663 : vector<16xi32>
      %add3A_665 = arith.constant 512 : i32
      %add3A_666 = vector.broadcast %add3A_665 : i32 to vector<16xi32>
      %add3A_667 = arith.addi %mul3A_664, %add3A_666 : vector<16xi32>
      %add3A_668 = arith.constant 1024 : i32
      %add3A_669 = vector.broadcast %add3A_668 : i32 to vector<16xi32>
      %add3A_670 = arith.addi %add3A_667, %add3A_669 : vector<16xi32>
      %add3A_671 = arith.constant 0 : i32
      %add3A_672 = vector.broadcast %add3A_671 : i32 to vector<16xi32>
      %add3A_673 = arith.addi %add3A_667, %add3A_672 : vector<16xi32>
      %gather3A_674 = tpu.vector_load_idx %arg18[%add3A_673] : memref<2048xf32, #tpu.memory_space<vmem>>[vector<16xi32>], vector<16xf32>,
      %add3A_675 = arith.constant 0 : i32
      %add3A_676 = vector.broadcast %add3A_675 : i32 to vector<16xi32>
      %add3A_677 = arith.addi %add3A_670, %add3A_676 : vector<16xi32>
      %gather3A_678 = tpu.vector_load_idx %arg18[%add3A_677] : memref<2048xf32, #tpu.memory_space<vmem>>[vector<16xi32>], vector<16xf32>,
      %add3A_679 = arith.constant 1 : i32
      %add3A_680 = vector.broadcast %add3A_679 : i32 to vector<16xi32>
      %add3A_681 = arith.addi %add3A_667, %add3A_680 : vector<16xi32>
      %gather3A_682 = tpu.vector_load_idx %arg18[%add3A_681] : memref<2048xf32, #tpu.memory_space<vmem>>[vector<16xi32>], vector<16xf32>,
      %add3A_683 = arith.constant 1 : i32
      %add3A_684 = vector.broadcast %add3A_683 : i32 to vector<16xi32>
      %add3A_685 = arith.addi %add3A_670, %add3A_684 : vector<16xi32>
      %gather3A_686 = tpu.vector_load_idx %arg18[%add3A_685] : memref<2048xf32, #tpu.memory_space<vmem>>[vector<16xi32>], vector<16xf32>,
      %add3A_687 = arith.constant 2 : i32
      %add3A_688 = vector.broadcast %add3A_687 : i32 to vector<16xi32>
      %add3A_689 = arith.addi %add3A_667, %add3A_688 : vector<16xi32>
      %gather3A_690 = tpu.vector_load_idx %arg18[%add3A_689] : memref<2048xf32, #tpu.memory_space<vmem>>[vector<16xi32>], vector<16xf32>,
      %add3A_691 = arith.constant 2 : i32
      %add3A_692 = vector.broadcast %add3A_691 : i32 to vector<16xi32>
      %add3A_693 = arith.addi %add3A_670, %add3A_692 : vector<16xi32>
      %gather3A_694 = tpu.vector_load_idx %arg18[%add3A_693] : memref<2048xf32, #tpu.memory_space<vmem>>[vector<16xi32>], vector<16xf32>,
      %add3A_695 = arith.constant 3 : i32
      %add3A_696 = vector.broadcast %add3A_695 : i32 to vector<16xi32>
      %add3A_697 = arith.addi %add3A_667, %add3A_696 : vector<16xi32>
      %gather3A_698 = tpu.vector_load_idx %arg18[%add3A_697] : memref<2048xf32, #tpu.memory_space<vmem>>[vector<16xi32>], vector<16xf32>,
      %add3A_699 = arith.constant 3 : i32
      %add3A_700 = vector.broadcast %add3A_699 : i32 to vector<16xi32>
      %add3A_701 = arith.addi %add3A_670, %add3A_700 : vector<16xi32>
      %gather3A_702 = tpu.vector_load_idx %arg18[%add3A_701] : memref<2048xf32, #tpu.memory_space<vmem>>[vector<16xi32>], vector<16xf32>,
      %add3A_703 = arith.constant 4 : i32
      %add3A_704 = vector.broadcast %add3A_703 : i32 to vector<16xi32>
      %add3A_705 = arith.addi %add3A_667, %add3A_704 : vector<16xi32>
      %gather3A_706 = tpu.vector_load_idx %arg18[%add3A_705] : memref<2048xf32, #tpu.memory_space<vmem>>[vector<16xi32>], vector<16xf32>,
      %add3A_707 = arith.constant 4 : i32
      %add3A_708 = vector.broadcast %add3A_707 : i32 to vector<16xi32>
      %add3A_709 = arith.addi %add3A_670, %add3A_708 : vector<16xi32>
      %gather3A_710 = tpu.vector_load_idx %arg18[%add3A_709] : memref<2048xf32, #tpu.memory_space<vmem>>[vector<16xi32>], vector<16xf32>,
      %add3A_711 = arith.constant 5 : i32
      %add3A_712 = vector.broadcast %add3A_711 : i32 to vector<16xi32>
      %add3A_713 = arith.addi %add3A_667, %add3A_712 : vector<16xi32>
      %gather3A_714 = tpu.vector_load_idx %arg18[%add3A_713] : memref<2048xf32, #tpu.memory_space<vmem>>[vector<16xi32>], vector<16xf32>,
      %add3A_715 = arith.constant 5 : i32
      %add3A_716 = vector.broadcast %add3A_715 : i32 to vector<16xi32>
      %add3A_717 = arith.addi %add3A_670, %add3A_716 : vector<16xi32>
      %gather3A_718 = tpu.vector_load_idx %arg18[%add3A_717] : memref<2048xf32, #tpu.memory_space<vmem>>[vector<16xi32>], vector<16xf32>,
      %add3A_719 = arith.constant 6 : i32
      %add3A_720 = vector.broadcast %add3A_719 : i32 to vector<16xi32>
      %add3A_721 = arith.addi %add3A_667, %add3A_720 : vector<16xi32>
      %gather3A_722 = tpu.vector_load_idx %arg18[%add3A_721] : memref<2048xf32, #tpu.memory_space<vmem>>[vector<16xi32>], vector<16xf32>,
      %add3A_723 = arith.constant 6 : i32
      %add3A_724 = vector.broadcast %add3A_723 : i32 to vector<16xi32>
      %add3A_725 = arith.addi %add3A_670, %add3A_724 : vector<16xi32>
      %gather3A_726 = tpu.vector_load_idx %arg18[%add3A_725] : memref<2048xf32, #tpu.memory_space<vmem>>[vector<16xi32>], vector<16xf32>,
      %add3A_727 = arith.constant 7 : i32
      %add3A_728 = vector.broadcast %add3A_727 : i32 to vector<16xi32>
      %add3A_729 = arith.addi %add3A_667, %add3A_728 : vector<16xi32>
      %gather3A_730 = tpu.vector_load_idx %arg18[%add3A_729] : memref<2048xf32, #tpu.memory_space<vmem>>[vector<16xi32>], vector<16xf32>,
      %add3A_731 = arith.constant 7 : i32
      %add3A_732 = vector.broadcast %add3A_731 : i32 to vector<16xi32>
      %add3A_733 = arith.addi %add3A_670, %add3A_732 : vector<16xi32>
      %gather3A_734 = tpu.vector_load_idx %arg18[%add3A_733] : memref<2048xf32, #tpu.memory_space<vmem>>[vector<16xi32>], vector<16xf32>,
      %add3A_735 = arith.constant 8 : i32
      %add3A_736 = vector.broadcast %add3A_735 : i32 to vector<16xi32>
      %add3A_737 = arith.addi %add3A_667, %add3A_736 : vector<16xi32>
      %gather3A_738 = tpu.vector_load_idx %arg18[%add3A_737] : memref<2048xf32, #tpu.memory_space<vmem>>[vector<16xi32>], vector<16xf32>,
      %add3A_739 = arith.constant 8 : i32
      %add3A_740 = vector.broadcast %add3A_739 : i32 to vector<16xi32>
      %add3A_741 = arith.addi %add3A_670, %add3A_740 : vector<16xi32>
      %gather3A_742 = tpu.vector_load_idx %arg18[%add3A_741] : memref<2048xf32, #tpu.memory_space<vmem>>[vector<16xi32>], vector<16xf32>,
      %add3A_743 = arith.constant 9 : i32
      %add3A_744 = vector.broadcast %add3A_743 : i32 to vector<16xi32>
      %add3A_745 = arith.addi %add3A_667, %add3A_744 : vector<16xi32>
      %gather3A_746 = tpu.vector_load_idx %arg18[%add3A_745] : memref<2048xf32, #tpu.memory_space<vmem>>[vector<16xi32>], vector<16xf32>,
      %add3A_747 = arith.constant 9 : i32
      %add3A_748 = vector.broadcast %add3A_747 : i32 to vector<16xi32>
      %add3A_749 = arith.addi %add3A_670, %add3A_748 : vector<16xi32>
      %gather3A_750 = tpu.vector_load_idx %arg18[%add3A_749] : memref<2048xf32, #tpu.memory_space<vmem>>[vector<16xi32>], vector<16xf32>,
      %add3A_751 = arith.constant 10 : i32
      %add3A_752 = vector.broadcast %add3A_751 : i32 to vector<16xi32>
      %add3A_753 = arith.addi %add3A_667, %add3A_752 : vector<16xi32>
      %gather3A_754 = tpu.vector_load_idx %arg18[%add3A_753] : memref<2048xf32, #tpu.memory_space<vmem>>[vector<16xi32>], vector<16xf32>,
      %add3A_755 = arith.constant 10 : i32
      %add3A_756 = vector.broadcast %add3A_755 : i32 to vector<16xi32>
      %add3A_757 = arith.addi %add3A_670, %add3A_756 : vector<16xi32>
      %gather3A_758 = tpu.vector_load_idx %arg18[%add3A_757] : memref<2048xf32, #tpu.memory_space<vmem>>[vector<16xi32>], vector<16xf32>,
      %add3A_759 = arith.constant 11 : i32
      %add3A_760 = vector.broadcast %add3A_759 : i32 to vector<16xi32>
      %add3A_761 = arith.addi %add3A_667, %add3A_760 : vector<16xi32>
      %gather3A_762 = tpu.vector_load_idx %arg18[%add3A_761] : memref<2048xf32, #tpu.memory_space<vmem>>[vector<16xi32>], vector<16xf32>,
      %add3A_763 = arith.constant 11 : i32
      %add3A_764 = vector.broadcast %add3A_763 : i32 to vector<16xi32>
      %add3A_765 = arith.addi %add3A_670, %add3A_764 : vector<16xi32>
      %gather3A_766 = tpu.vector_load_idx %arg18[%add3A_765] : memref<2048xf32, #tpu.memory_space<vmem>>[vector<16xi32>], vector<16xf32>,
      %add3A_767 = arith.constant 12 : i32
      %add3A_768 = vector.broadcast %add3A_767 : i32 to vector<16xi32>
      %add3A_769 = arith.addi %add3A_667, %add3A_768 : vector<16xi32>
      %gather3A_770 = tpu.vector_load_idx %arg18[%add3A_769] : memref<2048xf32, #tpu.memory_space<vmem>>[vector<16xi32>], vector<16xf32>,
      %add3A_771 = arith.constant 12 : i32
      %add3A_772 = vector.broadcast %add3A_771 : i32 to vector<16xi32>
      %add3A_773 = arith.addi %add3A_670, %add3A_772 : vector<16xi32>
      %gather3A_774 = tpu.vector_load_idx %arg18[%add3A_773] : memref<2048xf32, #tpu.memory_space<vmem>>[vector<16xi32>], vector<16xf32>,
      %add3A_775 = arith.constant 13 : i32
      %add3A_776 = vector.broadcast %add3A_775 : i32 to vector<16xi32>
      %add3A_777 = arith.addi %add3A_667, %add3A_776 : vector<16xi32>
      %gather3A_778 = tpu.vector_load_idx %arg18[%add3A_777] : memref<2048xf32, #tpu.memory_space<vmem>>[vector<16xi32>], vector<16xf32>,
      %add3A_779 = arith.constant 13 : i32
      %add3A_780 = vector.broadcast %add3A_779 : i32 to vector<16xi32>
      %add3A_781 = arith.addi %add3A_670, %add3A_780 : vector<16xi32>
      %gather3A_782 = tpu.vector_load_idx %arg18[%add3A_781] : memref<2048xf32, #tpu.memory_space<vmem>>[vector<16xi32>], vector<16xf32>,
      %add3A_783 = arith.constant 14 : i32
      %add3A_784 = vector.broadcast %add3A_783 : i32 to vector<16xi32>
      %add3A_785 = arith.addi %add3A_667, %add3A_784 : vector<16xi32>
      %gather3A_786 = tpu.vector_load_idx %arg18[%add3A_785] : memref<2048xf32, #tpu.memory_space<vmem>>[vector<16xi32>], vector<16xf32>,
      %add3A_787 = arith.constant 14 : i32
      %add3A_788 = vector.broadcast %add3A_787 : i32 to vector<16xi32>
      %add3A_789 = arith.addi %add3A_670, %add3A_788 : vector<16xi32>
      %gather3A_790 = tpu.vector_load_idx %arg18[%add3A_789] : memref<2048xf32, #tpu.memory_space<vmem>>[vector<16xi32>], vector<16xf32>,
      %add3A_791 = arith.constant 15 : i32
      %add3A_792 = vector.broadcast %add3A_791 : i32 to vector<16xi32>
      %add3A_793 = arith.addi %add3A_667, %add3A_792 : vector<16xi32>
      %gather3A_794 = tpu.vector_load_idx %arg18[%add3A_793] : memref<2048xf32, #tpu.memory_space<vmem>>[vector<16xi32>], vector<16xf32>,
      %add3A_795 = arith.constant 15 : i32
      %add3A_796 = vector.broadcast %add3A_795 : i32 to vector<16xi32>
      %add3A_797 = arith.addi %add3A_670, %add3A_796 : vector<16xi32>
      %gather3A_798 = tpu.vector_load_idx %arg18[%add3A_797] : memref<2048xf32, #tpu.memory_space<vmem>>[vector<16xi32>], vector<16xf32>,
      %add3A_799 = arith.addf %gather3A_674, %gather3A_682 : vector<16xf32>
      %add3A_800 = arith.addf %gather3A_690, %gather3A_698 : vector<16xf32>
      %add3A_801 = arith.addf %gather3A_706, %gather3A_714 : vector<16xf32>
      %add3A_802 = arith.addf %gather3A_722, %gather3A_730 : vector<16xf32>
      %add3A_803 = arith.addf %gather3A_738, %gather3A_746 : vector<16xf32>
      %add3A_804 = arith.addf %gather3A_754, %gather3A_762 : vector<16xf32>
      %add3A_805 = arith.addf %gather3A_770, %gather3A_778 : vector<16xf32>
      %add3A_806 = arith.addf %gather3A_786, %gather3A_794 : vector<16xf32>
      %add3A_807 = arith.addf %add3A_799, %add3A_800 : vector<16xf32>
      %add3A_808 = arith.addf %add3A_801, %add3A_802 : vector<16xf32>
      %add3A_809 = arith.addf %add3A_803, %add3A_804 : vector<16xf32>
      %add3A_810 = arith.addf %add3A_805, %add3A_806 : vector<16xf32>
      %add3A_811 = arith.addf %add3A_807, %add3A_808 : vector<16xf32>
      %add3A_812 = arith.addf %add3A_809, %add3A_810 : vector<16xf32>
      %add3A_813 = arith.addf %add3A_811, %add3A_812 : vector<16xf32>
      %add3A_814 = arith.addf %gather3A_678, %gather3A_686 : vector<16xf32>
      %add3A_815 = arith.addf %gather3A_694, %gather3A_702 : vector<16xf32>
      %add3A_816 = arith.addf %gather3A_710, %gather3A_718 : vector<16xf32>
      %add3A_817 = arith.addf %gather3A_726, %gather3A_734 : vector<16xf32>
      %add3A_818 = arith.addf %gather3A_742, %gather3A_750 : vector<16xf32>
      %add3A_819 = arith.addf %gather3A_758, %gather3A_766 : vector<16xf32>
      %add3A_820 = arith.addf %gather3A_774, %gather3A_782 : vector<16xf32>
      %add3A_821 = arith.addf %gather3A_790, %gather3A_798 : vector<16xf32>
      %add3A_822 = arith.addf %add3A_814, %add3A_815 : vector<16xf32>
      %add3A_823 = arith.addf %add3A_816, %add3A_817 : vector<16xf32>
      %add3A_824 = arith.addf %add3A_818, %add3A_819 : vector<16xf32>
      %add3A_825 = arith.addf %add3A_820, %add3A_821 : vector<16xf32>
      %add3A_826 = arith.addf %add3A_822, %add3A_823 : vector<16xf32>
      %add3A_827 = arith.addf %add3A_824, %add3A_825 : vector<16xf32>
      %add3A_828 = arith.addf %add3A_826, %add3A_827 : vector<16xf32>
      %mul3A_829 = arith.constant 7.812500e-03 : f32
      %mul3A_830 = vector.broadcast %mul3A_829 : f32 to vector<16xf32>
      %mul3A_831 = arith.mulf %add3A_813, %mul3A_830 : vector<16xf32>
      %mul3A_832 = arith.constant 7.812500e-03 : f32
      %mul3A_833 = vector.broadcast %mul3A_832 : f32 to vector<16xf32>
      %mul3A_834 = arith.mulf %add3A_828, %mul3A_833 : vector<16xf32>
      %mul3A_835 = arith.mulf %mul3A_831, %mul3A_831 : vector<16xf32>
      %sub3A_836 = arith.subf %mul3A_834, %mul3A_835 : vector<16xf32>
      %add3A_837 = arith.constant 9.99999974E-6 : f32
      %add3A_838 = vector.broadcast %add3A_837 : f32 to vector<16xf32>
      %add3A_839 = arith.addf %sub3A_836, %add3A_838 : vector<16xf32>
      %bitcast_convert_type3A_840 = tpu.bitcast %add3A_839 : vector<16xf32> -> vector<16xi32>
      %broadcast_in_dim3A_841 = arith.constant 1597463007 : i32
      %broadcast_in_dim3A_842 = vector.broadcast %broadcast_in_dim3A_841 : i32 to vector<16xi32>
      %broadcast_in_dim3A_843 = arith.constant 1 : i32
      %broadcast_in_dim3A_844 = vector.broadcast %broadcast_in_dim3A_843 : i32 to vector<16xi32>
      %shift_right_arithmetic3A_845 = arith.shrsi %bitcast_convert_type3A_840, %broadcast_in_dim3A_844 : vector<16xi32>
      %sub3A_846 = arith.subi %broadcast_in_dim3A_842, %shift_right_arithmetic3A_845 : vector<16xi32>
      %bitcast_convert_type3A_847 = tpu.bitcast %sub3A_846 : vector<16xi32> -> vector<16xf32>
      %mul3A_848 = arith.constant 5.000000e-01 : f32
      %mul3A_849 = vector.broadcast %mul3A_848 : f32 to vector<16xf32>
      %mul3A_850 = arith.mulf %mul3A_849, %add3A_839 : vector<16xf32>
      %mul3A_851 = arith.mulf %mul3A_850, %bitcast_convert_type3A_847 : vector<16xf32>
      %mul3A_852 = arith.mulf %mul3A_851, %bitcast_convert_type3A_847 : vector<16xf32>
      %sub3A_853 = arith.constant 1.500000e+00 : f32
      %sub3A_854 = vector.broadcast %sub3A_853 : f32 to vector<16xf32>
      %sub3A_855 = arith.subf %sub3A_854, %mul3A_852 : vector<16xf32>
      %mul3A_856 = arith.mulf %bitcast_convert_type3A_847, %sub3A_855 : vector<16xf32>
      %mul3A_857 = arith.mulf %mul3A_850, %mul3A_856 : vector<16xf32>
      %mul3A_858 = arith.mulf %mul3A_857, %mul3A_856 : vector<16xf32>
      %sub3A_859 = arith.constant 1.500000e+00 : f32
      %sub3A_860 = vector.broadcast %sub3A_859 : f32 to vector<16xf32>
      %sub3A_861 = arith.subf %sub3A_860, %mul3A_858 : vector<16xf32>
      %mul3A_862 = arith.mulf %mul3A_856, %sub3A_861 : vector<16xf32>
      %mul3A_863 = arith.mulf %mul3A_850, %mul3A_862 : vector<16xf32>
      %mul3A_864 = arith.mulf %mul3A_863, %mul3A_862 : vector<16xf32>
      %sub3A_865 = arith.constant 1.500000e+00 : f32
      %sub3A_866 = vector.broadcast %sub3A_865 : f32 to vector<16xf32>
      %sub3A_867 = arith.subf %sub3A_866, %mul3A_864 : vector<16xf32>
      %mul3A_868 = arith.mulf %mul3A_862, %sub3A_867 : vector<16xf32>
      %mul3A_869 = arith.mulf %mul3A_831, %mul3A_868 : vector<16xf32>
      %swap3A_870 = arith.constant 32 : index
      %swap3A_871 = tpu.vector_load %arg20[%swap3A_870] {strides = array<i32>} : memref<64xf32, #tpu.memory_space<vmem>>, vector<16xf32>,
      tpu.vector_store %arg20[%swap3A_870], %mul3A_869 {strides = array<i32>} : memref<64xf32, #tpu.memory_space<vmem>>, vector<16xf32>,
      %swap3A_872 = arith.constant 32 : index
      %swap3A_873 = tpu.vector_load %arg21[%swap3A_872] {strides = array<i32>} : memref<64xf32, #tpu.memory_space<vmem>>, vector<16xf32>,
      tpu.vector_store %arg21[%swap3A_872], %mul3A_868 {strides = array<i32>} : memref<64xf32, #tpu.memory_space<vmem>>, vector<16xf32>,
      %mul3A_874 = arith.constant 16 : i32
      %mul3A_875 = vector.broadcast %mul3A_874 : i32 to vector<16xi32>
      %mul3A_876 = arith.muli %iota3A, %mul3A_875 : vector<16xi32>
      %add3A_877 = arith.constant 768 : i32
      %add3A_878 = vector.broadcast %add3A_877 : i32 to vector<16xi32>
      %add3A_879 = arith.addi %mul3A_876, %add3A_878 : vector<16xi32>
      %add3A_880 = arith.constant 1024 : i32
      %add3A_881 = vector.broadcast %add3A_880 : i32 to vector<16xi32>
      %add3A_882 = arith.addi %add3A_879, %add3A_881 : vector<16xi32>
      %add3A_883 = arith.constant 0 : i32
      %add3A_884 = vector.broadcast %add3A_883 : i32 to vector<16xi32>
      %add3A_885 = arith.addi %add3A_879, %add3A_884 : vector<16xi32>
      %gather3A_886 = tpu.vector_load_idx %arg18[%add3A_885] : memref<2048xf32, #tpu.memory_space<vmem>>[vector<16xi32>], vector<16xf32>,
      %add3A_887 = arith.constant 0 : i32
      %add3A_888 = vector.broadcast %add3A_887 : i32 to vector<16xi32>
      %add3A_889 = arith.addi %add3A_882, %add3A_888 : vector<16xi32>
      %gather3A_890 = tpu.vector_load_idx %arg18[%add3A_889] : memref<2048xf32, #tpu.memory_space<vmem>>[vector<16xi32>], vector<16xf32>,
      %add3A_891 = arith.constant 1 : i32
      %add3A_892 = vector.broadcast %add3A_891 : i32 to vector<16xi32>
      %add3A_893 = arith.addi %add3A_879, %add3A_892 : vector<16xi32>
      %gather3A_894 = tpu.vector_load_idx %arg18[%add3A_893] : memref<2048xf32, #tpu.memory_space<vmem>>[vector<16xi32>], vector<16xf32>,
      %add3A_895 = arith.constant 1 : i32
      %add3A_896 = vector.broadcast %add3A_895 : i32 to vector<16xi32>
      %add3A_897 = arith.addi %add3A_882, %add3A_896 : vector<16xi32>
      %gather3A_898 = tpu.vector_load_idx %arg18[%add3A_897] : memref<2048xf32, #tpu.memory_space<vmem>>[vector<16xi32>], vector<16xf32>,
      %add3A_899 = arith.constant 2 : i32
      %add3A_900 = vector.broadcast %add3A_899 : i32 to vector<16xi32>
      %add3A_901 = arith.addi %add3A_879, %add3A_900 : vector<16xi32>
      %gather3A_902 = tpu.vector_load_idx %arg18[%add3A_901] : memref<2048xf32, #tpu.memory_space<vmem>>[vector<16xi32>], vector<16xf32>,
      %add3A_903 = arith.constant 2 : i32
      %add3A_904 = vector.broadcast %add3A_903 : i32 to vector<16xi32>
      %add3A_905 = arith.addi %add3A_882, %add3A_904 : vector<16xi32>
      %gather3A_906 = tpu.vector_load_idx %arg18[%add3A_905] : memref<2048xf32, #tpu.memory_space<vmem>>[vector<16xi32>], vector<16xf32>,
      %add3A_907 = arith.constant 3 : i32
      %add3A_908 = vector.broadcast %add3A_907 : i32 to vector<16xi32>
      %add3A_909 = arith.addi %add3A_879, %add3A_908 : vector<16xi32>
      %gather3A_910 = tpu.vector_load_idx %arg18[%add3A_909] : memref<2048xf32, #tpu.memory_space<vmem>>[vector<16xi32>], vector<16xf32>,
      %add3A_911 = arith.constant 3 : i32
      %add3A_912 = vector.broadcast %add3A_911 : i32 to vector<16xi32>
      %add3A_913 = arith.addi %add3A_882, %add3A_912 : vector<16xi32>
      %gather3A_914 = tpu.vector_load_idx %arg18[%add3A_913] : memref<2048xf32, #tpu.memory_space<vmem>>[vector<16xi32>], vector<16xf32>,
      %add3A_915 = arith.constant 4 : i32
      %add3A_916 = vector.broadcast %add3A_915 : i32 to vector<16xi32>
      %add3A_917 = arith.addi %add3A_879, %add3A_916 : vector<16xi32>
      %gather3A_918 = tpu.vector_load_idx %arg18[%add3A_917] : memref<2048xf32, #tpu.memory_space<vmem>>[vector<16xi32>], vector<16xf32>,
      %add3A_919 = arith.constant 4 : i32
      %add3A_920 = vector.broadcast %add3A_919 : i32 to vector<16xi32>
      %add3A_921 = arith.addi %add3A_882, %add3A_920 : vector<16xi32>
      %gather3A_922 = tpu.vector_load_idx %arg18[%add3A_921] : memref<2048xf32, #tpu.memory_space<vmem>>[vector<16xi32>], vector<16xf32>,
      %add3A_923 = arith.constant 5 : i32
      %add3A_924 = vector.broadcast %add3A_923 : i32 to vector<16xi32>
      %add3A_925 = arith.addi %add3A_879, %add3A_924 : vector<16xi32>
      %gather3A_926 = tpu.vector_load_idx %arg18[%add3A_925] : memref<2048xf32, #tpu.memory_space<vmem>>[vector<16xi32>], vector<16xf32>,
      %add3A_927 = arith.constant 5 : i32
      %add3A_928 = vector.broadcast %add3A_927 : i32 to vector<16xi32>
      %add3A_929 = arith.addi %add3A_882, %add3A_928 : vector<16xi32>
      %gather3A_930 = tpu.vector_load_idx %arg18[%add3A_929] : memref<2048xf32, #tpu.memory_space<vmem>>[vector<16xi32>], vector<16xf32>,
      %add3A_931 = arith.constant 6 : i32
      %add3A_932 = vector.broadcast %add3A_931 : i32 to vector<16xi32>
      %add3A_933 = arith.addi %add3A_879, %add3A_932 : vector<16xi32>
      %gather3A_934 = tpu.vector_load_idx %arg18[%add3A_933] : memref<2048xf32, #tpu.memory_space<vmem>>[vector<16xi32>], vector<16xf32>,
      %add3A_935 = arith.constant 6 : i32
      %add3A_936 = vector.broadcast %add3A_935 : i32 to vector<16xi32>
      %add3A_937 = arith.addi %add3A_882, %add3A_936 : vector<16xi32>
      %gather3A_938 = tpu.vector_load_idx %arg18[%add3A_937] : memref<2048xf32, #tpu.memory_space<vmem>>[vector<16xi32>], vector<16xf32>,
      %add3A_939 = arith.constant 7 : i32
      %add3A_940 = vector.broadcast %add3A_939 : i32 to vector<16xi32>
      %add3A_941 = arith.addi %add3A_879, %add3A_940 : vector<16xi32>
      %gather3A_942 = tpu.vector_load_idx %arg18[%add3A_941] : memref<2048xf32, #tpu.memory_space<vmem>>[vector<16xi32>], vector<16xf32>,
      %add3A_943 = arith.constant 7 : i32
      %add3A_944 = vector.broadcast %add3A_943 : i32 to vector<16xi32>
      %add3A_945 = arith.addi %add3A_882, %add3A_944 : vector<16xi32>
      %gather3A_946 = tpu.vector_load_idx %arg18[%add3A_945] : memref<2048xf32, #tpu.memory_space<vmem>>[vector<16xi32>], vector<16xf32>,
      %add3A_947 = arith.constant 8 : i32
      %add3A_948 = vector.broadcast %add3A_947 : i32 to vector<16xi32>
      %add3A_949 = arith.addi %add3A_879, %add3A_948 : vector<16xi32>
      %gather3A_950 = tpu.vector_load_idx %arg18[%add3A_949] : memref<2048xf32, #tpu.memory_space<vmem>>[vector<16xi32>], vector<16xf32>,
      %add3A_951 = arith.constant 8 : i32
      %add3A_952 = vector.broadcast %add3A_951 : i32 to vector<16xi32>
      %add3A_953 = arith.addi %add3A_882, %add3A_952 : vector<16xi32>
      %gather3A_954 = tpu.vector_load_idx %arg18[%add3A_953] : memref<2048xf32, #tpu.memory_space<vmem>>[vector<16xi32>], vector<16xf32>,
      %add3A_955 = arith.constant 9 : i32
      %add3A_956 = vector.broadcast %add3A_955 : i32 to vector<16xi32>
      %add3A_957 = arith.addi %add3A_879, %add3A_956 : vector<16xi32>
      %gather3A_958 = tpu.vector_load_idx %arg18[%add3A_957] : memref<2048xf32, #tpu.memory_space<vmem>>[vector<16xi32>], vector<16xf32>,
      %add3A_959 = arith.constant 9 : i32
      %add3A_960 = vector.broadcast %add3A_959 : i32 to vector<16xi32>
      %add3A_961 = arith.addi %add3A_882, %add3A_960 : vector<16xi32>
      %gather3A_962 = tpu.vector_load_idx %arg18[%add3A_961] : memref<2048xf32, #tpu.memory_space<vmem>>[vector<16xi32>], vector<16xf32>,
      %add3A_963 = arith.constant 10 : i32
      %add3A_964 = vector.broadcast %add3A_963 : i32 to vector<16xi32>
      %add3A_965 = arith.addi %add3A_879, %add3A_964 : vector<16xi32>
      %gather3A_966 = tpu.vector_load_idx %arg18[%add3A_965] : memref<2048xf32, #tpu.memory_space<vmem>>[vector<16xi32>], vector<16xf32>,
      %add3A_967 = arith.constant 10 : i32
      %add3A_968 = vector.broadcast %add3A_967 : i32 to vector<16xi32>
      %add3A_969 = arith.addi %add3A_882, %add3A_968 : vector<16xi32>
      %gather3A_970 = tpu.vector_load_idx %arg18[%add3A_969] : memref<2048xf32, #tpu.memory_space<vmem>>[vector<16xi32>], vector<16xf32>,
      %add3A_971 = arith.constant 11 : i32
      %add3A_972 = vector.broadcast %add3A_971 : i32 to vector<16xi32>
      %add3A_973 = arith.addi %add3A_879, %add3A_972 : vector<16xi32>
      %gather3A_974 = tpu.vector_load_idx %arg18[%add3A_973] : memref<2048xf32, #tpu.memory_space<vmem>>[vector<16xi32>], vector<16xf32>,
      %add3A_975 = arith.constant 11 : i32
      %add3A_976 = vector.broadcast %add3A_975 : i32 to vector<16xi32>
      %add3A_977 = arith.addi %add3A_882, %add3A_976 : vector<16xi32>
      %gather3A_978 = tpu.vector_load_idx %arg18[%add3A_977] : memref<2048xf32, #tpu.memory_space<vmem>>[vector<16xi32>], vector<16xf32>,
      %add3A_979 = arith.constant 12 : i32
      %add3A_980 = vector.broadcast %add3A_979 : i32 to vector<16xi32>
      %add3A_981 = arith.addi %add3A_879, %add3A_980 : vector<16xi32>
      %gather3A_982 = tpu.vector_load_idx %arg18[%add3A_981] : memref<2048xf32, #tpu.memory_space<vmem>>[vector<16xi32>], vector<16xf32>,
      %add3A_983 = arith.constant 12 : i32
      %add3A_984 = vector.broadcast %add3A_983 : i32 to vector<16xi32>
      %add3A_985 = arith.addi %add3A_882, %add3A_984 : vector<16xi32>
      %gather3A_986 = tpu.vector_load_idx %arg18[%add3A_985] : memref<2048xf32, #tpu.memory_space<vmem>>[vector<16xi32>], vector<16xf32>,
      %add3A_987 = arith.constant 13 : i32
      %add3A_988 = vector.broadcast %add3A_987 : i32 to vector<16xi32>
      %add3A_989 = arith.addi %add3A_879, %add3A_988 : vector<16xi32>
      %gather3A_990 = tpu.vector_load_idx %arg18[%add3A_989] : memref<2048xf32, #tpu.memory_space<vmem>>[vector<16xi32>], vector<16xf32>,
      %add3A_991 = arith.constant 13 : i32
      %add3A_992 = vector.broadcast %add3A_991 : i32 to vector<16xi32>
      %add3A_993 = arith.addi %add3A_882, %add3A_992 : vector<16xi32>
      %gather3A_994 = tpu.vector_load_idx %arg18[%add3A_993] : memref<2048xf32, #tpu.memory_space<vmem>>[vector<16xi32>], vector<16xf32>,
      %add3A_995 = arith.constant 14 : i32
      %add3A_996 = vector.broadcast %add3A_995 : i32 to vector<16xi32>
      %add3A_997 = arith.addi %add3A_879, %add3A_996 : vector<16xi32>
      %gather3A_998 = tpu.vector_load_idx %arg18[%add3A_997] : memref<2048xf32, #tpu.memory_space<vmem>>[vector<16xi32>], vector<16xf32>,
      %add3A_999 = arith.constant 14 : i32
      %add3A_1000 = vector.broadcast %add3A_999 : i32 to vector<16xi32>
      %add3A_1001 = arith.addi %add3A_882, %add3A_1000 : vector<16xi32>
      %gather3A_1002 = tpu.vector_load_idx %arg18[%add3A_1001] : memref<2048xf32, #tpu.memory_space<vmem>>[vector<16xi32>], vector<16xf32>,
      %add3A_1003 = arith.constant 15 : i32
      %add3A_1004 = vector.broadcast %add3A_1003 : i32 to vector<16xi32>
      %add3A_1005 = arith.addi %add3A_879, %add3A_1004 : vector<16xi32>
      %gather3A_1006 = tpu.vector_load_idx %arg18[%add3A_1005] : memref<2048xf32, #tpu.memory_space<vmem>>[vector<16xi32>], vector<16xf32>,
      %add3A_1007 = arith.constant 15 : i32
      %add3A_1008 = vector.broadcast %add3A_1007 : i32 to vector<16xi32>
      %add3A_1009 = arith.addi %add3A_882, %add3A_1008 : vector<16xi32>
      %gather3A_1010 = tpu.vector_load_idx %arg18[%add3A_1009] : memref<2048xf32, #tpu.memory_space<vmem>>[vector<16xi32>], vector<16xf32>,
      %add3A_1011 = arith.addf %gather3A_886, %gather3A_894 : vector<16xf32>
      %add3A_1012 = arith.addf %gather3A_902, %gather3A_910 : vector<16xf32>
      %add3A_1013 = arith.addf %gather3A_918, %gather3A_926 : vector<16xf32>
      %add3A_1014 = arith.addf %gather3A_934, %gather3A_942 : vector<16xf32>
      %add3A_1015 = arith.addf %gather3A_950, %gather3A_958 : vector<16xf32>
      %add3A_1016 = arith.addf %gather3A_966, %gather3A_974 : vector<16xf32>
      %add3A_1017 = arith.addf %gather3A_982, %gather3A_990 : vector<16xf32>
      %add3A_1018 = arith.addf %gather3A_998, %gather3A_1006 : vector<16xf32>
      %add3A_1019 = arith.addf %add3A_1011, %add3A_1012 : vector<16xf32>
      %add3A_1020 = arith.addf %add3A_1013, %add3A_1014 : vector<16xf32>
      %add3A_1021 = arith.addf %add3A_1015, %add3A_1016 : vector<16xf32>
      %add3A_1022 = arith.addf %add3A_1017, %add3A_1018 : vector<16xf32>
      %add3A_1023 = arith.addf %add3A_1019, %add3A_1020 : vector<16xf32>
      %add3A_1024 = arith.addf %add3A_1021, %add3A_1022 : vector<16xf32>
      %add3A_1025 = arith.addf %add3A_1023, %add3A_1024 : vector<16xf32>
      %add3A_1026 = arith.addf %gather3A_890, %gather3A_898 : vector<16xf32>
      %add3A_1027 = arith.addf %gather3A_906, %gather3A_914 : vector<16xf32>
      %add3A_1028 = arith.addf %gather3A_922, %gather3A_930 : vector<16xf32>
      %add3A_1029 = arith.addf %gather3A_938, %gather3A_946 : vector<16xf32>
      %add3A_1030 = arith.addf %gather3A_954, %gather3A_962 : vector<16xf32>
      %add3A_1031 = arith.addf %gather3A_970, %gather3A_978 : vector<16xf32>
      %add3A_1032 = arith.addf %gather3A_986, %gather3A_994 : vector<16xf32>
      %add3A_1033 = arith.addf %gather3A_1002, %gather3A_1010 : vector<16xf32>
      %add3A_1034 = arith.addf %add3A_1026, %add3A_1027 : vector<16xf32>
      %add3A_1035 = arith.addf %add3A_1028, %add3A_1029 : vector<16xf32>
      %add3A_1036 = arith.addf %add3A_1030, %add3A_1031 : vector<16xf32>
      %add3A_1037 = arith.addf %add3A_1032, %add3A_1033 : vector<16xf32>
      %add3A_1038 = arith.addf %add3A_1034, %add3A_1035 : vector<16xf32>
      %add3A_1039 = arith.addf %add3A_1036, %add3A_1037 : vector<16xf32>
      %add3A_1040 = arith.addf %add3A_1038, %add3A_1039 : vector<16xf32>
      %mul3A_1041 = arith.constant 7.812500e-03 : f32
      %mul3A_1042 = vector.broadcast %mul3A_1041 : f32 to vector<16xf32>
      %mul3A_1043 = arith.mulf %add3A_1025, %mul3A_1042 : vector<16xf32>
      %mul3A_1044 = arith.constant 7.812500e-03 : f32
      %mul3A_1045 = vector.broadcast %mul3A_1044 : f32 to vector<16xf32>
      %mul3A_1046 = arith.mulf %add3A_1040, %mul3A_1045 : vector<16xf32>
      %mul3A_1047 = arith.mulf %mul3A_1043, %mul3A_1043 : vector<16xf32>
      %sub3A_1048 = arith.subf %mul3A_1046, %mul3A_1047 : vector<16xf32>
      %add3A_1049 = arith.constant 9.99999974E-6 : f32
      %add3A_1050 = vector.broadcast %add3A_1049 : f32 to vector<16xf32>
      %add3A_1051 = arith.addf %sub3A_1048, %add3A_1050 : vector<16xf32>
      %bitcast_convert_type3A_1052 = tpu.bitcast %add3A_1051 : vector<16xf32> -> vector<16xi32>
      %broadcast_in_dim3A_1053 = arith.constant 1597463007 : i32
      %broadcast_in_dim3A_1054 = vector.broadcast %broadcast_in_dim3A_1053 : i32 to vector<16xi32>
      %broadcast_in_dim3A_1055 = arith.constant 1 : i32
      %broadcast_in_dim3A_1056 = vector.broadcast %broadcast_in_dim3A_1055 : i32 to vector<16xi32>
      %shift_right_arithmetic3A_1057 = arith.shrsi %bitcast_convert_type3A_1052, %broadcast_in_dim3A_1056 : vector<16xi32>
      %sub3A_1058 = arith.subi %broadcast_in_dim3A_1054, %shift_right_arithmetic3A_1057 : vector<16xi32>
      %bitcast_convert_type3A_1059 = tpu.bitcast %sub3A_1058 : vector<16xi32> -> vector<16xf32>
      %mul3A_1060 = arith.constant 5.000000e-01 : f32
      %mul3A_1061 = vector.broadcast %mul3A_1060 : f32 to vector<16xf32>
      %mul3A_1062 = arith.mulf %mul3A_1061, %add3A_1051 : vector<16xf32>
      %mul3A_1063 = arith.mulf %mul3A_1062, %bitcast_convert_type3A_1059 : vector<16xf32>
      %mul3A_1064 = arith.mulf %mul3A_1063, %bitcast_convert_type3A_1059 : vector<16xf32>
      %sub3A_1065 = arith.constant 1.500000e+00 : f32
      %sub3A_1066 = vector.broadcast %sub3A_1065 : f32 to vector<16xf32>
      %sub3A_1067 = arith.subf %sub3A_1066, %mul3A_1064 : vector<16xf32>
      %mul3A_1068 = arith.mulf %bitcast_convert_type3A_1059, %sub3A_1067 : vector<16xf32>
      %mul3A_1069 = arith.mulf %mul3A_1062, %mul3A_1068 : vector<16xf32>
      %mul3A_1070 = arith.mulf %mul3A_1069, %mul3A_1068 : vector<16xf32>
      %sub3A_1071 = arith.constant 1.500000e+00 : f32
      %sub3A_1072 = vector.broadcast %sub3A_1071 : f32 to vector<16xf32>
      %sub3A_1073 = arith.subf %sub3A_1072, %mul3A_1070 : vector<16xf32>
      %mul3A_1074 = arith.mulf %mul3A_1068, %sub3A_1073 : vector<16xf32>
      %mul3A_1075 = arith.mulf %mul3A_1062, %mul3A_1074 : vector<16xf32>
      %mul3A_1076 = arith.mulf %mul3A_1075, %mul3A_1074 : vector<16xf32>
      %sub3A_1077 = arith.constant 1.500000e+00 : f32
      %sub3A_1078 = vector.broadcast %sub3A_1077 : f32 to vector<16xf32>
      %sub3A_1079 = arith.subf %sub3A_1078, %mul3A_1076 : vector<16xf32>
      %mul3A_1080 = arith.mulf %mul3A_1074, %sub3A_1079 : vector<16xf32>
      %mul3A_1081 = arith.mulf %mul3A_1043, %mul3A_1080 : vector<16xf32>
      %swap3A_1082 = arith.constant 48 : index
      %swap3A_1083 = tpu.vector_load %arg20[%swap3A_1082] {strides = array<i32>} : memref<64xf32, #tpu.memory_space<vmem>>, vector<16xf32>,
      tpu.vector_store %arg20[%swap3A_1082], %mul3A_1081 {strides = array<i32>} : memref<64xf32, #tpu.memory_space<vmem>>, vector<16xf32>,
      %swap3A_1084 = arith.constant 48 : index
      %swap3A_1085 = tpu.vector_load %arg21[%swap3A_1084] {strides = array<i32>} : memref<64xf32, #tpu.memory_space<vmem>>, vector<16xf32>,
      tpu.vector_store %arg21[%swap3A_1084], %mul3A_1080 {strides = array<i32>} : memref<64xf32, #tpu.memory_space<vmem>>, vector<16xf32>,
      %parallel_loop3A_1086 = arith.constant 0 : i32
      %parallel_loop3A_1087 = arith.constant 64 : i32
      %parallel_loop3A_1088 = arith.constant 1 : i32
      scf.for %parallel_loop3A_2054 = %parallel_loop3A_1086 to %parallel_loop3A_1087 step %parallel_loop3A_1088  : i32 {
        %parallel_loop3A_2055 = vector.broadcast %parallel_loop3A_2054 : i32 to vector<16xi32>
        %parallel_loop3A_2056 = arith.addi %mul3A_212, %parallel_loop3A_2055 : vector<16xi32>
        %parallel_loop3A_2057 = tpu.vector_load_idx %arg20[%parallel_loop3A_2056] : memref<64xf32, #tpu.memory_space<vmem>>[vector<16xi32>], vector<16xf32>,
        %parallel_loop3A_2058 = vector.broadcast %parallel_loop3A_2054 : i32 to vector<16xi32>
        %parallel_loop3A_2059 = arith.addi %mul3A_212, %parallel_loop3A_2058 : vector<16xi32>
        %parallel_loop3A_2060 = tpu.vector_load_idx %arg21[%parallel_loop3A_2059] : memref<64xf32, #tpu.memory_space<vmem>>[vector<16xi32>], vector<16xf32>,
        %parallel_loop3A_2061 = arith.constant 0 : i32
        %parallel_loop3A_2062 = arith.index_cast %parallel_loop3A_2061 : i32 to index
        %parallel_loop3A_2063 = arith.index_cast %parallel_loop3A_2054 : i32 to index
        %parallel_loop3A_2064 = arith.constant 0 : index
        %parallel_loop3A_2065 = tpu.vector_load %arg17[%parallel_loop3A_2062, %parallel_loop3A_2063, %parallel_loop3A_2064] {strides = array<i32>} : memref<2x64x128xf32, #tpu.memory_space<vmem>>, vector<16xf32>,
        %parallel_loop3A_2066 = arith.mulf %parallel_loop3A_2065, %parallel_loop3A_2060 : vector<16xf32>
        %parallel_loop3A_2067 = arith.subf %parallel_loop3A_2066, %parallel_loop3A_2057 : vector<16xf32>
        %parallel_loop3A_2068 = arith.mulf %parallel_loop3A_2067, %get3A_74 : vector<16xf32>
        %parallel_loop3A_2069 = arith.addf %parallel_loop3A_2068, %get3A_90 : vector<16xf32>
        %parallel_loop3A_2070 = arith.constant 0 : i32
        %parallel_loop3A_2071 = arith.index_cast %parallel_loop3A_2070 : i32 to index
        %parallel_loop3A_2072 = arith.index_cast %parallel_loop3A_2054 : i32 to index
        %parallel_loop3A_2073 = arith.constant 0 : index
        %parallel_loop3A_2074 = tpu.vector_load %arg17[%parallel_loop3A_2071, %parallel_loop3A_2072, %parallel_loop3A_2073] {strides = array<i32>} : memref<2x64x128xf32, #tpu.memory_space<vmem>>, vector<16xf32>,
        tpu.vector_store %arg17[%parallel_loop3A_2071, %parallel_loop3A_2072, %parallel_loop3A_2073], %parallel_loop3A_2069 {strides = array<i32>} : memref<2x64x128xf32, #tpu.memory_space<vmem>>, vector<16xf32>,
        %parallel_loop3A_2075 = arith.constant 0 : i32
        %parallel_loop3A_2076 = arith.index_cast %parallel_loop3A_2075 : i32 to index
        %parallel_loop3A_2077 = arith.index_cast %parallel_loop3A_2054 : i32 to index
        %parallel_loop3A_2078 = arith.constant 16 : index
        %parallel_loop3A_2079 = tpu.vector_load %arg17[%parallel_loop3A_2076, %parallel_loop3A_2077, %parallel_loop3A_2078] {strides = array<i32>} : memref<2x64x128xf32, #tpu.memory_space<vmem>>, vector<16xf32>,
        %parallel_loop3A_2080 = arith.mulf %parallel_loop3A_2079, %parallel_loop3A_2060 : vector<16xf32>
        %parallel_loop3A_2081 = arith.subf %parallel_loop3A_2080, %parallel_loop3A_2057 : vector<16xf32>
        %parallel_loop3A_2082 = arith.mulf %parallel_loop3A_2081, %get3A_76 : vector<16xf32>
        %parallel_loop3A_2083 = arith.addf %parallel_loop3A_2082, %get3A_92 : vector<16xf32>
        %parallel_loop3A_2084 = arith.constant 0 : i32
        %parallel_loop3A_2085 = arith.index_cast %parallel_loop3A_2084 : i32 to index
        %parallel_loop3A_2086 = arith.index_cast %parallel_loop3A_2054 : i32 to index
        %parallel_loop3A_2087 = arith.constant 16 : index
        %parallel_loop3A_2088 = tpu.vector_load %arg17[%parallel_loop3A_2085, %parallel_loop3A_2086, %parallel_loop3A_2087] {strides = array<i32>} : memref<2x64x128xf32, #tpu.memory_space<vmem>>, vector<16xf32>,
        tpu.vector_store %arg17[%parallel_loop3A_2085, %parallel_loop3A_2086, %parallel_loop3A_2087], %parallel_loop3A_2083 {strides = array<i32>} : memref<2x64x128xf32, #tpu.memory_space<vmem>>, vector<16xf32>,
        %parallel_loop3A_2089 = arith.constant 0 : i32
        %parallel_loop3A_2090 = arith.index_cast %parallel_loop3A_2089 : i32 to index
        %parallel_loop3A_2091 = arith.index_cast %parallel_loop3A_2054 : i32 to index
        %parallel_loop3A_2092 = arith.constant 32 : index
        %parallel_loop3A_2093 = tpu.vector_load %arg17[%parallel_loop3A_2090, %parallel_loop3A_2091, %parallel_loop3A_2092] {strides = array<i32>} : memref<2x64x128xf32, #tpu.memory_space<vmem>>, vector<16xf32>,
        %parallel_loop3A_2094 = arith.mulf %parallel_loop3A_2093, %parallel_loop3A_2060 : vector<16xf32>
        %parallel_loop3A_2095 = arith.subf %parallel_loop3A_2094, %parallel_loop3A_2057 : vector<16xf32>
        %parallel_loop3A_2096 = arith.mulf %parallel_loop3A_2095, %get3A_78 : vector<16xf32>
        %parallel_loop3A_2097 = arith.addf %parallel_loop3A_2096, %get3A_94 : vector<16xf32>
        %parallel_loop3A_2098 = arith.constant 0 : i32
        %parallel_loop3A_2099 = arith.index_cast %parallel_loop3A_2098 : i32 to index
        %parallel_loop3A_2100 = arith.index_cast %parallel_loop3A_2054 : i32 to index
        %parallel_loop3A_2101 = arith.constant 32 : index
        %parallel_loop3A_2102 = tpu.vector_load %arg17[%parallel_loop3A_2099, %parallel_loop3A_2100, %parallel_loop3A_2101] {strides = array<i32>} : memref<2x64x128xf32, #tpu.memory_space<vmem>>, vector<16xf32>,
        tpu.vector_store %arg17[%parallel_loop3A_2099, %parallel_loop3A_2100, %parallel_loop3A_2101], %parallel_loop3A_2097 {strides = array<i32>} : memref<2x64x128xf32, #tpu.memory_space<vmem>>, vector<16xf32>,
        %parallel_loop3A_2103 = arith.constant 0 : i32
        %parallel_loop3A_2104 = arith.index_cast %parallel_loop3A_2103 : i32 to index
        %parallel_loop3A_2105 = arith.index_cast %parallel_loop3A_2054 : i32 to index
        %parallel_loop3A_2106 = arith.constant 48 : index
        %parallel_loop3A_2107 = tpu.vector_load %arg17[%parallel_loop3A_2104, %parallel_loop3A_2105, %parallel_loop3A_2106] {strides = array<i32>} : memref<2x64x128xf32, #tpu.memory_space<vmem>>, vector<16xf32>,
        %parallel_loop3A_2108 = arith.mulf %parallel_loop3A_2107, %parallel_loop3A_2060 : vector<16xf32>
        %parallel_loop3A_2109 = arith.subf %parallel_loop3A_2108, %parallel_loop3A_2057 : vector<16xf32>
        %parallel_loop3A_2110 = arith.mulf %parallel_loop3A_2109, %get3A_80 : vector<16xf32>
        %parallel_loop3A_2111 = arith.addf %parallel_loop3A_2110, %get3A_96 : vector<16xf32>
        %parallel_loop3A_2112 = arith.constant 0 : i32
        %parallel_loop3A_2113 = arith.index_cast %parallel_loop3A_2112 : i32 to index
        %parallel_loop3A_2114 = arith.index_cast %parallel_loop3A_2054 : i32 to index
        %parallel_loop3A_2115 = arith.constant 48 : index
        %parallel_loop3A_2116 = tpu.vector_load %arg17[%parallel_loop3A_2113, %parallel_loop3A_2114, %parallel_loop3A_2115] {strides = array<i32>} : memref<2x64x128xf32, #tpu.memory_space<vmem>>, vector<16xf32>,
        tpu.vector_store %arg17[%parallel_loop3A_2113, %parallel_loop3A_2114, %parallel_loop3A_2115], %parallel_loop3A_2111 {strides = array<i32>} : memref<2x64x128xf32, #tpu.memory_space<vmem>>, vector<16xf32>,
        %parallel_loop3A_2117 = arith.constant 0 : i32
        %parallel_loop3A_2118 = arith.index_cast %parallel_loop3A_2117 : i32 to index
        %parallel_loop3A_2119 = arith.index_cast %parallel_loop3A_2054 : i32 to index
        %parallel_loop3A_2120 = arith.constant 64 : index
        %parallel_loop3A_2121 = tpu.vector_load %arg17[%parallel_loop3A_2118, %parallel_loop3A_2119, %parallel_loop3A_2120] {strides = array<i32>} : memref<2x64x128xf32, #tpu.memory_space<vmem>>, vector<16xf32>,
        %parallel_loop3A_2122 = arith.mulf %parallel_loop3A_2121, %parallel_loop3A_2060 : vector<16xf32>
        %parallel_loop3A_2123 = arith.subf %parallel_loop3A_2122, %parallel_loop3A_2057 : vector<16xf32>
        %parallel_loop3A_2124 = arith.mulf %parallel_loop3A_2123, %get3A_82 : vector<16xf32>
        %parallel_loop3A_2125 = arith.addf %parallel_loop3A_2124, %get3A_98 : vector<16xf32>
        %parallel_loop3A_2126 = arith.constant 0 : i32
        %parallel_loop3A_2127 = arith.index_cast %parallel_loop3A_2126 : i32 to index
        %parallel_loop3A_2128 = arith.index_cast %parallel_loop3A_2054 : i32 to index
        %parallel_loop3A_2129 = arith.constant 64 : index
        %parallel_loop3A_2130 = tpu.vector_load %arg17[%parallel_loop3A_2127, %parallel_loop3A_2128, %parallel_loop3A_2129] {strides = array<i32>} : memref<2x64x128xf32, #tpu.memory_space<vmem>>, vector<16xf32>,
        tpu.vector_store %arg17[%parallel_loop3A_2127, %parallel_loop3A_2128, %parallel_loop3A_2129], %parallel_loop3A_2125 {strides = array<i32>} : memref<2x64x128xf32, #tpu.memory_space<vmem>>, vector<16xf32>,
        %parallel_loop3A_2131 = arith.constant 0 : i32
        %parallel_loop3A_2132 = arith.index_cast %parallel_loop3A_2131 : i32 to index
        %parallel_loop3A_2133 = arith.index_cast %parallel_loop3A_2054 : i32 to index
        %parallel_loop3A_2134 = arith.constant 80 : index
        %parallel_loop3A_2135 = tpu.vector_load %arg17[%parallel_loop3A_2132, %parallel_loop3A_2133, %parallel_loop3A_2134] {strides = array<i32>} : memref<2x64x128xf32, #tpu.memory_space<vmem>>, vector<16xf32>,
        %parallel_loop3A_2136 = arith.mulf %parallel_loop3A_2135, %parallel_loop3A_2060 : vector<16xf32>
        %parallel_loop3A_2137 = arith.subf %parallel_loop3A_2136, %parallel_loop3A_2057 : vector<16xf32>
        %parallel_loop3A_2138 = arith.mulf %parallel_loop3A_2137, %get3A_84 : vector<16xf32>
        %parallel_loop3A_2139 = arith.addf %parallel_loop3A_2138, %get3A_100 : vector<16xf32>
        %parallel_loop3A_2140 = arith.constant 0 : i32
        %parallel_loop3A_2141 = arith.index_cast %parallel_loop3A_2140 : i32 to index
        %parallel_loop3A_2142 = arith.index_cast %parallel_loop3A_2054 : i32 to index
        %parallel_loop3A_2143 = arith.constant 80 : index
        %parallel_loop3A_2144 = tpu.vector_load %arg17[%parallel_loop3A_2141, %parallel_loop3A_2142, %parallel_loop3A_2143] {strides = array<i32>} : memref<2x64x128xf32, #tpu.memory_space<vmem>>, vector<16xf32>,
        tpu.vector_store %arg17[%parallel_loop3A_2141, %parallel_loop3A_2142, %parallel_loop3A_2143], %parallel_loop3A_2139 {strides = array<i32>} : memref<2x64x128xf32, #tpu.memory_space<vmem>>, vector<16xf32>,
        %parallel_loop3A_2145 = arith.constant 0 : i32
        %parallel_loop3A_2146 = arith.index_cast %parallel_loop3A_2145 : i32 to index
        %parallel_loop3A_2147 = arith.index_cast %parallel_loop3A_2054 : i32 to index
        %parallel_loop3A_2148 = arith.constant 96 : index
        %parallel_loop3A_2149 = tpu.vector_load %arg17[%parallel_loop3A_2146, %parallel_loop3A_2147, %parallel_loop3A_2148] {strides = array<i32>} : memref<2x64x128xf32, #tpu.memory_space<vmem>>, vector<16xf32>,
        %parallel_loop3A_2150 = arith.mulf %parallel_loop3A_2149, %parallel_loop3A_2060 : vector<16xf32>
        %parallel_loop3A_2151 = arith.subf %parallel_loop3A_2150, %parallel_loop3A_2057 : vector<16xf32>
        %parallel_loop3A_2152 = arith.mulf %parallel_loop3A_2151, %get3A_86 : vector<16xf32>
        %parallel_loop3A_2153 = arith.addf %parallel_loop3A_2152, %get3A_102 : vector<16xf32>
        %parallel_loop3A_2154 = arith.constant 0 : i32
        %parallel_loop3A_2155 = arith.index_cast %parallel_loop3A_2154 : i32 to index
        %parallel_loop3A_2156 = arith.index_cast %parallel_loop3A_2054 : i32 to index
        %parallel_loop3A_2157 = arith.constant 96 : index
        %parallel_loop3A_2158 = tpu.vector_load %arg17[%parallel_loop3A_2155, %parallel_loop3A_2156, %parallel_loop3A_2157] {strides = array<i32>} : memref<2x64x128xf32, #tpu.memory_space<vmem>>, vector<16xf32>,
        tpu.vector_store %arg17[%parallel_loop3A_2155, %parallel_loop3A_2156, %parallel_loop3A_2157], %parallel_loop3A_2153 {strides = array<i32>} : memref<2x64x128xf32, #tpu.memory_space<vmem>>, vector<16xf32>,
        %parallel_loop3A_2159 = arith.constant 0 : i32
        %parallel_loop3A_2160 = arith.index_cast %parallel_loop3A_2159 : i32 to index
        %parallel_loop3A_2161 = arith.index_cast %parallel_loop3A_2054 : i32 to index
        %parallel_loop3A_2162 = arith.constant 112 : index
        %parallel_loop3A_2163 = tpu.vector_load %arg17[%parallel_loop3A_2160, %parallel_loop3A_2161, %parallel_loop3A_2162] {strides = array<i32>} : memref<2x64x128xf32, #tpu.memory_space<vmem>>, vector<16xf32>,
        %parallel_loop3A_2164 = arith.mulf %parallel_loop3A_2163, %parallel_loop3A_2060 : vector<16xf32>
        %parallel_loop3A_2165 = arith.subf %parallel_loop3A_2164, %parallel_loop3A_2057 : vector<16xf32>
        %parallel_loop3A_2166 = arith.mulf %parallel_loop3A_2165, %get3A_88 : vector<16xf32>
        %parallel_loop3A_2167 = arith.addf %parallel_loop3A_2166, %get3A_104 : vector<16xf32>
        %parallel_loop3A_2168 = arith.constant 0 : i32
        %parallel_loop3A_2169 = arith.index_cast %parallel_loop3A_2168 : i32 to index
        %parallel_loop3A_2170 = arith.index_cast %parallel_loop3A_2054 : i32 to index
        %parallel_loop3A_2171 = arith.constant 112 : index
        %parallel_loop3A_2172 = tpu.vector_load %arg17[%parallel_loop3A_2169, %parallel_loop3A_2170, %parallel_loop3A_2171] {strides = array<i32>} : memref<2x64x128xf32, #tpu.memory_space<vmem>>, vector<16xf32>,
        tpu.vector_store %arg17[%parallel_loop3A_2169, %parallel_loop3A_2170, %parallel_loop3A_2171], %parallel_loop3A_2167 {strides = array<i32>} : memref<2x64x128xf32, #tpu.memory_space<vmem>>, vector<16xf32>,
      } {sc.loop_unroll_factor = 1 : i64, sc.parallel_access}
      %mul3A_1089 = arith.constant 64 : i32
      %mul3A_1090 = arith.muli %add3A_185, %mul3A_1089 : i32
      %multiple_of3A_1091 = tpu.assume_multiple %mul3A_1090, 64 : i32
      %add3A_1092 = arith.addi %mul3A_2, %multiple_of3A_1091 : i32
      %dma_start3A_1093 = arith.constant 0 : i32
      %dma_start3A_1094 = arith.constant 0 : i32
      %dma_start3A_1095 = arith.constant 0 : i32
      %dma_start3A_1096 = tpu.memref_slice %arg17[%dma_start3A_1093, %dma_start3A_1094, %dma_start3A_1095] : memref<2x64x128xf32, #tpu.memory_space<vmem>> -> memref<1x64x128xf32, #tpu.memory_space<vmem>>
      %dma_start3A_1097 = tpu.memref_squeeze %dma_start3A_1096 : memref<1x64x128xf32, #tpu.memory_space<vmem>> -> memref<64x128xf32, #tpu.memory_space<vmem>>
      %dma_start3A_1098 = arith.constant 0 : i32
      %dma_start3A_1099 = tpu.memref_slice %arg9[%add3A_1092, %dma_start3A_1098] : memref<524288x128xf32, #tpu.memory_space<hbm>> -> memref<64x128xf32, #tpu.memory_space<hbm>>
      %dma_start3A_1100 = arith.constant 0 : i32
      %dma_start3A_1101 = tpu.memref_slice %arg9[%add3A_1092, %dma_start3A_1100] : memref<524288x128xf32, #tpu.memory_space<hbm>> -> memref<64x128xf32, #tpu.memory_space<hbm>>
      %dma_start3A_1102 = arith.constant 0 : i32
      %dma_start3A_1103 = arith.constant 0 : i32
      %dma_start3A_1104 = tpu.memref_slice %arg17[%dma_start3A_1093, %dma_start3A_1102, %dma_start3A_1103] : memref<2x64x128xf32, #tpu.memory_space<vmem>> -> memref<1x64x128xf32, #tpu.memory_space<vmem>>
      %dma_start3A_1105 = tpu.memref_squeeze %dma_start3A_1104 : memref<1x64x128xf32, #tpu.memory_space<vmem>> -> memref<64x128xf32, #tpu.memory_space<vmem>>
      tpu.enqueue_dma source(%dma_start3A_1105 : memref<64x128xf32, #tpu.memory_space<vmem>>) target(%dma_start3A_1101 : memref<64x128xf32, #tpu.memory_space<hbm>>) target_semaphore(%arg24 : memref<!tpu.dma_semaphore, #tpu.memory_space<semaphore_mem>>)
      %add3A_1106 = arith.constant 2 : i32
      %add3A_1107 = arith.addi %add3A_185, %add3A_1106 : i32
      %lt3A = arith.constant 256 : i32
      %lt3A_1108 = arith.cmpi slt, %add3A_1107, %lt3A : i32
      %convert_element_type3A_1109 = arith.extui %lt3A_1108 : i1 to i32
      %cond3A_1110 = arith.constant 0 : i32
      %cond3A_1111 = arith.cmpi ne, %convert_element_type3A_1109, %cond3A_1110 : i32
      scf.if %cond3A_1111 {
        %add3A_2054 = arith.constant 2 : i32
        %add3A_2055 = arith.addi %add3A_185, %add3A_2054 : i32
        %mul3A_2056 = arith.constant 64 : i32
        %mul3A_2057 = arith.muli %add3A_2055, %mul3A_2056 : i32
        %multiple_of3A_2058 = tpu.assume_multiple %mul3A_2057, 64 : i32
        %dma_start3A_2059 = arith.constant 0 : i32
        %dma_start3A_2060 = arith.constant 0 : i32
        %dma_start3A_2061 = arith.constant 0 : i32
        %dma_start3A_2062 = tpu.memref_slice %arg16[%dma_start3A_2059, %dma_start3A_2060, %dma_start3A_2061] : memref<2x64x128xf32, #tpu.memory_space<vmem>> -> memref<1x64x128xf32, #tpu.memory_space<vmem>>
        %dma_start3A_2063 = tpu.memref_squeeze %dma_start3A_2062 : memref<1x64x128xf32, #tpu.memory_space<vmem>> -> memref<64x128xf32, #tpu.memory_space<vmem>>
        %dma_start3A_2064 = tpu.memref_slice %arg14[%multiple_of3A_2058] : memref<16384xi32, #tpu.memory_space<vmem>> -> memref<64xi32, #tpu.memory_space<vmem>>
        %dma_start3A_2065 = arith.constant 0 : i32
        %dma_start3A_2066 = arith.constant 0 : i32
        %dma_start3A_2067 = tpu.memref_slice %arg4[%dma_start3A_2065, %dma_start3A_2066] : memref<100000x128xf32, #tpu.memory_space<hbm>> -> memref<100000x128xf32, #tpu.memory_space<hbm>>
        tpu.enqueue_indirect_dma source(%dma_start3A_2067 : memref<100000x128xf32, #tpu.memory_space<hbm>>) target(%dma_start3A_2063 : memref<64x128xf32, #tpu.memory_space<vmem>>) offsets(%dma_start3A_2064 : memref<64xi32, #tpu.memory_space<vmem>>) semaphore(%arg22 : memref<!tpu.dma_semaphore, #tpu.memory_space<semaphore_mem>>)
        %add3A_2068 = arith.addi %mul3A_2, %multiple_of3A_2058 : i32
        %dma_start3A_2069 = arith.constant 0 : i32
        %dma_start3A_2070 = arith.constant 0 : i32
        %dma_start3A_2071 = tpu.memref_slice %arg15[%dma_start3A_2069, %dma_start3A_2070] : memref<2x64xi32, #tpu.memory_space<vmem>> -> memref<1x64xi32, #tpu.memory_space<vmem>>
        %dma_start3A_2072 = tpu.memref_squeeze %dma_start3A_2071 : memref<1x64xi32, #tpu.memory_space<vmem>> -> memref<64xi32, #tpu.memory_space<vmem>>
        %dma_start3A_2073 = tpu.memref_slice %arg3[%add3A_2068] : memref<524288xi32, #tpu.memory_space<hbm>> -> memref<64xi32, #tpu.memory_space<hbm>>
        %dma_start3A_2074 = arith.constant 0 : i32
        %dma_start3A_2075 = tpu.memref_slice %arg15[%dma_start3A_2069, %dma_start3A_2074] : memref<2x64xi32, #tpu.memory_space<vmem>> -> memref<1x64xi32, #tpu.memory_space<vmem>>
        %dma_start3A_2076 = tpu.memref_squeeze %dma_start3A_2075 : memref<1x64xi32, #tpu.memory_space<vmem>> -> memref<64xi32, #tpu.memory_space<vmem>>
        %dma_start3A_2077 = tpu.memref_slice %arg3[%add3A_2068] : memref<524288xi32, #tpu.memory_space<hbm>> -> memref<64xi32, #tpu.memory_space<hbm>>
        tpu.enqueue_dma source(%dma_start3A_2077 : memref<64xi32, #tpu.memory_space<hbm>>) target(%dma_start3A_2076 : memref<64xi32, #tpu.memory_space<vmem>>) target_semaphore(%arg22 : memref<!tpu.dma_semaphore, #tpu.memory_space<semaphore_mem>>)
      } else {
      }
      %mul3A_1112 = arith.constant 2 : i32
      %mul3A_1113 = arith.muli %scan3A_181, %mul3A_1112 : i32
      %add3A_1114 = arith.constant 1 : i32
      %add3A_1115 = arith.addi %mul3A_1113, %add3A_1114 : i32
      %dma_wait3A_1116 = arith.constant 1 : i32
      %dma_wait3A_1117 = arith.constant 0 : i32
      %dma_wait3A_1118 = arith.constant 0 : i32
      %dma_wait3A_1119 = tpu.memref_slice %arg16[%dma_wait3A_1116, %dma_wait3A_1117, %dma_wait3A_1118] : memref<2x64x128xf32, #tpu.memory_space<vmem>> -> memref<1x64x128xf32, #tpu.memory_space<vmem>>
      %dma_wait3A_1120 = tpu.memref_squeeze %dma_wait3A_1119 : memref<1x64x128xf32, #tpu.memory_space<vmem>> -> memref<64x128xf32, #tpu.memory_space<vmem>>
      %dma_wait3A_1121 = arith.constant 0 : i32
      %dma_wait3A_1122 = tpu.memref_slice %arg14[%dma_wait3A_1121] : memref<16384xi32, #tpu.memory_space<vmem>> -> memref<64xi32, #tpu.memory_space<vmem>>
      %dma_wait3A_1123 = arith.constant 0 : i32
      %dma_wait3A_1124 = arith.constant 0 : i32
      %dma_wait3A_1125 = tpu.memref_slice %arg4[%dma_wait3A_1123, %dma_wait3A_1124] : memref<100000x128xf32, #tpu.memory_space<hbm>> -> memref<100000x128xf32, #tpu.memory_space<hbm>>
      tpu.wait_indirect_dma semaphore(%arg23 : memref<!tpu.dma_semaphore, #tpu.memory_space<semaphore_mem>>) src(%dma_wait3A_1125 : memref<100000x128xf32, #tpu.memory_space<hbm>>) dst(%dma_wait3A_1120 : memref<64x128xf32, #tpu.memory_space<vmem>>)
      %dma_wait3A_1126 = arith.constant 1 : i32
      %dma_wait3A_1127 = arith.constant 0 : i32
      %dma_wait3A_1128 = tpu.memref_slice %arg15[%dma_wait3A_1126, %dma_wait3A_1127] : memref<2x64xi32, #tpu.memory_space<vmem>> -> memref<1x64xi32, #tpu.memory_space<vmem>>
      %dma_wait3A_1129 = tpu.memref_squeeze %dma_wait3A_1128 : memref<1x64xi32, #tpu.memory_space<vmem>> -> memref<64xi32, #tpu.memory_space<vmem>>
      %dma_wait3A_1130 = tpu.memref_slice %arg3[%mul3A_2] : memref<524288xi32, #tpu.memory_space<hbm>> -> memref<64xi32, #tpu.memory_space<hbm>>
      %dma_wait3A_1131 = arith.constant 0 : i32
      %dma_wait3A_1132 = tpu.memref_slice %arg15[%dma_wait3A_1126, %dma_wait3A_1131] : memref<2x64xi32, #tpu.memory_space<vmem>> -> memref<1x64xi32, #tpu.memory_space<vmem>>
      %dma_wait3A_1133 = tpu.memref_squeeze %dma_wait3A_1132 : memref<1x64xi32, #tpu.memory_space<vmem>> -> memref<64xi32, #tpu.memory_space<vmem>>
      %dma_wait3A_1134 = tpu.memref_slice %arg3[%mul3A_2] : memref<524288xi32, #tpu.memory_space<hbm>> -> memref<64xi32, #tpu.memory_space<hbm>>
      tpu.wait_dma2 semaphore(%arg23 : memref<!tpu.dma_semaphore, #tpu.memory_space<semaphore_mem>>) src(%dma_wait3A_1134 : memref<64xi32, #tpu.memory_space<hbm>>) dst(%dma_wait3A_1133 : memref<64xi32, #tpu.memory_space<vmem>>)
      %ge3A_1135 = arith.constant 2 : i32
      %ge3A_1136 = arith.cmpi sge, %add3A_1115, %ge3A_1135 : i32
      %convert_element_type3A_1137 = arith.extui %ge3A_1136 : i1 to i32
      %cond3A_1138 = arith.constant 0 : i32
      %cond3A_1139 = arith.cmpi ne, %convert_element_type3A_1137, %cond3A_1138 : i32
      scf.if %cond3A_1139 {
        %dma_wait3A_2054 = arith.constant 1 : i32
        %dma_wait3A_2055 = arith.constant 0 : i32
        %dma_wait3A_2056 = arith.constant 0 : i32
        %dma_wait3A_2057 = tpu.memref_slice %arg17[%dma_wait3A_2054, %dma_wait3A_2055, %dma_wait3A_2056] : memref<2x64x128xf32, #tpu.memory_space<vmem>> -> memref<1x64x128xf32, #tpu.memory_space<vmem>>
        %dma_wait3A_2058 = tpu.memref_squeeze %dma_wait3A_2057 : memref<1x64x128xf32, #tpu.memory_space<vmem>> -> memref<64x128xf32, #tpu.memory_space<vmem>>
        %dma_wait3A_2059 = arith.constant 0 : i32
        %dma_wait3A_2060 = tpu.memref_slice %arg9[%mul3A_2, %dma_wait3A_2059] : memref<524288x128xf32, #tpu.memory_space<hbm>> -> memref<64x128xf32, #tpu.memory_space<hbm>>
        %dma_wait3A_2061 = arith.constant 0 : i32
        %dma_wait3A_2062 = tpu.memref_slice %arg9[%mul3A_2, %dma_wait3A_2061] : memref<524288x128xf32, #tpu.memory_space<hbm>> -> memref<64x128xf32, #tpu.memory_space<hbm>>
        %dma_wait3A_2063 = arith.constant 0 : i32
        %dma_wait3A_2064 = arith.constant 0 : i32
        %dma_wait3A_2065 = tpu.memref_slice %arg17[%dma_wait3A_2054, %dma_wait3A_2063, %dma_wait3A_2064] : memref<2x64x128xf32, #tpu.memory_space<vmem>> -> memref<1x64x128xf32, #tpu.memory_space<vmem>>
        %dma_wait3A_2066 = tpu.memref_squeeze %dma_wait3A_2065 : memref<1x64x128xf32, #tpu.memory_space<vmem>> -> memref<64x128xf32, #tpu.memory_space<vmem>>
        tpu.wait_dma2 semaphore(%arg25 : memref<!tpu.dma_semaphore, #tpu.memory_space<semaphore_mem>>) src(%dma_wait3A_2066 : memref<64x128xf32, #tpu.memory_space<vmem>>) dst(%dma_wait3A_2062 : memref<64x128xf32, #tpu.memory_space<hbm>>)
      } else {
      }
      %mul3A_1140 = arith.constant 64 : i32
      %mul3A_1141 = arith.muli %add3A_1115, %mul3A_1140 : i32
      %rem3A_1142 = arith.constant 512 : i32
      %rem3A_1143 = arith.remsi %mul3A_1141, %rem3A_1142 : i32
      %iota3A_1144 = tpu.iota {dimensions = array<i32: 0>} : vector<16xi32>
      %mul3A_1145 = arith.constant 0 : i32
      %mul3A_1146 = vector.broadcast %mul3A_1145 : i32 to vector<16xi32>
      %mul3A_1147 = arith.muli %iota3A_1144, %mul3A_1146 : vector<16xi32>
      %get3A_1148 = arith.constant 1 : i32
      %get3A_1149 = arith.index_cast %get3A_1148 : i32 to index
      %get3A_1150 = arith.constant 0 : index
      %get3A_1151 = tpu.vector_load %arg15[%get3A_1149, %get3A_1150] {strides = array<i32>} : memref<2x64xi32, #tpu.memory_space<vmem>>, vector<16xi32>,
      %convert_element_type3A_1152 = arith.sitofp %get3A_1151 : vector<16xi32> to vector<16xf32>
      %swap3A_1153 = arith.constant 64 : index
      %swap3A_1154 = tpu.vector_load %arg19[%swap3A_1153] {strides = array<i32>} : memref<128xf32, #tpu.memory_space<vmem>>, vector<16xf32>,
      tpu.vector_store %arg19[%swap3A_1153], %convert_element_type3A_1152 {strides = array<i32>} : memref<128xf32, #tpu.memory_space<vmem>>, vector<16xf32>,
      %get3A_1155 = arith.constant 1 : i32
      %get3A_1156 = arith.index_cast %get3A_1155 : i32 to index
      %get3A_1157 = arith.constant 16 : index
      %get3A_1158 = tpu.vector_load %arg15[%get3A_1156, %get3A_1157] {strides = array<i32>} : memref<2x64xi32, #tpu.memory_space<vmem>>, vector<16xi32>,
      %convert_element_type3A_1159 = arith.sitofp %get3A_1158 : vector<16xi32> to vector<16xf32>
      %swap3A_1160 = arith.constant 80 : index
      %swap3A_1161 = tpu.vector_load %arg19[%swap3A_1160] {strides = array<i32>} : memref<128xf32, #tpu.memory_space<vmem>>, vector<16xf32>,
      tpu.vector_store %arg19[%swap3A_1160], %convert_element_type3A_1159 {strides = array<i32>} : memref<128xf32, #tpu.memory_space<vmem>>, vector<16xf32>,
      %get3A_1162 = arith.constant 1 : i32
      %get3A_1163 = arith.index_cast %get3A_1162 : i32 to index
      %get3A_1164 = arith.constant 32 : index
      %get3A_1165 = tpu.vector_load %arg15[%get3A_1163, %get3A_1164] {strides = array<i32>} : memref<2x64xi32, #tpu.memory_space<vmem>>, vector<16xi32>,
      %convert_element_type3A_1166 = arith.sitofp %get3A_1165 : vector<16xi32> to vector<16xf32>
      %swap3A_1167 = arith.constant 96 : index
      %swap3A_1168 = tpu.vector_load %arg19[%swap3A_1167] {strides = array<i32>} : memref<128xf32, #tpu.memory_space<vmem>>, vector<16xf32>,
      tpu.vector_store %arg19[%swap3A_1167], %convert_element_type3A_1166 {strides = array<i32>} : memref<128xf32, #tpu.memory_space<vmem>>, vector<16xf32>,
      %get3A_1169 = arith.constant 1 : i32
      %get3A_1170 = arith.index_cast %get3A_1169 : i32 to index
      %get3A_1171 = arith.constant 48 : index
      %get3A_1172 = tpu.vector_load %arg15[%get3A_1170, %get3A_1171] {strides = array<i32>} : memref<2x64xi32, #tpu.memory_space<vmem>>, vector<16xi32>,
      %convert_element_type3A_1173 = arith.sitofp %get3A_1172 : vector<16xi32> to vector<16xf32>
      %swap3A_1174 = arith.constant 112 : index
      %swap3A_1175 = tpu.vector_load %arg19[%swap3A_1174] {strides = array<i32>} : memref<128xf32, #tpu.memory_space<vmem>>, vector<16xf32>,
      tpu.vector_store %arg19[%swap3A_1174], %convert_element_type3A_1173 {strides = array<i32>} : memref<128xf32, #tpu.memory_space<vmem>>, vector<16xf32>,
      %parallel_loop3A_1176 = arith.constant 0 : i32
      %parallel_loop3A_1177 = arith.constant 64 : i32
      %parallel_loop3A_1178 = arith.constant 1 : i32
      scf.for %parallel_loop3A_2054 = %parallel_loop3A_1176 to %parallel_loop3A_1177 step %parallel_loop3A_1178  : i32 {
        %parallel_loop3A_2055 = arith.constant 64 : i32
        %parallel_loop3A_2056 = arith.addi %parallel_loop3A_2055, %parallel_loop3A_2054 : i32
        %parallel_loop3A_2057 = vector.broadcast %parallel_loop3A_2056 : i32 to vector<16xi32>
        %parallel_loop3A_2058 = arith.addi %mul3A_1147, %parallel_loop3A_2057 : vector<16xi32>
        %parallel_loop3A_2059 = tpu.vector_load_idx %arg19[%parallel_loop3A_2058] : memref<128xf32, #tpu.memory_space<vmem>>[vector<16xi32>], vector<16xf32>,
        %parallel_loop3A_2060 = arith.addi %rem3A_1143, %parallel_loop3A_2054 : i32
        %parallel_loop3A_2061 = arith.constant 1 : i32
        %parallel_loop3A_2062 = arith.index_cast %parallel_loop3A_2061 : i32 to index
        %parallel_loop3A_2063 = arith.index_cast %parallel_loop3A_2054 : i32 to index
        %parallel_loop3A_2064 = arith.constant 0 : index
        %parallel_loop3A_2065 = tpu.vector_load %arg16[%parallel_loop3A_2062, %parallel_loop3A_2063, %parallel_loop3A_2064] {strides = array<i32>} : memref<2x64x128xf32, #tpu.memory_space<vmem>>, vector<16xf32>,
        %parallel_loop3A_2066 = arith.index_cast %parallel_loop3A_2060 : i32 to index
        %parallel_loop3A_2067 = arith.constant 0 : index
        %parallel_loop3A_2068 = tpu.vector_load %arg10[%parallel_loop3A_2066, %parallel_loop3A_2067] {strides = array<i32>} : memref<512x128xf32, #tpu.memory_space<vmem>>, vector<16xf32>,
        %parallel_loop3A_2069 = arith.addf %parallel_loop3A_2065, %parallel_loop3A_2068 : vector<16xf32>
        %parallel_loop3A_2070 = arith.mulf %parallel_loop3A_2059, %sub3A : vector<16xf32>
        %parallel_loop3A_2071 = arith.addf %parallel_loop3A_2069, %parallel_loop3A_2070 : vector<16xf32>
        %parallel_loop3A_2072 = arith.constant 1 : i32
        %parallel_loop3A_2073 = arith.index_cast %parallel_loop3A_2072 : i32 to index
        %parallel_loop3A_2074 = arith.index_cast %parallel_loop3A_2054 : i32 to index
        %parallel_loop3A_2075 = arith.constant 16 : index
        %parallel_loop3A_2076 = tpu.vector_load %arg16[%parallel_loop3A_2073, %parallel_loop3A_2074, %parallel_loop3A_2075] {strides = array<i32>} : memref<2x64x128xf32, #tpu.memory_space<vmem>>, vector<16xf32>,
        %parallel_loop3A_2077 = arith.index_cast %parallel_loop3A_2060 : i32 to index
        %parallel_loop3A_2078 = arith.constant 16 : index
        %parallel_loop3A_2079 = tpu.vector_load %arg10[%parallel_loop3A_2077, %parallel_loop3A_2078] {strides = array<i32>} : memref<512x128xf32, #tpu.memory_space<vmem>>, vector<16xf32>,
        %parallel_loop3A_2080 = arith.addf %parallel_loop3A_2076, %parallel_loop3A_2079 : vector<16xf32>
        %parallel_loop3A_2081 = arith.mulf %parallel_loop3A_2059, %sub3A_66 : vector<16xf32>
        %parallel_loop3A_2082 = arith.addf %parallel_loop3A_2080, %parallel_loop3A_2081 : vector<16xf32>
        %parallel_loop3A_2083 = arith.constant 1 : i32
        %parallel_loop3A_2084 = arith.index_cast %parallel_loop3A_2083 : i32 to index
        %parallel_loop3A_2085 = arith.index_cast %parallel_loop3A_2054 : i32 to index
        %parallel_loop3A_2086 = arith.constant 32 : index
        %parallel_loop3A_2087 = tpu.vector_load %arg16[%parallel_loop3A_2084, %parallel_loop3A_2085, %parallel_loop3A_2086] {strides = array<i32>} : memref<2x64x128xf32, #tpu.memory_space<vmem>>, vector<16xf32>,
        %parallel_loop3A_2088 = arith.index_cast %parallel_loop3A_2060 : i32 to index
        %parallel_loop3A_2089 = arith.constant 32 : index
        %parallel_loop3A_2090 = tpu.vector_load %arg10[%parallel_loop3A_2088, %parallel_loop3A_2089] {strides = array<i32>} : memref<512x128xf32, #tpu.memory_space<vmem>>, vector<16xf32>,
        %parallel_loop3A_2091 = arith.addf %parallel_loop3A_2087, %parallel_loop3A_2090 : vector<16xf32>
        %parallel_loop3A_2092 = arith.mulf %parallel_loop3A_2059, %sub3A_67 : vector<16xf32>
        %parallel_loop3A_2093 = arith.addf %parallel_loop3A_2091, %parallel_loop3A_2092 : vector<16xf32>
        %parallel_loop3A_2094 = arith.constant 1 : i32
        %parallel_loop3A_2095 = arith.index_cast %parallel_loop3A_2094 : i32 to index
        %parallel_loop3A_2096 = arith.index_cast %parallel_loop3A_2054 : i32 to index
        %parallel_loop3A_2097 = arith.constant 48 : index
        %parallel_loop3A_2098 = tpu.vector_load %arg16[%parallel_loop3A_2095, %parallel_loop3A_2096, %parallel_loop3A_2097] {strides = array<i32>} : memref<2x64x128xf32, #tpu.memory_space<vmem>>, vector<16xf32>,
        %parallel_loop3A_2099 = arith.index_cast %parallel_loop3A_2060 : i32 to index
        %parallel_loop3A_2100 = arith.constant 48 : index
        %parallel_loop3A_2101 = tpu.vector_load %arg10[%parallel_loop3A_2099, %parallel_loop3A_2100] {strides = array<i32>} : memref<512x128xf32, #tpu.memory_space<vmem>>, vector<16xf32>,
        %parallel_loop3A_2102 = arith.addf %parallel_loop3A_2098, %parallel_loop3A_2101 : vector<16xf32>
        %parallel_loop3A_2103 = arith.mulf %parallel_loop3A_2059, %sub3A_68 : vector<16xf32>
        %parallel_loop3A_2104 = arith.addf %parallel_loop3A_2102, %parallel_loop3A_2103 : vector<16xf32>
        %parallel_loop3A_2105 = arith.constant 1 : i32
        %parallel_loop3A_2106 = arith.index_cast %parallel_loop3A_2105 : i32 to index
        %parallel_loop3A_2107 = arith.index_cast %parallel_loop3A_2054 : i32 to index
        %parallel_loop3A_2108 = arith.constant 64 : index
        %parallel_loop3A_2109 = tpu.vector_load %arg16[%parallel_loop3A_2106, %parallel_loop3A_2107, %parallel_loop3A_2108] {strides = array<i32>} : memref<2x64x128xf32, #tpu.memory_space<vmem>>, vector<16xf32>,
        %parallel_loop3A_2110 = arith.index_cast %parallel_loop3A_2060 : i32 to index
        %parallel_loop3A_2111 = arith.constant 64 : index
        %parallel_loop3A_2112 = tpu.vector_load %arg10[%parallel_loop3A_2110, %parallel_loop3A_2111] {strides = array<i32>} : memref<512x128xf32, #tpu.memory_space<vmem>>, vector<16xf32>,
        %parallel_loop3A_2113 = arith.addf %parallel_loop3A_2109, %parallel_loop3A_2112 : vector<16xf32>
        %parallel_loop3A_2114 = arith.mulf %parallel_loop3A_2059, %sub3A_69 : vector<16xf32>
        %parallel_loop3A_2115 = arith.addf %parallel_loop3A_2113, %parallel_loop3A_2114 : vector<16xf32>
        %parallel_loop3A_2116 = arith.constant 1 : i32
        %parallel_loop3A_2117 = arith.index_cast %parallel_loop3A_2116 : i32 to index
        %parallel_loop3A_2118 = arith.index_cast %parallel_loop3A_2054 : i32 to index
        %parallel_loop3A_2119 = arith.constant 80 : index
        %parallel_loop3A_2120 = tpu.vector_load %arg16[%parallel_loop3A_2117, %parallel_loop3A_2118, %parallel_loop3A_2119] {strides = array<i32>} : memref<2x64x128xf32, #tpu.memory_space<vmem>>, vector<16xf32>,
        %parallel_loop3A_2121 = arith.index_cast %parallel_loop3A_2060 : i32 to index
        %parallel_loop3A_2122 = arith.constant 80 : index
        %parallel_loop3A_2123 = tpu.vector_load %arg10[%parallel_loop3A_2121, %parallel_loop3A_2122] {strides = array<i32>} : memref<512x128xf32, #tpu.memory_space<vmem>>, vector<16xf32>,
        %parallel_loop3A_2124 = arith.addf %parallel_loop3A_2120, %parallel_loop3A_2123 : vector<16xf32>
        %parallel_loop3A_2125 = arith.mulf %parallel_loop3A_2059, %sub3A_70 : vector<16xf32>
        %parallel_loop3A_2126 = arith.addf %parallel_loop3A_2124, %parallel_loop3A_2125 : vector<16xf32>
        %parallel_loop3A_2127 = arith.constant 1 : i32
        %parallel_loop3A_2128 = arith.index_cast %parallel_loop3A_2127 : i32 to index
        %parallel_loop3A_2129 = arith.index_cast %parallel_loop3A_2054 : i32 to index
        %parallel_loop3A_2130 = arith.constant 96 : index
        %parallel_loop3A_2131 = tpu.vector_load %arg16[%parallel_loop3A_2128, %parallel_loop3A_2129, %parallel_loop3A_2130] {strides = array<i32>} : memref<2x64x128xf32, #tpu.memory_space<vmem>>, vector<16xf32>,
        %parallel_loop3A_2132 = arith.index_cast %parallel_loop3A_2060 : i32 to index
        %parallel_loop3A_2133 = arith.constant 96 : index
        %parallel_loop3A_2134 = tpu.vector_load %arg10[%parallel_loop3A_2132, %parallel_loop3A_2133] {strides = array<i32>} : memref<512x128xf32, #tpu.memory_space<vmem>>, vector<16xf32>,
        %parallel_loop3A_2135 = arith.addf %parallel_loop3A_2131, %parallel_loop3A_2134 : vector<16xf32>
        %parallel_loop3A_2136 = arith.mulf %parallel_loop3A_2059, %sub3A_71 : vector<16xf32>
        %parallel_loop3A_2137 = arith.addf %parallel_loop3A_2135, %parallel_loop3A_2136 : vector<16xf32>
        %parallel_loop3A_2138 = arith.constant 1 : i32
        %parallel_loop3A_2139 = arith.index_cast %parallel_loop3A_2138 : i32 to index
        %parallel_loop3A_2140 = arith.index_cast %parallel_loop3A_2054 : i32 to index
        %parallel_loop3A_2141 = arith.constant 112 : index
        %parallel_loop3A_2142 = tpu.vector_load %arg16[%parallel_loop3A_2139, %parallel_loop3A_2140, %parallel_loop3A_2141] {strides = array<i32>} : memref<2x64x128xf32, #tpu.memory_space<vmem>>, vector<16xf32>,
        %parallel_loop3A_2143 = arith.index_cast %parallel_loop3A_2060 : i32 to index
        %parallel_loop3A_2144 = arith.constant 112 : index
        %parallel_loop3A_2145 = tpu.vector_load %arg10[%parallel_loop3A_2143, %parallel_loop3A_2144] {strides = array<i32>} : memref<512x128xf32, #tpu.memory_space<vmem>>, vector<16xf32>,
        %parallel_loop3A_2146 = arith.addf %parallel_loop3A_2142, %parallel_loop3A_2145 : vector<16xf32>
        %parallel_loop3A_2147 = arith.mulf %parallel_loop3A_2059, %sub3A_72 : vector<16xf32>
        %parallel_loop3A_2148 = arith.addf %parallel_loop3A_2146, %parallel_loop3A_2147 : vector<16xf32>
        %parallel_loop3A_2149 = arith.constant 1 : i32
        %parallel_loop3A_2150 = arith.index_cast %parallel_loop3A_2149 : i32 to index
        %parallel_loop3A_2151 = arith.index_cast %parallel_loop3A_2054 : i32 to index
        %parallel_loop3A_2152 = arith.constant 0 : index
        %parallel_loop3A_2153 = tpu.vector_load %arg17[%parallel_loop3A_2150, %parallel_loop3A_2151, %parallel_loop3A_2152] {strides = array<i32>} : memref<2x64x128xf32, #tpu.memory_space<vmem>>, vector<16xf32>,
        tpu.vector_store %arg17[%parallel_loop3A_2150, %parallel_loop3A_2151, %parallel_loop3A_2152], %parallel_loop3A_2071 {strides = array<i32>} : memref<2x64x128xf32, #tpu.memory_space<vmem>>, vector<16xf32>,
        %parallel_loop3A_2154 = arith.constant 1 : i32
        %parallel_loop3A_2155 = arith.index_cast %parallel_loop3A_2154 : i32 to index
        %parallel_loop3A_2156 = arith.index_cast %parallel_loop3A_2054 : i32 to index
        %parallel_loop3A_2157 = arith.constant 16 : index
        %parallel_loop3A_2158 = tpu.vector_load %arg17[%parallel_loop3A_2155, %parallel_loop3A_2156, %parallel_loop3A_2157] {strides = array<i32>} : memref<2x64x128xf32, #tpu.memory_space<vmem>>, vector<16xf32>,
        tpu.vector_store %arg17[%parallel_loop3A_2155, %parallel_loop3A_2156, %parallel_loop3A_2157], %parallel_loop3A_2082 {strides = array<i32>} : memref<2x64x128xf32, #tpu.memory_space<vmem>>, vector<16xf32>,
        %parallel_loop3A_2159 = arith.constant 1 : i32
        %parallel_loop3A_2160 = arith.index_cast %parallel_loop3A_2159 : i32 to index
        %parallel_loop3A_2161 = arith.index_cast %parallel_loop3A_2054 : i32 to index
        %parallel_loop3A_2162 = arith.constant 32 : index
        %parallel_loop3A_2163 = tpu.vector_load %arg17[%parallel_loop3A_2160, %parallel_loop3A_2161, %parallel_loop3A_2162] {strides = array<i32>} : memref<2x64x128xf32, #tpu.memory_space<vmem>>, vector<16xf32>,
        tpu.vector_store %arg17[%parallel_loop3A_2160, %parallel_loop3A_2161, %parallel_loop3A_2162], %parallel_loop3A_2093 {strides = array<i32>} : memref<2x64x128xf32, #tpu.memory_space<vmem>>, vector<16xf32>,
        %parallel_loop3A_2164 = arith.constant 1 : i32
        %parallel_loop3A_2165 = arith.index_cast %parallel_loop3A_2164 : i32 to index
        %parallel_loop3A_2166 = arith.index_cast %parallel_loop3A_2054 : i32 to index
        %parallel_loop3A_2167 = arith.constant 48 : index
        %parallel_loop3A_2168 = tpu.vector_load %arg17[%parallel_loop3A_2165, %parallel_loop3A_2166, %parallel_loop3A_2167] {strides = array<i32>} : memref<2x64x128xf32, #tpu.memory_space<vmem>>, vector<16xf32>,
        tpu.vector_store %arg17[%parallel_loop3A_2165, %parallel_loop3A_2166, %parallel_loop3A_2167], %parallel_loop3A_2104 {strides = array<i32>} : memref<2x64x128xf32, #tpu.memory_space<vmem>>, vector<16xf32>,
        %parallel_loop3A_2169 = arith.constant 1 : i32
        %parallel_loop3A_2170 = arith.index_cast %parallel_loop3A_2169 : i32 to index
        %parallel_loop3A_2171 = arith.index_cast %parallel_loop3A_2054 : i32 to index
        %parallel_loop3A_2172 = arith.constant 64 : index
        %parallel_loop3A_2173 = tpu.vector_load %arg17[%parallel_loop3A_2170, %parallel_loop3A_2171, %parallel_loop3A_2172] {strides = array<i32>} : memref<2x64x128xf32, #tpu.memory_space<vmem>>, vector<16xf32>,
        tpu.vector_store %arg17[%parallel_loop3A_2170, %parallel_loop3A_2171, %parallel_loop3A_2172], %parallel_loop3A_2115 {strides = array<i32>} : memref<2x64x128xf32, #tpu.memory_space<vmem>>, vector<16xf32>,
        %parallel_loop3A_2174 = arith.constant 1 : i32
        %parallel_loop3A_2175 = arith.index_cast %parallel_loop3A_2174 : i32 to index
        %parallel_loop3A_2176 = arith.index_cast %parallel_loop3A_2054 : i32 to index
        %parallel_loop3A_2177 = arith.constant 80 : index
        %parallel_loop3A_2178 = tpu.vector_load %arg17[%parallel_loop3A_2175, %parallel_loop3A_2176, %parallel_loop3A_2177] {strides = array<i32>} : memref<2x64x128xf32, #tpu.memory_space<vmem>>, vector<16xf32>,
        tpu.vector_store %arg17[%parallel_loop3A_2175, %parallel_loop3A_2176, %parallel_loop3A_2177], %parallel_loop3A_2126 {strides = array<i32>} : memref<2x64x128xf32, #tpu.memory_space<vmem>>, vector<16xf32>,
        %parallel_loop3A_2179 = arith.constant 1 : i32
        %parallel_loop3A_2180 = arith.index_cast %parallel_loop3A_2179 : i32 to index
        %parallel_loop3A_2181 = arith.index_cast %parallel_loop3A_2054 : i32 to index
        %parallel_loop3A_2182 = arith.constant 96 : index
        %parallel_loop3A_2183 = tpu.vector_load %arg17[%parallel_loop3A_2180, %parallel_loop3A_2181, %parallel_loop3A_2182] {strides = array<i32>} : memref<2x64x128xf32, #tpu.memory_space<vmem>>, vector<16xf32>,
        tpu.vector_store %arg17[%parallel_loop3A_2180, %parallel_loop3A_2181, %parallel_loop3A_2182], %parallel_loop3A_2137 {strides = array<i32>} : memref<2x64x128xf32, #tpu.memory_space<vmem>>, vector<16xf32>,
        %parallel_loop3A_2184 = arith.constant 1 : i32
        %parallel_loop3A_2185 = arith.index_cast %parallel_loop3A_2184 : i32 to index
        %parallel_loop3A_2186 = arith.index_cast %parallel_loop3A_2054 : i32 to index
        %parallel_loop3A_2187 = arith.constant 112 : index
        %parallel_loop3A_2188 = tpu.vector_load %arg17[%parallel_loop3A_2185, %parallel_loop3A_2186, %parallel_loop3A_2187] {strides = array<i32>} : memref<2x64x128xf32, #tpu.memory_space<vmem>>, vector<16xf32>,
        tpu.vector_store %arg17[%parallel_loop3A_2185, %parallel_loop3A_2186, %parallel_loop3A_2187], %parallel_loop3A_2148 {strides = array<i32>} : memref<2x64x128xf32, #tpu.memory_space<vmem>>, vector<16xf32>,
        %parallel_loop3A_2189 = arith.addf %parallel_loop3A_2071, %parallel_loop3A_2082 : vector<16xf32>
        %parallel_loop3A_2190 = arith.addf %parallel_loop3A_2093, %parallel_loop3A_2104 : vector<16xf32>
        %parallel_loop3A_2191 = arith.addf %parallel_loop3A_2115, %parallel_loop3A_2126 : vector<16xf32>
        %parallel_loop3A_2192 = arith.addf %parallel_loop3A_2137, %parallel_loop3A_2148 : vector<16xf32>
        %parallel_loop3A_2193 = arith.addf %parallel_loop3A_2189, %parallel_loop3A_2190 : vector<16xf32>
        %parallel_loop3A_2194 = arith.addf %parallel_loop3A_2191, %parallel_loop3A_2192 : vector<16xf32>
        %parallel_loop3A_2195 = arith.addf %parallel_loop3A_2193, %parallel_loop3A_2194 : vector<16xf32>
        %parallel_loop3A_2196 = arith.constant 16 : i32
        %parallel_loop3A_2197 = arith.muli %parallel_loop3A_2054, %parallel_loop3A_2196 : i32
        %parallel_loop3A_2198 = arith.index_cast %parallel_loop3A_2197 : i32 to index
        %parallel_loop3A_2199 = tpu.vector_load %arg18[%parallel_loop3A_2198] {strides = array<i32>} : memref<2048xf32, #tpu.memory_space<vmem>>, vector<16xf32>,
        tpu.vector_store %arg18[%parallel_loop3A_2198], %parallel_loop3A_2195 {strides = array<i32>} : memref<2048xf32, #tpu.memory_space<vmem>>, vector<16xf32>,
        %parallel_loop3A_2200 = arith.mulf %parallel_loop3A_2071, %parallel_loop3A_2071 : vector<16xf32>
        %parallel_loop3A_2201 = arith.mulf %parallel_loop3A_2082, %parallel_loop3A_2082 : vector<16xf32>
        %parallel_loop3A_2202 = arith.mulf %parallel_loop3A_2093, %parallel_loop3A_2093 : vector<16xf32>
        %parallel_loop3A_2203 = arith.mulf %parallel_loop3A_2104, %parallel_loop3A_2104 : vector<16xf32>
        %parallel_loop3A_2204 = arith.mulf %parallel_loop3A_2115, %parallel_loop3A_2115 : vector<16xf32>
        %parallel_loop3A_2205 = arith.mulf %parallel_loop3A_2126, %parallel_loop3A_2126 : vector<16xf32>
        %parallel_loop3A_2206 = arith.mulf %parallel_loop3A_2137, %parallel_loop3A_2137 : vector<16xf32>
        %parallel_loop3A_2207 = arith.mulf %parallel_loop3A_2148, %parallel_loop3A_2148 : vector<16xf32>
        %parallel_loop3A_2208 = arith.addf %parallel_loop3A_2200, %parallel_loop3A_2201 : vector<16xf32>
        %parallel_loop3A_2209 = arith.addf %parallel_loop3A_2202, %parallel_loop3A_2203 : vector<16xf32>
        %parallel_loop3A_2210 = arith.addf %parallel_loop3A_2204, %parallel_loop3A_2205 : vector<16xf32>
        %parallel_loop3A_2211 = arith.addf %parallel_loop3A_2206, %parallel_loop3A_2207 : vector<16xf32>
        %parallel_loop3A_2212 = arith.addf %parallel_loop3A_2208, %parallel_loop3A_2209 : vector<16xf32>
        %parallel_loop3A_2213 = arith.addf %parallel_loop3A_2210, %parallel_loop3A_2211 : vector<16xf32>
        %parallel_loop3A_2214 = arith.addf %parallel_loop3A_2212, %parallel_loop3A_2213 : vector<16xf32>
        %parallel_loop3A_2215 = arith.constant 16 : i32
        %parallel_loop3A_2216 = arith.muli %parallel_loop3A_2054, %parallel_loop3A_2215 : i32
        %parallel_loop3A_2217 = arith.constant 1024 : i32
        %parallel_loop3A_2218 = arith.addi %parallel_loop3A_2217, %parallel_loop3A_2216 : i32
        %parallel_loop3A_2219 = arith.index_cast %parallel_loop3A_2218 : i32 to index
        %parallel_loop3A_2220 = tpu.vector_load %arg18[%parallel_loop3A_2219] {strides = array<i32>} : memref<2048xf32, #tpu.memory_space<vmem>>, vector<16xf32>,
        tpu.vector_store %arg18[%parallel_loop3A_2219], %parallel_loop3A_2214 {strides = array<i32>} : memref<2048xf32, #tpu.memory_space<vmem>>, vector<16xf32>,
      } {sc.loop_unroll_factor = 1 : i64, sc.parallel_access}
      %mul3A_1179 = arith.constant 16 : i32
      %mul3A_1180 = vector.broadcast %mul3A_1179 : i32 to vector<16xi32>
      %mul3A_1181 = arith.muli %iota3A_1144, %mul3A_1180 : vector<16xi32>
      %add3A_1182 = arith.constant 0 : i32
      %add3A_1183 = vector.broadcast %add3A_1182 : i32 to vector<16xi32>
      %add3A_1184 = arith.addi %mul3A_1181, %add3A_1183 : vector<16xi32>
      %add3A_1185 = arith.constant 1024 : i32
      %add3A_1186 = vector.broadcast %add3A_1185 : i32 to vector<16xi32>
      %add3A_1187 = arith.addi %add3A_1184, %add3A_1186 : vector<16xi32>
      %add3A_1188 = arith.constant 0 : i32
      %add3A_1189 = vector.broadcast %add3A_1188 : i32 to vector<16xi32>
      %add3A_1190 = arith.addi %add3A_1184, %add3A_1189 : vector<16xi32>
      %gather3A_1191 = tpu.vector_load_idx %arg18[%add3A_1190] : memref<2048xf32, #tpu.memory_space<vmem>>[vector<16xi32>], vector<16xf32>,
      %add3A_1192 = arith.constant 0 : i32
      %add3A_1193 = vector.broadcast %add3A_1192 : i32 to vector<16xi32>
      %add3A_1194 = arith.addi %add3A_1187, %add3A_1193 : vector<16xi32>
      %gather3A_1195 = tpu.vector_load_idx %arg18[%add3A_1194] : memref<2048xf32, #tpu.memory_space<vmem>>[vector<16xi32>], vector<16xf32>,
      %add3A_1196 = arith.constant 1 : i32
      %add3A_1197 = vector.broadcast %add3A_1196 : i32 to vector<16xi32>
      %add3A_1198 = arith.addi %add3A_1184, %add3A_1197 : vector<16xi32>
      %gather3A_1199 = tpu.vector_load_idx %arg18[%add3A_1198] : memref<2048xf32, #tpu.memory_space<vmem>>[vector<16xi32>], vector<16xf32>,
      %add3A_1200 = arith.constant 1 : i32
      %add3A_1201 = vector.broadcast %add3A_1200 : i32 to vector<16xi32>
      %add3A_1202 = arith.addi %add3A_1187, %add3A_1201 : vector<16xi32>
      %gather3A_1203 = tpu.vector_load_idx %arg18[%add3A_1202] : memref<2048xf32, #tpu.memory_space<vmem>>[vector<16xi32>], vector<16xf32>,
      %add3A_1204 = arith.constant 2 : i32
      %add3A_1205 = vector.broadcast %add3A_1204 : i32 to vector<16xi32>
      %add3A_1206 = arith.addi %add3A_1184, %add3A_1205 : vector<16xi32>
      %gather3A_1207 = tpu.vector_load_idx %arg18[%add3A_1206] : memref<2048xf32, #tpu.memory_space<vmem>>[vector<16xi32>], vector<16xf32>,
      %add3A_1208 = arith.constant 2 : i32
      %add3A_1209 = vector.broadcast %add3A_1208 : i32 to vector<16xi32>
      %add3A_1210 = arith.addi %add3A_1187, %add3A_1209 : vector<16xi32>
      %gather3A_1211 = tpu.vector_load_idx %arg18[%add3A_1210] : memref<2048xf32, #tpu.memory_space<vmem>>[vector<16xi32>], vector<16xf32>,
      %add3A_1212 = arith.constant 3 : i32
      %add3A_1213 = vector.broadcast %add3A_1212 : i32 to vector<16xi32>
      %add3A_1214 = arith.addi %add3A_1184, %add3A_1213 : vector<16xi32>
      %gather3A_1215 = tpu.vector_load_idx %arg18[%add3A_1214] : memref<2048xf32, #tpu.memory_space<vmem>>[vector<16xi32>], vector<16xf32>,
      %add3A_1216 = arith.constant 3 : i32
      %add3A_1217 = vector.broadcast %add3A_1216 : i32 to vector<16xi32>
      %add3A_1218 = arith.addi %add3A_1187, %add3A_1217 : vector<16xi32>
      %gather3A_1219 = tpu.vector_load_idx %arg18[%add3A_1218] : memref<2048xf32, #tpu.memory_space<vmem>>[vector<16xi32>], vector<16xf32>,
      %add3A_1220 = arith.constant 4 : i32
      %add3A_1221 = vector.broadcast %add3A_1220 : i32 to vector<16xi32>
      %add3A_1222 = arith.addi %add3A_1184, %add3A_1221 : vector<16xi32>
      %gather3A_1223 = tpu.vector_load_idx %arg18[%add3A_1222] : memref<2048xf32, #tpu.memory_space<vmem>>[vector<16xi32>], vector<16xf32>,
      %add3A_1224 = arith.constant 4 : i32
      %add3A_1225 = vector.broadcast %add3A_1224 : i32 to vector<16xi32>
      %add3A_1226 = arith.addi %add3A_1187, %add3A_1225 : vector<16xi32>
      %gather3A_1227 = tpu.vector_load_idx %arg18[%add3A_1226] : memref<2048xf32, #tpu.memory_space<vmem>>[vector<16xi32>], vector<16xf32>,
      %add3A_1228 = arith.constant 5 : i32
      %add3A_1229 = vector.broadcast %add3A_1228 : i32 to vector<16xi32>
      %add3A_1230 = arith.addi %add3A_1184, %add3A_1229 : vector<16xi32>
      %gather3A_1231 = tpu.vector_load_idx %arg18[%add3A_1230] : memref<2048xf32, #tpu.memory_space<vmem>>[vector<16xi32>], vector<16xf32>,
      %add3A_1232 = arith.constant 5 : i32
      %add3A_1233 = vector.broadcast %add3A_1232 : i32 to vector<16xi32>
      %add3A_1234 = arith.addi %add3A_1187, %add3A_1233 : vector<16xi32>
      %gather3A_1235 = tpu.vector_load_idx %arg18[%add3A_1234] : memref<2048xf32, #tpu.memory_space<vmem>>[vector<16xi32>], vector<16xf32>,
      %add3A_1236 = arith.constant 6 : i32
      %add3A_1237 = vector.broadcast %add3A_1236 : i32 to vector<16xi32>
      %add3A_1238 = arith.addi %add3A_1184, %add3A_1237 : vector<16xi32>
      %gather3A_1239 = tpu.vector_load_idx %arg18[%add3A_1238] : memref<2048xf32, #tpu.memory_space<vmem>>[vector<16xi32>], vector<16xf32>,
      %add3A_1240 = arith.constant 6 : i32
      %add3A_1241 = vector.broadcast %add3A_1240 : i32 to vector<16xi32>
      %add3A_1242 = arith.addi %add3A_1187, %add3A_1241 : vector<16xi32>
      %gather3A_1243 = tpu.vector_load_idx %arg18[%add3A_1242] : memref<2048xf32, #tpu.memory_space<vmem>>[vector<16xi32>], vector<16xf32>,
      %add3A_1244 = arith.constant 7 : i32
      %add3A_1245 = vector.broadcast %add3A_1244 : i32 to vector<16xi32>
      %add3A_1246 = arith.addi %add3A_1184, %add3A_1245 : vector<16xi32>
      %gather3A_1247 = tpu.vector_load_idx %arg18[%add3A_1246] : memref<2048xf32, #tpu.memory_space<vmem>>[vector<16xi32>], vector<16xf32>,
      %add3A_1248 = arith.constant 7 : i32
      %add3A_1249 = vector.broadcast %add3A_1248 : i32 to vector<16xi32>
      %add3A_1250 = arith.addi %add3A_1187, %add3A_1249 : vector<16xi32>
      %gather3A_1251 = tpu.vector_load_idx %arg18[%add3A_1250] : memref<2048xf32, #tpu.memory_space<vmem>>[vector<16xi32>], vector<16xf32>,
      %add3A_1252 = arith.constant 8 : i32
      %add3A_1253 = vector.broadcast %add3A_1252 : i32 to vector<16xi32>
      %add3A_1254 = arith.addi %add3A_1184, %add3A_1253 : vector<16xi32>
      %gather3A_1255 = tpu.vector_load_idx %arg18[%add3A_1254] : memref<2048xf32, #tpu.memory_space<vmem>>[vector<16xi32>], vector<16xf32>,
      %add3A_1256 = arith.constant 8 : i32
      %add3A_1257 = vector.broadcast %add3A_1256 : i32 to vector<16xi32>
      %add3A_1258 = arith.addi %add3A_1187, %add3A_1257 : vector<16xi32>
      %gather3A_1259 = tpu.vector_load_idx %arg18[%add3A_1258] : memref<2048xf32, #tpu.memory_space<vmem>>[vector<16xi32>], vector<16xf32>,
      %add3A_1260 = arith.constant 9 : i32
      %add3A_1261 = vector.broadcast %add3A_1260 : i32 to vector<16xi32>
      %add3A_1262 = arith.addi %add3A_1184, %add3A_1261 : vector<16xi32>
      %gather3A_1263 = tpu.vector_load_idx %arg18[%add3A_1262] : memref<2048xf32, #tpu.memory_space<vmem>>[vector<16xi32>], vector<16xf32>,
      %add3A_1264 = arith.constant 9 : i32
      %add3A_1265 = vector.broadcast %add3A_1264 : i32 to vector<16xi32>
      %add3A_1266 = arith.addi %add3A_1187, %add3A_1265 : vector<16xi32>
      %gather3A_1267 = tpu.vector_load_idx %arg18[%add3A_1266] : memref<2048xf32, #tpu.memory_space<vmem>>[vector<16xi32>], vector<16xf32>,
      %add3A_1268 = arith.constant 10 : i32
      %add3A_1269 = vector.broadcast %add3A_1268 : i32 to vector<16xi32>
      %add3A_1270 = arith.addi %add3A_1184, %add3A_1269 : vector<16xi32>
      %gather3A_1271 = tpu.vector_load_idx %arg18[%add3A_1270] : memref<2048xf32, #tpu.memory_space<vmem>>[vector<16xi32>], vector<16xf32>,
      %add3A_1272 = arith.constant 10 : i32
      %add3A_1273 = vector.broadcast %add3A_1272 : i32 to vector<16xi32>
      %add3A_1274 = arith.addi %add3A_1187, %add3A_1273 : vector<16xi32>
      %gather3A_1275 = tpu.vector_load_idx %arg18[%add3A_1274] : memref<2048xf32, #tpu.memory_space<vmem>>[vector<16xi32>], vector<16xf32>,
      %add3A_1276 = arith.constant 11 : i32
      %add3A_1277 = vector.broadcast %add3A_1276 : i32 to vector<16xi32>
      %add3A_1278 = arith.addi %add3A_1184, %add3A_1277 : vector<16xi32>
      %gather3A_1279 = tpu.vector_load_idx %arg18[%add3A_1278] : memref<2048xf32, #tpu.memory_space<vmem>>[vector<16xi32>], vector<16xf32>,
      %add3A_1280 = arith.constant 11 : i32
      %add3A_1281 = vector.broadcast %add3A_1280 : i32 to vector<16xi32>
      %add3A_1282 = arith.addi %add3A_1187, %add3A_1281 : vector<16xi32>
      %gather3A_1283 = tpu.vector_load_idx %arg18[%add3A_1282] : memref<2048xf32, #tpu.memory_space<vmem>>[vector<16xi32>], vector<16xf32>,
      %add3A_1284 = arith.constant 12 : i32
      %add3A_1285 = vector.broadcast %add3A_1284 : i32 to vector<16xi32>
      %add3A_1286 = arith.addi %add3A_1184, %add3A_1285 : vector<16xi32>
      %gather3A_1287 = tpu.vector_load_idx %arg18[%add3A_1286] : memref<2048xf32, #tpu.memory_space<vmem>>[vector<16xi32>], vector<16xf32>,
      %add3A_1288 = arith.constant 12 : i32
      %add3A_1289 = vector.broadcast %add3A_1288 : i32 to vector<16xi32>
      %add3A_1290 = arith.addi %add3A_1187, %add3A_1289 : vector<16xi32>
      %gather3A_1291 = tpu.vector_load_idx %arg18[%add3A_1290] : memref<2048xf32, #tpu.memory_space<vmem>>[vector<16xi32>], vector<16xf32>,
      %add3A_1292 = arith.constant 13 : i32
      %add3A_1293 = vector.broadcast %add3A_1292 : i32 to vector<16xi32>
      %add3A_1294 = arith.addi %add3A_1184, %add3A_1293 : vector<16xi32>
      %gather3A_1295 = tpu.vector_load_idx %arg18[%add3A_1294] : memref<2048xf32, #tpu.memory_space<vmem>>[vector<16xi32>], vector<16xf32>,
      %add3A_1296 = arith.constant 13 : i32
      %add3A_1297 = vector.broadcast %add3A_1296 : i32 to vector<16xi32>
      %add3A_1298 = arith.addi %add3A_1187, %add3A_1297 : vector<16xi32>
      %gather3A_1299 = tpu.vector_load_idx %arg18[%add3A_1298] : memref<2048xf32, #tpu.memory_space<vmem>>[vector<16xi32>], vector<16xf32>,
      %add3A_1300 = arith.constant 14 : i32
      %add3A_1301 = vector.broadcast %add3A_1300 : i32 to vector<16xi32>
      %add3A_1302 = arith.addi %add3A_1184, %add3A_1301 : vector<16xi32>
      %gather3A_1303 = tpu.vector_load_idx %arg18[%add3A_1302] : memref<2048xf32, #tpu.memory_space<vmem>>[vector<16xi32>], vector<16xf32>,
      %add3A_1304 = arith.constant 14 : i32
      %add3A_1305 = vector.broadcast %add3A_1304 : i32 to vector<16xi32>
      %add3A_1306 = arith.addi %add3A_1187, %add3A_1305 : vector<16xi32>
      %gather3A_1307 = tpu.vector_load_idx %arg18[%add3A_1306] : memref<2048xf32, #tpu.memory_space<vmem>>[vector<16xi32>], vector<16xf32>,
      %add3A_1308 = arith.constant 15 : i32
      %add3A_1309 = vector.broadcast %add3A_1308 : i32 to vector<16xi32>
      %add3A_1310 = arith.addi %add3A_1184, %add3A_1309 : vector<16xi32>
      %gather3A_1311 = tpu.vector_load_idx %arg18[%add3A_1310] : memref<2048xf32, #tpu.memory_space<vmem>>[vector<16xi32>], vector<16xf32>,
      %add3A_1312 = arith.constant 15 : i32
      %add3A_1313 = vector.broadcast %add3A_1312 : i32 to vector<16xi32>
      %add3A_1314 = arith.addi %add3A_1187, %add3A_1313 : vector<16xi32>
      %gather3A_1315 = tpu.vector_load_idx %arg18[%add3A_1314] : memref<2048xf32, #tpu.memory_space<vmem>>[vector<16xi32>], vector<16xf32>,
      %add3A_1316 = arith.addf %gather3A_1191, %gather3A_1199 : vector<16xf32>
      %add3A_1317 = arith.addf %gather3A_1207, %gather3A_1215 : vector<16xf32>
      %add3A_1318 = arith.addf %gather3A_1223, %gather3A_1231 : vector<16xf32>
      %add3A_1319 = arith.addf %gather3A_1239, %gather3A_1247 : vector<16xf32>
      %add3A_1320 = arith.addf %gather3A_1255, %gather3A_1263 : vector<16xf32>
      %add3A_1321 = arith.addf %gather3A_1271, %gather3A_1279 : vector<16xf32>
      %add3A_1322 = arith.addf %gather3A_1287, %gather3A_1295 : vector<16xf32>
      %add3A_1323 = arith.addf %gather3A_1303, %gather3A_1311 : vector<16xf32>
      %add3A_1324 = arith.addf %add3A_1316, %add3A_1317 : vector<16xf32>
      %add3A_1325 = arith.addf %add3A_1318, %add3A_1319 : vector<16xf32>
      %add3A_1326 = arith.addf %add3A_1320, %add3A_1321 : vector<16xf32>
      %add3A_1327 = arith.addf %add3A_1322, %add3A_1323 : vector<16xf32>
      %add3A_1328 = arith.addf %add3A_1324, %add3A_1325 : vector<16xf32>
      %add3A_1329 = arith.addf %add3A_1326, %add3A_1327 : vector<16xf32>
      %add3A_1330 = arith.addf %add3A_1328, %add3A_1329 : vector<16xf32>
      %add3A_1331 = arith.addf %gather3A_1195, %gather3A_1203 : vector<16xf32>
      %add3A_1332 = arith.addf %gather3A_1211, %gather3A_1219 : vector<16xf32>
      %add3A_1333 = arith.addf %gather3A_1227, %gather3A_1235 : vector<16xf32>
      %add3A_1334 = arith.addf %gather3A_1243, %gather3A_1251 : vector<16xf32>
      %add3A_1335 = arith.addf %gather3A_1259, %gather3A_1267 : vector<16xf32>
      %add3A_1336 = arith.addf %gather3A_1275, %gather3A_1283 : vector<16xf32>
      %add3A_1337 = arith.addf %gather3A_1291, %gather3A_1299 : vector<16xf32>
      %add3A_1338 = arith.addf %gather3A_1307, %gather3A_1315 : vector<16xf32>
      %add3A_1339 = arith.addf %add3A_1331, %add3A_1332 : vector<16xf32>
      %add3A_1340 = arith.addf %add3A_1333, %add3A_1334 : vector<16xf32>
      %add3A_1341 = arith.addf %add3A_1335, %add3A_1336 : vector<16xf32>
      %add3A_1342 = arith.addf %add3A_1337, %add3A_1338 : vector<16xf32>
      %add3A_1343 = arith.addf %add3A_1339, %add3A_1340 : vector<16xf32>
      %add3A_1344 = arith.addf %add3A_1341, %add3A_1342 : vector<16xf32>
      %add3A_1345 = arith.addf %add3A_1343, %add3A_1344 : vector<16xf32>
      %mul3A_1346 = arith.constant 7.812500e-03 : f32
      %mul3A_1347 = vector.broadcast %mul3A_1346 : f32 to vector<16xf32>
      %mul3A_1348 = arith.mulf %add3A_1330, %mul3A_1347 : vector<16xf32>
      %mul3A_1349 = arith.constant 7.812500e-03 : f32
      %mul3A_1350 = vector.broadcast %mul3A_1349 : f32 to vector<16xf32>
      %mul3A_1351 = arith.mulf %add3A_1345, %mul3A_1350 : vector<16xf32>
      %mul3A_1352 = arith.mulf %mul3A_1348, %mul3A_1348 : vector<16xf32>
      %sub3A_1353 = arith.subf %mul3A_1351, %mul3A_1352 : vector<16xf32>
      %add3A_1354 = arith.constant 9.99999974E-6 : f32
      %add3A_1355 = vector.broadcast %add3A_1354 : f32 to vector<16xf32>
      %add3A_1356 = arith.addf %sub3A_1353, %add3A_1355 : vector<16xf32>
      %bitcast_convert_type3A_1357 = tpu.bitcast %add3A_1356 : vector<16xf32> -> vector<16xi32>
      %broadcast_in_dim3A_1358 = arith.constant 1597463007 : i32
      %broadcast_in_dim3A_1359 = vector.broadcast %broadcast_in_dim3A_1358 : i32 to vector<16xi32>
      %broadcast_in_dim3A_1360 = arith.constant 1 : i32
      %broadcast_in_dim3A_1361 = vector.broadcast %broadcast_in_dim3A_1360 : i32 to vector<16xi32>
      %shift_right_arithmetic3A_1362 = arith.shrsi %bitcast_convert_type3A_1357, %broadcast_in_dim3A_1361 : vector<16xi32>
      %sub3A_1363 = arith.subi %broadcast_in_dim3A_1359, %shift_right_arithmetic3A_1362 : vector<16xi32>
      %bitcast_convert_type3A_1364 = tpu.bitcast %sub3A_1363 : vector<16xi32> -> vector<16xf32>
      %mul3A_1365 = arith.constant 5.000000e-01 : f32
      %mul3A_1366 = vector.broadcast %mul3A_1365 : f32 to vector<16xf32>
      %mul3A_1367 = arith.mulf %mul3A_1366, %add3A_1356 : vector<16xf32>
      %mul3A_1368 = arith.mulf %mul3A_1367, %bitcast_convert_type3A_1364 : vector<16xf32>
      %mul3A_1369 = arith.mulf %mul3A_1368, %bitcast_convert_type3A_1364 : vector<16xf32>
      %sub3A_1370 = arith.constant 1.500000e+00 : f32
      %sub3A_1371 = vector.broadcast %sub3A_1370 : f32 to vector<16xf32>
      %sub3A_1372 = arith.subf %sub3A_1371, %mul3A_1369 : vector<16xf32>
      %mul3A_1373 = arith.mulf %bitcast_convert_type3A_1364, %sub3A_1372 : vector<16xf32>
      %mul3A_1374 = arith.mulf %mul3A_1367, %mul3A_1373 : vector<16xf32>
      %mul3A_1375 = arith.mulf %mul3A_1374, %mul3A_1373 : vector<16xf32>
      %sub3A_1376 = arith.constant 1.500000e+00 : f32
      %sub3A_1377 = vector.broadcast %sub3A_1376 : f32 to vector<16xf32>
      %sub3A_1378 = arith.subf %sub3A_1377, %mul3A_1375 : vector<16xf32>
      %mul3A_1379 = arith.mulf %mul3A_1373, %sub3A_1378 : vector<16xf32>
      %mul3A_1380 = arith.mulf %mul3A_1367, %mul3A_1379 : vector<16xf32>
      %mul3A_1381 = arith.mulf %mul3A_1380, %mul3A_1379 : vector<16xf32>
      %sub3A_1382 = arith.constant 1.500000e+00 : f32
      %sub3A_1383 = vector.broadcast %sub3A_1382 : f32 to vector<16xf32>
      %sub3A_1384 = arith.subf %sub3A_1383, %mul3A_1381 : vector<16xf32>
      %mul3A_1385 = arith.mulf %mul3A_1379, %sub3A_1384 : vector<16xf32>
      %mul3A_1386 = arith.mulf %mul3A_1348, %mul3A_1385 : vector<16xf32>
      %swap3A_1387 = arith.constant 0 : index
      %swap3A_1388 = tpu.vector_load %arg20[%swap3A_1387] {strides = array<i32>} : memref<64xf32, #tpu.memory_space<vmem>>, vector<16xf32>,
      tpu.vector_store %arg20[%swap3A_1387], %mul3A_1386 {strides = array<i32>} : memref<64xf32, #tpu.memory_space<vmem>>, vector<16xf32>,
      %swap3A_1389 = arith.constant 0 : index
      %swap3A_1390 = tpu.vector_load %arg21[%swap3A_1389] {strides = array<i32>} : memref<64xf32, #tpu.memory_space<vmem>>, vector<16xf32>,
      tpu.vector_store %arg21[%swap3A_1389], %mul3A_1385 {strides = array<i32>} : memref<64xf32, #tpu.memory_space<vmem>>, vector<16xf32>,
      %mul3A_1391 = arith.constant 16 : i32
      %mul3A_1392 = vector.broadcast %mul3A_1391 : i32 to vector<16xi32>
      %mul3A_1393 = arith.muli %iota3A_1144, %mul3A_1392 : vector<16xi32>
      %add3A_1394 = arith.constant 256 : i32
      %add3A_1395 = vector.broadcast %add3A_1394 : i32 to vector<16xi32>
      %add3A_1396 = arith.addi %mul3A_1393, %add3A_1395 : vector<16xi32>
      %add3A_1397 = arith.constant 1024 : i32
      %add3A_1398 = vector.broadcast %add3A_1397 : i32 to vector<16xi32>
      %add3A_1399 = arith.addi %add3A_1396, %add3A_1398 : vector<16xi32>
      %add3A_1400 = arith.constant 0 : i32
      %add3A_1401 = vector.broadcast %add3A_1400 : i32 to vector<16xi32>
      %add3A_1402 = arith.addi %add3A_1396, %add3A_1401 : vector<16xi32>
      %gather3A_1403 = tpu.vector_load_idx %arg18[%add3A_1402] : memref<2048xf32, #tpu.memory_space<vmem>>[vector<16xi32>], vector<16xf32>,
      %add3A_1404 = arith.constant 0 : i32
      %add3A_1405 = vector.broadcast %add3A_1404 : i32 to vector<16xi32>
      %add3A_1406 = arith.addi %add3A_1399, %add3A_1405 : vector<16xi32>
      %gather3A_1407 = tpu.vector_load_idx %arg18[%add3A_1406] : memref<2048xf32, #tpu.memory_space<vmem>>[vector<16xi32>], vector<16xf32>,
      %add3A_1408 = arith.constant 1 : i32
      %add3A_1409 = vector.broadcast %add3A_1408 : i32 to vector<16xi32>
      %add3A_1410 = arith.addi %add3A_1396, %add3A_1409 : vector<16xi32>
      %gather3A_1411 = tpu.vector_load_idx %arg18[%add3A_1410] : memref<2048xf32, #tpu.memory_space<vmem>>[vector<16xi32>], vector<16xf32>,
      %add3A_1412 = arith.constant 1 : i32
      %add3A_1413 = vector.broadcast %add3A_1412 : i32 to vector<16xi32>
      %add3A_1414 = arith.addi %add3A_1399, %add3A_1413 : vector<16xi32>
      %gather3A_1415 = tpu.vector_load_idx %arg18[%add3A_1414] : memref<2048xf32, #tpu.memory_space<vmem>>[vector<16xi32>], vector<16xf32>,
      %add3A_1416 = arith.constant 2 : i32
      %add3A_1417 = vector.broadcast %add3A_1416 : i32 to vector<16xi32>
      %add3A_1418 = arith.addi %add3A_1396, %add3A_1417 : vector<16xi32>
      %gather3A_1419 = tpu.vector_load_idx %arg18[%add3A_1418] : memref<2048xf32, #tpu.memory_space<vmem>>[vector<16xi32>], vector<16xf32>,
      %add3A_1420 = arith.constant 2 : i32
      %add3A_1421 = vector.broadcast %add3A_1420 : i32 to vector<16xi32>
      %add3A_1422 = arith.addi %add3A_1399, %add3A_1421 : vector<16xi32>
      %gather3A_1423 = tpu.vector_load_idx %arg18[%add3A_1422] : memref<2048xf32, #tpu.memory_space<vmem>>[vector<16xi32>], vector<16xf32>,
      %add3A_1424 = arith.constant 3 : i32
      %add3A_1425 = vector.broadcast %add3A_1424 : i32 to vector<16xi32>
      %add3A_1426 = arith.addi %add3A_1396, %add3A_1425 : vector<16xi32>
      %gather3A_1427 = tpu.vector_load_idx %arg18[%add3A_1426] : memref<2048xf32, #tpu.memory_space<vmem>>[vector<16xi32>], vector<16xf32>,
      %add3A_1428 = arith.constant 3 : i32
      %add3A_1429 = vector.broadcast %add3A_1428 : i32 to vector<16xi32>
      %add3A_1430 = arith.addi %add3A_1399, %add3A_1429 : vector<16xi32>
      %gather3A_1431 = tpu.vector_load_idx %arg18[%add3A_1430] : memref<2048xf32, #tpu.memory_space<vmem>>[vector<16xi32>], vector<16xf32>,
      %add3A_1432 = arith.constant 4 : i32
      %add3A_1433 = vector.broadcast %add3A_1432 : i32 to vector<16xi32>
      %add3A_1434 = arith.addi %add3A_1396, %add3A_1433 : vector<16xi32>
      %gather3A_1435 = tpu.vector_load_idx %arg18[%add3A_1434] : memref<2048xf32, #tpu.memory_space<vmem>>[vector<16xi32>], vector<16xf32>,
      %add3A_1436 = arith.constant 4 : i32
      %add3A_1437 = vector.broadcast %add3A_1436 : i32 to vector<16xi32>
      %add3A_1438 = arith.addi %add3A_1399, %add3A_1437 : vector<16xi32>
      %gather3A_1439 = tpu.vector_load_idx %arg18[%add3A_1438] : memref<2048xf32, #tpu.memory_space<vmem>>[vector<16xi32>], vector<16xf32>,
      %add3A_1440 = arith.constant 5 : i32
      %add3A_1441 = vector.broadcast %add3A_1440 : i32 to vector<16xi32>
      %add3A_1442 = arith.addi %add3A_1396, %add3A_1441 : vector<16xi32>
      %gather3A_1443 = tpu.vector_load_idx %arg18[%add3A_1442] : memref<2048xf32, #tpu.memory_space<vmem>>[vector<16xi32>], vector<16xf32>,
      %add3A_1444 = arith.constant 5 : i32
      %add3A_1445 = vector.broadcast %add3A_1444 : i32 to vector<16xi32>
      %add3A_1446 = arith.addi %add3A_1399, %add3A_1445 : vector<16xi32>
      %gather3A_1447 = tpu.vector_load_idx %arg18[%add3A_1446] : memref<2048xf32, #tpu.memory_space<vmem>>[vector<16xi32>], vector<16xf32>,
      %add3A_1448 = arith.constant 6 : i32
      %add3A_1449 = vector.broadcast %add3A_1448 : i32 to vector<16xi32>
      %add3A_1450 = arith.addi %add3A_1396, %add3A_1449 : vector<16xi32>
      %gather3A_1451 = tpu.vector_load_idx %arg18[%add3A_1450] : memref<2048xf32, #tpu.memory_space<vmem>>[vector<16xi32>], vector<16xf32>,
      %add3A_1452 = arith.constant 6 : i32
      %add3A_1453 = vector.broadcast %add3A_1452 : i32 to vector<16xi32>
      %add3A_1454 = arith.addi %add3A_1399, %add3A_1453 : vector<16xi32>
      %gather3A_1455 = tpu.vector_load_idx %arg18[%add3A_1454] : memref<2048xf32, #tpu.memory_space<vmem>>[vector<16xi32>], vector<16xf32>,
      %add3A_1456 = arith.constant 7 : i32
      %add3A_1457 = vector.broadcast %add3A_1456 : i32 to vector<16xi32>
      %add3A_1458 = arith.addi %add3A_1396, %add3A_1457 : vector<16xi32>
      %gather3A_1459 = tpu.vector_load_idx %arg18[%add3A_1458] : memref<2048xf32, #tpu.memory_space<vmem>>[vector<16xi32>], vector<16xf32>,
      %add3A_1460 = arith.constant 7 : i32
      %add3A_1461 = vector.broadcast %add3A_1460 : i32 to vector<16xi32>
      %add3A_1462 = arith.addi %add3A_1399, %add3A_1461 : vector<16xi32>
      %gather3A_1463 = tpu.vector_load_idx %arg18[%add3A_1462] : memref<2048xf32, #tpu.memory_space<vmem>>[vector<16xi32>], vector<16xf32>,
      %add3A_1464 = arith.constant 8 : i32
      %add3A_1465 = vector.broadcast %add3A_1464 : i32 to vector<16xi32>
      %add3A_1466 = arith.addi %add3A_1396, %add3A_1465 : vector<16xi32>
      %gather3A_1467 = tpu.vector_load_idx %arg18[%add3A_1466] : memref<2048xf32, #tpu.memory_space<vmem>>[vector<16xi32>], vector<16xf32>,
      %add3A_1468 = arith.constant 8 : i32
      %add3A_1469 = vector.broadcast %add3A_1468 : i32 to vector<16xi32>
      %add3A_1470 = arith.addi %add3A_1399, %add3A_1469 : vector<16xi32>
      %gather3A_1471 = tpu.vector_load_idx %arg18[%add3A_1470] : memref<2048xf32, #tpu.memory_space<vmem>>[vector<16xi32>], vector<16xf32>,
      %add3A_1472 = arith.constant 9 : i32
      %add3A_1473 = vector.broadcast %add3A_1472 : i32 to vector<16xi32>
      %add3A_1474 = arith.addi %add3A_1396, %add3A_1473 : vector<16xi32>
      %gather3A_1475 = tpu.vector_load_idx %arg18[%add3A_1474] : memref<2048xf32, #tpu.memory_space<vmem>>[vector<16xi32>], vector<16xf32>,
      %add3A_1476 = arith.constant 9 : i32
      %add3A_1477 = vector.broadcast %add3A_1476 : i32 to vector<16xi32>
      %add3A_1478 = arith.addi %add3A_1399, %add3A_1477 : vector<16xi32>
      %gather3A_1479 = tpu.vector_load_idx %arg18[%add3A_1478] : memref<2048xf32, #tpu.memory_space<vmem>>[vector<16xi32>], vector<16xf32>,
      %add3A_1480 = arith.constant 10 : i32
      %add3A_1481 = vector.broadcast %add3A_1480 : i32 to vector<16xi32>
      %add3A_1482 = arith.addi %add3A_1396, %add3A_1481 : vector<16xi32>
      %gather3A_1483 = tpu.vector_load_idx %arg18[%add3A_1482] : memref<2048xf32, #tpu.memory_space<vmem>>[vector<16xi32>], vector<16xf32>,
      %add3A_1484 = arith.constant 10 : i32
      %add3A_1485 = vector.broadcast %add3A_1484 : i32 to vector<16xi32>
      %add3A_1486 = arith.addi %add3A_1399, %add3A_1485 : vector<16xi32>
      %gather3A_1487 = tpu.vector_load_idx %arg18[%add3A_1486] : memref<2048xf32, #tpu.memory_space<vmem>>[vector<16xi32>], vector<16xf32>,
      %add3A_1488 = arith.constant 11 : i32
      %add3A_1489 = vector.broadcast %add3A_1488 : i32 to vector<16xi32>
      %add3A_1490 = arith.addi %add3A_1396, %add3A_1489 : vector<16xi32>
      %gather3A_1491 = tpu.vector_load_idx %arg18[%add3A_1490] : memref<2048xf32, #tpu.memory_space<vmem>>[vector<16xi32>], vector<16xf32>,
      %add3A_1492 = arith.constant 11 : i32
      %add3A_1493 = vector.broadcast %add3A_1492 : i32 to vector<16xi32>
      %add3A_1494 = arith.addi %add3A_1399, %add3A_1493 : vector<16xi32>
      %gather3A_1495 = tpu.vector_load_idx %arg18[%add3A_1494] : memref<2048xf32, #tpu.memory_space<vmem>>[vector<16xi32>], vector<16xf32>,
      %add3A_1496 = arith.constant 12 : i32
      %add3A_1497 = vector.broadcast %add3A_1496 : i32 to vector<16xi32>
      %add3A_1498 = arith.addi %add3A_1396, %add3A_1497 : vector<16xi32>
      %gather3A_1499 = tpu.vector_load_idx %arg18[%add3A_1498] : memref<2048xf32, #tpu.memory_space<vmem>>[vector<16xi32>], vector<16xf32>,
      %add3A_1500 = arith.constant 12 : i32
      %add3A_1501 = vector.broadcast %add3A_1500 : i32 to vector<16xi32>
      %add3A_1502 = arith.addi %add3A_1399, %add3A_1501 : vector<16xi32>
      %gather3A_1503 = tpu.vector_load_idx %arg18[%add3A_1502] : memref<2048xf32, #tpu.memory_space<vmem>>[vector<16xi32>], vector<16xf32>,
      %add3A_1504 = arith.constant 13 : i32
      %add3A_1505 = vector.broadcast %add3A_1504 : i32 to vector<16xi32>
      %add3A_1506 = arith.addi %add3A_1396, %add3A_1505 : vector<16xi32>
      %gather3A_1507 = tpu.vector_load_idx %arg18[%add3A_1506] : memref<2048xf32, #tpu.memory_space<vmem>>[vector<16xi32>], vector<16xf32>,
      %add3A_1508 = arith.constant 13 : i32
      %add3A_1509 = vector.broadcast %add3A_1508 : i32 to vector<16xi32>
      %add3A_1510 = arith.addi %add3A_1399, %add3A_1509 : vector<16xi32>
      %gather3A_1511 = tpu.vector_load_idx %arg18[%add3A_1510] : memref<2048xf32, #tpu.memory_space<vmem>>[vector<16xi32>], vector<16xf32>,
      %add3A_1512 = arith.constant 14 : i32
      %add3A_1513 = vector.broadcast %add3A_1512 : i32 to vector<16xi32>
      %add3A_1514 = arith.addi %add3A_1396, %add3A_1513 : vector<16xi32>
      %gather3A_1515 = tpu.vector_load_idx %arg18[%add3A_1514] : memref<2048xf32, #tpu.memory_space<vmem>>[vector<16xi32>], vector<16xf32>,
      %add3A_1516 = arith.constant 14 : i32
      %add3A_1517 = vector.broadcast %add3A_1516 : i32 to vector<16xi32>
      %add3A_1518 = arith.addi %add3A_1399, %add3A_1517 : vector<16xi32>
      %gather3A_1519 = tpu.vector_load_idx %arg18[%add3A_1518] : memref<2048xf32, #tpu.memory_space<vmem>>[vector<16xi32>], vector<16xf32>,
      %add3A_1520 = arith.constant 15 : i32
      %add3A_1521 = vector.broadcast %add3A_1520 : i32 to vector<16xi32>
      %add3A_1522 = arith.addi %add3A_1396, %add3A_1521 : vector<16xi32>
      %gather3A_1523 = tpu.vector_load_idx %arg18[%add3A_1522] : memref<2048xf32, #tpu.memory_space<vmem>>[vector<16xi32>], vector<16xf32>,
      %add3A_1524 = arith.constant 15 : i32
      %add3A_1525 = vector.broadcast %add3A_1524 : i32 to vector<16xi32>
      %add3A_1526 = arith.addi %add3A_1399, %add3A_1525 : vector<16xi32>
      %gather3A_1527 = tpu.vector_load_idx %arg18[%add3A_1526] : memref<2048xf32, #tpu.memory_space<vmem>>[vector<16xi32>], vector<16xf32>,
      %add3A_1528 = arith.addf %gather3A_1403, %gather3A_1411 : vector<16xf32>
      %add3A_1529 = arith.addf %gather3A_1419, %gather3A_1427 : vector<16xf32>
      %add3A_1530 = arith.addf %gather3A_1435, %gather3A_1443 : vector<16xf32>
      %add3A_1531 = arith.addf %gather3A_1451, %gather3A_1459 : vector<16xf32>
      %add3A_1532 = arith.addf %gather3A_1467, %gather3A_1475 : vector<16xf32>
      %add3A_1533 = arith.addf %gather3A_1483, %gather3A_1491 : vector<16xf32>
      %add3A_1534 = arith.addf %gather3A_1499, %gather3A_1507 : vector<16xf32>
      %add3A_1535 = arith.addf %gather3A_1515, %gather3A_1523 : vector<16xf32>
      %add3A_1536 = arith.addf %add3A_1528, %add3A_1529 : vector<16xf32>
      %add3A_1537 = arith.addf %add3A_1530, %add3A_1531 : vector<16xf32>
      %add3A_1538 = arith.addf %add3A_1532, %add3A_1533 : vector<16xf32>
      %add3A_1539 = arith.addf %add3A_1534, %add3A_1535 : vector<16xf32>
      %add3A_1540 = arith.addf %add3A_1536, %add3A_1537 : vector<16xf32>
      %add3A_1541 = arith.addf %add3A_1538, %add3A_1539 : vector<16xf32>
      %add3A_1542 = arith.addf %add3A_1540, %add3A_1541 : vector<16xf32>
      %add3A_1543 = arith.addf %gather3A_1407, %gather3A_1415 : vector<16xf32>
      %add3A_1544 = arith.addf %gather3A_1423, %gather3A_1431 : vector<16xf32>
      %add3A_1545 = arith.addf %gather3A_1439, %gather3A_1447 : vector<16xf32>
      %add3A_1546 = arith.addf %gather3A_1455, %gather3A_1463 : vector<16xf32>
      %add3A_1547 = arith.addf %gather3A_1471, %gather3A_1479 : vector<16xf32>
      %add3A_1548 = arith.addf %gather3A_1487, %gather3A_1495 : vector<16xf32>
      %add3A_1549 = arith.addf %gather3A_1503, %gather3A_1511 : vector<16xf32>
      %add3A_1550 = arith.addf %gather3A_1519, %gather3A_1527 : vector<16xf32>
      %add3A_1551 = arith.addf %add3A_1543, %add3A_1544 : vector<16xf32>
      %add3A_1552 = arith.addf %add3A_1545, %add3A_1546 : vector<16xf32>
      %add3A_1553 = arith.addf %add3A_1547, %add3A_1548 : vector<16xf32>
      %add3A_1554 = arith.addf %add3A_1549, %add3A_1550 : vector<16xf32>
      %add3A_1555 = arith.addf %add3A_1551, %add3A_1552 : vector<16xf32>
      %add3A_1556 = arith.addf %add3A_1553, %add3A_1554 : vector<16xf32>
      %add3A_1557 = arith.addf %add3A_1555, %add3A_1556 : vector<16xf32>
      %mul3A_1558 = arith.constant 7.812500e-03 : f32
      %mul3A_1559 = vector.broadcast %mul3A_1558 : f32 to vector<16xf32>
      %mul3A_1560 = arith.mulf %add3A_1542, %mul3A_1559 : vector<16xf32>
      %mul3A_1561 = arith.constant 7.812500e-03 : f32
      %mul3A_1562 = vector.broadcast %mul3A_1561 : f32 to vector<16xf32>
      %mul3A_1563 = arith.mulf %add3A_1557, %mul3A_1562 : vector<16xf32>
      %mul3A_1564 = arith.mulf %mul3A_1560, %mul3A_1560 : vector<16xf32>
      %sub3A_1565 = arith.subf %mul3A_1563, %mul3A_1564 : vector<16xf32>
      %add3A_1566 = arith.constant 9.99999974E-6 : f32
      %add3A_1567 = vector.broadcast %add3A_1566 : f32 to vector<16xf32>
      %add3A_1568 = arith.addf %sub3A_1565, %add3A_1567 : vector<16xf32>
      %bitcast_convert_type3A_1569 = tpu.bitcast %add3A_1568 : vector<16xf32> -> vector<16xi32>
      %broadcast_in_dim3A_1570 = arith.constant 1597463007 : i32
      %broadcast_in_dim3A_1571 = vector.broadcast %broadcast_in_dim3A_1570 : i32 to vector<16xi32>
      %broadcast_in_dim3A_1572 = arith.constant 1 : i32
      %broadcast_in_dim3A_1573 = vector.broadcast %broadcast_in_dim3A_1572 : i32 to vector<16xi32>
      %shift_right_arithmetic3A_1574 = arith.shrsi %bitcast_convert_type3A_1569, %broadcast_in_dim3A_1573 : vector<16xi32>
      %sub3A_1575 = arith.subi %broadcast_in_dim3A_1571, %shift_right_arithmetic3A_1574 : vector<16xi32>
      %bitcast_convert_type3A_1576 = tpu.bitcast %sub3A_1575 : vector<16xi32> -> vector<16xf32>
      %mul3A_1577 = arith.constant 5.000000e-01 : f32
      %mul3A_1578 = vector.broadcast %mul3A_1577 : f32 to vector<16xf32>
      %mul3A_1579 = arith.mulf %mul3A_1578, %add3A_1568 : vector<16xf32>
      %mul3A_1580 = arith.mulf %mul3A_1579, %bitcast_convert_type3A_1576 : vector<16xf32>
      %mul3A_1581 = arith.mulf %mul3A_1580, %bitcast_convert_type3A_1576 : vector<16xf32>
      %sub3A_1582 = arith.constant 1.500000e+00 : f32
      %sub3A_1583 = vector.broadcast %sub3A_1582 : f32 to vector<16xf32>
      %sub3A_1584 = arith.subf %sub3A_1583, %mul3A_1581 : vector<16xf32>
      %mul3A_1585 = arith.mulf %bitcast_convert_type3A_1576, %sub3A_1584 : vector<16xf32>
      %mul3A_1586 = arith.mulf %mul3A_1579, %mul3A_1585 : vector<16xf32>
      %mul3A_1587 = arith.mulf %mul3A_1586, %mul3A_1585 : vector<16xf32>
      %sub3A_1588 = arith.constant 1.500000e+00 : f32
      %sub3A_1589 = vector.broadcast %sub3A_1588 : f32 to vector<16xf32>
      %sub3A_1590 = arith.subf %sub3A_1589, %mul3A_1587 : vector<16xf32>
      %mul3A_1591 = arith.mulf %mul3A_1585, %sub3A_1590 : vector<16xf32>
      %mul3A_1592 = arith.mulf %mul3A_1579, %mul3A_1591 : vector<16xf32>
      %mul3A_1593 = arith.mulf %mul3A_1592, %mul3A_1591 : vector<16xf32>
      %sub3A_1594 = arith.constant 1.500000e+00 : f32
      %sub3A_1595 = vector.broadcast %sub3A_1594 : f32 to vector<16xf32>
      %sub3A_1596 = arith.subf %sub3A_1595, %mul3A_1593 : vector<16xf32>
      %mul3A_1597 = arith.mulf %mul3A_1591, %sub3A_1596 : vector<16xf32>
      %mul3A_1598 = arith.mulf %mul3A_1560, %mul3A_1597 : vector<16xf32>
      %swap3A_1599 = arith.constant 16 : index
      %swap3A_1600 = tpu.vector_load %arg20[%swap3A_1599] {strides = array<i32>} : memref<64xf32, #tpu.memory_space<vmem>>, vector<16xf32>,
      tpu.vector_store %arg20[%swap3A_1599], %mul3A_1598 {strides = array<i32>} : memref<64xf32, #tpu.memory_space<vmem>>, vector<16xf32>,
      %swap3A_1601 = arith.constant 16 : index
      %swap3A_1602 = tpu.vector_load %arg21[%swap3A_1601] {strides = array<i32>} : memref<64xf32, #tpu.memory_space<vmem>>, vector<16xf32>,
      tpu.vector_store %arg21[%swap3A_1601], %mul3A_1597 {strides = array<i32>} : memref<64xf32, #tpu.memory_space<vmem>>, vector<16xf32>,
      %mul3A_1603 = arith.constant 16 : i32
      %mul3A_1604 = vector.broadcast %mul3A_1603 : i32 to vector<16xi32>
      %mul3A_1605 = arith.muli %iota3A_1144, %mul3A_1604 : vector<16xi32>
      %add3A_1606 = arith.constant 512 : i32
      %add3A_1607 = vector.broadcast %add3A_1606 : i32 to vector<16xi32>
      %add3A_1608 = arith.addi %mul3A_1605, %add3A_1607 : vector<16xi32>
      %add3A_1609 = arith.constant 1024 : i32
      %add3A_1610 = vector.broadcast %add3A_1609 : i32 to vector<16xi32>
      %add3A_1611 = arith.addi %add3A_1608, %add3A_1610 : vector<16xi32>
      %add3A_1612 = arith.constant 0 : i32
      %add3A_1613 = vector.broadcast %add3A_1612 : i32 to vector<16xi32>
      %add3A_1614 = arith.addi %add3A_1608, %add3A_1613 : vector<16xi32>
      %gather3A_1615 = tpu.vector_load_idx %arg18[%add3A_1614] : memref<2048xf32, #tpu.memory_space<vmem>>[vector<16xi32>], vector<16xf32>,
      %add3A_1616 = arith.constant 0 : i32
      %add3A_1617 = vector.broadcast %add3A_1616 : i32 to vector<16xi32>
      %add3A_1618 = arith.addi %add3A_1611, %add3A_1617 : vector<16xi32>
      %gather3A_1619 = tpu.vector_load_idx %arg18[%add3A_1618] : memref<2048xf32, #tpu.memory_space<vmem>>[vector<16xi32>], vector<16xf32>,
      %add3A_1620 = arith.constant 1 : i32
      %add3A_1621 = vector.broadcast %add3A_1620 : i32 to vector<16xi32>
      %add3A_1622 = arith.addi %add3A_1608, %add3A_1621 : vector<16xi32>
      %gather3A_1623 = tpu.vector_load_idx %arg18[%add3A_1622] : memref<2048xf32, #tpu.memory_space<vmem>>[vector<16xi32>], vector<16xf32>,
      %add3A_1624 = arith.constant 1 : i32
      %add3A_1625 = vector.broadcast %add3A_1624 : i32 to vector<16xi32>
      %add3A_1626 = arith.addi %add3A_1611, %add3A_1625 : vector<16xi32>
      %gather3A_1627 = tpu.vector_load_idx %arg18[%add3A_1626] : memref<2048xf32, #tpu.memory_space<vmem>>[vector<16xi32>], vector<16xf32>,
      %add3A_1628 = arith.constant 2 : i32
      %add3A_1629 = vector.broadcast %add3A_1628 : i32 to vector<16xi32>
      %add3A_1630 = arith.addi %add3A_1608, %add3A_1629 : vector<16xi32>
      %gather3A_1631 = tpu.vector_load_idx %arg18[%add3A_1630] : memref<2048xf32, #tpu.memory_space<vmem>>[vector<16xi32>], vector<16xf32>,
      %add3A_1632 = arith.constant 2 : i32
      %add3A_1633 = vector.broadcast %add3A_1632 : i32 to vector<16xi32>
      %add3A_1634 = arith.addi %add3A_1611, %add3A_1633 : vector<16xi32>
      %gather3A_1635 = tpu.vector_load_idx %arg18[%add3A_1634] : memref<2048xf32, #tpu.memory_space<vmem>>[vector<16xi32>], vector<16xf32>,
      %add3A_1636 = arith.constant 3 : i32
      %add3A_1637 = vector.broadcast %add3A_1636 : i32 to vector<16xi32>
      %add3A_1638 = arith.addi %add3A_1608, %add3A_1637 : vector<16xi32>
      %gather3A_1639 = tpu.vector_load_idx %arg18[%add3A_1638] : memref<2048xf32, #tpu.memory_space<vmem>>[vector<16xi32>], vector<16xf32>,
      %add3A_1640 = arith.constant 3 : i32
      %add3A_1641 = vector.broadcast %add3A_1640 : i32 to vector<16xi32>
      %add3A_1642 = arith.addi %add3A_1611, %add3A_1641 : vector<16xi32>
      %gather3A_1643 = tpu.vector_load_idx %arg18[%add3A_1642] : memref<2048xf32, #tpu.memory_space<vmem>>[vector<16xi32>], vector<16xf32>,
      %add3A_1644 = arith.constant 4 : i32
      %add3A_1645 = vector.broadcast %add3A_1644 : i32 to vector<16xi32>
      %add3A_1646 = arith.addi %add3A_1608, %add3A_1645 : vector<16xi32>
      %gather3A_1647 = tpu.vector_load_idx %arg18[%add3A_1646] : memref<2048xf32, #tpu.memory_space<vmem>>[vector<16xi32>], vector<16xf32>,
      %add3A_1648 = arith.constant 4 : i32
      %add3A_1649 = vector.broadcast %add3A_1648 : i32 to vector<16xi32>
      %add3A_1650 = arith.addi %add3A_1611, %add3A_1649 : vector<16xi32>
      %gather3A_1651 = tpu.vector_load_idx %arg18[%add3A_1650] : memref<2048xf32, #tpu.memory_space<vmem>>[vector<16xi32>], vector<16xf32>,
      %add3A_1652 = arith.constant 5 : i32
      %add3A_1653 = vector.broadcast %add3A_1652 : i32 to vector<16xi32>
      %add3A_1654 = arith.addi %add3A_1608, %add3A_1653 : vector<16xi32>
      %gather3A_1655 = tpu.vector_load_idx %arg18[%add3A_1654] : memref<2048xf32, #tpu.memory_space<vmem>>[vector<16xi32>], vector<16xf32>,
      %add3A_1656 = arith.constant 5 : i32
      %add3A_1657 = vector.broadcast %add3A_1656 : i32 to vector<16xi32>
      %add3A_1658 = arith.addi %add3A_1611, %add3A_1657 : vector<16xi32>
      %gather3A_1659 = tpu.vector_load_idx %arg18[%add3A_1658] : memref<2048xf32, #tpu.memory_space<vmem>>[vector<16xi32>], vector<16xf32>,
      %add3A_1660 = arith.constant 6 : i32
      %add3A_1661 = vector.broadcast %add3A_1660 : i32 to vector<16xi32>
      %add3A_1662 = arith.addi %add3A_1608, %add3A_1661 : vector<16xi32>
      %gather3A_1663 = tpu.vector_load_idx %arg18[%add3A_1662] : memref<2048xf32, #tpu.memory_space<vmem>>[vector<16xi32>], vector<16xf32>,
      %add3A_1664 = arith.constant 6 : i32
      %add3A_1665 = vector.broadcast %add3A_1664 : i32 to vector<16xi32>
      %add3A_1666 = arith.addi %add3A_1611, %add3A_1665 : vector<16xi32>
      %gather3A_1667 = tpu.vector_load_idx %arg18[%add3A_1666] : memref<2048xf32, #tpu.memory_space<vmem>>[vector<16xi32>], vector<16xf32>,
      %add3A_1668 = arith.constant 7 : i32
      %add3A_1669 = vector.broadcast %add3A_1668 : i32 to vector<16xi32>
      %add3A_1670 = arith.addi %add3A_1608, %add3A_1669 : vector<16xi32>
      %gather3A_1671 = tpu.vector_load_idx %arg18[%add3A_1670] : memref<2048xf32, #tpu.memory_space<vmem>>[vector<16xi32>], vector<16xf32>,
      %add3A_1672 = arith.constant 7 : i32
      %add3A_1673 = vector.broadcast %add3A_1672 : i32 to vector<16xi32>
      %add3A_1674 = arith.addi %add3A_1611, %add3A_1673 : vector<16xi32>
      %gather3A_1675 = tpu.vector_load_idx %arg18[%add3A_1674] : memref<2048xf32, #tpu.memory_space<vmem>>[vector<16xi32>], vector<16xf32>,
      %add3A_1676 = arith.constant 8 : i32
      %add3A_1677 = vector.broadcast %add3A_1676 : i32 to vector<16xi32>
      %add3A_1678 = arith.addi %add3A_1608, %add3A_1677 : vector<16xi32>
      %gather3A_1679 = tpu.vector_load_idx %arg18[%add3A_1678] : memref<2048xf32, #tpu.memory_space<vmem>>[vector<16xi32>], vector<16xf32>,
      %add3A_1680 = arith.constant 8 : i32
      %add3A_1681 = vector.broadcast %add3A_1680 : i32 to vector<16xi32>
      %add3A_1682 = arith.addi %add3A_1611, %add3A_1681 : vector<16xi32>
      %gather3A_1683 = tpu.vector_load_idx %arg18[%add3A_1682] : memref<2048xf32, #tpu.memory_space<vmem>>[vector<16xi32>], vector<16xf32>,
      %add3A_1684 = arith.constant 9 : i32
      %add3A_1685 = vector.broadcast %add3A_1684 : i32 to vector<16xi32>
      %add3A_1686 = arith.addi %add3A_1608, %add3A_1685 : vector<16xi32>
      %gather3A_1687 = tpu.vector_load_idx %arg18[%add3A_1686] : memref<2048xf32, #tpu.memory_space<vmem>>[vector<16xi32>], vector<16xf32>,
      %add3A_1688 = arith.constant 9 : i32
      %add3A_1689 = vector.broadcast %add3A_1688 : i32 to vector<16xi32>
      %add3A_1690 = arith.addi %add3A_1611, %add3A_1689 : vector<16xi32>
      %gather3A_1691 = tpu.vector_load_idx %arg18[%add3A_1690] : memref<2048xf32, #tpu.memory_space<vmem>>[vector<16xi32>], vector<16xf32>,
      %add3A_1692 = arith.constant 10 : i32
      %add3A_1693 = vector.broadcast %add3A_1692 : i32 to vector<16xi32>
      %add3A_1694 = arith.addi %add3A_1608, %add3A_1693 : vector<16xi32>
      %gather3A_1695 = tpu.vector_load_idx %arg18[%add3A_1694] : memref<2048xf32, #tpu.memory_space<vmem>>[vector<16xi32>], vector<16xf32>,
      %add3A_1696 = arith.constant 10 : i32
      %add3A_1697 = vector.broadcast %add3A_1696 : i32 to vector<16xi32>
      %add3A_1698 = arith.addi %add3A_1611, %add3A_1697 : vector<16xi32>
      %gather3A_1699 = tpu.vector_load_idx %arg18[%add3A_1698] : memref<2048xf32, #tpu.memory_space<vmem>>[vector<16xi32>], vector<16xf32>,
      %add3A_1700 = arith.constant 11 : i32
      %add3A_1701 = vector.broadcast %add3A_1700 : i32 to vector<16xi32>
      %add3A_1702 = arith.addi %add3A_1608, %add3A_1701 : vector<16xi32>
      %gather3A_1703 = tpu.vector_load_idx %arg18[%add3A_1702] : memref<2048xf32, #tpu.memory_space<vmem>>[vector<16xi32>], vector<16xf32>,
      %add3A_1704 = arith.constant 11 : i32
      %add3A_1705 = vector.broadcast %add3A_1704 : i32 to vector<16xi32>
      %add3A_1706 = arith.addi %add3A_1611, %add3A_1705 : vector<16xi32>
      %gather3A_1707 = tpu.vector_load_idx %arg18[%add3A_1706] : memref<2048xf32, #tpu.memory_space<vmem>>[vector<16xi32>], vector<16xf32>,
      %add3A_1708 = arith.constant 12 : i32
      %add3A_1709 = vector.broadcast %add3A_1708 : i32 to vector<16xi32>
      %add3A_1710 = arith.addi %add3A_1608, %add3A_1709 : vector<16xi32>
      %gather3A_1711 = tpu.vector_load_idx %arg18[%add3A_1710] : memref<2048xf32, #tpu.memory_space<vmem>>[vector<16xi32>], vector<16xf32>,
      %add3A_1712 = arith.constant 12 : i32
      %add3A_1713 = vector.broadcast %add3A_1712 : i32 to vector<16xi32>
      %add3A_1714 = arith.addi %add3A_1611, %add3A_1713 : vector<16xi32>
      %gather3A_1715 = tpu.vector_load_idx %arg18[%add3A_1714] : memref<2048xf32, #tpu.memory_space<vmem>>[vector<16xi32>], vector<16xf32>,
      %add3A_1716 = arith.constant 13 : i32
      %add3A_1717 = vector.broadcast %add3A_1716 : i32 to vector<16xi32>
      %add3A_1718 = arith.addi %add3A_1608, %add3A_1717 : vector<16xi32>
      %gather3A_1719 = tpu.vector_load_idx %arg18[%add3A_1718] : memref<2048xf32, #tpu.memory_space<vmem>>[vector<16xi32>], vector<16xf32>,
      %add3A_1720 = arith.constant 13 : i32
      %add3A_1721 = vector.broadcast %add3A_1720 : i32 to vector<16xi32>
      %add3A_1722 = arith.addi %add3A_1611, %add3A_1721 : vector<16xi32>
      %gather3A_1723 = tpu.vector_load_idx %arg18[%add3A_1722] : memref<2048xf32, #tpu.memory_space<vmem>>[vector<16xi32>], vector<16xf32>,
      %add3A_1724 = arith.constant 14 : i32
      %add3A_1725 = vector.broadcast %add3A_1724 : i32 to vector<16xi32>
      %add3A_1726 = arith.addi %add3A_1608, %add3A_1725 : vector<16xi32>
      %gather3A_1727 = tpu.vector_load_idx %arg18[%add3A_1726] : memref<2048xf32, #tpu.memory_space<vmem>>[vector<16xi32>], vector<16xf32>,
      %add3A_1728 = arith.constant 14 : i32
      %add3A_1729 = vector.broadcast %add3A_1728 : i32 to vector<16xi32>
      %add3A_1730 = arith.addi %add3A_1611, %add3A_1729 : vector<16xi32>
      %gather3A_1731 = tpu.vector_load_idx %arg18[%add3A_1730] : memref<2048xf32, #tpu.memory_space<vmem>>[vector<16xi32>], vector<16xf32>,
      %add3A_1732 = arith.constant 15 : i32
      %add3A_1733 = vector.broadcast %add3A_1732 : i32 to vector<16xi32>
      %add3A_1734 = arith.addi %add3A_1608, %add3A_1733 : vector<16xi32>
      %gather3A_1735 = tpu.vector_load_idx %arg18[%add3A_1734] : memref<2048xf32, #tpu.memory_space<vmem>>[vector<16xi32>], vector<16xf32>,
      %add3A_1736 = arith.constant 15 : i32
      %add3A_1737 = vector.broadcast %add3A_1736 : i32 to vector<16xi32>
      %add3A_1738 = arith.addi %add3A_1611, %add3A_1737 : vector<16xi32>
      %gather3A_1739 = tpu.vector_load_idx %arg18[%add3A_1738] : memref<2048xf32, #tpu.memory_space<vmem>>[vector<16xi32>], vector<16xf32>,
      %add3A_1740 = arith.addf %gather3A_1615, %gather3A_1623 : vector<16xf32>
      %add3A_1741 = arith.addf %gather3A_1631, %gather3A_1639 : vector<16xf32>
      %add3A_1742 = arith.addf %gather3A_1647, %gather3A_1655 : vector<16xf32>
      %add3A_1743 = arith.addf %gather3A_1663, %gather3A_1671 : vector<16xf32>
      %add3A_1744 = arith.addf %gather3A_1679, %gather3A_1687 : vector<16xf32>
      %add3A_1745 = arith.addf %gather3A_1695, %gather3A_1703 : vector<16xf32>
      %add3A_1746 = arith.addf %gather3A_1711, %gather3A_1719 : vector<16xf32>
      %add3A_1747 = arith.addf %gather3A_1727, %gather3A_1735 : vector<16xf32>
      %add3A_1748 = arith.addf %add3A_1740, %add3A_1741 : vector<16xf32>
      %add3A_1749 = arith.addf %add3A_1742, %add3A_1743 : vector<16xf32>
      %add3A_1750 = arith.addf %add3A_1744, %add3A_1745 : vector<16xf32>
      %add3A_1751 = arith.addf %add3A_1746, %add3A_1747 : vector<16xf32>
      %add3A_1752 = arith.addf %add3A_1748, %add3A_1749 : vector<16xf32>
      %add3A_1753 = arith.addf %add3A_1750, %add3A_1751 : vector<16xf32>
      %add3A_1754 = arith.addf %add3A_1752, %add3A_1753 : vector<16xf32>
      %add3A_1755 = arith.addf %gather3A_1619, %gather3A_1627 : vector<16xf32>
      %add3A_1756 = arith.addf %gather3A_1635, %gather3A_1643 : vector<16xf32>
      %add3A_1757 = arith.addf %gather3A_1651, %gather3A_1659 : vector<16xf32>
      %add3A_1758 = arith.addf %gather3A_1667, %gather3A_1675 : vector<16xf32>
      %add3A_1759 = arith.addf %gather3A_1683, %gather3A_1691 : vector<16xf32>
      %add3A_1760 = arith.addf %gather3A_1699, %gather3A_1707 : vector<16xf32>
      %add3A_1761 = arith.addf %gather3A_1715, %gather3A_1723 : vector<16xf32>
      %add3A_1762 = arith.addf %gather3A_1731, %gather3A_1739 : vector<16xf32>
      %add3A_1763 = arith.addf %add3A_1755, %add3A_1756 : vector<16xf32>
      %add3A_1764 = arith.addf %add3A_1757, %add3A_1758 : vector<16xf32>
      %add3A_1765 = arith.addf %add3A_1759, %add3A_1760 : vector<16xf32>
      %add3A_1766 = arith.addf %add3A_1761, %add3A_1762 : vector<16xf32>
      %add3A_1767 = arith.addf %add3A_1763, %add3A_1764 : vector<16xf32>
      %add3A_1768 = arith.addf %add3A_1765, %add3A_1766 : vector<16xf32>
      %add3A_1769 = arith.addf %add3A_1767, %add3A_1768 : vector<16xf32>
      %mul3A_1770 = arith.constant 7.812500e-03 : f32
      %mul3A_1771 = vector.broadcast %mul3A_1770 : f32 to vector<16xf32>
      %mul3A_1772 = arith.mulf %add3A_1754, %mul3A_1771 : vector<16xf32>
      %mul3A_1773 = arith.constant 7.812500e-03 : f32
      %mul3A_1774 = vector.broadcast %mul3A_1773 : f32 to vector<16xf32>
      %mul3A_1775 = arith.mulf %add3A_1769, %mul3A_1774 : vector<16xf32>
      %mul3A_1776 = arith.mulf %mul3A_1772, %mul3A_1772 : vector<16xf32>
      %sub3A_1777 = arith.subf %mul3A_1775, %mul3A_1776 : vector<16xf32>
      %add3A_1778 = arith.constant 9.99999974E-6 : f32
      %add3A_1779 = vector.broadcast %add3A_1778 : f32 to vector<16xf32>
      %add3A_1780 = arith.addf %sub3A_1777, %add3A_1779 : vector<16xf32>
      %bitcast_convert_type3A_1781 = tpu.bitcast %add3A_1780 : vector<16xf32> -> vector<16xi32>
      %broadcast_in_dim3A_1782 = arith.constant 1597463007 : i32
      %broadcast_in_dim3A_1783 = vector.broadcast %broadcast_in_dim3A_1782 : i32 to vector<16xi32>
      %broadcast_in_dim3A_1784 = arith.constant 1 : i32
      %broadcast_in_dim3A_1785 = vector.broadcast %broadcast_in_dim3A_1784 : i32 to vector<16xi32>
      %shift_right_arithmetic3A_1786 = arith.shrsi %bitcast_convert_type3A_1781, %broadcast_in_dim3A_1785 : vector<16xi32>
      %sub3A_1787 = arith.subi %broadcast_in_dim3A_1783, %shift_right_arithmetic3A_1786 : vector<16xi32>
      %bitcast_convert_type3A_1788 = tpu.bitcast %sub3A_1787 : vector<16xi32> -> vector<16xf32>
      %mul3A_1789 = arith.constant 5.000000e-01 : f32
      %mul3A_1790 = vector.broadcast %mul3A_1789 : f32 to vector<16xf32>
      %mul3A_1791 = arith.mulf %mul3A_1790, %add3A_1780 : vector<16xf32>
      %mul3A_1792 = arith.mulf %mul3A_1791, %bitcast_convert_type3A_1788 : vector<16xf32>
      %mul3A_1793 = arith.mulf %mul3A_1792, %bitcast_convert_type3A_1788 : vector<16xf32>
      %sub3A_1794 = arith.constant 1.500000e+00 : f32
      %sub3A_1795 = vector.broadcast %sub3A_1794 : f32 to vector<16xf32>
      %sub3A_1796 = arith.subf %sub3A_1795, %mul3A_1793 : vector<16xf32>
      %mul3A_1797 = arith.mulf %bitcast_convert_type3A_1788, %sub3A_1796 : vector<16xf32>
      %mul3A_1798 = arith.mulf %mul3A_1791, %mul3A_1797 : vector<16xf32>
      %mul3A_1799 = arith.mulf %mul3A_1798, %mul3A_1797 : vector<16xf32>
      %sub3A_1800 = arith.constant 1.500000e+00 : f32
      %sub3A_1801 = vector.broadcast %sub3A_1800 : f32 to vector<16xf32>
      %sub3A_1802 = arith.subf %sub3A_1801, %mul3A_1799 : vector<16xf32>
      %mul3A_1803 = arith.mulf %mul3A_1797, %sub3A_1802 : vector<16xf32>
      %mul3A_1804 = arith.mulf %mul3A_1791, %mul3A_1803 : vector<16xf32>
      %mul3A_1805 = arith.mulf %mul3A_1804, %mul3A_1803 : vector<16xf32>
      %sub3A_1806 = arith.constant 1.500000e+00 : f32
      %sub3A_1807 = vector.broadcast %sub3A_1806 : f32 to vector<16xf32>
      %sub3A_1808 = arith.subf %sub3A_1807, %mul3A_1805 : vector<16xf32>
      %mul3A_1809 = arith.mulf %mul3A_1803, %sub3A_1808 : vector<16xf32>
      %mul3A_1810 = arith.mulf %mul3A_1772, %mul3A_1809 : vector<16xf32>
      %swap3A_1811 = arith.constant 32 : index
      %swap3A_1812 = tpu.vector_load %arg20[%swap3A_1811] {strides = array<i32>} : memref<64xf32, #tpu.memory_space<vmem>>, vector<16xf32>,
      tpu.vector_store %arg20[%swap3A_1811], %mul3A_1810 {strides = array<i32>} : memref<64xf32, #tpu.memory_space<vmem>>, vector<16xf32>,
      %swap3A_1813 = arith.constant 32 : index
      %swap3A_1814 = tpu.vector_load %arg21[%swap3A_1813] {strides = array<i32>} : memref<64xf32, #tpu.memory_space<vmem>>, vector<16xf32>,
      tpu.vector_store %arg21[%swap3A_1813], %mul3A_1809 {strides = array<i32>} : memref<64xf32, #tpu.memory_space<vmem>>, vector<16xf32>,
      %mul3A_1815 = arith.constant 16 : i32
      %mul3A_1816 = vector.broadcast %mul3A_1815 : i32 to vector<16xi32>
      %mul3A_1817 = arith.muli %iota3A_1144, %mul3A_1816 : vector<16xi32>
      %add3A_1818 = arith.constant 768 : i32
      %add3A_1819 = vector.broadcast %add3A_1818 : i32 to vector<16xi32>
      %add3A_1820 = arith.addi %mul3A_1817, %add3A_1819 : vector<16xi32>
      %add3A_1821 = arith.constant 1024 : i32
      %add3A_1822 = vector.broadcast %add3A_1821 : i32 to vector<16xi32>
      %add3A_1823 = arith.addi %add3A_1820, %add3A_1822 : vector<16xi32>
      %add3A_1824 = arith.constant 0 : i32
      %add3A_1825 = vector.broadcast %add3A_1824 : i32 to vector<16xi32>
      %add3A_1826 = arith.addi %add3A_1820, %add3A_1825 : vector<16xi32>
      %gather3A_1827 = tpu.vector_load_idx %arg18[%add3A_1826] : memref<2048xf32, #tpu.memory_space<vmem>>[vector<16xi32>], vector<16xf32>,
      %add3A_1828 = arith.constant 0 : i32
      %add3A_1829 = vector.broadcast %add3A_1828 : i32 to vector<16xi32>
      %add3A_1830 = arith.addi %add3A_1823, %add3A_1829 : vector<16xi32>
      %gather3A_1831 = tpu.vector_load_idx %arg18[%add3A_1830] : memref<2048xf32, #tpu.memory_space<vmem>>[vector<16xi32>], vector<16xf32>,
      %add3A_1832 = arith.constant 1 : i32
      %add3A_1833 = vector.broadcast %add3A_1832 : i32 to vector<16xi32>
      %add3A_1834 = arith.addi %add3A_1820, %add3A_1833 : vector<16xi32>
      %gather3A_1835 = tpu.vector_load_idx %arg18[%add3A_1834] : memref<2048xf32, #tpu.memory_space<vmem>>[vector<16xi32>], vector<16xf32>,
      %add3A_1836 = arith.constant 1 : i32
      %add3A_1837 = vector.broadcast %add3A_1836 : i32 to vector<16xi32>
      %add3A_1838 = arith.addi %add3A_1823, %add3A_1837 : vector<16xi32>
      %gather3A_1839 = tpu.vector_load_idx %arg18[%add3A_1838] : memref<2048xf32, #tpu.memory_space<vmem>>[vector<16xi32>], vector<16xf32>,
      %add3A_1840 = arith.constant 2 : i32
      %add3A_1841 = vector.broadcast %add3A_1840 : i32 to vector<16xi32>
      %add3A_1842 = arith.addi %add3A_1820, %add3A_1841 : vector<16xi32>
      %gather3A_1843 = tpu.vector_load_idx %arg18[%add3A_1842] : memref<2048xf32, #tpu.memory_space<vmem>>[vector<16xi32>], vector<16xf32>,
      %add3A_1844 = arith.constant 2 : i32
      %add3A_1845 = vector.broadcast %add3A_1844 : i32 to vector<16xi32>
      %add3A_1846 = arith.addi %add3A_1823, %add3A_1845 : vector<16xi32>
      %gather3A_1847 = tpu.vector_load_idx %arg18[%add3A_1846] : memref<2048xf32, #tpu.memory_space<vmem>>[vector<16xi32>], vector<16xf32>,
      %add3A_1848 = arith.constant 3 : i32
      %add3A_1849 = vector.broadcast %add3A_1848 : i32 to vector<16xi32>
      %add3A_1850 = arith.addi %add3A_1820, %add3A_1849 : vector<16xi32>
      %gather3A_1851 = tpu.vector_load_idx %arg18[%add3A_1850] : memref<2048xf32, #tpu.memory_space<vmem>>[vector<16xi32>], vector<16xf32>,
      %add3A_1852 = arith.constant 3 : i32
      %add3A_1853 = vector.broadcast %add3A_1852 : i32 to vector<16xi32>
      %add3A_1854 = arith.addi %add3A_1823, %add3A_1853 : vector<16xi32>
      %gather3A_1855 = tpu.vector_load_idx %arg18[%add3A_1854] : memref<2048xf32, #tpu.memory_space<vmem>>[vector<16xi32>], vector<16xf32>,
      %add3A_1856 = arith.constant 4 : i32
      %add3A_1857 = vector.broadcast %add3A_1856 : i32 to vector<16xi32>
      %add3A_1858 = arith.addi %add3A_1820, %add3A_1857 : vector<16xi32>
      %gather3A_1859 = tpu.vector_load_idx %arg18[%add3A_1858] : memref<2048xf32, #tpu.memory_space<vmem>>[vector<16xi32>], vector<16xf32>,
      %add3A_1860 = arith.constant 4 : i32
      %add3A_1861 = vector.broadcast %add3A_1860 : i32 to vector<16xi32>
      %add3A_1862 = arith.addi %add3A_1823, %add3A_1861 : vector<16xi32>
      %gather3A_1863 = tpu.vector_load_idx %arg18[%add3A_1862] : memref<2048xf32, #tpu.memory_space<vmem>>[vector<16xi32>], vector<16xf32>,
      %add3A_1864 = arith.constant 5 : i32
      %add3A_1865 = vector.broadcast %add3A_1864 : i32 to vector<16xi32>
      %add3A_1866 = arith.addi %add3A_1820, %add3A_1865 : vector<16xi32>
      %gather3A_1867 = tpu.vector_load_idx %arg18[%add3A_1866] : memref<2048xf32, #tpu.memory_space<vmem>>[vector<16xi32>], vector<16xf32>,
      %add3A_1868 = arith.constant 5 : i32
      %add3A_1869 = vector.broadcast %add3A_1868 : i32 to vector<16xi32>
      %add3A_1870 = arith.addi %add3A_1823, %add3A_1869 : vector<16xi32>
      %gather3A_1871 = tpu.vector_load_idx %arg18[%add3A_1870] : memref<2048xf32, #tpu.memory_space<vmem>>[vector<16xi32>], vector<16xf32>,
      %add3A_1872 = arith.constant 6 : i32
      %add3A_1873 = vector.broadcast %add3A_1872 : i32 to vector<16xi32>
      %add3A_1874 = arith.addi %add3A_1820, %add3A_1873 : vector<16xi32>
      %gather3A_1875 = tpu.vector_load_idx %arg18[%add3A_1874] : memref<2048xf32, #tpu.memory_space<vmem>>[vector<16xi32>], vector<16xf32>,
      %add3A_1876 = arith.constant 6 : i32
      %add3A_1877 = vector.broadcast %add3A_1876 : i32 to vector<16xi32>
      %add3A_1878 = arith.addi %add3A_1823, %add3A_1877 : vector<16xi32>
      %gather3A_1879 = tpu.vector_load_idx %arg18[%add3A_1878] : memref<2048xf32, #tpu.memory_space<vmem>>[vector<16xi32>], vector<16xf32>,
      %add3A_1880 = arith.constant 7 : i32
      %add3A_1881 = vector.broadcast %add3A_1880 : i32 to vector<16xi32>
      %add3A_1882 = arith.addi %add3A_1820, %add3A_1881 : vector<16xi32>
      %gather3A_1883 = tpu.vector_load_idx %arg18[%add3A_1882] : memref<2048xf32, #tpu.memory_space<vmem>>[vector<16xi32>], vector<16xf32>,
      %add3A_1884 = arith.constant 7 : i32
      %add3A_1885 = vector.broadcast %add3A_1884 : i32 to vector<16xi32>
      %add3A_1886 = arith.addi %add3A_1823, %add3A_1885 : vector<16xi32>
      %gather3A_1887 = tpu.vector_load_idx %arg18[%add3A_1886] : memref<2048xf32, #tpu.memory_space<vmem>>[vector<16xi32>], vector<16xf32>,
      %add3A_1888 = arith.constant 8 : i32
      %add3A_1889 = vector.broadcast %add3A_1888 : i32 to vector<16xi32>
      %add3A_1890 = arith.addi %add3A_1820, %add3A_1889 : vector<16xi32>
      %gather3A_1891 = tpu.vector_load_idx %arg18[%add3A_1890] : memref<2048xf32, #tpu.memory_space<vmem>>[vector<16xi32>], vector<16xf32>,
      %add3A_1892 = arith.constant 8 : i32
      %add3A_1893 = vector.broadcast %add3A_1892 : i32 to vector<16xi32>
      %add3A_1894 = arith.addi %add3A_1823, %add3A_1893 : vector<16xi32>
      %gather3A_1895 = tpu.vector_load_idx %arg18[%add3A_1894] : memref<2048xf32, #tpu.memory_space<vmem>>[vector<16xi32>], vector<16xf32>,
      %add3A_1896 = arith.constant 9 : i32
      %add3A_1897 = vector.broadcast %add3A_1896 : i32 to vector<16xi32>
      %add3A_1898 = arith.addi %add3A_1820, %add3A_1897 : vector<16xi32>
      %gather3A_1899 = tpu.vector_load_idx %arg18[%add3A_1898] : memref<2048xf32, #tpu.memory_space<vmem>>[vector<16xi32>], vector<16xf32>,
      %add3A_1900 = arith.constant 9 : i32
      %add3A_1901 = vector.broadcast %add3A_1900 : i32 to vector<16xi32>
      %add3A_1902 = arith.addi %add3A_1823, %add3A_1901 : vector<16xi32>
      %gather3A_1903 = tpu.vector_load_idx %arg18[%add3A_1902] : memref<2048xf32, #tpu.memory_space<vmem>>[vector<16xi32>], vector<16xf32>,
      %add3A_1904 = arith.constant 10 : i32
      %add3A_1905 = vector.broadcast %add3A_1904 : i32 to vector<16xi32>
      %add3A_1906 = arith.addi %add3A_1820, %add3A_1905 : vector<16xi32>
      %gather3A_1907 = tpu.vector_load_idx %arg18[%add3A_1906] : memref<2048xf32, #tpu.memory_space<vmem>>[vector<16xi32>], vector<16xf32>,
      %add3A_1908 = arith.constant 10 : i32
      %add3A_1909 = vector.broadcast %add3A_1908 : i32 to vector<16xi32>
      %add3A_1910 = arith.addi %add3A_1823, %add3A_1909 : vector<16xi32>
      %gather3A_1911 = tpu.vector_load_idx %arg18[%add3A_1910] : memref<2048xf32, #tpu.memory_space<vmem>>[vector<16xi32>], vector<16xf32>,
      %add3A_1912 = arith.constant 11 : i32
      %add3A_1913 = vector.broadcast %add3A_1912 : i32 to vector<16xi32>
      %add3A_1914 = arith.addi %add3A_1820, %add3A_1913 : vector<16xi32>
      %gather3A_1915 = tpu.vector_load_idx %arg18[%add3A_1914] : memref<2048xf32, #tpu.memory_space<vmem>>[vector<16xi32>], vector<16xf32>,
      %add3A_1916 = arith.constant 11 : i32
      %add3A_1917 = vector.broadcast %add3A_1916 : i32 to vector<16xi32>
      %add3A_1918 = arith.addi %add3A_1823, %add3A_1917 : vector<16xi32>
      %gather3A_1919 = tpu.vector_load_idx %arg18[%add3A_1918] : memref<2048xf32, #tpu.memory_space<vmem>>[vector<16xi32>], vector<16xf32>,
      %add3A_1920 = arith.constant 12 : i32
      %add3A_1921 = vector.broadcast %add3A_1920 : i32 to vector<16xi32>
      %add3A_1922 = arith.addi %add3A_1820, %add3A_1921 : vector<16xi32>
      %gather3A_1923 = tpu.vector_load_idx %arg18[%add3A_1922] : memref<2048xf32, #tpu.memory_space<vmem>>[vector<16xi32>], vector<16xf32>,
      %add3A_1924 = arith.constant 12 : i32
      %add3A_1925 = vector.broadcast %add3A_1924 : i32 to vector<16xi32>
      %add3A_1926 = arith.addi %add3A_1823, %add3A_1925 : vector<16xi32>
      %gather3A_1927 = tpu.vector_load_idx %arg18[%add3A_1926] : memref<2048xf32, #tpu.memory_space<vmem>>[vector<16xi32>], vector<16xf32>,
      %add3A_1928 = arith.constant 13 : i32
      %add3A_1929 = vector.broadcast %add3A_1928 : i32 to vector<16xi32>
      %add3A_1930 = arith.addi %add3A_1820, %add3A_1929 : vector<16xi32>
      %gather3A_1931 = tpu.vector_load_idx %arg18[%add3A_1930] : memref<2048xf32, #tpu.memory_space<vmem>>[vector<16xi32>], vector<16xf32>,
      %add3A_1932 = arith.constant 13 : i32
      %add3A_1933 = vector.broadcast %add3A_1932 : i32 to vector<16xi32>
      %add3A_1934 = arith.addi %add3A_1823, %add3A_1933 : vector<16xi32>
      %gather3A_1935 = tpu.vector_load_idx %arg18[%add3A_1934] : memref<2048xf32, #tpu.memory_space<vmem>>[vector<16xi32>], vector<16xf32>,
      %add3A_1936 = arith.constant 14 : i32
      %add3A_1937 = vector.broadcast %add3A_1936 : i32 to vector<16xi32>
      %add3A_1938 = arith.addi %add3A_1820, %add3A_1937 : vector<16xi32>
      %gather3A_1939 = tpu.vector_load_idx %arg18[%add3A_1938] : memref<2048xf32, #tpu.memory_space<vmem>>[vector<16xi32>], vector<16xf32>,
      %add3A_1940 = arith.constant 14 : i32
      %add3A_1941 = vector.broadcast %add3A_1940 : i32 to vector<16xi32>
      %add3A_1942 = arith.addi %add3A_1823, %add3A_1941 : vector<16xi32>
      %gather3A_1943 = tpu.vector_load_idx %arg18[%add3A_1942] : memref<2048xf32, #tpu.memory_space<vmem>>[vector<16xi32>], vector<16xf32>,
      %add3A_1944 = arith.constant 15 : i32
      %add3A_1945 = vector.broadcast %add3A_1944 : i32 to vector<16xi32>
      %add3A_1946 = arith.addi %add3A_1820, %add3A_1945 : vector<16xi32>
      %gather3A_1947 = tpu.vector_load_idx %arg18[%add3A_1946] : memref<2048xf32, #tpu.memory_space<vmem>>[vector<16xi32>], vector<16xf32>,
      %add3A_1948 = arith.constant 15 : i32
      %add3A_1949 = vector.broadcast %add3A_1948 : i32 to vector<16xi32>
      %add3A_1950 = arith.addi %add3A_1823, %add3A_1949 : vector<16xi32>
      %gather3A_1951 = tpu.vector_load_idx %arg18[%add3A_1950] : memref<2048xf32, #tpu.memory_space<vmem>>[vector<16xi32>], vector<16xf32>,
      %add3A_1952 = arith.addf %gather3A_1827, %gather3A_1835 : vector<16xf32>
      %add3A_1953 = arith.addf %gather3A_1843, %gather3A_1851 : vector<16xf32>
      %add3A_1954 = arith.addf %gather3A_1859, %gather3A_1867 : vector<16xf32>
      %add3A_1955 = arith.addf %gather3A_1875, %gather3A_1883 : vector<16xf32>
      %add3A_1956 = arith.addf %gather3A_1891, %gather3A_1899 : vector<16xf32>
      %add3A_1957 = arith.addf %gather3A_1907, %gather3A_1915 : vector<16xf32>
      %add3A_1958 = arith.addf %gather3A_1923, %gather3A_1931 : vector<16xf32>
      %add3A_1959 = arith.addf %gather3A_1939, %gather3A_1947 : vector<16xf32>
      %add3A_1960 = arith.addf %add3A_1952, %add3A_1953 : vector<16xf32>
      %add3A_1961 = arith.addf %add3A_1954, %add3A_1955 : vector<16xf32>
      %add3A_1962 = arith.addf %add3A_1956, %add3A_1957 : vector<16xf32>
      %add3A_1963 = arith.addf %add3A_1958, %add3A_1959 : vector<16xf32>
      %add3A_1964 = arith.addf %add3A_1960, %add3A_1961 : vector<16xf32>
      %add3A_1965 = arith.addf %add3A_1962, %add3A_1963 : vector<16xf32>
      %add3A_1966 = arith.addf %add3A_1964, %add3A_1965 : vector<16xf32>
      %add3A_1967 = arith.addf %gather3A_1831, %gather3A_1839 : vector<16xf32>
      %add3A_1968 = arith.addf %gather3A_1847, %gather3A_1855 : vector<16xf32>
      %add3A_1969 = arith.addf %gather3A_1863, %gather3A_1871 : vector<16xf32>
      %add3A_1970 = arith.addf %gather3A_1879, %gather3A_1887 : vector<16xf32>
      %add3A_1971 = arith.addf %gather3A_1895, %gather3A_1903 : vector<16xf32>
      %add3A_1972 = arith.addf %gather3A_1911, %gather3A_1919 : vector<16xf32>
      %add3A_1973 = arith.addf %gather3A_1927, %gather3A_1935 : vector<16xf32>
      %add3A_1974 = arith.addf %gather3A_1943, %gather3A_1951 : vector<16xf32>
      %add3A_1975 = arith.addf %add3A_1967, %add3A_1968 : vector<16xf32>
      %add3A_1976 = arith.addf %add3A_1969, %add3A_1970 : vector<16xf32>
      %add3A_1977 = arith.addf %add3A_1971, %add3A_1972 : vector<16xf32>
      %add3A_1978 = arith.addf %add3A_1973, %add3A_1974 : vector<16xf32>
      %add3A_1979 = arith.addf %add3A_1975, %add3A_1976 : vector<16xf32>
      %add3A_1980 = arith.addf %add3A_1977, %add3A_1978 : vector<16xf32>
      %add3A_1981 = arith.addf %add3A_1979, %add3A_1980 : vector<16xf32>
      %mul3A_1982 = arith.constant 7.812500e-03 : f32
      %mul3A_1983 = vector.broadcast %mul3A_1982 : f32 to vector<16xf32>
      %mul3A_1984 = arith.mulf %add3A_1966, %mul3A_1983 : vector<16xf32>
      %mul3A_1985 = arith.constant 7.812500e-03 : f32
      %mul3A_1986 = vector.broadcast %mul3A_1985 : f32 to vector<16xf32>
      %mul3A_1987 = arith.mulf %add3A_1981, %mul3A_1986 : vector<16xf32>
      %mul3A_1988 = arith.mulf %mul3A_1984, %mul3A_1984 : vector<16xf32>
      %sub3A_1989 = arith.subf %mul3A_1987, %mul3A_1988 : vector<16xf32>
      %add3A_1990 = arith.constant 9.99999974E-6 : f32
      %add3A_1991 = vector.broadcast %add3A_1990 : f32 to vector<16xf32>
      %add3A_1992 = arith.addf %sub3A_1989, %add3A_1991 : vector<16xf32>
      %bitcast_convert_type3A_1993 = tpu.bitcast %add3A_1992 : vector<16xf32> -> vector<16xi32>
      %broadcast_in_dim3A_1994 = arith.constant 1597463007 : i32
      %broadcast_in_dim3A_1995 = vector.broadcast %broadcast_in_dim3A_1994 : i32 to vector<16xi32>
      %broadcast_in_dim3A_1996 = arith.constant 1 : i32
      %broadcast_in_dim3A_1997 = vector.broadcast %broadcast_in_dim3A_1996 : i32 to vector<16xi32>
      %shift_right_arithmetic3A_1998 = arith.shrsi %bitcast_convert_type3A_1993, %broadcast_in_dim3A_1997 : vector<16xi32>
      %sub3A_1999 = arith.subi %broadcast_in_dim3A_1995, %shift_right_arithmetic3A_1998 : vector<16xi32>
      %bitcast_convert_type3A_2000 = tpu.bitcast %sub3A_1999 : vector<16xi32> -> vector<16xf32>
      %mul3A_2001 = arith.constant 5.000000e-01 : f32
      %mul3A_2002 = vector.broadcast %mul3A_2001 : f32 to vector<16xf32>
      %mul3A_2003 = arith.mulf %mul3A_2002, %add3A_1992 : vector<16xf32>
      %mul3A_2004 = arith.mulf %mul3A_2003, %bitcast_convert_type3A_2000 : vector<16xf32>
      %mul3A_2005 = arith.mulf %mul3A_2004, %bitcast_convert_type3A_2000 : vector<16xf32>
      %sub3A_2006 = arith.constant 1.500000e+00 : f32
      %sub3A_2007 = vector.broadcast %sub3A_2006 : f32 to vector<16xf32>
      %sub3A_2008 = arith.subf %sub3A_2007, %mul3A_2005 : vector<16xf32>
      %mul3A_2009 = arith.mulf %bitcast_convert_type3A_2000, %sub3A_2008 : vector<16xf32>
      %mul3A_2010 = arith.mulf %mul3A_2003, %mul3A_2009 : vector<16xf32>
      %mul3A_2011 = arith.mulf %mul3A_2010, %mul3A_2009 : vector<16xf32>
      %sub3A_2012 = arith.constant 1.500000e+00 : f32
      %sub3A_2013 = vector.broadcast %sub3A_2012 : f32 to vector<16xf32>
      %sub3A_2014 = arith.subf %sub3A_2013, %mul3A_2011 : vector<16xf32>
      %mul3A_2015 = arith.mulf %mul3A_2009, %sub3A_2014 : vector<16xf32>
      %mul3A_2016 = arith.mulf %mul3A_2003, %mul3A_2015 : vector<16xf32>
      %mul3A_2017 = arith.mulf %mul3A_2016, %mul3A_2015 : vector<16xf32>
      %sub3A_2018 = arith.constant 1.500000e+00 : f32
      %sub3A_2019 = vector.broadcast %sub3A_2018 : f32 to vector<16xf32>
      %sub3A_2020 = arith.subf %sub3A_2019, %mul3A_2017 : vector<16xf32>
      %mul3A_2021 = arith.mulf %mul3A_2015, %sub3A_2020 : vector<16xf32>
      %mul3A_2022 = arith.mulf %mul3A_1984, %mul3A_2021 : vector<16xf32>
      %swap3A_2023 = arith.constant 48 : index
      %swap3A_2024 = tpu.vector_load %arg20[%swap3A_2023] {strides = array<i32>} : memref<64xf32, #tpu.memory_space<vmem>>, vector<16xf32>,
      tpu.vector_store %arg20[%swap3A_2023], %mul3A_2022 {strides = array<i32>} : memref<64xf32, #tpu.memory_space<vmem>>, vector<16xf32>,
      %swap3A_2025 = arith.constant 48 : index
      %swap3A_2026 = tpu.vector_load %arg21[%swap3A_2025] {strides = array<i32>} : memref<64xf32, #tpu.memory_space<vmem>>, vector<16xf32>,
      tpu.vector_store %arg21[%swap3A_2025], %mul3A_2021 {strides = array<i32>} : memref<64xf32, #tpu.memory_space<vmem>>, vector<16xf32>,
      %parallel_loop3A_2027 = arith.constant 0 : i32
      %parallel_loop3A_2028 = arith.constant 64 : i32
      %parallel_loop3A_2029 = arith.constant 1 : i32
      scf.for %parallel_loop3A_2054 = %parallel_loop3A_2027 to %parallel_loop3A_2028 step %parallel_loop3A_2029  : i32 {
        %parallel_loop3A_2055 = vector.broadcast %parallel_loop3A_2054 : i32 to vector<16xi32>
        %parallel_loop3A_2056 = arith.addi %mul3A_1147, %parallel_loop3A_2055 : vector<16xi32>
        %parallel_loop3A_2057 = tpu.vector_load_idx %arg20[%parallel_loop3A_2056] : memref<64xf32, #tpu.memory_space<vmem>>[vector<16xi32>], vector<16xf32>,
        %parallel_loop3A_2058 = vector.broadcast %parallel_loop3A_2054 : i32 to vector<16xi32>
        %parallel_loop3A_2059 = arith.addi %mul3A_1147, %parallel_loop3A_2058 : vector<16xi32>
        %parallel_loop3A_2060 = tpu.vector_load_idx %arg21[%parallel_loop3A_2059] : memref<64xf32, #tpu.memory_space<vmem>>[vector<16xi32>], vector<16xf32>,
        %parallel_loop3A_2061 = arith.constant 1 : i32
        %parallel_loop3A_2062 = arith.index_cast %parallel_loop3A_2061 : i32 to index
        %parallel_loop3A_2063 = arith.index_cast %parallel_loop3A_2054 : i32 to index
        %parallel_loop3A_2064 = arith.constant 0 : index
        %parallel_loop3A_2065 = tpu.vector_load %arg17[%parallel_loop3A_2062, %parallel_loop3A_2063, %parallel_loop3A_2064] {strides = array<i32>} : memref<2x64x128xf32, #tpu.memory_space<vmem>>, vector<16xf32>,
        %parallel_loop3A_2066 = arith.mulf %parallel_loop3A_2065, %parallel_loop3A_2060 : vector<16xf32>
        %parallel_loop3A_2067 = arith.subf %parallel_loop3A_2066, %parallel_loop3A_2057 : vector<16xf32>
        %parallel_loop3A_2068 = arith.mulf %parallel_loop3A_2067, %get3A_74 : vector<16xf32>
        %parallel_loop3A_2069 = arith.addf %parallel_loop3A_2068, %get3A_90 : vector<16xf32>
        %parallel_loop3A_2070 = arith.constant 1 : i32
        %parallel_loop3A_2071 = arith.index_cast %parallel_loop3A_2070 : i32 to index
        %parallel_loop3A_2072 = arith.index_cast %parallel_loop3A_2054 : i32 to index
        %parallel_loop3A_2073 = arith.constant 0 : index
        %parallel_loop3A_2074 = tpu.vector_load %arg17[%parallel_loop3A_2071, %parallel_loop3A_2072, %parallel_loop3A_2073] {strides = array<i32>} : memref<2x64x128xf32, #tpu.memory_space<vmem>>, vector<16xf32>,
        tpu.vector_store %arg17[%parallel_loop3A_2071, %parallel_loop3A_2072, %parallel_loop3A_2073], %parallel_loop3A_2069 {strides = array<i32>} : memref<2x64x128xf32, #tpu.memory_space<vmem>>, vector<16xf32>,
        %parallel_loop3A_2075 = arith.constant 1 : i32
        %parallel_loop3A_2076 = arith.index_cast %parallel_loop3A_2075 : i32 to index
        %parallel_loop3A_2077 = arith.index_cast %parallel_loop3A_2054 : i32 to index
        %parallel_loop3A_2078 = arith.constant 16 : index
        %parallel_loop3A_2079 = tpu.vector_load %arg17[%parallel_loop3A_2076, %parallel_loop3A_2077, %parallel_loop3A_2078] {strides = array<i32>} : memref<2x64x128xf32, #tpu.memory_space<vmem>>, vector<16xf32>,
        %parallel_loop3A_2080 = arith.mulf %parallel_loop3A_2079, %parallel_loop3A_2060 : vector<16xf32>
        %parallel_loop3A_2081 = arith.subf %parallel_loop3A_2080, %parallel_loop3A_2057 : vector<16xf32>
        %parallel_loop3A_2082 = arith.mulf %parallel_loop3A_2081, %get3A_76 : vector<16xf32>
        %parallel_loop3A_2083 = arith.addf %parallel_loop3A_2082, %get3A_92 : vector<16xf32>
        %parallel_loop3A_2084 = arith.constant 1 : i32
        %parallel_loop3A_2085 = arith.index_cast %parallel_loop3A_2084 : i32 to index
        %parallel_loop3A_2086 = arith.index_cast %parallel_loop3A_2054 : i32 to index
        %parallel_loop3A_2087 = arith.constant 16 : index
        %parallel_loop3A_2088 = tpu.vector_load %arg17[%parallel_loop3A_2085, %parallel_loop3A_2086, %parallel_loop3A_2087] {strides = array<i32>} : memref<2x64x128xf32, #tpu.memory_space<vmem>>, vector<16xf32>,
        tpu.vector_store %arg17[%parallel_loop3A_2085, %parallel_loop3A_2086, %parallel_loop3A_2087], %parallel_loop3A_2083 {strides = array<i32>} : memref<2x64x128xf32, #tpu.memory_space<vmem>>, vector<16xf32>,
        %parallel_loop3A_2089 = arith.constant 1 : i32
        %parallel_loop3A_2090 = arith.index_cast %parallel_loop3A_2089 : i32 to index
        %parallel_loop3A_2091 = arith.index_cast %parallel_loop3A_2054 : i32 to index
        %parallel_loop3A_2092 = arith.constant 32 : index
        %parallel_loop3A_2093 = tpu.vector_load %arg17[%parallel_loop3A_2090, %parallel_loop3A_2091, %parallel_loop3A_2092] {strides = array<i32>} : memref<2x64x128xf32, #tpu.memory_space<vmem>>, vector<16xf32>,
        %parallel_loop3A_2094 = arith.mulf %parallel_loop3A_2093, %parallel_loop3A_2060 : vector<16xf32>
        %parallel_loop3A_2095 = arith.subf %parallel_loop3A_2094, %parallel_loop3A_2057 : vector<16xf32>
        %parallel_loop3A_2096 = arith.mulf %parallel_loop3A_2095, %get3A_78 : vector<16xf32>
        %parallel_loop3A_2097 = arith.addf %parallel_loop3A_2096, %get3A_94 : vector<16xf32>
        %parallel_loop3A_2098 = arith.constant 1 : i32
        %parallel_loop3A_2099 = arith.index_cast %parallel_loop3A_2098 : i32 to index
        %parallel_loop3A_2100 = arith.index_cast %parallel_loop3A_2054 : i32 to index
        %parallel_loop3A_2101 = arith.constant 32 : index
        %parallel_loop3A_2102 = tpu.vector_load %arg17[%parallel_loop3A_2099, %parallel_loop3A_2100, %parallel_loop3A_2101] {strides = array<i32>} : memref<2x64x128xf32, #tpu.memory_space<vmem>>, vector<16xf32>,
        tpu.vector_store %arg17[%parallel_loop3A_2099, %parallel_loop3A_2100, %parallel_loop3A_2101], %parallel_loop3A_2097 {strides = array<i32>} : memref<2x64x128xf32, #tpu.memory_space<vmem>>, vector<16xf32>,
        %parallel_loop3A_2103 = arith.constant 1 : i32
        %parallel_loop3A_2104 = arith.index_cast %parallel_loop3A_2103 : i32 to index
        %parallel_loop3A_2105 = arith.index_cast %parallel_loop3A_2054 : i32 to index
        %parallel_loop3A_2106 = arith.constant 48 : index
        %parallel_loop3A_2107 = tpu.vector_load %arg17[%parallel_loop3A_2104, %parallel_loop3A_2105, %parallel_loop3A_2106] {strides = array<i32>} : memref<2x64x128xf32, #tpu.memory_space<vmem>>, vector<16xf32>,
        %parallel_loop3A_2108 = arith.mulf %parallel_loop3A_2107, %parallel_loop3A_2060 : vector<16xf32>
        %parallel_loop3A_2109 = arith.subf %parallel_loop3A_2108, %parallel_loop3A_2057 : vector<16xf32>
        %parallel_loop3A_2110 = arith.mulf %parallel_loop3A_2109, %get3A_80 : vector<16xf32>
        %parallel_loop3A_2111 = arith.addf %parallel_loop3A_2110, %get3A_96 : vector<16xf32>
        %parallel_loop3A_2112 = arith.constant 1 : i32
        %parallel_loop3A_2113 = arith.index_cast %parallel_loop3A_2112 : i32 to index
        %parallel_loop3A_2114 = arith.index_cast %parallel_loop3A_2054 : i32 to index
        %parallel_loop3A_2115 = arith.constant 48 : index
        %parallel_loop3A_2116 = tpu.vector_load %arg17[%parallel_loop3A_2113, %parallel_loop3A_2114, %parallel_loop3A_2115] {strides = array<i32>} : memref<2x64x128xf32, #tpu.memory_space<vmem>>, vector<16xf32>,
        tpu.vector_store %arg17[%parallel_loop3A_2113, %parallel_loop3A_2114, %parallel_loop3A_2115], %parallel_loop3A_2111 {strides = array<i32>} : memref<2x64x128xf32, #tpu.memory_space<vmem>>, vector<16xf32>,
        %parallel_loop3A_2117 = arith.constant 1 : i32
        %parallel_loop3A_2118 = arith.index_cast %parallel_loop3A_2117 : i32 to index
        %parallel_loop3A_2119 = arith.index_cast %parallel_loop3A_2054 : i32 to index
        %parallel_loop3A_2120 = arith.constant 64 : index
        %parallel_loop3A_2121 = tpu.vector_load %arg17[%parallel_loop3A_2118, %parallel_loop3A_2119, %parallel_loop3A_2120] {strides = array<i32>} : memref<2x64x128xf32, #tpu.memory_space<vmem>>, vector<16xf32>,
        %parallel_loop3A_2122 = arith.mulf %parallel_loop3A_2121, %parallel_loop3A_2060 : vector<16xf32>
        %parallel_loop3A_2123 = arith.subf %parallel_loop3A_2122, %parallel_loop3A_2057 : vector<16xf32>
        %parallel_loop3A_2124 = arith.mulf %parallel_loop3A_2123, %get3A_82 : vector<16xf32>
        %parallel_loop3A_2125 = arith.addf %parallel_loop3A_2124, %get3A_98 : vector<16xf32>
        %parallel_loop3A_2126 = arith.constant 1 : i32
        %parallel_loop3A_2127 = arith.index_cast %parallel_loop3A_2126 : i32 to index
        %parallel_loop3A_2128 = arith.index_cast %parallel_loop3A_2054 : i32 to index
        %parallel_loop3A_2129 = arith.constant 64 : index
        %parallel_loop3A_2130 = tpu.vector_load %arg17[%parallel_loop3A_2127, %parallel_loop3A_2128, %parallel_loop3A_2129] {strides = array<i32>} : memref<2x64x128xf32, #tpu.memory_space<vmem>>, vector<16xf32>,
        tpu.vector_store %arg17[%parallel_loop3A_2127, %parallel_loop3A_2128, %parallel_loop3A_2129], %parallel_loop3A_2125 {strides = array<i32>} : memref<2x64x128xf32, #tpu.memory_space<vmem>>, vector<16xf32>,
        %parallel_loop3A_2131 = arith.constant 1 : i32
        %parallel_loop3A_2132 = arith.index_cast %parallel_loop3A_2131 : i32 to index
        %parallel_loop3A_2133 = arith.index_cast %parallel_loop3A_2054 : i32 to index
        %parallel_loop3A_2134 = arith.constant 80 : index
        %parallel_loop3A_2135 = tpu.vector_load %arg17[%parallel_loop3A_2132, %parallel_loop3A_2133, %parallel_loop3A_2134] {strides = array<i32>} : memref<2x64x128xf32, #tpu.memory_space<vmem>>, vector<16xf32>,
        %parallel_loop3A_2136 = arith.mulf %parallel_loop3A_2135, %parallel_loop3A_2060 : vector<16xf32>
        %parallel_loop3A_2137 = arith.subf %parallel_loop3A_2136, %parallel_loop3A_2057 : vector<16xf32>
        %parallel_loop3A_2138 = arith.mulf %parallel_loop3A_2137, %get3A_84 : vector<16xf32>
        %parallel_loop3A_2139 = arith.addf %parallel_loop3A_2138, %get3A_100 : vector<16xf32>
        %parallel_loop3A_2140 = arith.constant 1 : i32
        %parallel_loop3A_2141 = arith.index_cast %parallel_loop3A_2140 : i32 to index
        %parallel_loop3A_2142 = arith.index_cast %parallel_loop3A_2054 : i32 to index
        %parallel_loop3A_2143 = arith.constant 80 : index
        %parallel_loop3A_2144 = tpu.vector_load %arg17[%parallel_loop3A_2141, %parallel_loop3A_2142, %parallel_loop3A_2143] {strides = array<i32>} : memref<2x64x128xf32, #tpu.memory_space<vmem>>, vector<16xf32>,
        tpu.vector_store %arg17[%parallel_loop3A_2141, %parallel_loop3A_2142, %parallel_loop3A_2143], %parallel_loop3A_2139 {strides = array<i32>} : memref<2x64x128xf32, #tpu.memory_space<vmem>>, vector<16xf32>,
        %parallel_loop3A_2145 = arith.constant 1 : i32
        %parallel_loop3A_2146 = arith.index_cast %parallel_loop3A_2145 : i32 to index
        %parallel_loop3A_2147 = arith.index_cast %parallel_loop3A_2054 : i32 to index
        %parallel_loop3A_2148 = arith.constant 96 : index
        %parallel_loop3A_2149 = tpu.vector_load %arg17[%parallel_loop3A_2146, %parallel_loop3A_2147, %parallel_loop3A_2148] {strides = array<i32>} : memref<2x64x128xf32, #tpu.memory_space<vmem>>, vector<16xf32>,
        %parallel_loop3A_2150 = arith.mulf %parallel_loop3A_2149, %parallel_loop3A_2060 : vector<16xf32>
        %parallel_loop3A_2151 = arith.subf %parallel_loop3A_2150, %parallel_loop3A_2057 : vector<16xf32>
        %parallel_loop3A_2152 = arith.mulf %parallel_loop3A_2151, %get3A_86 : vector<16xf32>
        %parallel_loop3A_2153 = arith.addf %parallel_loop3A_2152, %get3A_102 : vector<16xf32>
        %parallel_loop3A_2154 = arith.constant 1 : i32
        %parallel_loop3A_2155 = arith.index_cast %parallel_loop3A_2154 : i32 to index
        %parallel_loop3A_2156 = arith.index_cast %parallel_loop3A_2054 : i32 to index
        %parallel_loop3A_2157 = arith.constant 96 : index
        %parallel_loop3A_2158 = tpu.vector_load %arg17[%parallel_loop3A_2155, %parallel_loop3A_2156, %parallel_loop3A_2157] {strides = array<i32>} : memref<2x64x128xf32, #tpu.memory_space<vmem>>, vector<16xf32>,
        tpu.vector_store %arg17[%parallel_loop3A_2155, %parallel_loop3A_2156, %parallel_loop3A_2157], %parallel_loop3A_2153 {strides = array<i32>} : memref<2x64x128xf32, #tpu.memory_space<vmem>>, vector<16xf32>,
        %parallel_loop3A_2159 = arith.constant 1 : i32
        %parallel_loop3A_2160 = arith.index_cast %parallel_loop3A_2159 : i32 to index
        %parallel_loop3A_2161 = arith.index_cast %parallel_loop3A_2054 : i32 to index
        %parallel_loop3A_2162 = arith.constant 112 : index
        %parallel_loop3A_2163 = tpu.vector_load %arg17[%parallel_loop3A_2160, %parallel_loop3A_2161, %parallel_loop3A_2162] {strides = array<i32>} : memref<2x64x128xf32, #tpu.memory_space<vmem>>, vector<16xf32>,
        %parallel_loop3A_2164 = arith.mulf %parallel_loop3A_2163, %parallel_loop3A_2060 : vector<16xf32>
        %parallel_loop3A_2165 = arith.subf %parallel_loop3A_2164, %parallel_loop3A_2057 : vector<16xf32>
        %parallel_loop3A_2166 = arith.mulf %parallel_loop3A_2165, %get3A_88 : vector<16xf32>
        %parallel_loop3A_2167 = arith.addf %parallel_loop3A_2166, %get3A_104 : vector<16xf32>
        %parallel_loop3A_2168 = arith.constant 1 : i32
        %parallel_loop3A_2169 = arith.index_cast %parallel_loop3A_2168 : i32 to index
        %parallel_loop3A_2170 = arith.index_cast %parallel_loop3A_2054 : i32 to index
        %parallel_loop3A_2171 = arith.constant 112 : index
        %parallel_loop3A_2172 = tpu.vector_load %arg17[%parallel_loop3A_2169, %parallel_loop3A_2170, %parallel_loop3A_2171] {strides = array<i32>} : memref<2x64x128xf32, #tpu.memory_space<vmem>>, vector<16xf32>,
        tpu.vector_store %arg17[%parallel_loop3A_2169, %parallel_loop3A_2170, %parallel_loop3A_2171], %parallel_loop3A_2167 {strides = array<i32>} : memref<2x64x128xf32, #tpu.memory_space<vmem>>, vector<16xf32>,
      } {sc.loop_unroll_factor = 1 : i64, sc.parallel_access}
      %mul3A_2030 = arith.constant 64 : i32
      %mul3A_2031 = arith.muli %add3A_1115, %mul3A_2030 : i32
      %multiple_of3A_2032 = tpu.assume_multiple %mul3A_2031, 64 : i32
      %add3A_2033 = arith.addi %mul3A_2, %multiple_of3A_2032 : i32
      %dma_start3A_2034 = arith.constant 1 : i32
      %dma_start3A_2035 = arith.constant 0 : i32
      %dma_start3A_2036 = arith.constant 0 : i32
      %dma_start3A_2037 = tpu.memref_slice %arg17[%dma_start3A_2034, %dma_start3A_2035, %dma_start3A_2036] : memref<2x64x128xf32, #tpu.memory_space<vmem>> -> memref<1x64x128xf32, #tpu.memory_space<vmem>>
      %dma_start3A_2038 = tpu.memref_squeeze %dma_start3A_2037 : memref<1x64x128xf32, #tpu.memory_space<vmem>> -> memref<64x128xf32, #tpu.memory_space<vmem>>
      %dma_start3A_2039 = arith.constant 0 : i32
      %dma_start3A_2040 = tpu.memref_slice %arg9[%add3A_2033, %dma_start3A_2039] : memref<524288x128xf32, #tpu.memory_space<hbm>> -> memref<64x128xf32, #tpu.memory_space<hbm>>
      %dma_start3A_2041 = arith.constant 0 : i32
      %dma_start3A_2042 = tpu.memref_slice %arg9[%add3A_2033, %dma_start3A_2041] : memref<524288x128xf32, #tpu.memory_space<hbm>> -> memref<64x128xf32, #tpu.memory_space<hbm>>
      %dma_start3A_2043 = arith.constant 0 : i32
      %dma_start3A_2044 = arith.constant 0 : i32
      %dma_start3A_2045 = tpu.memref_slice %arg17[%dma_start3A_2034, %dma_start3A_2043, %dma_start3A_2044] : memref<2x64x128xf32, #tpu.memory_space<vmem>> -> memref<1x64x128xf32, #tpu.memory_space<vmem>>
      %dma_start3A_2046 = tpu.memref_squeeze %dma_start3A_2045 : memref<1x64x128xf32, #tpu.memory_space<vmem>> -> memref<64x128xf32, #tpu.memory_space<vmem>>
      tpu.enqueue_dma source(%dma_start3A_2046 : memref<64x128xf32, #tpu.memory_space<vmem>>) target(%dma_start3A_2042 : memref<64x128xf32, #tpu.memory_space<hbm>>) target_semaphore(%arg25 : memref<!tpu.dma_semaphore, #tpu.memory_space<semaphore_mem>>)
      %add3A_2047 = arith.constant 2 : i32
      %add3A_2048 = arith.addi %add3A_1115, %add3A_2047 : i32
      %lt3A_2049 = arith.constant 256 : i32
      %lt3A_2050 = arith.cmpi slt, %add3A_2048, %lt3A_2049 : i32
      %convert_element_type3A_2051 = arith.extui %lt3A_2050 : i1 to i32
      %cond3A_2052 = arith.constant 0 : i32
      %cond3A_2053 = arith.cmpi ne, %convert_element_type3A_2051, %cond3A_2052 : i32
      scf.if %cond3A_2053 {
        %add3A_2054 = arith.constant 2 : i32
        %add3A_2055 = arith.addi %add3A_1115, %add3A_2054 : i32
        %mul3A_2056 = arith.constant 64 : i32
        %mul3A_2057 = arith.muli %add3A_2055, %mul3A_2056 : i32
        %multiple_of3A_2058 = tpu.assume_multiple %mul3A_2057, 64 : i32
        %dma_start3A_2059 = arith.constant 1 : i32
        %dma_start3A_2060 = arith.constant 0 : i32
        %dma_start3A_2061 = arith.constant 0 : i32
        %dma_start3A_2062 = tpu.memref_slice %arg16[%dma_start3A_2059, %dma_start3A_2060, %dma_start3A_2061] : memref<2x64x128xf32, #tpu.memory_space<vmem>> -> memref<1x64x128xf32, #tpu.memory_space<vmem>>
        %dma_start3A_2063 = tpu.memref_squeeze %dma_start3A_2062 : memref<1x64x128xf32, #tpu.memory_space<vmem>> -> memref<64x128xf32, #tpu.memory_space<vmem>>
        %dma_start3A_2064 = tpu.memref_slice %arg14[%multiple_of3A_2058] : memref<16384xi32, #tpu.memory_space<vmem>> -> memref<64xi32, #tpu.memory_space<vmem>>
        %dma_start3A_2065 = arith.constant 0 : i32
        %dma_start3A_2066 = arith.constant 0 : i32
        %dma_start3A_2067 = tpu.memref_slice %arg4[%dma_start3A_2065, %dma_start3A_2066] : memref<100000x128xf32, #tpu.memory_space<hbm>> -> memref<100000x128xf32, #tpu.memory_space<hbm>>
        tpu.enqueue_indirect_dma source(%dma_start3A_2067 : memref<100000x128xf32, #tpu.memory_space<hbm>>) target(%dma_start3A_2063 : memref<64x128xf32, #tpu.memory_space<vmem>>) offsets(%dma_start3A_2064 : memref<64xi32, #tpu.memory_space<vmem>>) semaphore(%arg23 : memref<!tpu.dma_semaphore, #tpu.memory_space<semaphore_mem>>)
        %add3A_2068 = arith.addi %mul3A_2, %multiple_of3A_2058 : i32
        %dma_start3A_2069 = arith.constant 1 : i32
        %dma_start3A_2070 = arith.constant 0 : i32
        %dma_start3A_2071 = tpu.memref_slice %arg15[%dma_start3A_2069, %dma_start3A_2070] : memref<2x64xi32, #tpu.memory_space<vmem>> -> memref<1x64xi32, #tpu.memory_space<vmem>>
        %dma_start3A_2072 = tpu.memref_squeeze %dma_start3A_2071 : memref<1x64xi32, #tpu.memory_space<vmem>> -> memref<64xi32, #tpu.memory_space<vmem>>
        %dma_start3A_2073 = tpu.memref_slice %arg3[%add3A_2068] : memref<524288xi32, #tpu.memory_space<hbm>> -> memref<64xi32, #tpu.memory_space<hbm>>
        %dma_start3A_2074 = arith.constant 0 : i32
        %dma_start3A_2075 = tpu.memref_slice %arg15[%dma_start3A_2069, %dma_start3A_2074] : memref<2x64xi32, #tpu.memory_space<vmem>> -> memref<1x64xi32, #tpu.memory_space<vmem>>
        %dma_start3A_2076 = tpu.memref_squeeze %dma_start3A_2075 : memref<1x64xi32, #tpu.memory_space<vmem>> -> memref<64xi32, #tpu.memory_space<vmem>>
        %dma_start3A_2077 = tpu.memref_slice %arg3[%add3A_2068] : memref<524288xi32, #tpu.memory_space<hbm>> -> memref<64xi32, #tpu.memory_space<hbm>>
        tpu.enqueue_dma source(%dma_start3A_2077 : memref<64xi32, #tpu.memory_space<hbm>>) target(%dma_start3A_2076 : memref<64xi32, #tpu.memory_space<vmem>>) target_semaphore(%arg23 : memref<!tpu.dma_semaphore, #tpu.memory_space<semaphore_mem>>)
      } else {
      }
    }
    %scan3A_155 = arith.constant 128 : i32
    %dma_wait3A = arith.constant 0 : i32
    %dma_wait3A_156 = arith.constant 0 : i32
    %dma_wait3A_157 = arith.constant 0 : i32
    %dma_wait3A_158 = tpu.memref_slice %arg17[%dma_wait3A, %dma_wait3A_156, %dma_wait3A_157] : memref<2x64x128xf32, #tpu.memory_space<vmem>> -> memref<1x64x128xf32, #tpu.memory_space<vmem>>
    %dma_wait3A_159 = tpu.memref_squeeze %dma_wait3A_158 : memref<1x64x128xf32, #tpu.memory_space<vmem>> -> memref<64x128xf32, #tpu.memory_space<vmem>>
    %dma_wait3A_160 = arith.constant 0 : i32
    %dma_wait3A_161 = tpu.memref_slice %arg9[%mul3A_2, %dma_wait3A_160] : memref<524288x128xf32, #tpu.memory_space<hbm>> -> memref<64x128xf32, #tpu.memory_space<hbm>>
    %dma_wait3A_162 = arith.constant 0 : i32
    %dma_wait3A_163 = tpu.memref_slice %arg9[%mul3A_2, %dma_wait3A_162] : memref<524288x128xf32, #tpu.memory_space<hbm>> -> memref<64x128xf32, #tpu.memory_space<hbm>>
    %dma_wait3A_164 = arith.constant 0 : i32
    %dma_wait3A_165 = arith.constant 0 : i32
    %dma_wait3A_166 = tpu.memref_slice %arg17[%dma_wait3A, %dma_wait3A_164, %dma_wait3A_165] : memref<2x64x128xf32, #tpu.memory_space<vmem>> -> memref<1x64x128xf32, #tpu.memory_space<vmem>>
    %dma_wait3A_167 = tpu.memref_squeeze %dma_wait3A_166 : memref<1x64x128xf32, #tpu.memory_space<vmem>> -> memref<64x128xf32, #tpu.memory_space<vmem>>
    tpu.wait_dma2 semaphore(%arg24 : memref<!tpu.dma_semaphore, #tpu.memory_space<semaphore_mem>>) src(%dma_wait3A_167 : memref<64x128xf32, #tpu.memory_space<vmem>>) dst(%dma_wait3A_163 : memref<64x128xf32, #tpu.memory_space<hbm>>)
    %dma_wait3A_168 = arith.constant 1 : i32
    %dma_wait3A_169 = arith.constant 0 : i32
    %dma_wait3A_170 = arith.constant 0 : i32
    %dma_wait3A_171 = tpu.memref_slice %arg17[%dma_wait3A_168, %dma_wait3A_169, %dma_wait3A_170] : memref<2x64x128xf32, #tpu.memory_space<vmem>> -> memref<1x64x128xf32, #tpu.memory_space<vmem>>
    %dma_wait3A_172 = tpu.memref_squeeze %dma_wait3A_171 : memref<1x64x128xf32, #tpu.memory_space<vmem>> -> memref<64x128xf32, #tpu.memory_space<vmem>>
    %dma_wait3A_173 = arith.constant 0 : i32
    %dma_wait3A_174 = tpu.memref_slice %arg9[%mul3A_2, %dma_wait3A_173] : memref<524288x128xf32, #tpu.memory_space<hbm>> -> memref<64x128xf32, #tpu.memory_space<hbm>>
    %dma_wait3A_175 = arith.constant 0 : i32
    %dma_wait3A_176 = tpu.memref_slice %arg9[%mul3A_2, %dma_wait3A_175] : memref<524288x128xf32, #tpu.memory_space<hbm>> -> memref<64x128xf32, #tpu.memory_space<hbm>>
    %dma_wait3A_177 = arith.constant 0 : i32
    %dma_wait3A_178 = arith.constant 0 : i32
    %dma_wait3A_179 = tpu.memref_slice %arg17[%dma_wait3A_168, %dma_wait3A_177, %dma_wait3A_178] : memref<2x64x128xf32, #tpu.memory_space<vmem>> -> memref<1x64x128xf32, #tpu.memory_space<vmem>>
    %dma_wait3A_180 = tpu.memref_squeeze %dma_wait3A_179 : memref<1x64x128xf32, #tpu.memory_space<vmem>> -> memref<64x128xf32, #tpu.memory_space<vmem>>
    tpu.wait_dma2 semaphore(%arg25 : memref<!tpu.dma_semaphore, #tpu.memory_space<semaphore_mem>>) src(%dma_wait3A_180 : memref<64x128xf32, #tpu.memory_space<vmem>>) dst(%dma_wait3A_176 : memref<64x128xf32, #tpu.memory_space<hbm>>)
    return
  }
}

</mosaic_0001>

<sc_bundles>
// kernel: kernel.3.cloned.1.call-start
scs
__scs_entry_jumppad:
0x0: {  	(pc) =	sbr.rel $0x88, $3  }
0x1: {  	(tag) =	ssettag $0x0;
	lr =	simm.s32 $0x1  }
0x2: {  	[smem:$0x3F9A] =	sst lr;
	_ =	strace $0xD0000000  }
0x3: {  	_ = 	snop  }
0x4: {  	_ = 	snop  }
0x5: {  	_ = 	snop  }
0x6: {  	_ = 	snop  }
0x7: {  	_ = 	snop  }
__scs_overlays_trampoline_lowered:
0x8: {  	[smem:$0x3FA9] =	sst s0  }
0x9: {  	[smem:$0x3FAA] =	sst s1  }
0xa: {  	[smem:$0x3FAB] =	sst s2  }
0xb: {  	[smem:$0x3FAC] =	sst s3  }
0xc: {  	[smem:$0x3FAD] =	sst s4  }
0xd: {  	[smem:$0x3FAE] =	sst s5  }
0xe: {  	[smem:$0x3FAF] =	sst s6  }
0xf: {  	[smem:$0x3FB0] =	sst s7  }
0x10: {  	[smem:$0x3FB1] =	sst s8  }
0x11: {  	[smem:$0x3FB2] =	sst s9;
	s0 =	simm.s32 @!p0 $0x0  }
0x12: {  	s1 =	sld [smem:$0x3F98];
	s0 =	simm.s32 @p0 $0x1  }
0x13: {  	[smem:$0x3FB3] =	sst s0;
	s0 =	simm.s32 @!p1 $0x0  }
0x14: {  	s2 =	sld [smem:$0x3F97];
	s0 =	simm.s32 @p1 $0x1  }
0x15: {  	[smem:$0x3FB4] =	sst s0;
	s0 =	simm.s32 @!p2 $0x0  }
0x16: {  	s3 =	sld [smem:$0x3FDB];
	s0 =	simm.s32 @p2 $0x1  }
0x17: {  	s4 =	simm.s32 $0x1BF5;
	[smem:$0x3FB6] =	sst s0  }
0x18: {  	s0 =	sld [smem:$0x3F99];
	_ =	swait.ge [sflag:s4], $0x0  }
0x19: {  	s7 =	sld [smem:$0x3F9A]  }
0x1a: {  	s8 =	sadd.s32 $0xFFFFE003, lr  }
0x1b: {  	s9 =	sadd.s32 $0xFFFFFEF7, lr;
	s5 =	simm.s32 $0xFFFFFFFF;
	p2 =	slt.u32 s8, $0xFFFFF086  }
0x1c: {  	p1 =	slt.u32 s9, $0xF7A;
	s5 =	simm.s32 @!p2 $0x0  }
0x1d: {  	s5 =	simm.s32 @p1 $0x1;
	p0 =	seq.s32 s7, s2  }
0x1e: {  	s7 =	smul.u32 @!p0 $0xF7A, s2;
	p2 =	seq.s32 @!p0 s5, $0x0  }
0x1f: {  	s9 =	smul.u32 $0xF7A, s1;
	s8 =	simm.s32 @!p0 $0x1BF5;
	p2 =	por !p2, p0  }
0x20: {  	[sflag:s8] =	ssyncset.s32 @!p0 $0xFFFFF086;
	s6 =	sadd.s32 @!p0 s3, s7;
	s7 =	simm.s32 @!p0 $0x108  }
0x21: {  	s3 =	sadd.s32 s3, s9;
	s6 =	sadd.s32 @!p0 $0x88, s6;
	s7 =	simm.s32 @p2 $0x1082  }
0x22: {  	[simem:s7], [sflag:s8] =	dma.local @!p0 [hbm:s6], $0xF7A  }
0x23: {  	s9 =	sor.u32 $0xD0000000, s2;
	s6 =	simm.s32 $0x108;
	_ =	swait.ge @!p0 [sflag:s8], $0x0  }
0x24: {  	s3 =	sadd.s32 $0x88, s3;
	s6 =	simm.s32 @!p1 $0x1082;
	[sflag:s4] =	ssyncset.s32 $0xFFFFF086  }
0x25: {  	[simem:s6], [sflag:s4] =	dma.local [hbm:s3], $0xF7A  }
0x26: {  	[smem:$0x3F9A] =	sst s1;
	(tag) =	ssettag s2;
	_ =	strace s9  }
0x27: {  	s1 =	sld [smem:$0x3FAA]  }
0x28: {  	s2 =	sld [smem:$0x3FAB]  }
0x29: {  	s4 =	sld [smem:$0x3FAD]  }
0x2a: {  	p0 =	seq.s32 s5, $0x0;
	s5 =	sld [smem:$0x3FAE]  }
0x2b: {  	s6 =	sld [smem:$0x3FAF]  }
0x2c: {  	s7 =	sld [smem:$0x3FB0]  }
0x2d: {  	s3 =	simm.s32 $0x108;
	s8 =	sld [smem:$0x3FB1]  }
0x2e: {  	s3 =	simm.s32 @!p0 $0x1082;
	s9 =	sld [smem:$0x3FB2]  }
0x2f: {  	lr =	sadd.s32 s0, s3;
	s0 =	sld [smem:$0x3FA9]  }
0x30: {  	s3 =	sld [smem:$0x3FAC]  }
0x31: {  	[smem:$0x3FB5] =	sst s10  }
0x32: {  	s10 =	sld [smem:$0x3FB3];
	_ =	sdelay $0x3  }
0x33: {  	p0 =	seq.s32 s10, $0x1;
	s10 =	sld [smem:$0x3FB5];
	_ =	sdelay $0x3  }
0x34: {  	[smem:$0x3FB5] =	sst s10  }
0x35: {  	s10 =	sld [smem:$0x3FB4];
	_ =	sdelay $0x3  }
0x36: {  	p1 =	seq.s32 s10, $0x1;
	s10 =	sld [smem:$0x3FB5];
	_ =	sdelay $0x3  }
0x37: {  	[smem:$0x3FB5] =	sst s10  }
0x38: {  	s10 =	sld [smem:$0x3FB6]  }
0x39: {  	_ = 	snop;
	(pc) =	sbr.ind lr, $3  }
0x3a: {  	_ = 	snop  }
0x3b: {  	_ = 	snop  }
0x3c: {  	p2 =	seq.s32 s10, $0x1;
	s10 =	sld [smem:$0x3FB5]  }
0x3d: {  	_ =	shalt  }
0x3e: {  	_ =	shalt  }
0x3f: {  	_ =	shalt  }
0x40: {  	_ =	shalt  }
0x41: {  	_ =	shalt  }
0x42: {  	_ =	shalt  }
0x43: {  	_ =	shalt  }
0x44: {  	_ =	shalt  }
0x45: {  	_ =	shalt  }
0x46: {  	_ =	shalt  }
0x47: {  	_ =	shalt  }
0x48: {  	_ =	shalt  }
0x49: {  	_ =	shalt  }
0x4a: {  	_ =	shalt  }
0x4b: {  	_ =	shalt  }
0x4c: {  	_ =	shalt  }
0x4d: {  	_ =	shalt  }
0x4e: {  	_ =	shalt  }
0x4f: {  	_ =	shalt  }
0x50: {  	_ =	shalt  }
0x51: {  	_ =	shalt  }
0x52: {  	_ =	shalt  }
0x53: {  	_ =	shalt  }
0x54: {  	_ =	shalt  }
0x55: {  	_ =	shalt  }
0x56: {  	_ =	shalt  }
0x57: {  	_ =	shalt  }
0x58: {  	_ =	shalt  }
0x59: {  	_ =	shalt  }
0x5a: {  	_ =	shalt  }
0x5b: {  	_ =	shalt  }
0x5c: {  	_ =	shalt  }
0x5d: {  	_ =	shalt  }
0x5e: {  	_ =	shalt  }
0x5f: {  	_ =	shalt  }
0x60: {  	_ =	shalt  }
0x61: {  	_ =	shalt  }
0x62: {  	_ =	shalt  }
0x63: {  	_ =	shalt  }
0x64: {  	_ =	shalt  }
0x65: {  	_ =	shalt  }
0x66: {  	_ =	shalt  }
0x67: {  	_ =	shalt  }
0x68: {  	_ =	shalt  }
0x69: {  	_ =	shalt  }
0x6a: {  	_ =	shalt  }
0x6b: {  	_ =	shalt  }
0x6c: {  	_ =	shalt  }
0x6d: {  	_ =	shalt  }
0x6e: {  	_ =	shalt  }
0x6f: {  	_ =	shalt  }
0x70: {  	_ =	shalt  }
0x71: {  	_ =	shalt  }
0x72: {  	_ =	shalt  }
0x73: {  	_ =	shalt  }
0x74: {  	_ =	shalt  }
0x75: {  	_ =	shalt  }
0x76: {  	_ =	shalt  }
0x77: {  	_ =	shalt  }
0x78: {  	_ =	shalt  }
0x79: {  	_ =	shalt  }
0x7a: {  	_ =	shalt  }
0x7b: {  	_ =	shalt  }
0x7c: {  	_ =	shalt  }
0x7d: {  	_ =	shalt  }
0x7e: {  	_ =	shalt  }
0x7f: {  	_ =	shalt  }
0x80: {  	_ =	shalt  }
0x81: {  	_ =	shalt  }
0x82: {  	_ =	shalt  }
0x83: {  	_ =	shalt  }
0x84: {  	_ =	shalt  }
0x85: {  	_ =	shalt  }
0x86: {  	_ =	shalt  }
0x87: {  	_ =	shalt  }
.Lfunc_end0:
.L_simem_size_0:
called_computation_lowered:
.L_overlay_start_0:
0x88: {  	s2 =	sld [smem:$0x3FD9]  }
0x89: {  	s3 =	sld [smem:$0x3FFE];
	_ =	sdelay $0x1  }
0x8a: {  	s1 =	srdreg.scid  }
0x8b: {  	s0 =	sand.u32 $0x1, s1  }
0x8c: {  	s17 =	sshll.u32 s0, $0xA;
	s2 =	sadd.s32 s3, s2  }
0x8d: {  	s2 =	sadd.s32 s2, s17  }
0x8e: {  	[smem:$0x3FC1] =	sst s2  }
0x8f: {  	_ = 	snop  }
0x90: {  	s2 =	sld [smem:$0x3FC7]  }
0x91: {  	s18 =	sld [smem:$0x3FC6]  }
0x92: {  	s4 =	sld [smem:$0x3FC5]  }
0x93: {  	s5 =	sld [smem:$0x3FC4]  }
0x94: {  	s6 =	sld [smem:$0x3FC3]  }
0x95: {  	s7 =	sld [smem:$0x3FD0];
	(tm) =	ssettm $0x1  }
0x96: {  	s8 =	sld [smem:$0x3FFB];
	_ =	sdelay $0x3  }
0x97: {  	_ =	strace s8  }
0x98: {  	s8 =	sld [smem:$0x3FFC];
	_ =	sdelay $0x3  }
0x99: {  	_ =	strace s8  }
0x9a: {  	s8 =	sld [smem:$0x3FFD];
	_ =	sdelay $0x3  }
0x9b: {  	_ =	strace s8  }
0x9c: {  	_ =	strace $0x8FFFFFFF  }
0x9d: {  	s19 =	sld [smem:$0x3FDB];
	_ =	sdelay $0x1  }
0x9e: {  	s9 =	simm.s32 $_scs_section_size  }
0x9f: {  	s10 =	simm.s32 $_size__tile_overlayer_lowered;
	s11 =	simm.s32 $_tile_overlayer_lowered  }
0xa0: {  	s22 =	simm.s32 $0x1BFF;
	s21 =	sshll.u32 s11, $0x1;
	s8 =	sadd.s32 s9, s19  }
0xa1: {  	s12 =	simm.s32 $0x0;
	s20 =	sshll.u32 s10, $0x1;
	s10 =	sadd.s32 s21, s8  }
0xa2: {  	[timem:s12], [sflag:s22] =	dma.local [hbm:s10], s20  }
0xa3: {  	_ =	swait.ge [sflag:s22], s20  }
0xa4: {  	s9 =	ssub.s32 $0x0, s20;
	[sflag:s22] =	ssyncset.done $0x0  }
0xa5: {  	[sflag:s22] =	ssyncadd.s32 s9;
	_ =	sdelay $0x1  }
0xa6: {  	s23 =	simm.s32 $0x1B8B  }
0xa7: {  	_ =	swait.ge [sflag:s23], $0x1  }
0xa8: {  	[sflag:s23] =	ssyncset.done $0x0  }
0xa9: {  	s25 =	simm.s32 $0x1B8E;
	s24 =	sld [smem:$0x3FFE];
	[sflag:s23] =	ssyncadd.s32 $0xFFFFFFFF  }
0xaa: {  	s26 =	simm.s32 $execute0_lowered;
	[smem:$0x3FD2] =	sst s25  }
0xab: {  	s10 =	sshll.u32 s26, $0x1;
	_ =	strace $0x80000046;
	[dreg:$0x1] =	wrdreg $0xFFFFFFFF  }
0xac: {  	s28 =	simm.s32 $_size_execute0_lowered;
	s8 =	sadd.s32 s8, s10;
	[dreg:$0x0] =	wrdreg $0x0  }
0xad: {  	s10 =	sshll.u32 s28, $0x1;
	[dreg:$0x2] =	wrdreg s8  }
0xae: {  	[dreg:$0x3] =	wrdreg s10  }
0xaf: {  	[dreg:$0x4] =	wrdreg $0xC0  }
0xb0: {  	_ =	task [dreg:s12], $0x5FFFF  }
0xb1: {  	[dreg:$0x1] =	wrdreg $0xFFFFFFFF  }
0xb2: {  	[dreg:$0x0] =	wrdreg $0x60  }
0xb3: {  	[dreg:$0x2] =	wrdreg s24  }
0xb4: {  	[dreg:$0x3] =	wrdreg s2  }
0xb5: {  	[dreg:$0x4] =	wrdreg s18  }
0xb6: {  	[dreg:$0x5] =	wrdreg s4  }
0xb7: {  	[dreg:$0x6] =	wrdreg s5  }
0xb8: {  	[dreg:$0x7] =	wrdreg s6  }
0xb9: {  	[dreg:$0x8] =	wrdreg s7  }
0xba: {  	[dreg:$0x9] =	wrdreg $0x9  }
0xbb: {  	_ =	task.clear_ibuf [dreg:s12], $0xAFFFF;
	_ =	strace $0x90000046  }
0xbc: {  	s29 =	simm.s32 $0x9;
	_ =	strace $0x80000048  }
0xbd: {  	_ =	swait.ge [sflag:s29], $0x1  }
0xbe: {  	[sflag:s29] =	ssyncadd.s32 $0xFFFFFFFF  }
0xbf: {  	_ =	strace $0x90000048  }
0xc0: {  	_ =	sfence  }
0xc1: {  	s30 =	sld [smem:$0x0];
	_ =	sdelay $0x2  }
0xc2: {  	s31 =	sshll.u32 s1, $0xD;
	s1 =	sshrl.u32 s1, $0x2  }
0xc3: {  	s3 =	sand.u32 $0x4000, s31;
	s1 =	sadd.s32 s1, s30  }
0xc4: {  	s0 =	sor.u32 s3, s0;
	s1 =	sshll.u32 s1, $0x11  }
0xc5: {  	s0 =	sor.u32 s1, s0  }
0xc6: {  	s0 =	sadd.s32 $0x8F2B, s0  }
0xc7: {  	[sflag:s0] =	ssyncadd.remote.s32 $0x1  }
0xc8: {  	_ =	sfence.sel $0xFFFF  }
0xc9: {  	[dreg:$0x0] =	wrdreg $0xFFFFFFFF;
	(pc) =	sbr.abs _section_cstart, $3  }
0xca: {  	[dreg:$0x1] =	wrdreg $0xFFFFFFFF  }
0xcb: {  	_ =	task.clear_ibuf [dreg:s12], $0x2FFFF;
	_ =	strace $0x9FFFFFFF  }
0xcc: {  	(tm) =	ssettm $0x7FFFFFFF  }
0xcd: {  	_ =	shalt  }
tec
execute0_lowered:
.L_overlay_start_1:
0x0: {  	(tag) =	ssettag $0x1  }
0x1: {  	v0 =	vlaneseq.u32  }
0x2: {  	s1 =	rddreg [dreg:$0x0];
	v0 =	vmul.u32 $0x10, v0  }
0x3: {  	s0 =	rddreg [dreg:$0x1];
	s8 =	simm.s32 $0x0  }
0x4: {  	[smem:$0x7FF] =	sst s8;
	v1 =	vor.u32 $0x3, v0  }
0x5: {  	s7 =	rddreg [dreg:$0x6];
	_ =	strace $0x80000047;
	v59 =	vor.u32 $0x400, v0;
	[tilespmem:$0x1FEA0] =	vst v1  }
0x6: {  	v60 =	vor.u32 $0x1, v0;
	[tilespmem:$0x1FFB0] =	vst v59  }
0x7: {  	v61 =	vor.u32 $0x401, v0;
	[tilespmem:$0x1FFC0] =	vst v60  }
0x8: {  	v62 =	vor.u32 $0x2, v0;
	[tilespmem:$0x1FFD0] =	vst v61  }
0x9: {  	v63 =	vor.u32 $0x402, v0;
	[tilespmem:$0x1FFE0] =	vst v62  }
0xa: {  	v1 =	vor.u32 $0x403, v0;
	[tilespmem:$0x1FFF0] =	vst v63  }
0xb: {  	[tilespmem:$0x1FEB0] =	vst v1;
	v1 =	vor.u32 $0x4, v0  }
0xc: {  	[tilespmem:$0x1FEC0] =	vst v1;
	v1 =	vor.u32 $0x404, v0  }
0xd: {  	[tilespmem:$0x1FED0] =	vst v1;
	v1 =	vor.u32 $0x5, v0  }
0xe: {  	[tilespmem:$0x1FEE0] =	vst v1;
	v1 =	vor.u32 $0x405, v0  }
0xf: {  	[tilespmem:$0x1FEF0] =	vst v1;
	v1 =	vor.u32 $0x6, v0  }
0x10: {  	s2 =	srdreg.scid;
	[tilespmem:$0x1FF00] =	vst v1;
	v1 =	vor.u32 $0x406, v0  }
0x11: {  	s3 =	stileid.u32;
	s20 =	simm.s32 $0x40;
	s28 =	simm.s32 $0x1CB00;
	[tilespmem:$0x1FF10] =	vst v1;
	v1 =	vor.u32 $0x7, v0  }
0x12: {  	s29 =	simm.s32 $0x1C300;
	s30 =	simm.s32 $0x1CB80;
	s2 =	sand.u32 $0x1, s2;
	[tilespmem:$0x1FF20] =	vst v1;
	v1 =	vor.u32 $0x407, v0  }
0x13: {  	s31 =	simm.s32 $0x1CC00;
	s3 =	sshll.u32 s3, $0xF;
	s4 =	sshll.u32 s2, $0xE;
	[tilespmem:$0x1FF30] =	vst v1;
	v1 =	vor.u32 $0x8, v0  }
0x14: {  	s5 =	simm.s32 $0x2;
	s17 =	simm.s32 $0x0;
	s9 =	sor.u32 s4, s3;
	[tilespmem:$0x1FF40] =	vst v1;
	v1 =	vor.u32 $0x408, v0  }
0x15: {  	s10 =	sadd.s32 $0x10600, s1;
	s2 =	ssub.s32 $0x2, s2;
	s3 =	sshrl.u32 s9, $0x3;
	[tilespmem:$0x1FF50] =	vst v1;
	v1 =	vor.u32 $0x9, v0  }
.Ltmp0:
0x16: {  	s23 =	sadd.s32 s3, s1;
	s26 =	sadd.s32 s10, s3;
	[tilespmem:$0x1FF60] =	vst v1;
	v1 =	vor.u32 $0x409, v0;
	(pc) =	sbr.rel .LBB2_1-.Ltmp0, $4  }
0x17: {  	s24 =	sshrl.u32 s2, $0x1;
	s25 =	sadd.s32 $0x600, s23;
	[dreg:$0x9] =	wrdreg s26;
	[tilespmem:$0x1FF70] =	vst v1;
	v1 =	vor.u32 $0xA, v0  }
0x18: {  	s1 =	ssub.s32 s2, s24;
	s2 =	sadd.s32 $0x8, s26;
	[dreg:$0x8] =	wrdreg s25;
	[tilespmem:$0x1FF80] =	vst v1;
	v1 =	vor.u32 $0x40A, v0  }
0x19: {  	s3 =	simm.s32 $0x0;
	s1 =	smax.u32 s1, $0x1;
	[dreg:$0xa] =	wrdreg s2;
	[tilespmem:$0x1FF90] =	vst v1;
	v1 =	vor.u32 $0xB, v0  }
0x1a: {  	s26 =	simm.s32 $0x1;
	[dreg:$0xb] =	wrdreg s1;
	s2 =	simm.s32 $0x10200;
	[tilespmem:$0x1FFA0] =	vst v1  }
.LBB2_14:
0x1b: {  	s1 =	simm.s32 $0x3  }
0x1c: {  	_ =	swait.ge [sflag:s1], $0x2000  }
0x1d: {  	[sflag:s1] =	ssyncset.done $0x0  }
0x1e: {  	s2 =	simm.s32 $0x4;
	[sflag:s1] =	ssyncadd.s32 $0xFFFFE000  }
0x1f: {  	_ =	swait.ge [sflag:s2], $0x2000  }
0x20: {  	s3 =	rddreg [dreg:$0xc]  }
0x21: {  	s25 =	rddreg [dreg:$0xb];
	s3 =	sadd.s32 $0x1, s3  }
0x22: {  	p0 =	sne.s32 s3, s25  }
.Ltmp1:
0x23: {  	_ = 	snop;
	(pc) =	sbr.rel @!p0 .LBB2_15-.Ltmp1, $3  }
0x24: {  	_ =	sdelay $0x1  }
0x25: {  	[sflag:s2] =	ssyncset.done $0x0  }
0x26: {  	[sflag:s2] =	ssyncadd.s32 $0xFFFFE000;
	s2 =	simm.s32 $0x10200  }
.LBB2_1:
0x27: {  	[dreg:$0xc] =	wrdreg s3  }
0x28: {  	s1 =	rddreg [dreg:$0x8];
	s18 =	simm.s32 $0x5  }
0x29: {  	[tilespmem:s2], [sflag:$0x5] =	stream.linear.gather [hbm4b:s1+s8], $0x4000, $0x38;
	[tilespmem:$0x1CC80] =	vst v63  }
0x2a: {  	_ =	swait.ge [sflag:s18], $0x4000  }
0x2b: {  	[sflag:s18] =	ssyncset.done $0x0  }
0x2c: {  	[sflag:s18] =	ssyncadd.s32 $0xFFFFC000  }
0x2d: {  	s19 =	rddreg [dreg:$0x2]  }
0x2e: {  	[tilespmem:s8], [sflag:$0x5] =	stream.linear.gather [hbm4b:s19+s8], $0x10000, $0x38;
	[tilespmem:$0x1CC80] =	vst v63  }
0x2f: {  	_ =	swait.ge [sflag:s18], $0x10000  }
0x30: {  	[sflag:s18] =	ssyncset.done $0x0  }
0x31: {  	[sflag:s18] =	ssyncadd.s32 $0xFFFF0000  }
0x32: {  	s4 =	simm.s32 $0x10000;
	s21 =	rddreg [dreg:$0x3]  }
0x33: {  	[tilespmem:s4], [sflag:$0x5] =	stream.linear.gather [hbm4b:s21+s8], $0x100, $0x38;
	[tilespmem:$0x1CC80] =	vst v63  }
0x34: {  	_ =	swait.ge [sflag:s18], $0x100  }
0x35: {  	[sflag:s18] =	ssyncset.done $0x0  }
0x36: {  	[sflag:s18] =	ssyncadd.s32 $0xFFFFFF00  }
0x37: {  	s23 =	simm.s32 $0x10100;
	s22 =	rddreg [dreg:$0x4]  }
0x38: {  	[tilespmem:s23], [sflag:$0x5] =	stream.linear.gather [hbm4b:s22+s8], $0x80, $0x38;
	[tilespmem:$0x1CC80] =	vst v63  }
0x39: {  	_ =	swait.ge [sflag:s18], $0x80  }
0x3a: {  	[sflag:s18] =	ssyncset.done $0x0  }
0x3b: {  	[sflag:s18] =	ssyncadd.s32 $0xFFFFFF80  }
0x3c: {  	s25 =	simm.s32 $0x10180;
	s24 =	rddreg [dreg:$0x5]  }
0x3d: {  	[tilespmem:s25], [sflag:$0x5] =	stream.linear.gather [hbm4b:s24+s8], $0x80, $0x38;
	[tilespmem:$0x1CC80] =	vst v63  }
0x3e: {  	_ =	swait.ge [sflag:s18], $0x80  }
0x3f: {  	[sflag:s18] =	ssyncset.done $0x0  }
0x40: {  	[sflag:s18] =	ssyncadd.s32 $0xFFFFFF80  }
0x41: {  	v5 =	vld [tilespmem:$0x10000]  }
0x42: {  	v6 =	vld [tilespmem:$0x10010]  }
0x43: {  	v7 =	vld [tilespmem:$0x10020]  }
0x44: {  	v8 =	vld [tilespmem:$0x10030]  }
0x45: {  	v1 =	vld [tilespmem:$0x10040]  }
0x46: {  	v2 =	vld [tilespmem:$0x10050]  }
0x47: {  	v3 =	vld [tilespmem:$0x10060]  }
0x48: {  	v4 =	vld [tilespmem:$0x10070]  }
0x49: {  	v13 =	vld [tilespmem:$0x10080]  }
0x4a: {  	v14 =	vld [tilespmem:$0x10090]  }
0x4b: {  	v15 =	vld [tilespmem:$0x100A0]  }
0x4c: {  	v16 =	vld [tilespmem:$0x100B0]  }
0x4d: {  	v9 =	vld [tilespmem:$0x100C0]  }
0x4e: {  	v10 =	vld [tilespmem:$0x100D0]  }
0x4f: {  	v11 =	vld [tilespmem:$0x100E0]  }
0x50: {  	v12 =	vld [tilespmem:$0x100F0]  }
0x51: {  	v23 =	vld [tilespmem:$0x10100]  }
0x52: {  	v24 =	vld [tilespmem:$0x10110]  }
0x53: {  	v25 =	vld [tilespmem:$0x10120]  }
0x54: {  	v26 =	vld [tilespmem:$0x10130]  }
0x55: {  	v27 =	vld [tilespmem:$0x10140]  }
0x56: {  	v28 =	vld [tilespmem:$0x10150]  }
0x57: {  	v29 =	vld [tilespmem:$0x10160]  }
0x58: {  	v30 =	vld [tilespmem:$0x10170]  }
0x59: {  	v31 =	vld [tilespmem:$0x10180]  }
0x5a: {  	v32 =	vld [tilespmem:$0x10190]  }
0x5b: {  	v33 =	vld [tilespmem:$0x101A0]  }
0x5c: {  	v34 =	vld [tilespmem:$0x101B0]  }
0x5d: {  	v35 =	vld [tilespmem:$0x101C0]  }
0x5e: {  	v36 =	vld [tilespmem:$0x101D0]  }
0x5f: {  	v37 =	vld [tilespmem:$0x101E0]  }
0x60: {  	s3 =	simm.s32 $0x0;
	v38 =	vld [tilespmem:$0x101F0]  }
0x61: {  	v20 =	vld [tilespmem:s3+$0x0]  }
0x62: {  	v22 =	vld [tilespmem:s3+$0x10]  }
0x63: {  	v21 =	vld [tilespmem:s3+$0x20]  }
0x64: {  	v19 =	vld [tilespmem:s3+$0x30]  }
0x65: {  	v17 =	vld [tilespmem:s3+$0x40]  }
0x66: {  	v18 =	vld [tilespmem:s3+$0x50];
	v39 =	vadd.f32 v20, v5  }
0x67: {  	s4 =	simm.s32 $0x200;
	v22 =	vadd.f32 v22, v6;
	v20 =	vld [tilespmem:s3+$0x60]  }
.LBB2_2:
0x68: {  	s1 =	sshra.s32 s4, $0x2;
	p0 =	sne.s32 s4, $0x3FE00;
	[tilespmem:s3+$0x0] =	vst v39;
	v21 =	vadd.f32 v21, v7;
	v39 =	vld [tilespmem:s3+$0x70]  }
0x69: {  	v40 =	vld [tilespmem:s1+$0x0];
	[tilespmem:s3+$0x10] =	vst v22;
	v19 =	vadd.f32 v19, v8  }
0x6a: {  	v22 =	vld [tilespmem:s1+$0x10];
	[tilespmem:s3+$0x20] =	vst v21;
	v17 =	vadd.f32 v17, v1  }
.Ltmp2:
0x6b: {  	v21 =	vld [tilespmem:s1+$0x20];
	[tilespmem:s3+$0x30] =	vst v19;
	v18 =	vadd.f32 v18, v2;
	(pc) =	sbr.rel @p0 .LBB2_2-.Ltmp2, $4  }
0x6c: {  	v19 =	vld [tilespmem:s1+$0x30];
	[tilespmem:s3+$0x40] =	vst v17;
	v20 =	vadd.f32 v20, v3  }
0x6d: {  	v17 =	vld [tilespmem:s1+$0x40];
	[tilespmem:s3+$0x50] =	vst v18;
	v41 =	vadd.f32 v39, v4  }
0x6e: {  	v39 =	vadd.f32 v40, v5;
	v18 =	vld [tilespmem:s1+$0x50];
	[tilespmem:s3+$0x60] =	vst v20  }
0x6f: {  	s4 =	sadd.s32 $0x200, s4;
	v22 =	vadd.f32 v22, v6;
	v20 =	vld [tilespmem:s1+$0x60];
	[tilespmem:s3+$0x70] =	vst v41;
	s3 =	smov.u32 s1  }
0x70: {  	[tilespmem:s3+$0x0] =	vst v39;
	v21 =	vadd.f32 v21, v7;
	v56 =	vld [tilespmem:s3+$0x70]  }
0x71: {  	[tilespmem:s3+$0x10] =	vst v22;
	v19 =	vadd.f32 v19, v8  }
0x72: {  	[tilespmem:s3+$0x20] =	vst v21;
	v17 =	vadd.f32 v17, v1  }
0x73: {  	[tilespmem:s3+$0x30] =	vst v19;
	v18 =	vadd.f32 v18, v2  }
0x74: {  	[tilespmem:s3+$0x40] =	vst v17;
	v57 =	vadd.f32 v20, v3  }
0x75: {  	[tilespmem:s3+$0x50] =	vst v18;
	v58 =	vadd.f32 v56, v4  }
0x76: {  	[tilespmem:s3+$0x60] =	vst v57  }
0x77: {  	s1 =	simm.s32 $0x14300;
	[tilespmem:s3+$0x70] =	vst v58  }
0x78: {  	[tilespmem:s1], [sflag:$0x1] =	stream.indirect.gather [hbm4b:s0+s20], $0x80, s2, s20, $0xb8;
	[tilespmem:$0x1CC80] =	vst v63  }
0x79: {  	s19 =	rddreg [dreg:$0x9];
	s21 =	simm.s32 $0x14200;
	s22 =	simm.s32 $0x10240  }
0x7a: {  	[tilespmem:s21], [sflag:$0x1] =	stream.linear.gather [hbm4b:s19+s17], $0x40, $0x38;
	[tilespmem:$0x1CC80] =	vst v63  }
0x7b: {  	s23 =	simm.s32 $0x16300;
	v39 =	vsub.f32 v13, v5;
	v40 =	vsub.f32 v14, v6;
	s24 =	rddreg [dreg:$0xa];
	s25 =	simm.s32 $0x14280  }
0x7c: {  	v41 =	vsub.f32 v15, v7;
	v42 =	vsub.f32 v16, v8;
	[tilespmem:s23], [sflag:$0x2] =	stream.indirect.gather [hbm4b:s0+s20], $0x80, s22, s20, $0xb8;
	[tilespmem:$0x1CC80] =	vst v63  }
0x7d: {  	v43 =	vsub.f32 v9, v1;
	v44 =	vsub.f32 v10, v2;
	s18 =	simm.s32 $0x0;
	s19 =	simm.s32 $0x0;
	s21 =	simm.s32 $0x0  }
0x7e: {  	v45 =	vsub.f32 v11, v3;
	v46 =	vsub.f32 v12, v4;
	[tilespmem:s25], [sflag:$0x2] =	stream.linear.gather [hbm4b:s24+s17], $0x40, $0x38;
	[tilespmem:$0x1CC80] =	vst v63  }
.LBB2_4:
0x7f: {  	_ =	swait.ge [sflag:s26], $0x2000  }
0x80: {  	[sflag:s26] =	ssyncset.done $0x0  }
0x81: {  	[sflag:s26] =	ssyncadd.s32 $0xFFFFE000  }
0x82: {  	_ =	swait.ge [sflag:s26], $0x40  }
0x83: {  	p0 =	seq.s32 s21, $0x0;
	[sflag:s26] =	ssyncset.done $0x0  }
0x84: {  	s1 =	simm.s32 @!p0 $0x3;
	[sflag:s26] =	ssyncadd.s32 $0xFFFFFFC0  }
0x85: {  	_ =	swait.ge @!p0 [sflag:s1], $0x2000  }
0x86: {  	[sflag:s1] =	ssyncset.done @!p0 $0x0  }
0x87: {  	[sflag:s1] =	ssyncadd.s32 @!p0 $0xFFFFE000  }
0x88: {  	v1 =	vld [tilespmem:$0x14200]  }
0x89: {  	v2 =	vld [tilespmem:$0x14210]  }
0x8a: {  	v3 =	vld [tilespmem:$0x14220]  }
0x8b: {  	v4 =	vld [tilespmem:$0x14230];
	_ =	sdelay $0x1  }
0x8c: {  	v1 =	vcvt.s32.f32 v1  }
0x8d: {  	v2 =	vcvt.s32.f32 v2  }
0x8e: {  	[tilespmem:$0x1CB00] =	vst v1;
	v1 =	vcvt.s32.f32 v3  }
0x8f: {  	[tilespmem:$0x1CB10] =	vst v2;
	v2 =	vcvt.s32.f32 v4  }
0x90: {  	s23 =	sand.u32 $0x3, s19;
	[tilespmem:$0x1CB20] =	vst v1  }
0x91: {  	s3 =	simm.s32 $0x14340;
	s1 =	sshll.u32 s23, $0xE;
	[tilespmem:$0x1CB30] =	vst v2  }
0x92: {  	s1 =	sor.u32 $0x40, s1;
	v1 =	vld [tilespmem:s3+$0xFFFFFFC0]  }
0x93: {  	v2 =	vld [tilespmem:s1+$0xFFFFFFC0]  }
0x94: {  	v3 =	vld [tilespmem:s1+$0xFFFFFFE0]  }
0x95: {  	v4 =	vld [tilespmem:s3+$0xFFFFFFE0]  }
0x96: {  	v5 =	vld [tilespmem:s1+$0xFFFFFFD0]  }
0x97: {  	v6 =	vld [tilespmem:s3+$0xFFFFFFD0]  }
0x98: {  	v8 =	vld [tilespmem:s1+$0x20]  }
0x99: {  	v7 =	vld [tilespmem:s1+$0x0]  }
0x9a: {  	v9 =	vld [tilespmem:s3+$0x0]  }
0x9b: {  	v10 =	vld [tilespmem:s1+$0x10]  }
0x9c: {  	v11 =	vmov s17;
	v12 =	vld [tilespmem:s3+$0x10]  }
0x9d: {  	v13 =	vld [tilespmem:s1+$0xFFFFFFF0]  }
0x9e: {  	v14 =	vld [tilespmem:s3+$0xFFFFFFF0]  }
0x9f: {  	v15 =	vld [tilespmem:s1+$0x30]  }
0xa0: {  	v16 =	vld [tilespmem:s3+$0x30]  }
0xa1: {  	s11 =	simm.s32 $0x143C0;
	v11 =	vld.idx.msk [tilespmem:v11+s28+$0x0], $0xffff  }
0xa2: {  	s14 =	sadd.s32 $0x80, s1;
	v17 =	vld [tilespmem:s11+$0xFFFFFFC0]  }
0xa3: {  	v18 =	vld [tilespmem:s14+$0xFFFFFFC0]  }
0xa4: {  	v19 =	vld [tilespmem:s14+$0xFFFFFFE0]  }
0xa5: {  	v20 =	vld [tilespmem:s11+$0xFFFFFFE0];
	v1 =	vadd.f32 v2, v1  }
0xa6: {  	s24 =	simm.s32 $0x1;
	v48 =	vld [tilespmem:s14+$0x10];
	v21 =	vadd.f32 v3, v4;
	v10 =	vadd.f32 v10, v12  }
0xa7: {  	v50 =	vmov s24;
	v51 =	vld [tilespmem:s11+$0x10];
	v22 =	vadd.f32 v5, v6;
	v47 =	vadd.f32 v7, v9  }
0xa8: {  	v12 =	vld [tilespmem:s3+$0x20];
	v6 =	vmul.f32 v11, v39;
	v16 =	vadd.f32 v15, v16;
	v13 =	vadd.f32 v13, v14  }
0xa9: {  	v4 =	vld [tilespmem:s14+$0xFFFFFFD0];
	v9 =	vmul.f32 v11, v41;
	v2 =	vadd.f32 v18, v17;
	v14 =	vmul.f32 v11, v42  }
0xaa: {  	v5 =	vld [tilespmem:s11+$0xFFFFFFD0];
	v17 =	vmul.f32 v11, v46;
	v18 =	vmul.f32 v11, v44;
	v7 =	vadd.f32 v1, v6  }
0xab: {  	s15 =	simm.s32 $0x18340;
	v3 =	vld [tilespmem:s14+$0x20];
	v1 =	vadd.f32 v19, v20;
	v15 =	vadd.f32 v21, v9;
	v19 =	vmul.f32 v11, v40  }
0xac: {  	v6 =	vld [tilespmem:s14+$0x0];
	v13 =	vadd.f32 v13, v14;
	v14 =	vmul.f32 v11, v45;
	v52 =	vadd.f32 v10, v18;
	[tilespmem:s15+$0xFFFFFFC0] =	vst v7  }
0xad: {  	v9 =	vld [tilespmem:s11+$0x0];
	v21 =	vmul.f32 v11, v43;
	v49 =	vadd.f32 v16, v17;
	[tilespmem:s15+$0xFFFFFFE0] =	vst v15;
	v8 =	vadd.f32 v8, v12  }
0xae: {  	v17 =	vld [tilespmem:s14+$0x30];
	v20 =	vmul.f32 v15, v15;
	v10 =	vmul.f32 v13, v13;
	[tilespmem:s15+$0xFFFFFFF0] =	vst v13;
	v15 =	vadd.f32 v13, v15  }
0xaf: {  	s25 =	sand.u32 $0x7, s18;
	s22 =	sshll.u32 s21, $0x7;
	v13 =	vld [tilespmem:s11+$0xFFFFFFF0];
	[tilespmem:s15+$0x10] =	vst v52;
	v16 =	vmul.f32 v7, v7;
	v18 =	vadd.f32 v22, v19;
	v8 =	vadd.f32 v8, v14  }
0xb0: {  	s4 =	simm.s32 $0x1C300;
	s16 =	simm.s32 $0x14440;
	s13 =	simm.s32 $0x1C310;
	[tilespmem:s15+$0x30] =	vst v49;
	v19 =	vmul.f32 v52, v52;
	v12 =	vld [tilespmem:s14+$0xFFFFFFF0];
	v11 =	vadd.f32 v10, v20;
	v14 =	vadd.f32 v47, v21  }
0xb1: {  	s12 =	simm.s32 $0x0;
	s6 =	simm.s32 $0x0;
	s1 =	sshll.u32 s25, $0xD;
	v20 =	vld [tilespmem:s11+$0x30];
	v10 =	vadd.f32 v48, v51;
	v48 =	vmul.f32 v18, v18;
	[tilespmem:s15+$0x20] =	vst v8;
	v47 =	vmul.f32 v8, v8  }
0xb2: {  	s25 =	simm.s32 $0x2;
	s23 =	sadd.s32 $0x2070, s1;
	s3 =	simm.s32 $0x183C0;
	v21 =	vadd.f32 v49, v8;
	v49 =	vmul.f32 v49, v49;
	v8 =	vld.idx.msk [tilespmem:v50+s28+$0x0], $0xffff;
	v22 =	vadd.f32 v52, v14  }
.LBB2_5:
0xb3: {  	v50 =	vld [tilespmem:s16+$0xFFFFFFC0];
	s14 =	sadd.s32 $0x80, s14;
	[tilespmem:s15+$0xFFFFFFD0] =	vst v18  }
0xb4: {  	v7 =	vadd.f32 v18, v7;
	v18 =	vmul.f32 v14, v14;
	v47 =	vadd.f32 v49, v47;
	s12 =	sadd.s32 $0x10, s12;
	v49 =	vmovc v3;
	s1 =	smov.u32 s25;
	s24 =	sadd.s32 $0x1, s25  }
0xb5: {  	p1 =	sne.s32 s25, $0x3F;
	v51 =	vadd.f32 v4, v5;
	v52 =	vadd.f32 v6, v9;
	v3 =	vld [tilespmem:s14+$0xFFFFFFC0];
	[tilespmem:s15+$0x0] =	vst v14;
	s15 =	smov.u32 s3  }
0xb6: {  	v6 =	vadd.f32 v48, v16;
	v9 =	vld [tilespmem:s14+$0xFFFFFFE0];
	v5 =	vadd.f32 v15, v7  }
0xb7: {  	v7 =	vadd.f32 v21, v22;
	v14 =	vld [tilespmem:s16+$0xFFFFFFE0];
	v16 =	vadd.f32 v17, v20  }
0xb8: {  	v12 =	vadd.f32 v12, v13;
	v15 =	vadd.f32 v19, v18;
	v13 =	vld [tilespmem:s11+$0x20];
	s11 =	smov.u32 s16  }
0xb9: {  	v17 =	vmul.f32 v8, v39;
	v18 =	vmul.f32 v8, v46;
	v19 =	vadd.f32 v7, v5;
	v4 =	vld [tilespmem:s14+$0xFFFFFFD0]  }
0xba: {  	v21 =	vmul.f32 v8, v41;
	v15 =	vadd.f32 v47, v15;
	v20 =	vadd.f32 v3, v50;
	v5 =	vld [tilespmem:s16+$0xFFFFFFD0]  }
0xbb: {  	v11 =	vadd.f32 v11, v6;
	v7 =	vadd.f32 v2, v17;
	v17 =	vmul.f32 v8, v42;
	v3 =	vld [tilespmem:s14+$0x20];
	[tilespmem:s4+$0x0] =	vst v19;
	s4 =	smov.u32 s13  }
0xbc: {  	v19 =	vadd.f32 v1, v21;
	v6 =	vld [tilespmem:s14+$0x0];
	v1 =	vadd.f32 v9, v14;
	v14 =	vmul.f32 v8, v44;
	v2 =	vmovc v20  }
0xbd: {  	v11 =	vadd.f32 v15, v11;
	v20 =	vmul.f32 v8, v40;
	v17 =	vadd.f32 v12, v17;
	v9 =	vld [tilespmem:s16+$0x0];
	[tilespmem:s3+$0xFFFFFFC0] =	vst v7  }
0xbe: {  	s25 =	sand.u32 $0x3F0, s6;
	s6 =	smov.u32 s12;
	v15 =	vmul.f32 v8, v45;
	v13 =	vadd.f32 v49, v13;
	v21 =	vmul.f32 v19, v19;
	v22 =	vld [tilespmem:s14+$0x10];
	[tilespmem:s3+$0xFFFFFFE0] =	vst v19  }
0xbf: {  	v48 =	vmov s1;
	v53 =	vadd.f32 v10, v14;
	v10 =	vmul.f32 v17, v17;
	v50 =	vld [tilespmem:s16+$0x10];
	[tilespmem:s25+$0x1C700] =	vst v11  }
.Ltmp3:
0xc0: {  	v8 =	vmul.f32 v8, v43;
	v49 =	vadd.f32 v13, v15;
	v15 =	vadd.f32 v17, v19;
	v12 =	vld [tilespmem:s14+$0xFFFFFFF0];
	[tilespmem:s3+$0xFFFFFFF0] =	vst v17;
	(pc) =	sbr.rel @p1 .LBB2_5-.Ltmp3, $4  }
0xc1: {  	v54 =	vadd.f32 v16, v18;
	v16 =	vmul.f32 v7, v7;
	v11 =	vadd.f32 v10, v21;
	v13 =	vld [tilespmem:s16+$0xFFFFFFF0];
	[tilespmem:s3+$0x10] =	vst v53  }
0xc2: {  	v18 =	vadd.f32 v51, v20;
	v14 =	vadd.f32 v52, v8;
	v47 =	vmul.f32 v49, v49;
	v17 =	vld [tilespmem:s14+$0x30];
	[tilespmem:s3+$0x20] =	vst v49  }
0xc3: {  	s13 =	sadd.s32 $0x10, s13;
	v19 =	vmul.f32 v53, v53;
	v21 =	vadd.f32 v54, v49;
	v49 =	vmul.f32 v54, v54;
	v20 =	vld [tilespmem:s16+$0x30];
	[tilespmem:s3+$0x30] =	vst v54  }
0xc4: {  	s25 =	smov.u32 s24;
	s16 =	sadd.s32 $0x80, s16;
	s3 =	sadd.s32 $0x80, s3;
	v8 =	vld.idx.msk [tilespmem:v48+s28+$0x0], $0xffff;
	v10 =	vadd.f32 v22, v50;
	v22 =	vadd.f32 v53, v14;
	v48 =	vmul.f32 v18, v18  }
0xc5: {  	v7 =	vadd.f32 v18, v7;
	v47 =	vadd.f32 v49, v47  }
0xc6: {  	v4 =	vadd.f32 v4, v5;
	v6 =	vadd.f32 v6, v9  }
0xc7: {  	v5 =	vmul.f32 v14, v14;
	v9 =	vadd.f32 v48, v16;
	v12 =	vadd.f32 v12, v13  }
0xc8: {  	v7 =	vadd.f32 v15, v7;
	v15 =	vadd.f32 v21, v22  }
0xc9: {  	v5 =	vadd.f32 v19, v5;
	v16 =	vadd.f32 v17, v20  }
0xca: {  	v17 =	vld [tilespmem:s11+$0x20];
	v9 =	vadd.f32 v11, v9;
	v19 =	vmul.f32 v8, v39;
	v7 =	vadd.f32 v15, v7  }
0xcb: {  	v13 =	vmul.f32 v8, v41;
	v5 =	vadd.f32 v47, v5;
	v15 =	vmul.f32 v8, v42  }
0xcc: {  	v11 =	vmul.f32 v8, v44;
	v2 =	vadd.f32 v2, v19;
	v19 =	vmul.f32 v8, v46  }
0xcd: {  	v1 =	vadd.f32 v1, v13;
	v13 =	vmul.f32 v8, v40;
	v12 =	vadd.f32 v12, v15  }
0xce: {  	[tilespmem:s15+$0xFFFFFFD0] =	vst v18;
	v5 =	vadd.f32 v5, v9;
	v9 =	vmul.f32 v8, v45;
	v10 =	vadd.f32 v10, v11  }
0xcf: {  	[tilespmem:s15+$0x0] =	vst v14;
	v8 =	vmul.f32 v8, v43;
	v3 =	vadd.f32 v3, v17;
	v15 =	vmul.f32 v1, v1  }
0xd0: {  	[tilespmem:s4+$0x0] =	vst v7;
	v11 =	vmul.f32 v12, v12;
	v7 =	vadd.f32 v16, v19;
	v4 =	vadd.f32 v4, v13  }
0xd1: {  	v14 =	vmul.f32 v2, v2;
	v6 =	vadd.f32 v6, v8;
	v3 =	vadd.f32 v3, v9  }
0xd2: {  	s1 =	sand.u32 $0x3F0, s6;
	[tilespmem:s3+$0xFFFFFFC0] =	vst v2;
	v13 =	vmul.f32 v10, v10;
	v9 =	vadd.f32 v12, v1;
	v11 =	vadd.f32 v11, v15  }
0xd3: {  	[tilespmem:s1+$0x1C700] =	vst v5;
	v15 =	vmul.f32 v7, v7;
	v5 =	vadd.f32 v10, v6;
	v16 =	vmul.f32 v4, v4  }
0xd4: {  	[tilespmem:s3+$0xFFFFFFE0] =	vst v1;
	v17 =	vmul.f32 v6, v6;
	v2 =	vadd.f32 v4, v2;
	v8 =	vmul.f32 v3, v3  }
0xd5: {  	[tilespmem:s3+$0x10] =	vst v10;
	v1 =	vadd.f32 v7, v3;
	v10 =	vadd.f32 v16, v14  }
0xd6: {  	[tilespmem:s3+$0xFFFFFFF0] =	vst v12;
	v12 =	vadd.f32 v13, v17;
	v8 =	vadd.f32 v15, v8  }
0xd7: {  	[tilespmem:s3+$0x30] =	vst v7;
	v2 =	vadd.f32 v9, v2;
	v1 =	vadd.f32 v1, v5  }
0xd8: {  	[tilespmem:s3+$0x20] =	vst v3;
	v5 =	vadd.f32 v11, v10;
	v3 =	vadd.f32 v8, v12  }
0xd9: {  	[tilespmem:s3+$0xFFFFFFD0] =	vst v4;
	v1 =	vadd.f32 v1, v2  }
0xda: {  	s15 =	sadd.s32 $0x10, s12;
	[tilespmem:s3+$0x0] =	vst v6;
	v2 =	vadd.f32 v3, v5  }
0xdb: {  	s1 =	sand.u32 $0x3F0, s15;
	[tilespmem:s13+$0x0] =	vst v1  }
0xdc: {  	[tilespmem:s1+$0x1C700] =	vst v2  }
0xdd: {  	v1 =	vld.idx.msk [tilespmem:v0+s29+$0x0], $0xffff  }
0xde: {  	v2 =	vld.idx.msk [tilespmem:v59+s29+$0x0], $0xffff  }
0xdf: {  	v3 =	vld.idx.msk [tilespmem:v60+s29+$0x0], $0xffff  }
0xe0: {  	v4 =	vld.idx.msk [tilespmem:v61+s29+$0x0], $0xffff  }
0xe1: {  	v5 =	vld.idx.msk [tilespmem:v62+s29+$0x0], $0xffff  }
0xe2: {  	v6 =	vld.idx.msk [tilespmem:v63+s29+$0x0], $0xffff  }
0xe3: {  	v7 =	vld [tilespmem:$0x1FEA0]  }
0xe4: {  	v8 =	vld [tilespmem:$0x1FEB0]  }
0xe5: {  	v9 =	vld [tilespmem:$0x1FEC0]  }
0xe6: {  	v10 =	vld [tilespmem:$0x1FED0]  }
0xe7: {  	v11 =	vld [tilespmem:$0x1FEE0]  }
0xe8: {  	v12 =	vld [tilespmem:$0x1FEF0]  }
0xe9: {  	v13 =	vld [tilespmem:$0x1FF00]  }
0xea: {  	v14 =	vld [tilespmem:$0x1FF10]  }
0xeb: {  	v15 =	vld [tilespmem:$0x1FF20]  }
0xec: {  	v21 =	vor.u32 $0xC, v0;
	v16 =	vld [tilespmem:$0x1FF30]  }
0xed: {  	v22 =	vor.u32 $0xD, v0;
	v17 =	vld [tilespmem:$0x1FF40]  }
0xee: {  	v18 =	vld [tilespmem:$0x1FF60]  }
0xef: {  	v19 =	vld [tilespmem:$0x1FF80]  }
0xf0: {  	v59 =	vor.u32 $0xE, v0;
	v20 =	vld [tilespmem:$0x1FFA0]  }
0xf1: {  	v60 =	vor.u32 $0xF, v0;
	[tilespmem:$0x1F8A0] =	vst v21;
	v21 =	vld.idx.msk [tilespmem:v21+s29+$0x0], $0xffff  }
0xf2: {  	[tilespmem:$0x1F8B0] =	vst v22;
	v22 =	vld.idx.msk [tilespmem:v22+s29+$0x0], $0xffff  }
0xf3: {  	v61 =	vld [tilespmem:$0x1FF50]  }
0xf4: {  	v50 =	vld [tilespmem:$0x1FF70]  }
0xf5: {  	v47 =	vld.idx.msk [tilespmem:v59+s29+$0x0], $0xffff  }
0xf6: {  	v48 =	vld.idx.msk [tilespmem:v60+s29+$0x0], $0xffff  }
0xf7: {  	v7 =	vld.idx.msk [tilespmem:v7+s29+$0x0], $0xffff  }
0xf8: {  	v8 =	vld.idx.msk [tilespmem:v8+s29+$0x0], $0xffff  }
0xf9: {  	v9 =	vld.idx.msk [tilespmem:v9+s29+$0x0], $0xffff  }
0xfa: {  	v10 =	vld.idx.msk [tilespmem:v10+s29+$0x0], $0xffff  }
0xfb: {  	v11 =	vld.idx.msk [tilespmem:v11+s29+$0x0], $0xffff  }
0xfc: {  	v12 =	vld.idx.msk [tilespmem:v12+s29+$0x0], $0xffff  }
0xfd: {  	v13 =	vld.idx.msk [tilespmem:v13+s29+$0x0], $0xffff  }
0xfe: {  	v14 =	vld.idx.msk [tilespmem:v14+s29+$0x0], $0xffff  }
0xff: {  	v15 =	vld.idx.msk [tilespmem:v15+s29+$0x0], $0xffff  }
0x100: {  	v16 =	vld.idx.msk [tilespmem:v16+s29+$0x0], $0xffff  }
0x101: {  	v17 =	vld.idx.msk [tilespmem:v17+s29+$0x0], $0xffff  }
0x102: {  	v18 =	vld.idx.msk [tilespmem:v18+s29+$0x0], $0xffff  }
0x103: {  	v52 =	vor.u32 $0x40B, v0;
	v19 =	vld.idx.msk [tilespmem:v19+s29+$0x0], $0xffff  }
0x104: {  	v53 =	vor.u32 $0x40C, v0;
	v20 =	vld.idx.msk [tilespmem:v20+s29+$0x0], $0xffff  }
0x105: {  	v54 =	vor.u32 $0x40D, v0;
	v1 =	vadd.f32 v3, v1;
	v3 =	vadd.f32 v7, v5;
	v5 =	vld [tilespmem:$0x1FF90]  }
0x106: {  	v55 =	vor.u32 $0x40E, v0;
	v49 =	vld.idx.msk [tilespmem:v61+s29+$0x0], $0xffff  }
0x107: {  	v51 =	vor.u32 $0x40F, v0;
	v50 =	vld.idx.msk [tilespmem:v50+s29+$0x0], $0xffff  }
0x108: {  	v7 =	vadd.f32 v11, v9;
	v11 =	vld.idx.msk [tilespmem:v52+s29+$0x0], $0xffff  }
0x109: {  	v9 =	vadd.f32 v15, v13;
	v13 =	vadd.f32 v18, v17;
	v17 =	vld.idx.msk [tilespmem:v53+s29+$0x0], $0xffff  }
0x10a: {  	v15 =	vadd.f32 v20, v19;
	v18 =	vadd.f32 v22, v21;
	v20 =	vld.idx.msk [tilespmem:v54+s29+$0x0], $0xffff  }
0x10b: {  	v1 =	vadd.f32 v3, v1;
	v3 =	vadd.f32 v9, v7;
	v7 =	vld.idx.msk [tilespmem:v55+s29+$0x0], $0xffff  }
0x10c: {  	v19 =	vadd.f32 v48, v47;
	v9 =	vadd.f32 v15, v13;
	v15 =	vld.idx.msk [tilespmem:v51+s29+$0x0], $0xffff  }
0x10d: {  	v2 =	vadd.f32 v4, v2;
	v5 =	vld.idx.msk [tilespmem:v5+s29+$0x0], $0xffff  }
0x10e: {  	v4 =	vadd.f32 v8, v6;
	v13 =	vadd.f32 v19, v18  }
0x10f: {  	v6 =	vadd.f32 v12, v10;
	v8 =	vadd.f32 v16, v14  }
0x110: {  	v1 =	vadd.f32 v3, v1;
	v3 =	vadd.f32 v13, v9  }
0x111: {  	v9 =	vadd.f32 v50, v49;
	v10 =	vadd.f32 v20, v17  }
0x112: {  	v7 =	vadd.f32 v15, v7;
	v5 =	vadd.f32 v11, v5  }
0x113: {  	v2 =	vadd.f32 v4, v2;
	v4 =	vadd.f32 v8, v6  }
0x114: {  	v6 =	vadd.f32 v7, v10;
	v5 =	vadd.f32 v5, v9  }
0x115: {  	v2 =	vadd.f32 v4, v2  }
0x116: {  	v1 =	vadd.f32 v3, v1;
	v3 =	vadd.f32 v6, v5;
	_ =	sdelay $0x1  }
0x117: {  	v1 =	vmul.f32 $7.812500000e-03, v1;
	v2 =	vadd.f32 v3, v2;
	_ =	sdelay $0x1  }
0x118: {  	v3 =	vmul.f32 v1, v1;
	v2 =	vmul.f32 $7.812500000e-03, v2;
	_ =	sdelay $0x1  }
0x119: {  	v2 =	vsub.f32 v2, v3;
	_ =	sdelay $0x1  }
0x11a: {  	v2 =	vadd.f32 $9.999999740e-06, v2;
	_ =	sdelay $0x1  }
0x11b: {  	v3 =	vshra.s32 v2, $0x1;
	v2 =	vmul.f32 $5.000000000e-01, v2  }
0x11c: {  	v3 =	vsub.s32 $0x5F3759DF, v3  }
0x11d: {  	v4 =	vmul.f32 v3, v2;
	_ =	sdelay $0x1  }
0x11e: {  	v4 =	vmul.f32 v3, v4;
	_ =	sdelay $0x1  }
0x11f: {  	v4 =	vsub.f32 $1.500000000e+00, v4;
	_ =	sdelay $0x1  }
0x120: {  	v3 =	vmul.f32 v3, v4;
	_ =	sdelay $0x1  }
0x121: {  	v4 =	vmul.f32 v3, v2;
	_ =	sdelay $0x1  }
0x122: {  	v4 =	vmul.f32 v4, v3;
	_ =	sdelay $0x1  }
0x123: {  	v4 =	vsub.f32 $1.500000000e+00, v4;
	_ =	sdelay $0x1  }
0x124: {  	v3 =	vmul.f32 v4, v3;
	_ =	sdelay $0x1  }
0x125: {  	v2 =	vmul.f32 v3, v2;
	_ =	sdelay $0x1  }
0x126: {  	v2 =	vmul.f32 v2, v3;
	_ =	sdelay $0x1  }
0x127: {  	v2 =	vsub.f32 $1.500000000e+00, v2;
	_ =	sdelay $0x1  }
0x128: {  	v57 =	vor.u32 $0x10E, v0;
	[tilespmem:$0x1F8E0] =	vst v52;
	v2 =	vmul.f32 v2, v3;
	v3 =	vor.u32 $0x100, v0  }
0x129: {  	v58 =	vor.u32 $0x10F, v0;
	[tilespmem:$0x1FA90] =	vst v57;
	v4 =	vor.u32 $0x500, v0  }
0x12a: {  	[tilespmem:$0x1FAA0] =	vst v58;
	v5 =	vor.u32 $0x101, v0;
	v1 =	vmul.f32 v2, v1  }
0x12b: {  	v6 =	vor.u32 $0x501, v0;
	[tilespmem:$0x1CC00] =	vst v2  }
0x12c: {  	v7 =	vor.u32 $0x102, v0;
	[tilespmem:$0x1CB80] =	vst v1  }
0x12d: {  	[tilespmem:$0x1F8C0] =	vst v59;
	v8 =	vor.u32 $0x502, v0;
	v1 =	vld.idx.msk [tilespmem:v3+s29+$0x0], $0xffff  }
0x12e: {  	[tilespmem:$0x1F8D0] =	vst v60;
	v9 =	vor.u32 $0x103, v0;
	v2 =	vld.idx.msk [tilespmem:v4+s29+$0x0], $0xffff  }
0x12f: {  	v10 =	vor.u32 $0x503, v0;
	[tilespmem:$0x1F930] =	vst v3;
	v3 =	vld.idx.msk [tilespmem:v5+s29+$0x0], $0xffff  }
0x130: {  	v11 =	vor.u32 $0x104, v0;
	[tilespmem:$0x1F940] =	vst v4;
	v4 =	vld.idx.msk [tilespmem:v6+s29+$0x0], $0xffff  }
0x131: {  	v12 =	vor.u32 $0x504, v0;
	[tilespmem:$0x1F950] =	vst v5;
	v5 =	vld.idx.msk [tilespmem:v7+s29+$0x0], $0xffff  }
0x132: {  	v13 =	vor.u32 $0x105, v0;
	[tilespmem:$0x1F960] =	vst v6;
	v6 =	vld.idx.msk [tilespmem:v8+s29+$0x0], $0xffff  }
0x133: {  	v14 =	vor.u32 $0x505, v0;
	[tilespmem:$0x1F970] =	vst v7;
	v7 =	vld.idx.msk [tilespmem:v9+s29+$0x0], $0xffff  }
0x134: {  	[tilespmem:$0x1F980] =	vst v8;
	v15 =	vor.u32 $0x106, v0;
	v8 =	vld.idx.msk [tilespmem:v10+s29+$0x0], $0xffff  }
0x135: {  	v16 =	vor.u32 $0x506, v0;
	[tilespmem:$0x1F990] =	vst v9;
	v9 =	vld.idx.msk [tilespmem:v11+s29+$0x0], $0xffff  }
0x136: {  	v17 =	vor.u32 $0x107, v0;
	[tilespmem:$0x1F9A0] =	vst v10;
	v10 =	vld.idx.msk [tilespmem:v12+s29+$0x0], $0xffff  }
0x137: {  	v18 =	vor.u32 $0x507, v0;
	[tilespmem:$0x1F9B0] =	vst v11;
	v11 =	vld.idx.msk [tilespmem:v13+s29+$0x0], $0xffff  }
0x138: {  	[tilespmem:$0x1F9C0] =	vst v12;
	v19 =	vor.u32 $0x108, v0;
	v12 =	vld.idx.msk [tilespmem:v14+s29+$0x0], $0xffff  }
0x139: {  	[tilespmem:$0x1F9D0] =	vst v13;
	v20 =	vor.u32 $0x109, v0;
	v13 =	vld.idx.msk [tilespmem:v15+s29+$0x0], $0xffff  }
0x13a: {  	v21 =	vor.u32 $0x10A, v0;
	[tilespmem:$0x1F9E0] =	vst v14;
	v14 =	vld.idx.msk [tilespmem:v16+s29+$0x0], $0xffff  }
0x13b: {  	v22 =	vor.u32 $0x10B, v0;
	[tilespmem:$0x1F9F0] =	vst v15;
	v15 =	vld.idx.msk [tilespmem:v17+s29+$0x0], $0xffff  }
0x13c: {  	v62 =	vor.u32 $0x10C, v0;
	[tilespmem:$0x1FA00] =	vst v16;
	v16 =	vld.idx.msk [tilespmem:v18+s29+$0x0], $0xffff  }
0x13d: {  	v63 =	vor.u32 $0x10D, v0;
	[tilespmem:$0x1FA10] =	vst v17;
	v17 =	vld.idx.msk [tilespmem:v19+s29+$0x0], $0xffff  }
0x13e: {  	[tilespmem:$0x1FA20] =	vst v18;
	v18 =	vld.idx.msk [tilespmem:v20+s29+$0x0], $0xffff  }
0x13f: {  	[tilespmem:$0x1FA30] =	vst v19;
	v19 =	vld.idx.msk [tilespmem:v21+s29+$0x0], $0xffff  }
0x140: {  	v59 =	vor.u32 $0x508, v0;
	[tilespmem:$0x1FA40] =	vst v20;
	v20 =	vld.idx.msk [tilespmem:v22+s29+$0x0], $0xffff  }
0x141: {  	v60 =	vor.u32 $0x509, v0;
	[tilespmem:$0x1FA50] =	vst v21;
	v21 =	vld.idx.msk [tilespmem:v62+s29+$0x0], $0xffff  }
0x142: {  	v61 =	vor.u32 $0x50A, v0;
	[tilespmem:$0x1FA60] =	vst v22;
	v22 =	vld.idx.msk [tilespmem:v63+s29+$0x0], $0xffff  }
0x143: {  	[tilespmem:$0x1FA70] =	vst v62;
	v52 =	vor.u32 $0x50B, v0;
	v62 =	vld.idx.msk [tilespmem:v57+s29+$0x0], $0xffff  }
0x144: {  	[tilespmem:$0x1FA80] =	vst v63;
	v63 =	vor.u32 $0x50C, v0;
	v57 =	vld.idx.msk [tilespmem:v58+s29+$0x0], $0xffff  }
0x145: {  	[tilespmem:$0x1FAB0] =	vst v59;
	v58 =	vld.idx.msk [tilespmem:v59+s29+$0x0], $0xffff;
	v59 =	vor.u32 $0x50D, v0  }
0x146: {  	[tilespmem:$0x1FAC0] =	vst v60;
	v1 =	vadd.f32 v3, v1;
	v3 =	vld.idx.msk [tilespmem:v60+s29+$0x0], $0xffff;
	v60 =	vor.u32 $0x50E, v0  }
0x147: {  	[tilespmem:$0x1FAD0] =	vst v61;
	v5 =	vadd.f32 v7, v5;
	v7 =	vadd.f32 v11, v9;
	v9 =	vld.idx.msk [tilespmem:v61+s29+$0x0], $0xffff;
	v61 =	vor.u32 $0x50F, v0  }
0x148: {  	v11 =	vadd.f32 v15, v13;
	v13 =	vadd.f32 v18, v17;
	v15 =	vld.idx.msk [tilespmem:v52+s29+$0x0], $0xffff  }
0x149: {  	v17 =	vadd.f32 v20, v19;
	v18 =	vld.idx.msk [tilespmem:v63+s29+$0x0], $0xffff;
	v19 =	vadd.f32 v22, v21  }
0x14a: {  	v20 =	vadd.f32 v57, v62;
	v21 =	vld.idx.msk [tilespmem:v59+s29+$0x0], $0xffff;
	v2 =	vadd.f32 v4, v2  }
0x14b: {  	v1 =	vadd.f32 v5, v1;
	v5 =	vadd.f32 v11, v7;
	v7 =	vld.idx.msk [tilespmem:v60+s29+$0x0], $0xffff  }
0x14c: {  	v4 =	vadd.f32 v8, v6;
	v11 =	vadd.f32 v17, v13;
	v17 =	vld.idx.msk [tilespmem:v61+s29+$0x0], $0xffff  }
0x14d: {  	v6 =	vadd.f32 v12, v10;
	v8 =	vadd.f32 v16, v14  }
0x14e: {  	v13 =	vadd.f32 v20, v19  }
0x14f: {  	v2 =	vadd.f32 v4, v2;
	v4 =	vadd.f32 v8, v6  }
0x150: {  	v3 =	vadd.f32 v3, v58;
	v9 =	vadd.f32 v15, v9  }
0x151: {  	v10 =	vadd.f32 v21, v18;
	v7 =	vadd.f32 v17, v7  }
0x152: {  	v1 =	vadd.f32 v5, v1;
	v5 =	vadd.f32 v13, v11  }
0x153: {  	v3 =	vadd.f32 v9, v3;
	v6 =	vadd.f32 v7, v10  }
0x154: {  	v2 =	vadd.f32 v4, v2  }
0x155: {  	v1 =	vadd.f32 v5, v1;
	v3 =	vadd.f32 v6, v3;
	_ =	sdelay $0x1  }
0x156: {  	v1 =	vmul.f32 $7.812500000e-03, v1;
	v2 =	vadd.f32 v3, v2;
	_ =	sdelay $0x1  }
0x157: {  	v3 =	vmul.f32 v1, v1;
	v2 =	vmul.f32 $7.812500000e-03, v2;
	_ =	sdelay $0x1  }
0x158: {  	v2 =	vsub.f32 v2, v3;
	_ =	sdelay $0x1  }
0x159: {  	v2 =	vadd.f32 $9.999999740e-06, v2;
	_ =	sdelay $0x1  }
0x15a: {  	v3 =	vshra.s32 v2, $0x1;
	v2 =	vmul.f32 $5.000000000e-01, v2  }
0x15b: {  	v3 =	vsub.s32 $0x5F3759DF, v3  }
0x15c: {  	v4 =	vmul.f32 v3, v2;
	_ =	sdelay $0x1  }
0x15d: {  	v4 =	vmul.f32 v3, v4;
	_ =	sdelay $0x1  }
0x15e: {  	v4 =	vsub.f32 $1.500000000e+00, v4;
	_ =	sdelay $0x1  }
0x15f: {  	v3 =	vmul.f32 v3, v4;
	_ =	sdelay $0x1  }
0x160: {  	v4 =	vmul.f32 v3, v2;
	_ =	sdelay $0x1  }
0x161: {  	v4 =	vmul.f32 v4, v3;
	_ =	sdelay $0x1  }
0x162: {  	v4 =	vsub.f32 $1.500000000e+00, v4;
	_ =	sdelay $0x1  }
0x163: {  	v3 =	vmul.f32 v4, v3;
	_ =	sdelay $0x1  }
0x164: {  	v2 =	vmul.f32 v3, v2;
	_ =	sdelay $0x1  }
0x165: {  	v2 =	vmul.f32 v2, v3;
	_ =	sdelay $0x1  }
0x166: {  	[tilespmem:$0x1FAE0] =	vst v52;
	v2 =	vsub.f32 $1.500000000e+00, v2  }
0x167: {  	[tilespmem:$0x1FAF0] =	vst v63  }
0x168: {  	[tilespmem:$0x1FB00] =	vst v59;
	v2 =	vmul.f32 v2, v3;
	v3 =	vor.u32 $0x200, v0  }
0x169: {  	[tilespmem:$0x1FB10] =	vst v60;
	v4 =	vor.u32 $0x600, v0  }
0x16a: {  	[tilespmem:$0x1FB20] =	vst v61;
	v5 =	vor.u32 $0x201, v0;
	v1 =	vmul.f32 v2, v1  }
0x16b: {  	v6 =	vor.u32 $0x601, v0;
	[tilespmem:$0x1CC10] =	vst v2  }
0x16c: {  	v12 =	vor.u32 $0x604, v0;
	v7 =	vor.u32 $0x202, v0;
	[tilespmem:$0x1CB90] =	vst v1  }
0x16d: {  	v14 =	vor.u32 $0x605, v0;
	[tilespmem:$0x1FBC0] =	vst v12;
	v8 =	vor.u32 $0x602, v0;
	v1 =	vld.idx.msk [tilespmem:v3+s29+$0x0], $0xffff  }
0x16e: {  	[tilespmem:$0x1FBE0] =	vst v14;
	v9 =	vor.u32 $0x203, v0;
	v2 =	vld.idx.msk [tilespmem:v4+s29+$0x0], $0xffff  }
0x16f: {  	v10 =	vor.u32 $0x603, v0;
	[tilespmem:$0x1FB30] =	vst v3;
	v3 =	vld.idx.msk [tilespmem:v5+s29+$0x0], $0xffff  }
0x170: {  	v11 =	vor.u32 $0x204, v0;
	[tilespmem:$0x1FB40] =	vst v4;
	v4 =	vld.idx.msk [tilespmem:v6+s29+$0x0], $0xffff  }
0x171: {  	[tilespmem:$0x1FB50] =	vst v5;
	v5 =	vld.idx.msk [tilespmem:v7+s29+$0x0], $0xffff  }
0x172: {  	v13 =	vor.u32 $0x205, v0;
	[tilespmem:$0x1FB60] =	vst v6;
	v6 =	vld.idx.msk [tilespmem:v8+s29+$0x0], $0xffff  }
0x173: {  	[tilespmem:$0x1FB70] =	vst v7;
	v7 =	vld.idx.msk [tilespmem:v9+s29+$0x0], $0xffff  }
0x174: {  	[tilespmem:$0x1FB80] =	vst v8;
	v15 =	vor.u32 $0x206, v0;
	v8 =	vld.idx.msk [tilespmem:v10+s29+$0x0], $0xffff  }
0x175: {  	v16 =	vor.u32 $0x606, v0;
	[tilespmem:$0x1FB90] =	vst v9;
	v9 =	vld.idx.msk [tilespmem:v11+s29+$0x0], $0xffff  }
0x176: {  	v17 =	vor.u32 $0x207, v0;
	[tilespmem:$0x1FBA0] =	vst v10;
	v10 =	vld.idx.msk [tilespmem:v12+s29+$0x0], $0xffff  }
0x177: {  	[tilespmem:$0x1FBB0] =	vst v11;
	v18 =	vor.u32 $0x607, v0;
	v11 =	vld.idx.msk [tilespmem:v13+s29+$0x0], $0xffff  }
0x178: {  	[tilespmem:$0x1FC00] =	vst v16;
	v19 =	vor.u32 $0x208, v0;
	v12 =	vld.idx.msk [tilespmem:v14+s29+$0x0], $0xffff  }
0x179: {  	v22 =	vor.u32 $0x20B, v0;
	v20 =	vor.u32 $0x209, v0;
	[tilespmem:$0x1FBD0] =	vst v13;
	v13 =	vld.idx.msk [tilespmem:v15+s29+$0x0], $0xffff  }
0x17a: {  	[tilespmem:$0x1FC60] =	vst v22;
	v21 =	vor.u32 $0x20A, v0;
	v14 =	vld.idx.msk [tilespmem:v16+s29+$0x0], $0xffff  }
0x17b: {  	v62 =	vor.u32 $0x20C, v0;
	[tilespmem:$0x1FBF0] =	vst v15;
	v15 =	vld.idx.msk [tilespmem:v17+s29+$0x0], $0xffff  }
0x17c: {  	[tilespmem:$0x1FC70] =	vst v62;
	v16 =	vld.idx.msk [tilespmem:v18+s29+$0x0], $0xffff  }
0x17d: {  	v63 =	vor.u32 $0x20D, v0;
	[tilespmem:$0x1FC10] =	vst v17;
	v17 =	vld.idx.msk [tilespmem:v19+s29+$0x0], $0xffff  }
0x17e: {  	v57 =	vor.u32 $0x20E, v0;
	[tilespmem:$0x1FC20] =	vst v18;
	v18 =	vld.idx.msk [tilespmem:v20+s29+$0x0], $0xffff  }
0x17f: {  	[tilespmem:$0x1FC30] =	vst v19;
	v58 =	vor.u32 $0x20F, v0;
	v19 =	vld.idx.msk [tilespmem:v21+s29+$0x0], $0xffff  }
0x180: {  	v59 =	vor.u32 $0x608, v0;
	[tilespmem:$0x1FC40] =	vst v20;
	v20 =	vld.idx.msk [tilespmem:v22+s29+$0x0], $0xffff  }
0x181: {  	v60 =	vor.u32 $0x609, v0;
	[tilespmem:$0x1FC50] =	vst v21;
	v21 =	vld.idx.msk [tilespmem:v62+s29+$0x0], $0xffff  }
0x182: {  	[tilespmem:$0x1FC80] =	vst v63;
	v61 =	vor.u32 $0x60A, v0;
	v22 =	vld.idx.msk [tilespmem:v63+s29+$0x0], $0xffff  }
0x183: {  	v52 =	vor.u32 $0x60B, v0;
	[tilespmem:$0x1FC90] =	vst v57;
	v62 =	vld.idx.msk [tilespmem:v57+s29+$0x0], $0xffff  }
0x184: {  	[tilespmem:$0x1FCB0] =	vst v59;
	v63 =	vor.u32 $0x60C, v0;
	v57 =	vld.idx.msk [tilespmem:v58+s29+$0x0], $0xffff  }
0x185: {  	[tilespmem:$0x1FCA0] =	vst v58;
	v58 =	vld.idx.msk [tilespmem:v59+s29+$0x0], $0xffff;
	v59 =	vor.u32 $0x60D, v0  }
0x186: {  	[tilespmem:$0x1FCC0] =	vst v60;
	v1 =	vadd.f32 v3, v1;
	v3 =	vadd.f32 v7, v5;
	v5 =	vld.idx.msk [tilespmem:v60+s29+$0x0], $0xffff;
	v60 =	vor.u32 $0x60E, v0  }
0x187: {  	[tilespmem:$0x1FCD0] =	vst v61;
	v7 =	vadd.f32 v11, v9;
	v9 =	vadd.f32 v15, v13;
	v11 =	vld.idx.msk [tilespmem:v61+s29+$0x0], $0xffff;
	v61 =	vor.u32 $0x60F, v0  }
0x188: {  	v13 =	vadd.f32 v18, v17;
	v15 =	vadd.f32 v20, v19;
	v17 =	vld.idx.msk [tilespmem:v52+s29+$0x0], $0xffff  }
0x189: {  	v18 =	vadd.f32 v22, v21;
	v19 =	vadd.f32 v57, v62;
	v20 =	vld.idx.msk [tilespmem:v63+s29+$0x0], $0xffff  }
0x18a: {  	v1 =	vadd.f32 v3, v1;
	v3 =	vadd.f32 v9, v7;
	v7 =	vld.idx.msk [tilespmem:v59+s29+$0x0], $0xffff  }
0x18b: {  	v9 =	vadd.f32 v15, v13;
	v15 =	vld.idx.msk [tilespmem:v60+s29+$0x0], $0xffff  }
0x18c: {  	v13 =	vadd.f32 v19, v18;
	v18 =	vld.idx.msk [tilespmem:v61+s29+$0x0], $0xffff  }
0x18d: {  	v2 =	vadd.f32 v4, v2;
	v4 =	vadd.f32 v8, v6  }
0x18e: {  	v6 =	vadd.f32 v12, v10;
	v8 =	vadd.f32 v16, v14  }
0x18f: {  	v1 =	vadd.f32 v3, v1;
	v3 =	vadd.f32 v13, v9  }
0x190: {  	v5 =	vadd.f32 v5, v58;
	v9 =	vadd.f32 v17, v11  }
0x191: {  	v7 =	vadd.f32 v7, v20;
	v10 =	vadd.f32 v18, v15  }
0x192: {  	v2 =	vadd.f32 v4, v2;
	v4 =	vadd.f32 v8, v6  }
0x193: {  	v5 =	vadd.f32 v9, v5;
	v6 =	vadd.f32 v10, v7  }
0x194: {  	v2 =	vadd.f32 v4, v2  }
0x195: {  	v1 =	vadd.f32 v3, v1;
	v3 =	vadd.f32 v6, v5;
	_ =	sdelay $0x1  }
0x196: {  	v1 =	vmul.f32 $7.812500000e-03, v1;
	v2 =	vadd.f32 v3, v2;
	_ =	sdelay $0x1  }
0x197: {  	v3 =	vmul.f32 v1, v1;
	v2 =	vmul.f32 $7.812500000e-03, v2;
	_ =	sdelay $0x1  }
0x198: {  	v2 =	vsub.f32 v2, v3;
	_ =	sdelay $0x1  }
0x199: {  	v2 =	vadd.f32 $9.999999740e-06, v2;
	_ =	sdelay $0x1  }
0x19a: {  	v3 =	vshra.s32 v2, $0x1;
	v2 =	vmul.f32 $5.000000000e-01, v2  }
0x19b: {  	v3 =	vsub.s32 $0x5F3759DF, v3  }
0x19c: {  	v4 =	vmul.f32 v3, v2;
	_ =	sdelay $0x1  }
0x19d: {  	v4 =	vmul.f32 v3, v4;
	_ =	sdelay $0x1  }
0x19e: {  	v4 =	vsub.f32 $1.500000000e+00, v4;
	_ =	sdelay $0x1  }
0x19f: {  	v3 =	vmul.f32 v3, v4;
	_ =	sdelay $0x1  }
0x1a0: {  	v4 =	vmul.f32 v3, v2;
	_ =	sdelay $0x1  }
0x1a1: {  	v4 =	vmul.f32 v4, v3;
	_ =	sdelay $0x1  }
0x1a2: {  	v4 =	vsub.f32 $1.500000000e+00, v4;
	_ =	sdelay $0x1  }
0x1a3: {  	v3 =	vmul.f32 v4, v3;
	_ =	sdelay $0x1  }
0x1a4: {  	v2 =	vmul.f32 v3, v2;
	_ =	sdelay $0x1  }
0x1a5: {  	v2 =	vmul.f32 v2, v3;
	_ =	sdelay $0x1  }
0x1a6: {  	v2 =	vsub.f32 $1.500000000e+00, v2;
	_ =	sdelay $0x1  }
0x1a7: {  	v2 =	vmul.f32 v2, v3;
	v3 =	vor.u32 $0x300, v0  }
0x1a8: {  	v4 =	vor.u32 $0x700, v0  }
0x1a9: {  	v5 =	vor.u32 $0x301, v0;
	v1 =	vmul.f32 v2, v1  }
0x1aa: {  	v6 =	vor.u32 $0x702, v0;
	[tilespmem:$0x1CC20] =	vst v2  }
0x1ab: {  	v7 =	vor.u32 $0x309, v0;
	[tilespmem:$0x1CBA0] =	vst v1  }
0x1ac: {  	v62 =	vor.u32 $0x30B, v0;
	[tilespmem:$0x1FD30] =	vst v3;
	v3 =	vld.idx.msk [tilespmem:v3+s29+$0x0], $0xffff  }
0x1ad: {  	[tilespmem:$0x1F900] =	vst v54;
	v9 =	vor.u32 $0x30F, v0;
	v11 =	vld.idx.msk [tilespmem:v4+s29+$0x0], $0xffff  }
0x1ae: {  	[tilespmem:$0x1FCE0] =	vst v52;
	v8 =	vor.u32 $0x708, v0;
	v10 =	vld.idx.msk [tilespmem:v5+s29+$0x0], $0xffff  }
0x1af: {  	[tilespmem:$0x1FD10] =	vst v60;
	v60 =	vor.u32 $0x70B, v0;
	v14 =	vld.idx.msk [tilespmem:v6+s29+$0x0], $0xffff  }
0x1b0: {  	[tilespmem:$0x1FCF0] =	vst v63;
	v2 =	vor.u32 $0x302, v0;
	v50 =	vld.idx.msk [tilespmem:v7+s29+$0x0], $0xffff  }
0x1b1: {  	[tilespmem:$0x1FD20] =	vst v61;
	v1 =	vor.u32 $0x701, v0;
	v52 =	vld.idx.msk [tilespmem:v62+s29+$0x0], $0xffff  }
0x1b2: {  	[tilespmem:$0x1FD40] =	vst v4;
	v4 =	vor.u32 $0x303, v0;
	v56 =	vld.idx.msk [tilespmem:v9+s29+$0x0], $0xffff  }
0x1b3: {  	[tilespmem:$0x1FD50] =	vst v5;
	v5 =	vor.u32 $0x703, v0;
	v57 =	vld.idx.msk [tilespmem:v8+s29+$0x0], $0xffff  }
0x1b4: {  	[tilespmem:$0x1FD80] =	vst v6;
	v6 =	vor.u32 $0x305, v0;
	v61 =	vld.idx.msk [tilespmem:v60+s29+$0x0], $0xffff  }
0x1b5: {  	[tilespmem:$0x1FE40] =	vst v7;
	v7 =	vor.u32 $0x30E, v0;
	v13 =	vld.idx.msk [tilespmem:v2+s29+$0x0], $0xffff  }
0x1b6: {  	[tilespmem:$0x1FD70] =	vst v2;
	v2 =	vor.u32 $0x704, v0;
	v12 =	vld.idx.msk [tilespmem:v1+s29+$0x0], $0xffff  }
0x1b7: {  	[tilespmem:$0x1FD60] =	vst v1;
	v1 =	vor.u32 $0x304, v0;
	v15 =	vld.idx.msk [tilespmem:v4+s29+$0x0], $0xffff  }
0x1b8: {  	[tilespmem:$0x1FD90] =	vst v4;
	v4 =	vor.u32 $0x705, v0;
	v16 =	vld.idx.msk [tilespmem:v5+s29+$0x0], $0xffff  }
0x1b9: {  	[tilespmem:$0x1FDA0] =	vst v5;
	v5 =	vor.u32 $0x306, v0;
	v19 =	vld.idx.msk [tilespmem:v6+s29+$0x0], $0xffff  }
0x1ba: {  	[tilespmem:$0x1FDD0] =	vst v6;
	v6 =	vor.u32 $0x707, v0;
	v63 =	vld.idx.msk [tilespmem:v7+s29+$0x0], $0xffff  }
0x1bb: {  	[tilespmem:$0x1FDC0] =	vst v2;
	v18 =	vld.idx.msk [tilespmem:v2+s29+$0x0], $0xffff;
	v2 =	vor.u32 $0x307, v0  }
0x1bc: {  	[tilespmem:$0x1FDB0] =	vst v1;
	v17 =	vld.idx.msk [tilespmem:v1+s29+$0x0], $0xffff;
	v1 =	vor.u32 $0x706, v0  }
0x1bd: {  	[tilespmem:$0x1FE70] =	vst v60;
	v58 =	vadd.f32 v10, v3;
	v10 =	vor.u32 $0x70F, v0;
	v20 =	vld.idx.msk [tilespmem:v4+s29+$0x0], $0xffff  }
0x1be: {  	[tilespmem:$0x1FDE0] =	vst v4;
	v4 =	vor.u32 $0x308, v0;
	v21 =	vld.idx.msk [tilespmem:v5+s29+$0x0], $0xffff  }
0x1bf: {  	[tilespmem:$0x1FDF0] =	vst v5;
	v48 =	vld.idx.msk [tilespmem:v6+s29+$0x0], $0xffff;
	v5 =	vor.u32 $0x30D, v0  }
0x1c0: {  	[tilespmem:$0x1FE20] =	vst v6;
	v6 =	vor.u32 $0x709, v0;
	v47 =	vld.idx.msk [tilespmem:v2+s29+$0x0], $0xffff  }
0x1c1: {  	[tilespmem:$0x1FE00] =	vst v1;
	v22 =	vld.idx.msk [tilespmem:v1+s29+$0x0], $0xffff;
	v1 =	vor.u32 $0x30A, v0  }
0x1c2: {  	[tilespmem:$0x1FE10] =	vst v2;
	v60 =	vld.idx.msk [tilespmem:v10+s29+$0x0], $0xffff;
	v2 =	vor.u32 $0x30C, v0  }
0x1c3: {  	[tilespmem:$0x1FD00] =	vst v59;
	v59 =	vor.u32 $0x70D, v0;
	v49 =	vld.idx.msk [tilespmem:v4+s29+$0x0], $0xffff  }
0x1c4: {  	[tilespmem:$0x1F920] =	vst v51;
	v3 =	vor.u32 $0x70E, v0;
	v54 =	vld.idx.msk [tilespmem:v5+s29+$0x0], $0xffff  }
0x1c5: {  	v13 =	vadd.f32 v15, v13;
	[tilespmem:$0x1FE30] =	vst v4;
	v4 =	vor.u32 $0x70A, v0;
	v15 =	vld.idx.msk [tilespmem:v6+s29+$0x0], $0xffff  }
0x1c6: {  	v17 =	vadd.f32 v19, v17;
	[tilespmem:$0x1FE50] =	vst v1;
	v19 =	vadd.f32 v47, v21;
	v51 =	vld.idx.msk [tilespmem:v1+s29+$0x0], $0xffff;
	v1 =	vor.u32 $0x70C, v0  }
0x1c7: {  	[tilespmem:$0x1F8F0] =	vst v53;
	v11 =	vadd.f32 v12, v11;
	v53 =	vld.idx.msk [tilespmem:v2+s29+$0x0], $0xffff  }
0x1c8: {  	v12 =	vadd.f32 v16, v14;
	v17 =	vadd.f32 v19, v17;
	v19 =	vld.idx.msk [tilespmem:v59+s29+$0x0], $0xffff  }
0x1c9: {  	[tilespmem:$0x1FE90] =	vst v59;
	v63 =	vadd.f32 v56, v63;
	v59 =	vld.idx.msk [tilespmem:v3+s29+$0x0], $0xffff  }
0x1ca: {  	v13 =	vadd.f32 v13, v58;
	v11 =	vadd.f32 v12, v11;
	v21 =	vld.idx.msk [tilespmem:v4+s29+$0x0], $0xffff  }
0x1cb: {  	v14 =	vadd.f32 v20, v18;
	v16 =	vadd.f32 v48, v22;
	v56 =	vld.idx.msk [tilespmem:v1+s29+$0x0], $0xffff  }
0x1cc: {  	[tilespmem:$0x1FE60] =	vst v62;
	v47 =	vadd.f32 v50, v49;
	v62 =	vadd.f32 v54, v53  }
0x1cd: {  	v15 =	vadd.f32 v15, v57;
	v13 =	vadd.f32 v17, v13  }
0x1ce: {  	v49 =	vadd.f32 v52, v51;
	v58 =	vadd.f32 v63, v62  }
0x1cf: {  	v20 =	vadd.f32 v60, v59;
	v18 =	vadd.f32 v61, v21  }
0x1d0: {  	v47 =	vadd.f32 v49, v47;
	v19 =	vadd.f32 v19, v56  }
0x1d1: {  	v12 =	vadd.f32 v16, v14;
	v14 =	vadd.f32 v18, v15  }
0x1d2: {  	v17 =	vadd.f32 v58, v47;
	v15 =	vadd.f32 v20, v19  }
0x1d3: {  	v11 =	vadd.f32 v12, v11  }
0x1d4: {  	v13 =	vadd.f32 v17, v13;
	v12 =	vadd.f32 v15, v14;
	_ =	sdelay $0x1  }
0x1d5: {  	v11 =	vadd.f32 v12, v11;
	v12 =	vmul.f32 $7.812500000e-03, v13;
	_ =	sdelay $0x1  }
0x1d6: {  	v11 =	vmul.f32 $7.812500000e-03, v11;
	v13 =	vmul.f32 v12, v12;
	_ =	sdelay $0x1  }
0x1d7: {  	v11 =	vsub.f32 v11, v13;
	_ =	sdelay $0x1  }
0x1d8: {  	v11 =	vadd.f32 $9.999999740e-06, v11;
	_ =	sdelay $0x1  }
0x1d9: {  	v13 =	vshra.s32 v11, $0x1;
	v11 =	vmul.f32 $5.000000000e-01, v11  }
0x1da: {  	v13 =	vsub.s32 $0x5F3759DF, v13  }
0x1db: {  	v14 =	vmul.f32 v13, v11;
	_ =	sdelay $0x1  }
0x1dc: {  	v14 =	vmul.f32 v13, v14;
	_ =	sdelay $0x1  }
0x1dd: {  	v14 =	vsub.f32 $1.500000000e+00, v14;
	_ =	sdelay $0x1  }
0x1de: {  	v13 =	vmul.f32 v13, v14;
	_ =	sdelay $0x1  }
0x1df: {  	v14 =	vmul.f32 v13, v11;
	_ =	sdelay $0x1  }
0x1e0: {  	v14 =	vmul.f32 v14, v13;
	_ =	sdelay $0x1  }
0x1e1: {  	v14 =	vsub.f32 $1.500000000e+00, v14;
	_ =	sdelay $0x1  }
0x1e2: {  	v13 =	vmul.f32 v14, v13;
	_ =	sdelay $0x1  }
0x1e3: {  	v11 =	vmul.f32 v13, v11;
	_ =	sdelay $0x1  }
0x1e4: {  	v11 =	vmul.f32 v11, v13;
	_ =	sdelay $0x1  }
0x1e5: {  	v11 =	vsub.f32 $1.500000000e+00, v11  }
0x1e6: {  	s16 =	simm.s32 $0x0  }
0x1e7: {  	v11 =	vmul.f32 v11, v13;
	v13 =	vmov s16  }
0x1e8: {  	[tilespmem:$0x1F910] =	vst v55  }
0x1e9: {  	[tilespmem:$0x1FE80] =	vst v1;
	v12 =	vmul.f32 v11, v12  }
0x1ea: {  	[tilespmem:$0x1CC30] =	vst v11  }
0x1eb: {  	[tilespmem:$0x1CBB0] =	vst v12  }
0x1ec: {  	v11 =	vld.idx.msk [tilespmem:v13+s31+$0x0], $0xffff  }
0x1ed: {  	s3 =	simm.s32 $0x18340;
	v13 =	vld.idx.msk [tilespmem:v13+s30+$0x0], $0xffff  }
0x1ee: {  	v12 =	vld [tilespmem:s3+$0x30]  }
0x1ef: {  	v14 =	vld [tilespmem:s3+$0xFFFFFFC0]  }
0x1f0: {  	v15 =	vld [tilespmem:s3+$0xFFFFFFD0]  }
0x1f1: {  	v16 =	vld [tilespmem:s3+$0xFFFFFFE0]  }
0x1f2: {  	v17 =	vld [tilespmem:s3+$0xFFFFFFF0]  }
0x1f3: {  	v18 =	vld [tilespmem:s3+$0x0]  }
0x1f4: {  	s24 =	simm.s32 $0x1;
	v20 =	vld [tilespmem:s3+$0x10]  }
0x1f5: {  	v19 =	vmov s24;
	v21 =	vld [tilespmem:s3+$0x20]  }
0x1f6: {  	v12 =	vmul.f32 v12, v11;
	v14 =	vmul.f32 v14, v11  }
0x1f7: {  	v15 =	vmul.f32 v15, v11;
	v16 =	vmul.f32 v16, v11  }
0x1f8: {  	s6 =	simm.s32 $0x183C0;
	v17 =	vmul.f32 v17, v11;
	v18 =	vmul.f32 v18, v11  }
0x1f9: {  	v61 =	vld [tilespmem:s6+$0x30];
	v20 =	vmul.f32 v20, v11;
	v22 =	vsub.f32 v12, v13;
	v14 =	vsub.f32 v14, v13  }
0x1fa: {  	v21 =	vmul.f32 v21, v11;
	v12 =	vld.idx.msk [tilespmem:v19+s31+$0x0], $0xffff;
	v15 =	vsub.f32 v15, v13;
	v16 =	vsub.f32 v16, v13  }
0x1fb: {  	v11 =	vld.idx.msk [tilespmem:v19+s30+$0x0], $0xffff;
	v17 =	vsub.f32 v17, v13;
	v18 =	vsub.f32 v18, v13;
	v22 =	vmul.f32 v22, v30  }
0x1fc: {  	v62 =	vsub.f32 v20, v13;
	v47 =	vsub.f32 v21, v13;
	v13 =	vmul.f32 v14, v23;
	v14 =	vld [tilespmem:s6+$0xFFFFFFC0]  }
0x1fd: {  	v20 =	vmul.f32 v15, v24;
	v15 =	vld [tilespmem:s6+$0xFFFFFFD0];
	v19 =	vmul.f32 v17, v26;
	v63 =	vadd.f32 v22, v38  }
0x1fe: {  	s25 =	simm.s32 $0x2;
	v18 =	vmul.f32 v18, v27;
	v22 =	vmul.f32 v16, v25;
	v21 =	vadd.f32 v13, v31;
	v16 =	vld [tilespmem:s6+$0xFFFFFFE0]  }
0x1ff: {  	s11 =	simm.s32 $0x3;
	s4 =	simm.s32 $0x183C0;
	v48 =	vmul.f32 v62, v28;
	v17 =	vld [tilespmem:s6+$0xFFFFFFF0];
	v13 =	vmov s25;
	v49 =	vmul.f32 v61, v12;
	[tilespmem:s3+$0x30] =	vst v63  }
.LBB2_7:
0x200: {  	p1 =	sne.s32 s11, $0x3F;
	v50 =	vld [tilespmem:s6+$0x0];
	[tilespmem:s3+$0xFFFFFFC0] =	vst v21;
	v20 =	vadd.f32 v20, v32;
	v21 =	vadd.f32 v22, v33;
	v22 =	vmul.f32 v47, v29  }
0x201: {  	v19 =	vadd.f32 v19, v34;
	v51 =	vmovc v11;
	v14 =	vmul.f32 v14, v12;
	v47 =	vld [tilespmem:s6+$0x10];
	v49 =	vsub.f32 v49, v11  }
0x202: {  	v18 =	vadd.f32 v18, v35;
	v48 =	vadd.f32 v48, v36;
	v11 =	vmul.f32 v15, v12;
	v15 =	vld [tilespmem:s6+$0x20];
	[tilespmem:s3+$0xFFFFFFD0] =	vst v20  }
0x203: {  	v14 =	vsub.f32 v14, v51;
	v16 =	vmul.f32 v16, v12;
	v20 =	vmul.f32 v49, v30;
	[tilespmem:s3+$0xFFFFFFE0] =	vst v21  }
0x204: {  	s6 =	sadd.s32 $0x80, s6;
	v53 =	vadd.f32 v22, v37;
	v52 =	vld.idx.msk [tilespmem:v13+s31+$0x0], $0xffff;
	v21 =	vsub.f32 v11, v51;
	v17 =	vmul.f32 v17, v12  }
0x205: {  	v49 =	vld [tilespmem:s6+$0x30];
	v16 =	vsub.f32 v16, v51;
	v22 =	vmul.f32 v50, v12;
	v50 =	vadd.f32 v20, v38;
	[tilespmem:s3+$0xFFFFFFF0] =	vst v19  }
.Ltmp4:
0x206: {  	v11 =	vld.idx.msk [tilespmem:v13+s30+$0x0], $0xffff;
	v13 =	vmul.f32 v14, v23;
	v17 =	vsub.f32 v17, v51;
	v47 =	vmul.f32 v47, v12;
	(pc) =	sbr.rel @p1 .LBB2_7-.Ltmp4, $4  }
0x207: {  	v20 =	vmul.f32 v21, v24;
	v14 =	vld [tilespmem:s6+$0xFFFFFFC0];
	v54 =	vsub.f32 v22, v51;
	v1 =	vmul.f32 v15, v12;
	[tilespmem:s4+$0x30] =	vst v50  }
0x208: {  	v22 =	vmul.f32 v16, v25;
	v15 =	vld [tilespmem:s6+$0xFFFFFFD0];
	v19 =	vmul.f32 v17, v26;
	v50 =	vsub.f32 v47, v51;
	[tilespmem:s3+$0x0] =	vst v18  }
0x209: {  	v21 =	vadd.f32 v13, v31;
	v16 =	vld [tilespmem:s6+$0xFFFFFFE0];
	v18 =	vmul.f32 v54, v27;
	v47 =	vsub.f32 v1, v51;
	[tilespmem:s3+$0x10] =	vst v48  }
0x20a: {  	v13 =	vmov s11;
	s11 =	sadd.s32 $0x1, s11;
	v12 =	vmovc v52;
	v17 =	vld [tilespmem:s6+$0xFFFFFFF0];
	v49 =	vmul.f32 v49, v52;
	v48 =	vmul.f32 v50, v28;
	[tilespmem:s3+$0x20] =	vst v53;
	s3 =	smov.u32 s4;
	s4 =	smov.u32 s6  }
0x20b: {  	_ = 	snop  }
0x20c: {  	v50 =	vld [tilespmem:s6+$0x0]  }
0x20d: {  	v51 =	vld [tilespmem:s6+$0x10]  }
0x20e: {  	v20 =	vadd.f32 v20, v32;
	v52 =	vld [tilespmem:s6+$0x20]  }
0x20f: {  	v22 =	vadd.f32 v22, v33;
	v47 =	vmul.f32 v47, v29;
	v19 =	vadd.f32 v19, v34;
	v53 =	vld.idx.msk [tilespmem:v13+s31+$0x0], $0xffff;
	s14 =	sadd.s32 $0x80, s6  }
0x210: {  	v18 =	vadd.f32 v18, v35;
	v14 =	vmul.f32 v14, v12;
	v49 =	vsub.f32 v49, v11;
	v55 =	vld [tilespmem:s14+$0x30]  }
0x211: {  	v48 =	vadd.f32 v48, v36;
	v57 =	vld [tilespmem:s14+$0xFFFFFFC0];
	v15 =	vmul.f32 v15, v12;
	[tilespmem:s3+$0xFFFFFFD0] =	vst v20;
	v20 =	vadd.f32 v47, v37  }
0x212: {  	[tilespmem:s3+$0xFFFFFFC0] =	vst v21;
	v58 =	vld [tilespmem:s14+$0xFFFFFFD0];
	v16 =	vmul.f32 v16, v12;
	v14 =	vsub.f32 v14, v11;
	v21 =	vmul.f32 v49, v30  }
0x213: {  	v13 =	vld.idx.msk [tilespmem:v13+s30+$0x0], $0xffff;
	v15 =	vsub.f32 v15, v11;
	v17 =	vmul.f32 v17, v12;
	v56 =	vmul.f32 v50, v12  }
0x214: {  	[tilespmem:s3+$0xFFFFFFE0] =	vst v22;
	v16 =	vsub.f32 v16, v11;
	v14 =	vmul.f32 v14, v23;
	v22 =	vmul.f32 v51, v12  }
0x215: {  	[tilespmem:s3+$0xFFFFFFF0] =	vst v19;
	v21 =	vadd.f32 v21, v38;
	v12 =	vmul.f32 v52, v12;
	v15 =	vmul.f32 v15, v24  }
0x216: {  	[tilespmem:s3+$0x20] =	vst v20;
	v17 =	vsub.f32 v17, v11;
	v49 =	vmul.f32 v55, v53;
	v20 =	vmul.f32 v57, v53  }
0x217: {  	v47 =	vmul.f32 v58, v53;
	v19 =	vsub.f32 v56, v11;
	[tilespmem:s4+$0x30] =	vst v21;
	v21 =	vsub.f32 v22, v11;
	v22 =	vld [tilespmem:s14+$0xFFFFFFE0]  }
0x218: {  	v16 =	vmul.f32 v16, v25;
	v14 =	vadd.f32 v14, v31;
	v11 =	vsub.f32 v12, v11;
	v12 =	vld [tilespmem:s14+$0xFFFFFFF0]  }
0x219: {  	v60 =	vld [tilespmem:s14+$0x20];
	[tilespmem:s3+$0x0] =	vst v18;
	v17 =	vmul.f32 v17, v26;
	v15 =	vadd.f32 v15, v32;
	v18 =	vmul.f32 v19, v27  }
0x21a: {  	[tilespmem:s3+$0x10] =	vst v48;
	v59 =	vsub.f32 v49, v13;
	v19 =	vmul.f32 v21, v28;
	v21 =	vld [tilespmem:s14+$0x0];
	v16 =	vadd.f32 v16, v33  }
0x21b: {  	v11 =	vmul.f32 v11, v29;
	[tilespmem:s4+$0xFFFFFFC0] =	vst v14;
	v14 =	vld [tilespmem:s14+$0x10];
	v17 =	vadd.f32 v17, v34;
	v18 =	vadd.f32 v18, v35  }
0x21c: {  	v48 =	vmul.f32 v59, v30;
	[tilespmem:s4+$0xFFFFFFD0] =	vst v15;
	v15 =	vadd.f32 v19, v36;
	v19 =	vsub.f32 v20, v13  }
0x21d: {  	[tilespmem:s4+$0xFFFFFFE0] =	vst v16;
	v11 =	vadd.f32 v11, v37;
	v20 =	vmul.f32 v22, v53;
	v12 =	vmul.f32 v12, v53  }
0x21e: {  	v16 =	vadd.f32 v48, v38;
	v22 =	vsub.f32 v47, v13;
	[tilespmem:s4+$0xFFFFFFF0] =	vst v17;
	v19 =	vmul.f32 v19, v23  }
0x21f: {  	[tilespmem:s4+$0x0] =	vst v18;
	v18 =	vmul.f32 v60, v53;
	v21 =	vmul.f32 v21, v53;
	v17 =	vsub.f32 v20, v13  }
0x220: {  	v12 =	vsub.f32 v12, v13;
	[tilespmem:s14+$0x30] =	vst v16;
	v14 =	vmul.f32 v14, v53;
	v16 =	vmul.f32 v22, v24  }
0x221: {  	[tilespmem:s4+$0x10] =	vst v15;
	v19 =	vadd.f32 v19, v31;
	v20 =	vsub.f32 v21, v13;
	v17 =	vmul.f32 v17, v25  }
0x222: {  	[tilespmem:s4+$0x20] =	vst v11;
	v12 =	vmul.f32 v12, v26;
	v14 =	vsub.f32 v14, v13;
	v11 =	vadd.f32 v16, v32  }
0x223: {  	v13 =	vsub.f32 v18, v13;
	[tilespmem:s14+$0xFFFFFFC0] =	vst v19;
	v15 =	vmul.f32 v20, v27;
	v16 =	vadd.f32 v17, v33  }
0x224: {  	v14 =	vmul.f32 v14, v28;
	v12 =	vadd.f32 v12, v34;
	[tilespmem:s14+$0xFFFFFFD0] =	vst v11  }
0x225: {  	v11 =	vmul.f32 v13, v29;
	v13 =	vadd.f32 v15, v35;
	[tilespmem:s14+$0xFFFFFFE0] =	vst v16  }
0x226: {  	v14 =	vadd.f32 v14, v36;
	[tilespmem:s14+$0xFFFFFFF0] =	vst v12  }
0x227: {  	s15 =	sadd.s32 s9, s22;
	v11 =	vadd.f32 v11, v37;
	[tilespmem:s14+$0x0] =	vst v13  }
0x228: {  	s1 =	sshll.u32 s15, $0x4;
	[tilespmem:s14+$0x10] =	vst v14  }
0x229: {  	s2 =	simm.s32 $0x18300;
	p1 =	seq.s32 s21, $0x7F;
	s1 =	sadd.s32 s7, s1;
	[tilespmem:s14+$0x20] =	vst v11  }
0x22a: {  	[hbm4b:s1+s8] =	stream.linear.scatter [tilespmem:s2], [sflag:$0x3], $0x2000, $0x38;
	[tilespmem:$0x1CC80] =	vst v63  }
0x22b: {  	s6 =	simm.s32 @!p1 $0x14300;
	s1 =	sadd.s32 @!p1 s9, s22  }
0x22c: {  	s3 =	sadd.s32 @!p1 $0x10280, s22;
	s4 =	simm.s32 @!p1 $0x40;
	s1 =	sshrl.u32 @!p1 s1, $0x3  }
0x22d: {  	[tilespmem:s6], [sflag:$0x1] =	stream.indirect.gather @!p1 [hbm4b:s0+s4], $0x80, s3, s4, $0xb8;
	[tilespmem:$0x1CC80] =	vst v63  }
0x22e: {  	s1 =	sadd.s32 @!p1 s10, s1  }
0x22f: {  	s3 =	simm.s32 @!p1 $0x0;
	s4 =	simm.s32 @!p1 $0x14200;
	s1 =	sadd.s32 @!p1 $0x10, s1  }
0x230: {  	[tilespmem:s4], [sflag:$0x1] =	stream.linear.gather @!p1 [hbm4b:s1+s3], $0x40, $0x38;
	[tilespmem:$0x1CC80] =	vst v63  }
0x231: {  	_ =	swait.ge [sflag:s5], $0x2000  }
0x232: {  	[sflag:s5] =	ssyncset.done $0x0  }
0x233: {  	[sflag:s5] =	ssyncadd.s32 $0xFFFFE000  }
0x234: {  	_ =	swait.ge [sflag:s5], $0x40  }
0x235: {  	[sflag:s5] =	ssyncset.done $0x0  }
0x236: {  	s1 =	simm.s32 @!p0 $0x4;
	[sflag:s5] =	ssyncadd.s32 $0xFFFFFFC0  }
0x237: {  	_ =	swait.ge @!p0 [sflag:s1], $0x2000  }
0x238: {  	[sflag:s1] =	ssyncset.done @!p0 $0x0  }
0x239: {  	[sflag:s1] =	ssyncadd.s32 @!p0 $0xFFFFE000  }
0x23a: {  	v11 =	vld [tilespmem:$0x14280]  }
0x23b: {  	v12 =	vld [tilespmem:$0x14290]  }
0x23c: {  	v13 =	vld [tilespmem:$0x142A0]  }
0x23d: {  	v14 =	vld [tilespmem:$0x142B0];
	_ =	sdelay $0x1  }
0x23e: {  	v11 =	vcvt.s32.f32 v11  }
0x23f: {  	v12 =	vcvt.s32.f32 v12  }
0x240: {  	[tilespmem:$0x1CB40] =	vst v11;
	v11 =	vcvt.s32.f32 v13  }
0x241: {  	[tilespmem:$0x1CB50] =	vst v12;
	v12 =	vcvt.s32.f32 v14  }
0x242: {  	[tilespmem:$0x1CB60] =	vst v11  }
0x243: {  	s16 =	simm.s32 $0x16370;
	[tilespmem:$0x1CB70] =	vst v12  }
0x244: {  	v11 =	vld [tilespmem:s16+$0xFFFFFF90]  }
0x245: {  	v12 =	vld [tilespmem:s23+$0xFFFFFF90]  }
0x246: {  	v13 =	vld [tilespmem:s23+$0xFFFFFFB0]  }
0x247: {  	v14 =	vld [tilespmem:s16+$0xFFFFFFB0]  }
0x248: {  	v15 =	vld [tilespmem:s23+$0xFFFFFFA0]  }
0x249: {  	v16 =	vld [tilespmem:s16+$0xFFFFFFA0]  }
0x24a: {  	v18 =	vld [tilespmem:s23+$0xFFFFFFF0]  }
0x24b: {  	v17 =	vld [tilespmem:s23+$0xFFFFFFD0]  }
0x24c: {  	v19 =	vld [tilespmem:s16+$0xFFFFFFD0]  }
0x24d: {  	s24 =	simm.s32 $0x40;
	v20 =	vld [tilespmem:s23+$0xFFFFFFE0]  }
0x24e: {  	v21 =	vmov s24;
	v22 =	vld [tilespmem:s16+$0xFFFFFFE0]  }
0x24f: {  	v47 =	vld [tilespmem:s23+$0xFFFFFFC0]  }
0x250: {  	v48 =	vld [tilespmem:s16+$0xFFFFFFC0]  }
0x251: {  	v49 =	vld [tilespmem:s23+$0x0]  }
0x252: {  	v61 =	vld [tilespmem:s16+$0x0]  }
0x253: {  	s14 =	simm.s32 $0x163F0;
	v21 =	vld.idx.msk [tilespmem:v21+s28+$0x0], $0xffff  }
0x254: {  	s3 =	sadd.s32 $0x80, s23;
	v62 =	vld [tilespmem:s14+$0xFFFFFF90]  }
0x255: {  	v63 =	vld [tilespmem:s3+$0xFFFFFF90]  }
0x256: {  	v60 =	vld [tilespmem:s3+$0xFFFFFFB0];
	v11 =	vadd.f32 v12, v11  }
0x257: {  	v56 =	vld [tilespmem:s16+$0xFFFFFFF0];
	v55 =	vadd.f32 v13, v14;
	v22 =	vadd.f32 v20, v22  }
0x258: {  	v54 =	vld [tilespmem:s14+$0xFFFFFFB0];
	v57 =	vadd.f32 v15, v16;
	v19 =	vadd.f32 v17, v19  }
0x259: {  	v58 =	vld [tilespmem:s3+$0xFFFFFFE0];
	v16 =	vmul.f32 v21, v39;
	v50 =	vadd.f32 v49, v61;
	v20 =	vmul.f32 v21, v41  }
0x25a: {  	v13 =	vld [tilespmem:s3+$0xFFFFFFA0];
	v47 =	vadd.f32 v47, v48;
	v61 =	vmul.f32 v21, v42;
	v51 =	vmul.f32 v21, v46  }
0x25b: {  	v15 =	vld [tilespmem:s14+$0xFFFFFFA0];
	v12 =	vadd.f32 v63, v62;
	v52 =	vmul.f32 v21, v44;
	v53 =	vmul.f32 v21, v40  }
0x25c: {  	s25 =	simm.s32 $0x41;
	v14 =	vld [tilespmem:s3+$0xFFFFFFF0];
	v18 =	vadd.f32 v18, v56;
	v48 =	vmul.f32 v21, v45;
	v17 =	vadd.f32 v11, v16  }
0x25d: {  	s13 =	simm.s32 $0x1A370;
	v56 =	vmov s25;
	v11 =	vadd.f32 v60, v54;
	v16 =	vld [tilespmem:s3+$0xFFFFFFD0];
	v49 =	vadd.f32 v55, v20  }
0x25e: {  	v63 =	vmul.f32 v21, v43;
	v20 =	vld [tilespmem:s14+$0xFFFFFFD0];
	v47 =	vadd.f32 v47, v61;
	v61 =	vadd.f32 v22, v52;
	[tilespmem:s13+$0xFFFFFF90] =	vst v17  }
0x25f: {  	v60 =	vld [tilespmem:s14+$0xFFFFFFE0];
	v18 =	vadd.f32 v18, v48;
	v59 =	vadd.f32 v50, v51;
	[tilespmem:s13+$0xFFFFFFB0] =	vst v49  }
0x260: {  	v22 =	vld [tilespmem:s3+$0xFFFFFFC0];
	v52 =	vadd.f32 v57, v53;
	v48 =	vadd.f32 v19, v63;
	[tilespmem:s13+$0xFFFFFFC0] =	vst v47  }
0x261: {  	v51 =	vld [tilespmem:s3+$0x0];
	v54 =	vmul.f32 v49, v49;
	v62 =	vmul.f32 v47, v47;
	v49 =	vadd.f32 v47, v49;
	[tilespmem:s13+$0xFFFFFFF0] =	vst v18  }
0x262: {  	s11 =	simm.s32 $0x0;
	s12 =	simm.s32 $0x1C310;
	v53 =	vld [tilespmem:s14+$0x0];
	v50 =	vmul.f32 v17, v17;
	v57 =	vmul.f32 v18, v18;
	[tilespmem:s13+$0x0] =	vst v59;
	v55 =	vadd.f32 v59, v18  }
0x263: {  	s24 =	simm.s32 $0x16470;
	s6 =	simm.s32 $0x1C300;
	s4 =	simm.s32 $0x1A3F0;
	v59 =	vmul.f32 v59, v59;
	v18 =	vld.idx.msk [tilespmem:v56+s28+$0x0], $0xffff;
	v56 =	vadd.f32 v61, v48;
	v21 =	vadd.f32 v62, v54  }
0x264: {  	s23 =	sor.u32 $0x40, s22;
	s16 =	simm.s32 $0x0;
	s25 =	simm.s32 $0x42;
	v47 =	vld [tilespmem:s14+$0xFFFFFFC0];
	[tilespmem:s13+$0xFFFFFFE0] =	vst v61;
	v54 =	vmul.f32 v61, v61;
	v19 =	vadd.f32 v58, v60;
	v58 =	vmul.f32 v52, v52  }
.LBB2_9:
0x265: {  	v60 =	vld [tilespmem:s24+$0xFFFFFF90];
	s3 =	sadd.s32 $0x80, s3;
	[tilespmem:s13+$0xFFFFFFA0] =	vst v52  }
0x266: {  	v17 =	vadd.f32 v52, v17;
	v52 =	vmul.f32 v48, v48;
	v57 =	vadd.f32 v59, v57;
	s11 =	sadd.s32 $0x10, s11;
	v59 =	vmovc v14;
	s2 =	smov.u32 s25;
	s1 =	sadd.s32 $0x1, s25  }
0x267: {  	p0 =	sne.s32 s25, $0x7F;
	v61 =	vadd.f32 v13, v15;
	v62 =	vadd.f32 v16, v20;
	v14 =	vld [tilespmem:s3+$0xFFFFFF90];
	[tilespmem:s13+$0xFFFFFFD0] =	vst v48;
	s13 =	smov.u32 s4  }
0x268: {  	v16 =	vadd.f32 v58, v50;
	v20 =	vld [tilespmem:s3+$0xFFFFFFB0];
	v15 =	vadd.f32 v49, v17  }
0x269: {  	v17 =	vadd.f32 v55, v56;
	v48 =	vld [tilespmem:s24+$0xFFFFFFB0];
	v50 =	vadd.f32 v51, v53  }
0x26a: {  	v22 =	vadd.f32 v22, v47;
	v49 =	vadd.f32 v54, v52;
	v47 =	vld [tilespmem:s14+$0xFFFFFFF0];
	s14 =	smov.u32 s24  }
0x26b: {  	v51 =	vmul.f32 v18, v39;
	v52 =	vmul.f32 v18, v46;
	v53 =	vadd.f32 v17, v15;
	v13 =	vld [tilespmem:s3+$0xFFFFFFA0]  }
0x26c: {  	v55 =	vmul.f32 v18, v41;
	v49 =	vadd.f32 v57, v49;
	v54 =	vadd.f32 v14, v60;
	v15 =	vld [tilespmem:s24+$0xFFFFFFA0]  }
0x26d: {  	v21 =	vadd.f32 v21, v16;
	v17 =	vadd.f32 v12, v51;
	v51 =	vmul.f32 v18, v42;
	v14 =	vld [tilespmem:s3+$0xFFFFFFF0];
	[tilespmem:s6+$0x0] =	vst v53;
	s6 =	smov.u32 s12  }
0x26e: {  	v53 =	vadd.f32 v11, v55;
	v16 =	vld [tilespmem:s3+$0xFFFFFFD0];
	v11 =	vadd.f32 v20, v48;
	v48 =	vmul.f32 v18, v44;
	v12 =	vmovc v54  }
0x26f: {  	v21 =	vadd.f32 v49, v21;
	v54 =	vmul.f32 v18, v40;
	v51 =	vadd.f32 v22, v51;
	v20 =	vld [tilespmem:s24+$0xFFFFFFD0];
	[tilespmem:s4+$0xFFFFFF90] =	vst v17  }
0x270: {  	s25 =	sand.u32 $0x3F0, s16;
	s16 =	smov.u32 s11;
	v49 =	vmul.f32 v18, v45;
	v47 =	vadd.f32 v59, v47;
	v55 =	vmul.f32 v53, v53;
	v56 =	vld [tilespmem:s3+$0xFFFFFFE0];
	[tilespmem:s4+$0xFFFFFFB0] =	vst v53  }
0x271: {  	v58 =	vmov s2;
	v63 =	vadd.f32 v19, v48;
	v19 =	vmul.f32 v51, v51;
	v60 =	vld [tilespmem:s24+$0xFFFFFFE0];
	[tilespmem:s25+$0x1C700] =	vst v21  }
.Ltmp5:
0x272: {  	v18 =	vmul.f32 v18, v43;
	v59 =	vadd.f32 v47, v49;
	v49 =	vadd.f32 v51, v53;
	v22 =	vld [tilespmem:s3+$0xFFFFFFC0];
	[tilespmem:s4+$0xFFFFFFC0] =	vst v51;
	(pc) =	sbr.rel @p0 .LBB2_9-.Ltmp5, $4  }
0x273: {  	v1 =	vadd.f32 v50, v52;
	v50 =	vmul.f32 v17, v17;
	v21 =	vadd.f32 v19, v55;
	v47 =	vld [tilespmem:s24+$0xFFFFFFC0];
	[tilespmem:s4+$0xFFFFFFE0] =	vst v63  }
0x274: {  	v52 =	vadd.f32 v61, v54;
	v48 =	vadd.f32 v62, v18;
	v57 =	vmul.f32 v59, v59;
	v51 =	vld [tilespmem:s3+$0x0];
	[tilespmem:s4+$0xFFFFFFF0] =	vst v59  }
0x275: {  	s12 =	sadd.s32 $0x10, s12;
	v54 =	vmul.f32 v63, v63;
	v55 =	vadd.f32 v1, v59;
	v59 =	vmul.f32 v1, v1;
	v53 =	vld [tilespmem:s24+$0x0];
	[tilespmem:s4+$0x0] =	vst v1  }
0x276: {  	s25 =	smov.u32 s1;
	s24 =	sadd.s32 $0x80, s24;
	s4 =	sadd.s32 $0x80, s4;
	v18 =	vld.idx.msk [tilespmem:v58+s28+$0x0], $0xffff;
	v19 =	vadd.f32 v56, v60;
	v56 =	vadd.f32 v63, v48;
	v58 =	vmul.f32 v52, v52  }
0x277: {  	v1 =	vadd.f32 v52, v17;
	v17 =	vadd.f32 v59, v57  }
0x278: {  	v13 =	vadd.f32 v13, v15;
	v15 =	vadd.f32 v16, v20  }
0x279: {  	v16 =	vmul.f32 v48, v48;
	v20 =	vld [tilespmem:s14+$0xFFFFFFF0];
	v61 =	vadd.f32 v58, v50;
	v62 =	vadd.f32 v55, v56  }
0x27a: {  	v22 =	vadd.f32 v22, v47;
	v1 =	vadd.f32 v49, v1  }
0x27b: {  	v16 =	vadd.f32 v54, v16;
	v51 =	vadd.f32 v51, v53  }
0x27c: {  	v21 =	vadd.f32 v21, v61;
	v63 =	vmul.f32 v18, v39;
	v1 =	vadd.f32 v62, v1  }
0x27d: {  	v16 =	vadd.f32 v17, v16;
	v17 =	vmul.f32 v18, v41;
	v56 =	vmul.f32 v18, v45  }
0x27e: {  	v57 =	vmul.f32 v18, v40;
	v58 =	vmul.f32 v18, v43;
	v14 =	vadd.f32 v14, v20  }
0x27f: {  	v20 =	vmul.f32 v18, v42;
	v12 =	vadd.f32 v12, v63;
	v11 =	vadd.f32 v11, v17  }
0x280: {  	[tilespmem:s13+$0xFFFFFFA0] =	vst v52;
	v17 =	vmul.f32 v18, v46;
	v16 =	vadd.f32 v16, v21;
	v13 =	vadd.f32 v13, v57  }
0x281: {  	[tilespmem:s13+$0xFFFFFFD0] =	vst v48;
	v15 =	vadd.f32 v15, v58;
	v20 =	vadd.f32 v22, v20;
	v22 =	vmul.f32 v18, v44  }
0x282: {  	s1 =	sand.u32 $0x3F0, s16;
	[tilespmem:s6+$0x0] =	vst v1;
	v14 =	vadd.f32 v14, v56;
	v17 =	vadd.f32 v51, v17;
	v21 =	vmul.f32 v11, v11  }
0x283: {  	[tilespmem:s1+$0x1C700] =	vst v16;
	v16 =	vmul.f32 v13, v13;
	v59 =	vmul.f32 v20, v20;
	v19 =	vadd.f32 v19, v22  }
0x284: {  	[tilespmem:s4+$0xFFFFFFB0] =	vst v11;
	v22 =	vmul.f32 v14, v14;
	v11 =	vadd.f32 v20, v11;
	v60 =	vmul.f32 v17, v17  }
0x285: {  	v62 =	vmul.f32 v15, v15;
	[tilespmem:s4+$0xFFFFFFC0] =	vst v20;
	v20 =	vadd.f32 v17, v14;
	v1 =	vadd.f32 v59, v21  }
0x286: {  	v21 =	vmul.f32 v12, v12;
	v61 =	vadd.f32 v60, v22;
	v22 =	vmul.f32 v19, v19  }
0x287: {  	[tilespmem:s4+$0xFFFFFF90] =	vst v12;
	v12 =	vadd.f32 v13, v12;
	v63 =	vadd.f32 v19, v15  }
0x288: {  	[tilespmem:s4+$0xFFFFFFA0] =	vst v13;
	v16 =	vadd.f32 v16, v21;
	v51 =	vadd.f32 v22, v62  }
0x289: {  	[tilespmem:s4+$0xFFFFFFD0] =	vst v15;
	v11 =	vadd.f32 v11, v12;
	v12 =	vadd.f32 v20, v63  }
0x28a: {  	[tilespmem:s4+$0xFFFFFFF0] =	vst v14;
	v1 =	vadd.f32 v1, v16;
	v14 =	vadd.f32 v61, v51  }
0x28b: {  	[tilespmem:s4+$0x0] =	vst v17;
	v11 =	vadd.f32 v12, v11  }
0x28c: {  	s14 =	sadd.s32 $0x10, s11;
	[tilespmem:s4+$0xFFFFFFE0] =	vst v19;
	v1 =	vadd.f32 v14, v1  }
0x28d: {  	s1 =	sand.u32 $0x3F0, s14;
	[tilespmem:s12+$0x0] =	vst v11  }
0x28e: {  	[tilespmem:s1+$0x1C700] =	vst v1  }
0x28f: {  	v1 =	vld [tilespmem:$0x1F8E0]  }
0x290: {  	v11 =	vld [tilespmem:$0x1F8A0]  }
0x291: {  	v12 =	vld [tilespmem:$0x1F8F0]  }
0x292: {  	v13 =	vld [tilespmem:$0x1F8B0]  }
0x293: {  	v14 =	vld [tilespmem:$0x1F900]  }
0x294: {  	v15 =	vld [tilespmem:$0x1F8C0]  }
0x295: {  	v16 =	vld [tilespmem:$0x1F910]  }
0x296: {  	v17 =	vld [tilespmem:$0x1F8D0]  }
0x297: {  	v18 =	vld.idx.msk [tilespmem:v0+s29+$0x0], $0xffff  }
0x298: {  	v59 =	vld [tilespmem:$0x1FFB0]  }
0x299: {  	v60 =	vld [tilespmem:$0x1FFC0]  }
0x29a: {  	v61 =	vld [tilespmem:$0x1FFD0]  }
0x29b: {  	v62 =	vld [tilespmem:$0x1FFE0]  }
0x29c: {  	v63 =	vld [tilespmem:$0x1FFF0]  }
0x29d: {  	v52 =	vld [tilespmem:$0x1FEA0]  }
0x29e: {  	v53 =	vld [tilespmem:$0x1FEC0]  }
0x29f: {  	v54 =	vld [tilespmem:$0x1FEE0]  }
0x2a0: {  	v55 =	vld [tilespmem:$0x1FF00]  }
0x2a1: {  	v56 =	vld [tilespmem:$0x1FF40]  }
0x2a2: {  	v57 =	vld [tilespmem:$0x1FF60]  }
0x2a3: {  	v58 =	vld [tilespmem:$0x1FF80]  }
0x2a4: {  	v1 =	vld.idx.msk [tilespmem:v1+s29+$0x0], $0xffff  }
0x2a5: {  	v11 =	vld.idx.msk [tilespmem:v11+s29+$0x0], $0xffff  }
0x2a6: {  	v12 =	vld.idx.msk [tilespmem:v12+s29+$0x0], $0xffff  }
0x2a7: {  	v13 =	vld.idx.msk [tilespmem:v13+s29+$0x0], $0xffff  }
0x2a8: {  	v14 =	vld.idx.msk [tilespmem:v14+s29+$0x0], $0xffff  }
0x2a9: {  	v15 =	vld.idx.msk [tilespmem:v15+s29+$0x0], $0xffff  }
0x2aa: {  	v16 =	vld.idx.msk [tilespmem:v16+s29+$0x0], $0xffff  }
0x2ab: {  	v17 =	vld.idx.msk [tilespmem:v17+s29+$0x0], $0xffff  }
0x2ac: {  	v19 =	vld.idx.msk [tilespmem:v59+s29+$0x0], $0xffff  }
0x2ad: {  	v48 =	vld.idx.msk [tilespmem:v52+s29+$0x0], $0xffff  }
0x2ae: {  	v52 =	vld [tilespmem:$0x1FF20]  }
0x2af: {  	v20 =	vld.idx.msk [tilespmem:v60+s29+$0x0], $0xffff  }
0x2b0: {  	v21 =	vld.idx.msk [tilespmem:v61+s29+$0x0], $0xffff  }
0x2b1: {  	v22 =	vld.idx.msk [tilespmem:v62+s29+$0x0], $0xffff  }
0x2b2: {  	v49 =	vld.idx.msk [tilespmem:v53+s29+$0x0], $0xffff  }
0x2b3: {  	v50 =	vld.idx.msk [tilespmem:v54+s29+$0x0], $0xffff  }
0x2b4: {  	v51 =	vld.idx.msk [tilespmem:v55+s29+$0x0], $0xffff  }
0x2b5: {  	v53 =	vld.idx.msk [tilespmem:v56+s29+$0x0], $0xffff  }
0x2b6: {  	v52 =	vld.idx.msk [tilespmem:v52+s29+$0x0], $0xffff  }
0x2b7: {  	v56 =	vld [tilespmem:$0x1FFA0]  }
0x2b8: {  	v47 =	vld.idx.msk [tilespmem:v63+s29+$0x0], $0xffff  }
0x2b9: {  	v54 =	vld.idx.msk [tilespmem:v57+s29+$0x0], $0xffff  }
0x2ba: {  	v55 =	vld.idx.msk [tilespmem:v58+s29+$0x0], $0xffff;
	v18 =	vadd.f32 v20, v18;
	v20 =	vadd.f32 v48, v22  }
0x2bb: {  	v48 =	vadd.f32 v50, v49;
	v49 =	vadd.f32 v52, v51;
	v52 =	vld [tilespmem:$0x1FF10]  }
0x2bc: {  	v57 =	vld [tilespmem:$0x1FEB0]  }
0x2bd: {  	v11 =	vadd.f32 v13, v11;
	v13 =	vadd.f32 v17, v15;
	v15 =	vld [tilespmem:$0x1FF50]  }
0x2be: {  	v17 =	vadd.f32 v20, v18;
	v20 =	vld [tilespmem:$0x1FF70]  }
0x2bf: {  	v56 =	vld.idx.msk [tilespmem:v56+s29+$0x0], $0xffff  }
0x2c0: {  	v11 =	vadd.f32 v13, v11;
	v13 =	vld [tilespmem:$0x1FF90]  }
0x2c1: {  	v58 =	vld [tilespmem:$0x1FED0]  }
0x2c2: {  	v22 =	vld [tilespmem:$0x1FEF0]  }
0x2c3: {  	v50 =	vld.idx.msk [tilespmem:v52+s29+$0x0], $0xffff  }
0x2c4: {  	v52 =	vadd.f32 v56, v55;
	v56 =	vld [tilespmem:$0x1FF30]  }
0x2c5: {  	v55 =	vld [tilespmem:$0x1F920]  }
0x2c6: {  	v15 =	vld.idx.msk [tilespmem:v15+s29+$0x0], $0xffff  }
0x2c7: {  	v20 =	vld.idx.msk [tilespmem:v20+s29+$0x0], $0xffff  }
0x2c8: {  	v13 =	vld.idx.msk [tilespmem:v13+s29+$0x0], $0xffff  }
0x2c9: {  	v57 =	vld.idx.msk [tilespmem:v57+s29+$0x0], $0xffff  }
0x2ca: {  	v58 =	vld.idx.msk [tilespmem:v58+s29+$0x0], $0xffff  }
0x2cb: {  	v22 =	vld.idx.msk [tilespmem:v22+s29+$0x0], $0xffff  }
0x2cc: {  	v51 =	vadd.f32 v54, v53;
	v15 =	vadd.f32 v20, v15;
	v53 =	vld.idx.msk [tilespmem:v56+s29+$0x0], $0xffff  }
0x2cd: {  	v1 =	vadd.f32 v1, v13;
	v56 =	vadd.f32 v49, v48;
	v49 =	vld.idx.msk [tilespmem:v55+s29+$0x0], $0xffff  }
0x2ce: {  	v12 =	vadd.f32 v14, v12  }
0x2cf: {  	v1 =	vadd.f32 v1, v15;
	v54 =	vadd.f32 v52, v51  }
0x2d0: {  	v48 =	vadd.f32 v57, v47;
	v17 =	vadd.f32 v56, v17  }
0x2d1: {  	v56 =	vadd.f32 v21, v19;
	v21 =	vadd.f32 v22, v58  }
0x2d2: {  	v22 =	vadd.f32 v53, v50;
	v13 =	vadd.f32 v49, v16  }
0x2d3: {  	v11 =	vadd.f32 v11, v54;
	v14 =	vadd.f32 v48, v56  }
0x2d4: {  	v16 =	vadd.f32 v22, v21;
	v12 =	vadd.f32 v13, v12  }
0x2d5: {  	v11 =	vadd.f32 v11, v17  }
0x2d6: {  	v13 =	vadd.f32 v16, v14;
	v1 =	vadd.f32 v12, v1;
	_ =	sdelay $0x1  }
0x2d7: {  	v11 =	vmul.f32 $7.812500000e-03, v11;
	v1 =	vadd.f32 v1, v13;
	_ =	sdelay $0x1  }
0x2d8: {  	v12 =	vmul.f32 v11, v11;
	v1 =	vmul.f32 $7.812500000e-03, v1;
	_ =	sdelay $0x1  }
0x2d9: {  	v1 =	vsub.f32 v1, v12;
	_ =	sdelay $0x1  }
0x2da: {  	v1 =	vadd.f32 $9.999999740e-06, v1;
	_ =	sdelay $0x1  }
0x2db: {  	v12 =	vshra.s32 v1, $0x1;
	v1 =	vmul.f32 $5.000000000e-01, v1  }
0x2dc: {  	v12 =	vsub.s32 $0x5F3759DF, v12  }
0x2dd: {  	v13 =	vmul.f32 v12, v1;
	_ =	sdelay $0x1  }
0x2de: {  	v13 =	vmul.f32 v12, v13;
	_ =	sdelay $0x1  }
0x2df: {  	v13 =	vsub.f32 $1.500000000e+00, v13;
	_ =	sdelay $0x1  }
0x2e0: {  	v12 =	vmul.f32 v12, v13;
	_ =	sdelay $0x1  }
0x2e1: {  	v20 =	vld [tilespmem:$0x1F9D0];
	v13 =	vmul.f32 v12, v1  }
0x2e2: {  	v15 =	vld [tilespmem:$0x1F980]  }
0x2e3: {  	v51 =	vld [tilespmem:$0x1F9B0];
	v13 =	vmul.f32 v13, v12  }
0x2e4: {  	v52 =	vld [tilespmem:$0x1F9C0]  }
0x2e5: {  	v54 =	vld [tilespmem:$0x1FA10];
	v13 =	vsub.f32 $1.500000000e+00, v13  }
0x2e6: {  	v55 =	vld [tilespmem:$0x1FA20]  }
0x2e7: {  	v57 =	vld [tilespmem:$0x1FA40];
	v12 =	vmul.f32 v13, v12  }
0x2e8: {  	v58 =	vld [tilespmem:$0x1FA50]  }
0x2e9: {  	v17 =	vld [tilespmem:$0x1F9A0];
	v1 =	vmul.f32 v12, v1  }
0x2ea: {  	v56 =	vld [tilespmem:$0x1FA30]  }
0x2eb: {  	v53 =	vld [tilespmem:$0x1FA00];
	v1 =	vmul.f32 v1, v12  }
0x2ec: {  	v21 =	vld [tilespmem:$0x1F9E0]  }
0x2ed: {  	v22 =	vld [tilespmem:$0x1F9F0];
	v1 =	vsub.f32 $1.500000000e+00, v1  }
0x2ee: {  	v14 =	vld [tilespmem:$0x1F970]  }
0x2ef: {  	v16 =	vld [tilespmem:$0x1F990];
	v1 =	vmul.f32 v1, v12  }
0x2f0: {  	v13 =	vld [tilespmem:$0x1F960]  }
0x2f1: {  	v12 =	vld [tilespmem:$0x1F950];
	v11 =	vmul.f32 v1, v11  }
0x2f2: {  	[tilespmem:$0x1CC00] =	vst v1;
	v1 =	vld [tilespmem:$0x1F930]  }
0x2f3: {  	[tilespmem:$0x1CB80] =	vst v11;
	v11 =	vld [tilespmem:$0x1F940]  }
0x2f4: {  	v18 =	vld.idx.msk [tilespmem:v51+s29+$0x0], $0xffff  }
0x2f5: {  	v50 =	vld.idx.msk [tilespmem:v56+s29+$0x0], $0xffff  }
0x2f6: {  	v51 =	vld.idx.msk [tilespmem:v57+s29+$0x0], $0xffff  }
0x2f7: {  	v56 =	vld [tilespmem:$0x1FA60]  }
0x2f8: {  	v57 =	vld [tilespmem:$0x1FA70]  }
0x2f9: {  	v13 =	vld.idx.msk [tilespmem:v13+s29+$0x0], $0xffff  }
0x2fa: {  	v14 =	vld.idx.msk [tilespmem:v14+s29+$0x0], $0xffff  }
0x2fb: {  	v16 =	vld.idx.msk [tilespmem:v16+s29+$0x0], $0xffff  }
0x2fc: {  	v19 =	vld.idx.msk [tilespmem:v52+s29+$0x0], $0xffff  }
0x2fd: {  	v47 =	vld.idx.msk [tilespmem:v53+s29+$0x0], $0xffff  }
0x2fe: {  	v48 =	vld.idx.msk [tilespmem:v54+s29+$0x0], $0xffff  }
0x2ff: {  	v53 =	vld.idx.msk [tilespmem:v56+s29+$0x0], $0xffff  }
0x300: {  	v54 =	vld.idx.msk [tilespmem:v57+s29+$0x0], $0xffff  }
0x301: {  	v56 =	vld [tilespmem:$0x1FA90]  }
0x302: {  	v57 =	vld [tilespmem:$0x1FAA0]  }
0x303: {  	v52 =	vld.idx.msk [tilespmem:v58+s29+$0x0], $0xffff  }
0x304: {  	v58 =	vld [tilespmem:$0x1FA80]  }
0x305: {  	v12 =	vld.idx.msk [tilespmem:v12+s29+$0x0], $0xffff  }
0x306: {  	v1 =	vld.idx.msk [tilespmem:v1+s29+$0x0], $0xffff  }
0x307: {  	v20 =	vld.idx.msk [tilespmem:v20+s29+$0x0], $0xffff  }
0x308: {  	v22 =	vld.idx.msk [tilespmem:v22+s29+$0x0], $0xffff  }
0x309: {  	v56 =	vld.idx.msk [tilespmem:v56+s29+$0x0], $0xffff  }
0x30a: {  	v57 =	vld.idx.msk [tilespmem:v57+s29+$0x0], $0xffff  }
0x30b: {  	v15 =	vld.idx.msk [tilespmem:v15+s29+$0x0], $0xffff;
	v1 =	vadd.f32 v12, v1  }
0x30c: {  	v49 =	vld.idx.msk [tilespmem:v55+s29+$0x0], $0xffff;
	v12 =	vadd.f32 v16, v14;
	v16 =	vadd.f32 v20, v18  }
0x30d: {  	v18 =	vadd.f32 v48, v22;
	v48 =	vadd.f32 v53, v52;
	v53 =	vld [tilespmem:$0x1FAE0]  }
0x30e: {  	v55 =	vld.idx.msk [tilespmem:v58+s29+$0x0], $0xffff  }
0x30f: {  	v56 =	vadd.f32 v57, v56;
	v57 =	vld [tilespmem:$0x1FAF0]  }
0x310: {  	v17 =	vld.idx.msk [tilespmem:v17+s29+$0x0], $0xffff  }
0x311: {  	v58 =	vld [tilespmem:$0x1FAB0]  }
0x312: {  	v14 =	vld [tilespmem:$0x1FAC0]  }
0x313: {  	v20 =	vld [tilespmem:$0x1FAD0];
	v22 =	vadd.f32 v51, v50;
	v1 =	vadd.f32 v12, v1  }
0x314: {  	v12 =	vadd.f32 v18, v16;
	v16 =	vld [tilespmem:$0x1FB00];
	v51 =	vadd.f32 v55, v54  }
0x315: {  	v50 =	vld.idx.msk [tilespmem:v53+s29+$0x0], $0xffff  }
0x316: {  	v55 =	vadd.f32 v48, v22;
	v22 =	vadd.f32 v56, v51;
	v56 =	vld [tilespmem:$0x1FB10]  }
0x317: {  	v53 =	vld.idx.msk [tilespmem:v57+s29+$0x0], $0xffff  }
0x318: {  	v57 =	vld [tilespmem:$0x1FB20]  }
0x319: {  	v21 =	vld.idx.msk [tilespmem:v21+s29+$0x0], $0xffff  }
0x31a: {  	v11 =	vld.idx.msk [tilespmem:v11+s29+$0x0], $0xffff  }
0x31b: {  	v58 =	vld.idx.msk [tilespmem:v58+s29+$0x0], $0xffff  }
0x31c: {  	v14 =	vld.idx.msk [tilespmem:v14+s29+$0x0], $0xffff  }
0x31d: {  	v20 =	vld.idx.msk [tilespmem:v20+s29+$0x0], $0xffff  }
0x31e: {  	v16 =	vld.idx.msk [tilespmem:v16+s29+$0x0], $0xffff  }
0x31f: {  	v48 =	vld.idx.msk [tilespmem:v56+s29+$0x0], $0xffff  }
0x320: {  	v51 =	vld.idx.msk [tilespmem:v57+s29+$0x0], $0xffff  }
0x321: {  	v11 =	vadd.f32 v13, v11;
	v13 =	vadd.f32 v17, v15  }
0x322: {  	v15 =	vadd.f32 v21, v19;
	v17 =	vadd.f32 v49, v47  }
0x323: {  	v1 =	vadd.f32 v12, v1;
	v11 =	vadd.f32 v13, v11  }
0x324: {  	v14 =	vadd.f32 v14, v58;
	v49 =	vadd.f32 v50, v20  }
0x325: {  	v16 =	vadd.f32 v16, v53;
	v50 =	vadd.f32 v51, v48  }
0x326: {  	v13 =	vadd.f32 v17, v15;
	v12 =	vadd.f32 v22, v55  }
0x327: {  	v14 =	vadd.f32 v49, v14;
	v15 =	vadd.f32 v50, v16  }
0x328: {  	v11 =	vadd.f32 v13, v11  }
0x329: {  	v1 =	vadd.f32 v12, v1;
	v12 =	vadd.f32 v15, v14;
	_ =	sdelay $0x1  }
0x32a: {  	v1 =	vmul.f32 $7.812500000e-03, v1;
	v11 =	vadd.f32 v12, v11;
	_ =	sdelay $0x1  }
0x32b: {  	v12 =	vmul.f32 v1, v1;
	v11 =	vmul.f32 $7.812500000e-03, v11;
	_ =	sdelay $0x1  }
0x32c: {  	v11 =	vsub.f32 v11, v12;
	_ =	sdelay $0x1  }
0x32d: {  	v11 =	vadd.f32 $9.999999740e-06, v11;
	_ =	sdelay $0x1  }
0x32e: {  	v12 =	vshra.s32 v11, $0x1;
	v11 =	vmul.f32 $5.000000000e-01, v11  }
0x32f: {  	v12 =	vsub.s32 $0x5F3759DF, v12  }
0x330: {  	v13 =	vmul.f32 v12, v11;
	_ =	sdelay $0x1  }
0x331: {  	v13 =	vmul.f32 v12, v13;
	_ =	sdelay $0x1  }
0x332: {  	v13 =	vsub.f32 $1.500000000e+00, v13;
	_ =	sdelay $0x1  }
0x333: {  	v12 =	vmul.f32 v12, v13;
	_ =	sdelay $0x1  }
0x334: {  	v21 =	vld [tilespmem:$0x1FBE0];
	v13 =	vmul.f32 v12, v11  }
0x335: {  	v52 =	vld [tilespmem:$0x1FBC0]  }
0x336: {  	v54 =	vld [tilespmem:$0x1FC10];
	v13 =	vmul.f32 v13, v12  }
0x337: {  	v17 =	vld [tilespmem:$0x1FBA0]  }
0x338: {  	v58 =	vld [tilespmem:$0x1FC50];
	v13 =	vsub.f32 $1.500000000e+00, v13  }
0x339: {  	v22 =	vld [tilespmem:$0x1FBF0]  }
0x33a: {  	v55 =	vld [tilespmem:$0x1FC20];
	v12 =	vmul.f32 v13, v12  }
0x33b: {  	v20 =	vld [tilespmem:$0x1FBD0]  }
0x33c: {  	v56 =	vld [tilespmem:$0x1FC30];
	v11 =	vmul.f32 v12, v11  }
0x33d: {  	v53 =	vld [tilespmem:$0x1FC00]  }
0x33e: {  	v57 =	vld [tilespmem:$0x1FC40];
	v11 =	vmul.f32 v11, v12  }
0x33f: {  	v51 =	vld [tilespmem:$0x1FBB0]  }
0x340: {  	v16 =	vld [tilespmem:$0x1FB90];
	v11 =	vsub.f32 $1.500000000e+00, v11  }
0x341: {  	v14 =	vld [tilespmem:$0x1FB70]  }
0x342: {  	v15 =	vld [tilespmem:$0x1FB80];
	v11 =	vmul.f32 v11, v12  }
0x343: {  	v13 =	vld [tilespmem:$0x1FB60]  }
0x344: {  	v12 =	vld [tilespmem:$0x1FB50];
	v1 =	vmul.f32 v11, v1  }
0x345: {  	[tilespmem:$0x1CC10] =	vst v11;
	v11 =	vld [tilespmem:$0x1FB40]  }
0x346: {  	[tilespmem:$0x1CB90] =	vst v1;
	v1 =	vld [tilespmem:$0x1FB30]  }
0x347: {  	v18 =	vld.idx.msk [tilespmem:v51+s29+$0x0], $0xffff  }
0x348: {  	v50 =	vld.idx.msk [tilespmem:v56+s29+$0x0], $0xffff  }
0x349: {  	v51 =	vld.idx.msk [tilespmem:v57+s29+$0x0], $0xffff  }
0x34a: {  	v56 =	vld [tilespmem:$0x1FC60]  }
0x34b: {  	v57 =	vld [tilespmem:$0x1FC70]  }
0x34c: {  	v13 =	vld.idx.msk [tilespmem:v13+s29+$0x0], $0xffff  }
0x34d: {  	v14 =	vld.idx.msk [tilespmem:v14+s29+$0x0], $0xffff  }
0x34e: {  	v16 =	vld.idx.msk [tilespmem:v16+s29+$0x0], $0xffff  }
0x34f: {  	v19 =	vld.idx.msk [tilespmem:v52+s29+$0x0], $0xffff  }
0x350: {  	v47 =	vld.idx.msk [tilespmem:v53+s29+$0x0], $0xffff  }
0x351: {  	v48 =	vld.idx.msk [tilespmem:v54+s29+$0x0], $0xffff  }
0x352: {  	v53 =	vld.idx.msk [tilespmem:v56+s29+$0x0], $0xffff  }
0x353: {  	v54 =	vld.idx.msk [tilespmem:v57+s29+$0x0], $0xffff  }
0x354: {  	v56 =	vld [tilespmem:$0x1FC90]  }
0x355: {  	v57 =	vld [tilespmem:$0x1FCA0]  }
0x356: {  	v52 =	vld.idx.msk [tilespmem:v58+s29+$0x0], $0xffff  }
0x357: {  	v58 =	vld [tilespmem:$0x1FC80]  }
0x358: {  	v12 =	vld.idx.msk [tilespmem:v12+s29+$0x0], $0xffff  }
0x359: {  	v1 =	vld.idx.msk [tilespmem:v1+s29+$0x0], $0xffff  }
0x35a: {  	v20 =	vld.idx.msk [tilespmem:v20+s29+$0x0], $0xffff  }
0x35b: {  	v22 =	vld.idx.msk [tilespmem:v22+s29+$0x0], $0xffff  }
0x35c: {  	v56 =	vld.idx.msk [tilespmem:v56+s29+$0x0], $0xffff  }
0x35d: {  	v57 =	vld.idx.msk [tilespmem:v57+s29+$0x0], $0xffff  }
0x35e: {  	v15 =	vld.idx.msk [tilespmem:v15+s29+$0x0], $0xffff;
	v1 =	vadd.f32 v12, v1  }
0x35f: {  	v49 =	vld.idx.msk [tilespmem:v55+s29+$0x0], $0xffff;
	v12 =	vadd.f32 v16, v14;
	v16 =	vadd.f32 v20, v18  }
0x360: {  	v18 =	vadd.f32 v48, v22;
	v48 =	vadd.f32 v53, v52;
	v53 =	vld [tilespmem:$0x1FCE0]  }
0x361: {  	v55 =	vld.idx.msk [tilespmem:v58+s29+$0x0], $0xffff  }
0x362: {  	v56 =	vadd.f32 v57, v56;
	v57 =	vld [tilespmem:$0x1FCF0]  }
0x363: {  	v17 =	vld.idx.msk [tilespmem:v17+s29+$0x0], $0xffff  }
0x364: {  	v58 =	vld [tilespmem:$0x1FCB0]  }
0x365: {  	v14 =	vld [tilespmem:$0x1FCC0]  }
0x366: {  	v20 =	vld [tilespmem:$0x1FCD0];
	v22 =	vadd.f32 v51, v50;
	v51 =	vadd.f32 v55, v54  }
0x367: {  	v1 =	vadd.f32 v12, v1;
	v12 =	vadd.f32 v18, v16;
	v16 =	vld [tilespmem:$0x1FD00]  }
0x368: {  	v50 =	vld.idx.msk [tilespmem:v53+s29+$0x0], $0xffff  }
0x369: {  	v55 =	vadd.f32 v48, v22;
	v22 =	vadd.f32 v56, v51;
	v56 =	vld [tilespmem:$0x1FD10]  }
0x36a: {  	v53 =	vld.idx.msk [tilespmem:v57+s29+$0x0], $0xffff  }
0x36b: {  	v57 =	vld [tilespmem:$0x1FD20]  }
0x36c: {  	v21 =	vld.idx.msk [tilespmem:v21+s29+$0x0], $0xffff  }
0x36d: {  	v11 =	vld.idx.msk [tilespmem:v11+s29+$0x0], $0xffff  }
0x36e: {  	v58 =	vld.idx.msk [tilespmem:v58+s29+$0x0], $0xffff  }
0x36f: {  	v14 =	vld.idx.msk [tilespmem:v14+s29+$0x0], $0xffff  }
0x370: {  	v20 =	vld.idx.msk [tilespmem:v20+s29+$0x0], $0xffff  }
0x371: {  	v16 =	vld.idx.msk [tilespmem:v16+s29+$0x0], $0xffff  }
0x372: {  	v48 =	vld.idx.msk [tilespmem:v56+s29+$0x0], $0xffff  }
0x373: {  	v11 =	vadd.f32 v13, v11;
	v13 =	vadd.f32 v17, v15;
	v51 =	vld.idx.msk [tilespmem:v57+s29+$0x0], $0xffff  }
0x374: {  	v15 =	vadd.f32 v21, v19;
	v17 =	vadd.f32 v49, v47;
	_ =	sdelay $0x1  }
0x375: {  	v11 =	vadd.f32 v13, v11;
	v13 =	vadd.f32 v17, v15  }
0x376: {  	v14 =	vadd.f32 v14, v58;
	v47 =	vadd.f32 v50, v20  }
0x377: {  	v16 =	vadd.f32 v16, v53;
	v48 =	vadd.f32 v51, v48  }
0x378: {  	v1 =	vadd.f32 v12, v1;
	v12 =	vadd.f32 v22, v55  }
0x379: {  	v14 =	vadd.f32 v47, v14;
	v15 =	vadd.f32 v48, v16  }
0x37a: {  	v11 =	vadd.f32 v13, v11  }
0x37b: {  	v1 =	vadd.f32 v12, v1;
	v12 =	vadd.f32 v15, v14;
	_ =	sdelay $0x1  }
0x37c: {  	v1 =	vmul.f32 $7.812500000e-03, v1;
	v11 =	vadd.f32 v12, v11;
	_ =	sdelay $0x1  }
0x37d: {  	v12 =	vmul.f32 v1, v1;
	v11 =	vmul.f32 $7.812500000e-03, v11;
	_ =	sdelay $0x1  }
0x37e: {  	v11 =	vsub.f32 v11, v12;
	_ =	sdelay $0x1  }
0x37f: {  	v11 =	vadd.f32 $9.999999740e-06, v11;
	_ =	sdelay $0x1  }
0x380: {  	v12 =	vshra.s32 v11, $0x1;
	v11 =	vmul.f32 $5.000000000e-01, v11  }
0x381: {  	v12 =	vsub.s32 $0x5F3759DF, v12  }
0x382: {  	v13 =	vmul.f32 v12, v11;
	_ =	sdelay $0x1  }
0x383: {  	v13 =	vmul.f32 v12, v13;
	_ =	sdelay $0x1  }
0x384: {  	v13 =	vsub.f32 $1.500000000e+00, v13;
	_ =	sdelay $0x1  }
0x385: {  	v12 =	vmul.f32 v12, v13  }
0x386: {  	v49 =	vld [tilespmem:$0x1FDB0]  }
0x387: {  	v21 =	vld [tilespmem:$0x1FDE0];
	v13 =	vmul.f32 v12, v11  }
0x388: {  	v17 =	vld [tilespmem:$0x1FDA0]  }
0x389: {  	v52 =	vld [tilespmem:$0x1FE10];
	v13 =	vmul.f32 v13, v12  }
0x38a: {  	v54 =	vld [tilespmem:$0x1FE30]  }
0x38b: {  	v22 =	vld [tilespmem:$0x1FDF0];
	v13 =	vsub.f32 $1.500000000e+00, v13  }
0x38c: {  	v55 =	vld [tilespmem:$0x1FE40]  }
0x38d: {  	v50 =	vld [tilespmem:$0x1FDC0];
	v12 =	vmul.f32 v13, v12  }
0x38e: {  	v20 =	vld [tilespmem:$0x1FDD0]  }
0x38f: {  	v56 =	vld [tilespmem:$0x1FE50];
	v11 =	vmul.f32 v12, v11  }
0x390: {  	v53 =	vld [tilespmem:$0x1FE20]  }
0x391: {  	v57 =	vld [tilespmem:$0x1FE60];
	v11 =	vmul.f32 v11, v12  }
0x392: {  	v13 =	vld [tilespmem:$0x1FD60]  }
0x393: {  	v14 =	vld [tilespmem:$0x1FD70];
	v11 =	vsub.f32 $1.500000000e+00, v11  }
0x394: {  	v15 =	vld [tilespmem:$0x1FD80]  }
0x395: {  	v16 =	vld [tilespmem:$0x1FD90];
	v11 =	vmul.f32 v11, v12  }
0x396: {  	v51 =	vld [tilespmem:$0x1FE00]  }
0x397: {  	v12 =	vld [tilespmem:$0x1FD50];
	v1 =	vmul.f32 v11, v1  }
0x398: {  	[tilespmem:$0x1CC20] =	vst v11;
	v11 =	vld [tilespmem:$0x1FD40]  }
0x399: {  	[tilespmem:$0x1CBA0] =	vst v1;
	v1 =	vld [tilespmem:$0x1FD30]  }
0x39a: {  	v13 =	vld.idx.msk [tilespmem:v13+s29+$0x0], $0xffff  }
0x39b: {  	v14 =	vld.idx.msk [tilespmem:v14+s29+$0x0], $0xffff  }
0x39c: {  	v15 =	vld.idx.msk [tilespmem:v15+s29+$0x0], $0xffff  }
0x39d: {  	v16 =	vld.idx.msk [tilespmem:v16+s29+$0x0], $0xffff  }
0x39e: {  	v17 =	vld.idx.msk [tilespmem:v17+s29+$0x0], $0xffff  }
0x39f: {  	v18 =	vld.idx.msk [tilespmem:v49+s29+$0x0], $0xffff  }
0x3a0: {  	v19 =	vld.idx.msk [tilespmem:v50+s29+$0x0], $0xffff  }
0x3a1: {  	v20 =	vld.idx.msk [tilespmem:v20+s29+$0x0], $0xffff  }
0x3a2: {  	v21 =	vld.idx.msk [tilespmem:v21+s29+$0x0], $0xffff  }
0x3a3: {  	v22 =	vld.idx.msk [tilespmem:v22+s29+$0x0], $0xffff  }
0x3a4: {  	v47 =	vld.idx.msk [tilespmem:v51+s29+$0x0], $0xffff  }
0x3a5: {  	v48 =	vld.idx.msk [tilespmem:v52+s29+$0x0], $0xffff  }
0x3a6: {  	v49 =	vld.idx.msk [tilespmem:v53+s29+$0x0], $0xffff  }
0x3a7: {  	v50 =	vld.idx.msk [tilespmem:v54+s29+$0x0], $0xffff  }
0x3a8: {  	v2 =	vld.idx.msk [tilespmem:v2+s29+$0x0], $0xffff  }
0x3a9: {  	v5 =	vld.idx.msk [tilespmem:v5+s29+$0x0], $0xffff  }
0x3aa: {  	v7 =	vld.idx.msk [tilespmem:v7+s29+$0x0], $0xffff  }
0x3ab: {  	v9 =	vld.idx.msk [tilespmem:v9+s29+$0x0], $0xffff  }
0x3ac: {  	v12 =	vld.idx.msk [tilespmem:v12+s29+$0x0], $0xffff  }
0x3ad: {  	v1 =	vld.idx.msk [tilespmem:v1+s29+$0x0], $0xffff  }
0x3ae: {  	v51 =	vld.idx.msk [tilespmem:v55+s29+$0x0], $0xffff  }
0x3af: {  	v52 =	vld.idx.msk [tilespmem:v56+s29+$0x0], $0xffff  }
0x3b0: {  	v53 =	vld.idx.msk [tilespmem:v57+s29+$0x0], $0xffff  }
0x3b1: {  	v8 =	vld.idx.msk [tilespmem:v8+s29+$0x0], $0xffff;
	v2 =	vadd.f32 v5, v2;
	v5 =	vadd.f32 v9, v7  }
0x3b2: {  	v7 =	vld [tilespmem:$0x1FE80];
	v1 =	vadd.f32 v12, v1;
	v12 =	vadd.f32 v16, v14  }
0x3b3: {  	v16 =	vadd.f32 v48, v22;
	v22 =	vld [tilespmem:$0x1FE70]  }
0x3b4: {  	v1 =	vadd.f32 v12, v1;
	v12 =	vld [tilespmem:$0x1FE90]  }
0x3b5: {  	v6 =	vld.idx.msk [tilespmem:v6+s29+$0x0], $0xffff  }
0x3b6: {  	v4 =	vld.idx.msk [tilespmem:v4+s29+$0x0], $0xffff  }
0x3b7: {  	v3 =	vld.idx.msk [tilespmem:v3+s29+$0x0], $0xffff  }
0x3b8: {  	v11 =	vld.idx.msk [tilespmem:v11+s29+$0x0], $0xffff  }
0x3b9: {  	v2 =	vadd.f32 v5, v2;
	v5 =	vld.idx.msk [tilespmem:v10+s29+$0x0], $0xffff  }
0x3ba: {  	v14 =	vadd.f32 v20, v18;
	v7 =	vld.idx.msk [tilespmem:v7+s29+$0x0], $0xffff  }
0x3bb: {  	v58 =	vadd.f32 v51, v50;
	v20 =	vadd.f32 v53, v52;
	v22 =	vld.idx.msk [tilespmem:v22+s29+$0x0], $0xffff  }
0x3bc: {  	v6 =	vadd.f32 v6, v8;
	v9 =	vadd.f32 v16, v14;
	v12 =	vld.idx.msk [tilespmem:v12+s29+$0x0], $0xffff  }
0x3bd: {  	v10 =	vadd.f32 v17, v15;
	v14 =	vadd.f32 v20, v58  }
0x3be: {  	v3 =	vadd.f32 v5, v3;
	v1 =	vadd.f32 v9, v1  }
0x3bf: {  	v2 =	vadd.f32 v2, v14;
	v9 =	vadd.f32 v13, v11  }
0x3c0: {  	v11 =	vadd.f32 v21, v19;
	v13 =	vadd.f32 v49, v47  }
0x3c1: {  	v4 =	vadd.f32 v22, v4;
	v7 =	vadd.f32 v12, v7  }
0x3c2: {  	v5 =	vadd.f32 v10, v9;
	v8 =	vadd.f32 v13, v11  }
0x3c3: {  	v4 =	vadd.f32 v4, v6;
	v3 =	vadd.f32 v3, v7  }
0x3c4: {  	v1 =	vadd.f32 v2, v1  }
0x3c5: {  	v2 =	vadd.f32 v8, v5;
	v3 =	vadd.f32 v3, v4;
	_ =	sdelay $0x1  }
0x3c6: {  	v1 =	vmul.f32 $7.812500000e-03, v1;
	v2 =	vadd.f32 v3, v2;
	_ =	sdelay $0x1  }
0x3c7: {  	v3 =	vmul.f32 v1, v1;
	v2 =	vmul.f32 $7.812500000e-03, v2;
	_ =	sdelay $0x1  }
0x3c8: {  	v2 =	vsub.f32 v2, v3;
	_ =	sdelay $0x1  }
0x3c9: {  	v2 =	vadd.f32 $9.999999740e-06, v2;
	_ =	sdelay $0x1  }
0x3ca: {  	v3 =	vshra.s32 v2, $0x1;
	v2 =	vmul.f32 $5.000000000e-01, v2  }
0x3cb: {  	v3 =	vsub.s32 $0x5F3759DF, v3  }
0x3cc: {  	v4 =	vmul.f32 v3, v2;
	_ =	sdelay $0x1  }
0x3cd: {  	v4 =	vmul.f32 v3, v4;
	_ =	sdelay $0x1  }
0x3ce: {  	v4 =	vsub.f32 $1.500000000e+00, v4;
	_ =	sdelay $0x1  }
0x3cf: {  	v3 =	vmul.f32 v3, v4;
	_ =	sdelay $0x1  }
0x3d0: {  	v4 =	vmul.f32 v3, v2;
	_ =	sdelay $0x1  }
0x3d1: {  	v4 =	vmul.f32 v4, v3;
	_ =	sdelay $0x1  }
0x3d2: {  	v4 =	vsub.f32 $1.500000000e+00, v4;
	_ =	sdelay $0x1  }
0x3d3: {  	v3 =	vmul.f32 v4, v3;
	_ =	sdelay $0x1  }
0x3d4: {  	v2 =	vmul.f32 v3, v2;
	_ =	sdelay $0x1  }
0x3d5: {  	v2 =	vmul.f32 v2, v3;
	_ =	sdelay $0x1  }
0x3d6: {  	v2 =	vsub.f32 $1.500000000e+00, v2  }
0x3d7: {  	s16 =	simm.s32 $0x0  }
0x3d8: {  	v2 =	vmul.f32 v2, v3;
	v3 =	vmov s16;
	_ =	sdelay $0x1  }
0x3d9: {  	v1 =	vmul.f32 v2, v1  }
0x3da: {  	[tilespmem:$0x1CC30] =	vst v2  }
0x3db: {  	[tilespmem:$0x1CBB0] =	vst v1  }
0x3dc: {  	s3 =	simm.s32 $0x1A370;
	v5 =	vld.idx.msk [tilespmem:v3+s31+$0x0], $0xffff  }
0x3dd: {  	v1 =	vld [tilespmem:s3+$0x0]  }
0x3de: {  	v3 =	vld.idx.msk [tilespmem:v3+s30+$0x0], $0xffff  }
0x3df: {  	v2 =	vld [tilespmem:s3+$0xFFFFFF90]  }
0x3e0: {  	v4 =	vld [tilespmem:s3+$0xFFFFFFA0]  }
0x3e1: {  	v6 =	vld [tilespmem:s3+$0xFFFFFFB0]  }
0x3e2: {  	v10 =	vld [tilespmem:s3+$0xFFFFFFE0]  }
0x3e3: {  	v11 =	vld [tilespmem:s3+$0xFFFFFFF0]  }
0x3e4: {  	s24 =	simm.s32 $0x1;
	v8 =	vld [tilespmem:s3+$0xFFFFFFC0]  }
0x3e5: {  	v7 =	vmov s24;
	v9 =	vld [tilespmem:s3+$0xFFFFFFD0]  }
0x3e6: {  	v1 =	vmul.f32 v1, v5;
	v2 =	vmul.f32 v2, v5  }
0x3e7: {  	v4 =	vmul.f32 v4, v5;
	v6 =	vmul.f32 v6, v5  }
0x3e8: {  	s6 =	simm.s32 $0x1A3F0;
	v10 =	vmul.f32 v10, v5;
	v17 =	vmul.f32 v11, v5;
	v1 =	vsub.f32 v1, v3  }
0x3e9: {  	v15 =	vld [tilespmem:s6+$0x0];
	v13 =	vsub.f32 v2, v3;
	v14 =	vsub.f32 v4, v3;
	v4 =	vmul.f32 v8, v5  }
0x3ea: {  	v8 =	vmul.f32 v9, v5;
	v12 =	vmul.f32 v1, v30;
	v1 =	vld.idx.msk [tilespmem:v7+s31+$0x0], $0xffff  }
0x3eb: {  	v6 =	vsub.f32 v6, v3;
	v2 =	vld.idx.msk [tilespmem:v7+s30+$0x0], $0xffff;
	v7 =	vmul.f32 v13, v23;
	v13 =	vsub.f32 v4, v3  }
0x3ec: {  	v4 =	vld [tilespmem:s6+$0xFFFFFF90];
	v9 =	vmul.f32 v14, v24;
	v14 =	vsub.f32 v8, v3;
	v16 =	vadd.f32 v12, v38  }
0x3ed: {  	v5 =	vld [tilespmem:s6+$0xFFFFFFA0];
	v12 =	vmul.f32 v6, v25;
	v8 =	vmul.f32 v13, v26;
	v13 =	vsub.f32 v10, v3  }
0x3ee: {  	s25 =	simm.s32 $0x2;
	v6 =	vld [tilespmem:s6+$0xFFFFFFB0];
	v11 =	vadd.f32 v7, v31;
	v10 =	vmul.f32 v14, v27;
	v14 =	vsub.f32 v17, v3  }
0x3ef: {  	s11 =	simm.s32 $0x3;
	s4 =	simm.s32 $0x1A3F0;
	v3 =	vmov s25;
	v7 =	vld [tilespmem:s6+$0xFFFFFFC0];
	[tilespmem:s3+$0x0] =	vst v16;
	v13 =	vmul.f32 v13, v28;
	v15 =	vmul.f32 v15, v1  }
.LBB2_11:
0x3f0: {  	p0 =	sne.s32 s11, $0x3F;
	v16 =	vld [tilespmem:s6+$0xFFFFFFD0];
	[tilespmem:s3+$0xFFFFFF90] =	vst v11;
	v9 =	vadd.f32 v9, v32;
	v11 =	vadd.f32 v12, v33;
	v12 =	vmul.f32 v14, v29  }
0x3f1: {  	v8 =	vadd.f32 v8, v34;
	v17 =	vmovc v2;
	v4 =	vmul.f32 v4, v1;
	v14 =	vld [tilespmem:s6+$0xFFFFFFE0];
	v15 =	vsub.f32 v15, v2  }
0x3f2: {  	v10 =	vadd.f32 v10, v35;
	v13 =	vadd.f32 v13, v36;
	v2 =	vmul.f32 v5, v1;
	v5 =	vld [tilespmem:s6+$0xFFFFFFF0];
	[tilespmem:s3+$0xFFFFFFA0] =	vst v9  }
0x3f3: {  	v4 =	vsub.f32 v4, v17;
	v6 =	vmul.f32 v6, v1;
	v9 =	vmul.f32 v15, v30;
	[tilespmem:s3+$0xFFFFFFB0] =	vst v11  }
0x3f4: {  	s6 =	sadd.s32 $0x80, s6;
	v19 =	vadd.f32 v12, v37;
	v18 =	vld.idx.msk [tilespmem:v3+s31+$0x0], $0xffff;
	v11 =	vsub.f32 v2, v17;
	v7 =	vmul.f32 v7, v1  }
0x3f5: {  	v15 =	vld [tilespmem:s6+$0x0];
	v6 =	vsub.f32 v6, v17;
	v12 =	vmul.f32 v16, v1;
	v16 =	vadd.f32 v9, v38;
	[tilespmem:s3+$0xFFFFFFC0] =	vst v8  }
.Ltmp6:
0x3f6: {  	v2 =	vld.idx.msk [tilespmem:v3+s30+$0x0], $0xffff;
	v3 =	vmul.f32 v4, v23;
	v7 =	vsub.f32 v7, v17;
	v14 =	vmul.f32 v14, v1;
	(pc) =	sbr.rel @p0 .LBB2_11-.Ltmp6, $4  }
0x3f7: {  	v9 =	vmul.f32 v11, v24;
	v4 =	vld [tilespmem:s6+$0xFFFFFF90];
	v20 =	vsub.f32 v12, v17;
	v21 =	vmul.f32 v5, v1;
	[tilespmem:s4+$0x0] =	vst v16  }
0x3f8: {  	v12 =	vmul.f32 v6, v25;
	v5 =	vld [tilespmem:s6+$0xFFFFFFA0];
	v8 =	vmul.f32 v7, v26;
	v16 =	vsub.f32 v14, v17;
	[tilespmem:s3+$0xFFFFFFD0] =	vst v10  }
0x3f9: {  	v11 =	vadd.f32 v3, v31;
	v6 =	vld [tilespmem:s6+$0xFFFFFFB0];
	v10 =	vmul.f32 v20, v27;
	v14 =	vsub.f32 v21, v17;
	[tilespmem:s3+$0xFFFFFFE0] =	vst v13  }
0x3fa: {  	v3 =	vmov s11;
	s11 =	sadd.s32 $0x1, s11;
	v1 =	vmovc v18;
	v7 =	vld [tilespmem:s6+$0xFFFFFFC0];
	v15 =	vmul.f32 v15, v18;
	v13 =	vmul.f32 v16, v28;
	[tilespmem:s3+$0xFFFFFFF0] =	vst v19;
	s3 =	smov.u32 s4;
	s4 =	smov.u32 s6  }
0x3fb: {  	_ = 	snop  }
0x3fc: {  	v16 =	vld [tilespmem:s6+$0xFFFFFFD0]  }
0x3fd: {  	v17 =	vld [tilespmem:s6+$0xFFFFFFE0]  }
0x3fe: {  	v18 =	vld [tilespmem:s6+$0xFFFFFFF0]  }
0x3ff: {  	v9 =	vadd.f32 v9, v32;
	v12 =	vadd.f32 v12, v33;
	v19 =	vld.idx.msk [tilespmem:v3+s31+$0x0], $0xffff;
	s25 =	sadd.s32 $0x80, s6  }
0x400: {  	v8 =	vadd.f32 v8, v34;
	v10 =	vadd.f32 v10, v35;
	v4 =	vmul.f32 v4, v1;
	v48 =	vld [tilespmem:s25+$0x0]  }
0x401: {  	v14 =	vmul.f32 v14, v29;
	v15 =	vsub.f32 v15, v2;
	v13 =	vadd.f32 v13, v36;
	v52 =	vld [tilespmem:s25+$0xFFFFFF90]  }
0x402: {  	v54 =	vld [tilespmem:s25+$0xFFFFFFA0];
	v5 =	vmul.f32 v5, v1;
	v6 =	vmul.f32 v6, v1;
	v4 =	vsub.f32 v4, v2  }
0x403: {  	v3 =	vld.idx.msk [tilespmem:v3+s30+$0x0], $0xffff;
	v49 =	vadd.f32 v14, v37;
	v47 =	vmul.f32 v15, v30;
	v7 =	vmul.f32 v7, v1  }
0x404: {  	[tilespmem:s3+$0xFFFFFF90] =	vst v11;
	v56 =	vld [tilespmem:s25+$0xFFFFFFB0];
	v5 =	vsub.f32 v5, v2;
	v50 =	vmul.f32 v16, v1;
	v4 =	vmul.f32 v4, v23  }
0x405: {  	v58 =	vld [tilespmem:s25+$0xFFFFFFD0];
	[tilespmem:s3+$0xFFFFFFA0] =	vst v9;
	v6 =	vsub.f32 v6, v2;
	v51 =	vmul.f32 v17, v1;
	v1 =	vmul.f32 v18, v1  }
0x406: {  	[tilespmem:s3+$0xFFFFFFB0] =	vst v12;
	v11 =	vadd.f32 v47, v38;
	v5 =	vmul.f32 v5, v24;
	v15 =	vmul.f32 v48, v19  }
0x407: {  	[tilespmem:s3+$0xFFFFFFC0] =	vst v8;
	v7 =	vsub.f32 v7, v2;
	v18 =	vmul.f32 v52, v19;
	v14 =	vmul.f32 v54, v19  }
0x408: {  	[tilespmem:s3+$0xFFFFFFD0] =	vst v10;
	v53 =	vsub.f32 v50, v2;
	v6 =	vmul.f32 v6, v25;
	v55 =	vsub.f32 v51, v2  }
0x409: {  	[tilespmem:s3+$0xFFFFFFE0] =	vst v13;
	v4 =	vadd.f32 v4, v31;
	v1 =	vsub.f32 v1, v2;
	v50 =	vmul.f32 v56, v19  }
0x40a: {  	v47 =	vld [tilespmem:s25+$0xFFFFFFE0];
	[tilespmem:s4+$0x0] =	vst v11;
	v11 =	vmul.f32 v58, v19;
	v5 =	vadd.f32 v5, v32;
	v17 =	vsub.f32 v15, v3  }
0x40b: {  	[tilespmem:s3+$0xFFFFFFF0] =	vst v49;
	v48 =	vld [tilespmem:s25+$0xFFFFFFF0];
	v7 =	vmul.f32 v7, v26;
	v9 =	vsub.f32 v18, v3;
	v52 =	vsub.f32 v14, v3  }
0x40c: {  	v2 =	vld [tilespmem:s25+$0xFFFFFFC0];
	v8 =	vmul.f32 v53, v27;
	v57 =	vmul.f32 v55, v28;
	v6 =	vadd.f32 v6, v33;
	[tilespmem:s4+$0xFFFFFF90] =	vst v4  }
0x40d: {  	v1 =	vmul.f32 v1, v29;
	v53 =	vsub.f32 v50, v3;
	v7 =	vadd.f32 v7, v34;
	[tilespmem:s4+$0xFFFFFFA0] =	vst v5  }
0x40e: {  	v55 =	vsub.f32 v11, v3;
	v13 =	vmul.f32 v17, v30;
	v8 =	vadd.f32 v8, v35;
	[tilespmem:s4+$0xFFFFFFB0] =	vst v6  }
0x40f: {  	v9 =	vmul.f32 v9, v23;
	v4 =	vmul.f32 v47, v19;
	v49 =	vadd.f32 v57, v36;
	[tilespmem:s4+$0xFFFFFFC0] =	vst v7  }
0x410: {  	v54 =	vmul.f32 v52, v24;
	v1 =	vadd.f32 v1, v37;
	v56 =	vmul.f32 v48, v19;
	[tilespmem:s4+$0xFFFFFFD0] =	vst v8  }
0x411: {  	v2 =	vmul.f32 v2, v19;
	v51 =	vadd.f32 v13, v38;
	v9 =	vadd.f32 v9, v31;
	[tilespmem:s4+$0xFFFFFFE0] =	vst v49  }
0x412: {  	v7 =	vmul.f32 v53, v25;
	v4 =	vsub.f32 v4, v3;
	[tilespmem:s4+$0xFFFFFFF0] =	vst v1;
	v1 =	vadd.f32 v54, v32  }
0x413: {  	v57 =	vmul.f32 v55, v27;
	v2 =	vsub.f32 v2, v3;
	[tilespmem:s25+$0x0] =	vst v51;
	v3 =	vsub.f32 v56, v3  }
0x414: {  	[tilespmem:s25+$0xFFFFFF90] =	vst v9;
	v58 =	vadd.f32 v7, v33;
	v4 =	vmul.f32 v4, v28  }
0x415: {  	[tilespmem:s25+$0xFFFFFFA0] =	vst v1;
	v2 =	vmul.f32 v2, v26;
	v1 =	vmul.f32 v3, v29;
	v3 =	vadd.f32 v57, v35  }
0x416: {  	[tilespmem:s25+$0xFFFFFFB0] =	vst v58;
	v4 =	vadd.f32 v4, v36  }
.Ltmp7:
0x417: {  	v2 =	vadd.f32 v2, v34;
	[tilespmem:s25+$0xFFFFFFD0] =	vst v3;
	(pc) =	sbr.rel @p1 .LBB2_14-.Ltmp7, $4  }
0x418: {  	s1 =	sadd.s32 s9, s23;
	v1 =	vadd.f32 v1, v37;
	[tilespmem:s25+$0xFFFFFFE0] =	vst v4  }
0x419: {  	s1 =	sshll.u32 s1, $0x4;
	[tilespmem:s25+$0xFFFFFFC0] =	vst v2  }
0x41a: {  	s2 =	simm.s32 $0x1A300;
	s1 =	sadd.s32 s7, s1;
	[tilespmem:s25+$0xFFFFFFF0] =	vst v1  }
0x41b: {  	[hbm4b:s1+s8] =	stream.linear.scatter [tilespmem:s2], [sflag:$0x4], $0x2000, $0x38;
	[tilespmem:$0x1CC80] =	vst v63  }
0x41c: {  	s1 =	sadd.s32 $0x102C0, s22  }
.Ltmp8:
0x41d: {  	s2 =	simm.s32 $0x16300;
	s24 =	sshrl.u32 s15, $0x3;
	(pc) =	sbr.rel .LBB2_4-.Ltmp8, $4  }
0x41e: {  	[tilespmem:s2], [sflag:$0x2] =	stream.indirect.gather [hbm4b:s0+s20], $0x80, s1, s20, $0xb8;
	[tilespmem:$0x1CC80] =	vst v63  }
0x41f: {  	s25 =	simm.s32 $0x14280;
	s21 =	sadd.s32 $0x1, s21;
	s1 =	sadd.s32 s10, s24  }
0x420: {  	s19 =	sadd.s32 $0x1, s19;
	s18 =	sadd.s32 $0x2, s18;
	s1 =	sadd.s32 $0x18, s1  }
0x421: {  	[tilespmem:s25], [sflag:$0x2] =	stream.linear.gather [hbm4b:s1+s8], $0x40, $0x38;
	[tilespmem:$0x1CC80] =	vst v63  }
.LBB2_15:
0x422: {  	_ =	sfence.sel $0x180000  }
0x423: {  	[bflag:$0x0] =	sbarrier.arrive $0xFFFF  }
0x424: {  	_ =	strace $0x90000047  }
0x425: {  	s0 =	stileid.u32;
	[bflag:$0x2] =	sbarrier.arrive $0xFFFF  }
0x426: {  	p0 =	sne.s32 s0, $0x0;
	s0 =	rddreg [dreg:$0x7]  }
0x427: {  	s0 =	sadd.s32 @!p0 $0x100000, s0  }
0x428: {  	[sflag:s0] =	ssyncadd.tile.s32 @!p0 $0x1;
	_ =	shalt  }
.Lfunc_end2:
_tile_overlayer_lowered:
.L_overlay_start_2:
0x429: {  	(tag) =	ssettag $0x2  }
0x42a: {  	s0 =	rddreg [dreg:$0x0];
	s2 =	stileid.u32  }
0x42b: {  	s1 =	rddreg [dreg:$0x1];
	p0 =	sne.s32 s2, $0x0  }
0x42c: {  	s3 =	rddreg [dreg:$0x2];
	[bflag:$0x3] =	sbarrier.arrive $0xFFFF;
	s2 =	simm.s32 @!p0 $0x1C05  }
0x42d: {  	[timem:s3], [sflag:s2] =	dma.local @!p0 [hbm:s0], s1  }
0x42e: {  	s0 =	simm.s32 @!p0 $0x5  }
0x42f: {  	_ =	swait.ge @!p0 [sflag:s0], s1  }
0x430: {  	s1 =	ssub.s32 @!p0 $0x0, s1;
	[sflag:s0] =	ssyncset.done @!p0 $0x0  }
0x431: {  	[sflag:s0] =	ssyncadd.s32 @!p0 s1  }
0x432: {  	[bflag:$0x3] =	sbarrier.arrive $0xFFFF  }
0x433: {  	_ =	shalt  }

</sc_bundles>
